<compile_context>
chip_gen: v7x
topology: tpu7x:2x2x1
jax: 0.10.2.dev20260603
libtpu: 0.0.44.dev20260713+nightly
codegen_flags: <defaults>
</compile_context>

<pallas_src>
import functools

import jax
import jax.numpy as jnp
from jax import lax
from jax.experimental import pallas as pl
from jax.experimental.pallas import tpu as pltpu
from jax.experimental.pallas import tpu_sc as plsc

NUM_EMB = 32000
EMB_DIM = 1024
M_BASE = 20011
V_TEXT = 32000
S = 4096
G = 16
H = EMB_DIM // G

_MODS = [M_BASE + 2 * i + 1 for i in range(G)]
_OFFS = [0]
for _m in _MODS:
    _OFFS.append(_OFFS[-1] + _m)
_OE_ROWS = _OFFS[-1]

NW = 32
TS = S // NW

_MESH = plsc.VectorSubcoreMesh(core_axis_name="c", subcore_axis_name="s")



WSUB = 32
WNSUB = TS // WSUB
WNBUF = 2


def _sc_word_body(tok_hbm, ww_hbm, wd_out, tok_v, widx_v, w_rows, sems):
    wid = lax.axis_index("s") * 2 + lax.axis_index("c")
    base = wid * TS
    pltpu.sync_copy(tok_hbm.at[pl.ds(base, TS)], tok_v)

    lanes = lax.iota(jnp.int32, 16)
    for sub in range(WNSUB):
        for h2 in range(WSUB // 16):
            v = plsc.load_gather(tok_v, [lanes + (sub * WSUB + h2 * 16)])
            widx_v[sub, pl.ds(h2 * 16, 16)] = v

    def _issue(sub, b):
        return pltpu.async_copy(ww_hbm.at[widx_v.at[sub]], w_rows.at[b],
                                sems.at[b])

    copies = {0: _issue(0, 0)}
    if WNSUB > 1:
        copies[1] = _issue(1, 1)
    for sub in range(WNSUB):
        b = sub % WNBUF
        copies[sub].wait()
        pltpu.sync_copy(w_rows.at[b], wd_out.at[pl.ds(base + sub * WSUB, WSUB)])
        if sub + WNBUF < WNSUB:
            copies[sub + WNBUF] = _issue(sub + WNBUF, b)


_sc_word = functools.partial(
    pl.kernel,
    out_type=jax.ShapeDtypeStruct((S, EMB_DIM), jnp.float32),
    mesh=_MESH,
    scratch_types=[
        pltpu.VMEM((TS,), jnp.int32),
        pltpu.VMEM((WNSUB, WSUB), jnp.int32),
        pltpu.VMEM((WNBUF, WSUB, EMB_DIM), jnp.float32),
        pltpu.SemaphoreType.DMA((WNBUF,)),
    ],
    compiler_params=pltpu.CompilerParams(needs_layout_passes=False,
                                         use_tc_tiling_on_sc=True),
)(_sc_word_body)



OSUB = 16
ONSUB = TS // OSUB
ONBUF = 3
_NIR = OSUB * G // 128


def _sc_oe_body(tok_hbm, oe_hbm, x_out, tok_v, idx_v, oe_rows, sems, osem):
    wid = lax.axis_index("s") * 2 + lax.axis_index("c")
    base = wid * TS

    @pl.when(wid == 0)
    def _():
        tok_v[pl.ds(0, 16)] = jnp.zeros((16,), jnp.int32)
        pltpu.sync_copy(tok_hbm.at[pl.ds(0, TS)], tok_v.at[pl.ds(8, TS)])

    @pl.when(wid != 0)
    def _():
        pltpu.sync_copy(tok_hbm.at[pl.ds(base - 8, TS + 8)],
                        tok_v.at[pl.ds(0, TS + 8)])

    lanes = lax.iota(jnp.int32, 16)

    def _hash_step(j, _):
        off0 = 8 + j * 16
        t0 = plsc.load_gather(tok_v, [lanes + off0]).astype(jnp.uint32)
        t1 = plsc.load_gather(tok_v, [lanes + (off0 - 1)]).astype(jnp.uint32)
        t2 = plsc.load_gather(tok_v, [lanes + (off0 - 2)]).astype(jnp.uint32)
        for g in range(G):
            mod = jnp.uint32(_MODS[g])
            w1 = jnp.uint32(pow(V_TEXT, 1, _MODS[g]))
            acc = t0 % mod
            acc = (acc + (t1 * w1) % mod) % mod
            if g >= 8:
                w2 = jnp.uint32(pow(V_TEXT, 2, _MODS[g]))
                acc = (acc + (t2 * w2) % mod) % mod
            ids = acc.astype(jnp.int32) + _OFFS[g]
            p = lanes * 16 + (j * 256 + g)
            plsc.store_scatter(idx_v, [p >> 7, p & 127], ids)
        return 0

    lax.fori_loop(0, TS // 16, _hash_step, 0)

    def _issue(sub, b):
        return [
            pltpu.async_copy(oe_hbm.at[idx_v.at[sub * _NIR + r]],
                             oe_rows.at[b, pl.ds(r * 128, 128)],
                             sems.at[b])
            for r in range(_NIR)
        ]

    copies = {}
    out_copies = {}
    for sub in range(min(ONBUF, ONSUB)):
        copies[sub] = _issue(sub, sub % ONBUF)
    for sub in range(ONSUB):
        b = sub % ONBUF
        for c in copies.pop(sub):
            c.wait()
        out_copies[sub] = pltpu.async_copy(
            oe_rows.at[b],
            x_out.at[pl.ds((base + sub * OSUB) * G, OSUB * G)],
            osem)
        nxt = sub + ONBUF
        if nxt < ONSUB:
            out_copies.pop(nxt - ONBUF).wait()
            copies[nxt] = _issue(nxt, nxt % ONBUF)
    for sub, c in out_copies.items():
        c.wait()


_sc_oe = functools.partial(
    pl.kernel,
    out_type=jax.ShapeDtypeStruct((S * G, H), jnp.float32),
    mesh=_MESH,
    scratch_types=[
        pltpu.VMEM((TS + 16,), jnp.int32),
        pltpu.VMEM((TS * G // 128, 128), jnp.int32),
        pltpu.VMEM((ONBUF, OSUB * G, H), jnp.float32),
        pltpu.SemaphoreType.DMA((ONBUF,)),
        pltpu.SemaphoreType.DMA,
    ],
    compiler_params=pltpu.CompilerParams(needs_layout_passes=False,
                                         use_tc_tiling_on_sc=False),
)(_sc_oe_body)



BS = 256


def _tc_body(tok_ref, x_ref, w_ref, wd_ref, o_ref):
    t = tok_ref[...]
    m = ((t != 0) & (t != 1) & (t != 2)).astype(jnp.float32)
    y = jnp.dot(x_ref[...], w_ref[...], preferred_element_type=jnp.float32)
    o_ref[...] = (wd_ref[...] + y * m) * (1.0 / 17.0)


def _tc_combine(tokens, x, wp, wd):
    return pl.pallas_call(
        _tc_body,
        grid=(S // BS,),
        in_specs=[
            pl.BlockSpec((BS, 1), lambda i: (i, 0)),
            pl.BlockSpec((BS, G * H), lambda i: (i, 0)),
            pl.BlockSpec((G * H, EMB_DIM), lambda i: (0, 0)),
            pl.BlockSpec((BS, EMB_DIM), lambda i: (i, 0)),
        ],
        out_specs=pl.BlockSpec((BS, EMB_DIM), lambda i: (i, 0)),
        out_shape=jax.ShapeDtypeStruct((S, EMB_DIM), jnp.float32),
    )(tokens.reshape(S, 1), x, wp, wd)


def kernel(input_ids, word_weight, oe_weight, oe_projection):
    tokens = input_ids.astype(jnp.int32)
    wd = _sc_word(tokens, word_weight)
    x = _sc_oe(tokens, oe_weight)
    wp = oe_projection.reshape(G * H, EMB_DIM)
    return _tc_combine(tokens, x.reshape(S, G * H), wp, wd)

# --- scband reference (transcript-rebuilt; emitter-appended) ---
"""Pipeline reference for scband-fused-over-embedding-49065706390110 (READ-ONLY COPY).

The authoritative reference and input builder live on the scoring server;
editing this copy changes nothing except your own understanding.
"""

import jax, jax.numpy as jnp
import numpy as np

NUM_EMB = 32000
EMB_DIM = 1024
M = 20011
K = 8
N = 3
N_GRAMS = (N - 1) * K
OE_HID = EMB_DIM // N_GRAMS
V_TEXT = 32000
IGNORE = (0, 1, 2)
SEQ_LEN = 4096


def _mods_offsets():
    mods = [M + 2 * i + 1 for i in range(N_GRAMS)]
    offs = np.concatenate([[0], np.cumsum(mods)]).astype(np.int64)
    return mods, offs


def setup_inputs(seed: int = 0) -> dict:
    key = jax.random.key(seed)
    k1, k2, k3, k4 = jax.random.split(key, 4)
    mods, offs = _mods_offsets()
    total = int(offs[-1])
    input_ids = jax.random.randint(k1, (SEQ_LEN,), 0, NUM_EMB, dtype=jnp.int32)
    word_weight = jax.random.normal(k2, (NUM_EMB, EMB_DIM), dtype=jnp.float32) * 0.02
    oe_weight = jax.random.normal(k3, (total, OE_HID), dtype=jnp.float32) * 0.02
    oe_projection = jax.random.normal(k4, (N_GRAMS, OE_HID, EMB_DIM), dtype=jnp.float32) * 0.02
    return {"input_ids": input_ids, "word_weight": word_weight, "oe_weight": oe_weight, "oe_projection": oe_projection}


def _ngram_ids(tokens):
    # tokens: int32 [S]. For each (n, k) compute polynomial-hash n-gram ids with
    # modulus mod = M + 2*((n-2)*K + k) + 1 and weights pow(V_TEXT, delta, mod),
    # then offset into the fused OE vocabulary via exclusive prefix sums.
    mods, offs = _mods_offsets()
    S = tokens.shape[0]
    ids = []
    i = 0
    for n in range(2, N + 1):
        for k in range(K):
            mod = mods[i]
            acc = jnp.zeros((S,), dtype=jnp.int32)
            for delta in range(n):
                w = pow(V_TEXT, delta, mod)
                if delta == 0:
                    sh = tokens
                else:
                    sh = jnp.concatenate([jnp.zeros((delta,), dtype=tokens.dtype), tokens[: S - delta]])
                acc = (acc + (sh * jnp.int32(w)) % jnp.int32(mod)) % jnp.int32(mod)
            ids.append(acc + jnp.int32(int(offs[i])))
            i += 1
    return jnp.stack(ids, axis=0)  # [N_GRAMS, S]


def reference(input_ids, word_weight, oe_weight, oe_projection):
    tokens = input_ids.astype(jnp.int32)
    ng = _ngram_ids(tokens)                      # [G, S]
    oe_emb = jnp.take(oe_weight, ng, axis=0)     # [G, S, OE_HID]
    mask = jnp.ones(tokens.shape, dtype=bool)
    for t in IGNORE:
        mask = mask & (tokens != t)
    oe_emb = oe_emb * mask[None, :, None].astype(oe_emb.dtype)
    # torch.bmm([G, S, H], [G, H, D]) -> [G, S, D]
    oe_out = jnp.einsum('gsh,ghd->gsd', oe_emb, oe_projection)
    word = jnp.take(word_weight, tokens, axis=0)  # [S, D]
    allemb = jnp.concatenate([word[None], oe_out], axis=0)  # [G+1, S, D]
    return jnp.mean(allemb, axis=0)              # [S, D]

if __name__ == "__main__":
    import jax
    _d = setup_inputs()
    print(jax.jit(kernel)(*tuple(_d.values())))

</pallas_src>

<mosaic_0001>
#map = affine_map<(d0, d1) -> (0)>
#map1 = affine_map<(d0, d1) -> (0, 0)>
module attributes {stable_mosaic.version = 14 : i64} {
  func.func @_sc_oe_body(%arg0: i32, %arg1: i32, %arg2: memref<4096xi32, #tpu.memory_space<hbm>>, %arg3: memref<320432x64xf32, #tpu.memory_space<hbm>>, %arg4: memref<65536x64xf32, #tpu.memory_space<hbm>>, %arg5: memref<144xi32, #tpu.memory_space<vmem>>, %arg6: memref<16x128xi32, #tpu.memory_space<vmem>>, %arg7: memref<3x256x64xf32, #tpu.memory_space<vmem>>, %arg8: memref<3x!tpu.dma_semaphore, #tpu.memory_space<semaphore_mem>>, %arg9: memref<!tpu.dma_semaphore, #tpu.memory_space<semaphore_mem>>) attributes {dimension_semantics = [#tpu.dimension_semantics<core_parallel>, #tpu.dimension_semantics<subcore_parallel>], iteration_bounds = array<i64: 2, 16>, scalar_prefetch = 0 : i64, scratch_operands = 5 : i64, tpu.core_type = #tpu.core_type<sc_vector_subcore>, window_params = [{transform_indices = #map}, {transform_indices = #map1}, {transform_indices = #map1}]} {
    %mul3A = arith.constant 2 : i32
    %mul3A_0 = arith.muli %arg1, %mul3A : i32
    %add3A = arith.addi %mul3A_0, %arg0 : i32
    %mul3A_1 = arith.constant 128 : i32
    %mul3A_2 = arith.muli %add3A, %mul3A_1 : i32
    %eq3A = arith.constant 0 : i32
    %eq3A_3 = arith.cmpi eq, %add3A, %eq3A : i32
    %convert_element_type3A = arith.extui %eq3A_3 : i1 to i32
    %cond3A = arith.constant 0 : i32
    %cond3A_4 = arith.cmpi ne, %convert_element_type3A, %cond3A : i32
    scf.if %cond3A_4 {
      %broadcast_in_dim3A = arith.constant 0 : i32
      %broadcast_in_dim3A_733 = vector.broadcast %broadcast_in_dim3A : i32 to vector<16xi32>
      %swap3A = arith.constant 0 : index
      %swap3A_734 = tpu.vector_load %arg5[%swap3A] {strides = array<i32>} : memref<144xi32, #tpu.memory_space<vmem>>, vector<16xi32>,
      tpu.vector_store %arg5[%swap3A], %broadcast_in_dim3A_733 {strides = array<i32>} : memref<144xi32, #tpu.memory_space<vmem>>, vector<16xi32>,
      "tpu.region"() ({
        %run_scoped3A = tpu.sem_alloc : memref<!tpu.dma_semaphore, #tpu.memory_space<semaphore_mem>>
        %dma_start3A_735 = arith.constant 8 : i32
        %dma_start3A_736 = tpu.memref_slice %arg5[%dma_start3A_735] : memref<144xi32, #tpu.memory_space<vmem>> -> memref<128xi32, #tpu.memory_space<vmem>>
        %dma_start3A_737 = arith.constant 0 : i32
        %dma_start3A_738 = tpu.memref_slice %arg2[%dma_start3A_737] : memref<4096xi32, #tpu.memory_space<hbm>> -> memref<128xi32, #tpu.memory_space<hbm>>
        %dma_start3A_739 = arith.constant 8 : i32
        %dma_start3A_740 = tpu.memref_slice %arg5[%dma_start3A_739] : memref<144xi32, #tpu.memory_space<vmem>> -> memref<128xi32, #tpu.memory_space<vmem>>
        %dma_start3A_741 = arith.constant 0 : i32
        %dma_start3A_742 = tpu.memref_slice %arg2[%dma_start3A_741] : memref<4096xi32, #tpu.memory_space<hbm>> -> memref<128xi32, #tpu.memory_space<hbm>>
        tpu.enqueue_dma source(%dma_start3A_742 : memref<128xi32, #tpu.memory_space<hbm>>) target(%dma_start3A_740 : memref<128xi32, #tpu.memory_space<vmem>>) target_semaphore(%run_scoped3A : memref<!tpu.dma_semaphore, #tpu.memory_space<semaphore_mem>>)
        %dma_wait3A_743 = arith.constant 8 : i32
        %dma_wait3A_744 = tpu.memref_slice %arg5[%dma_wait3A_743] : memref<144xi32, #tpu.memory_space<vmem>> -> memref<128xi32, #tpu.memory_space<vmem>>
        %dma_wait3A_745 = arith.constant 0 : i32
        %dma_wait3A_746 = tpu.memref_slice %arg2[%dma_wait3A_745] : memref<4096xi32, #tpu.memory_space<hbm>> -> memref<128xi32, #tpu.memory_space<hbm>>
        %dma_wait3A_747 = arith.constant 8 : i32
        %dma_wait3A_748 = tpu.memref_slice %arg5[%dma_wait3A_747] : memref<144xi32, #tpu.memory_space<vmem>> -> memref<128xi32, #tpu.memory_space<vmem>>
        %dma_wait3A_749 = arith.constant 0 : i32
        %dma_wait3A_750 = tpu.memref_slice %arg2[%dma_wait3A_749] : memref<4096xi32, #tpu.memory_space<hbm>> -> memref<128xi32, #tpu.memory_space<hbm>>
        tpu.wait_dma2 semaphore(%run_scoped3A : memref<!tpu.dma_semaphore, #tpu.memory_space<semaphore_mem>>) src(%dma_wait3A_750 : memref<128xi32, #tpu.memory_space<hbm>>) dst(%dma_wait3A_748 : memref<128xi32, #tpu.memory_space<vmem>>)
        tpu.yield
      }) : () -> ()
    } else {
    }
    %ne3A = arith.constant 0 : i32
    %ne3A_5 = arith.cmpi ne, %add3A, %ne3A : i32
    %convert_element_type3A_6 = arith.extui %ne3A_5 : i1 to i32
    %cond3A_7 = arith.constant 0 : i32
    %cond3A_8 = arith.cmpi ne, %convert_element_type3A_6, %cond3A_7 : i32
    scf.if %cond3A_8 {
      %sub3A = arith.constant 8 : i32
      %sub3A_733 = arith.subi %mul3A_2, %sub3A : i32
      "tpu.region"() ({
        %run_scoped3A = tpu.sem_alloc : memref<!tpu.dma_semaphore, #tpu.memory_space<semaphore_mem>>
        %dma_start3A_734 = arith.constant 0 : i32
        %dma_start3A_735 = tpu.memref_slice %arg5[%dma_start3A_734] : memref<144xi32, #tpu.memory_space<vmem>> -> memref<136xi32, #tpu.memory_space<vmem>>
        %dma_start3A_736 = tpu.memref_slice %arg2[%sub3A_733] : memref<4096xi32, #tpu.memory_space<hbm>> -> memref<136xi32, #tpu.memory_space<hbm>>
        %dma_start3A_737 = arith.constant 0 : i32
        %dma_start3A_738 = tpu.memref_slice %arg5[%dma_start3A_737] : memref<144xi32, #tpu.memory_space<vmem>> -> memref<136xi32, #tpu.memory_space<vmem>>
        %dma_start3A_739 = tpu.memref_slice %arg2[%sub3A_733] : memref<4096xi32, #tpu.memory_space<hbm>> -> memref<136xi32, #tpu.memory_space<hbm>>
        tpu.enqueue_dma source(%dma_start3A_739 : memref<136xi32, #tpu.memory_space<hbm>>) target(%dma_start3A_738 : memref<136xi32, #tpu.memory_space<vmem>>) target_semaphore(%run_scoped3A : memref<!tpu.dma_semaphore, #tpu.memory_space<semaphore_mem>>)
        %dma_wait3A_740 = arith.constant 0 : i32
        %dma_wait3A_741 = tpu.memref_slice %arg5[%dma_wait3A_740] : memref<144xi32, #tpu.memory_space<vmem>> -> memref<136xi32, #tpu.memory_space<vmem>>
        %dma_wait3A_742 = tpu.memref_slice %arg2[%sub3A_733] : memref<4096xi32, #tpu.memory_space<hbm>> -> memref<136xi32, #tpu.memory_space<hbm>>
        %dma_wait3A_743 = arith.constant 0 : i32
        %dma_wait3A_744 = tpu.memref_slice %arg5[%dma_wait3A_743] : memref<144xi32, #tpu.memory_space<vmem>> -> memref<136xi32, #tpu.memory_space<vmem>>
        %dma_wait3A_745 = tpu.memref_slice %arg2[%sub3A_733] : memref<4096xi32, #tpu.memory_space<hbm>> -> memref<136xi32, #tpu.memory_space<hbm>>
        tpu.wait_dma2 semaphore(%run_scoped3A : memref<!tpu.dma_semaphore, #tpu.memory_space<semaphore_mem>>) src(%dma_wait3A_745 : memref<136xi32, #tpu.memory_space<hbm>>) dst(%dma_wait3A_744 : memref<136xi32, #tpu.memory_space<vmem>>)
        tpu.yield
      }) : () -> ()
    } else {
    }
    %iota3A = tpu.iota {dimensions = array<i32: 0>} : vector<16xi32>
    %scan3A = arith.constant 0 : i32
    %scan3A_9 = arith.constant 0 : i32
    %scan3A_10 = arith.constant 8 : i32
    %scan3A_11 = arith.addi %scan3A_9, %scan3A_10 : i32
    %scan3A_12 = arith.constant 1 : i32
    %scan3A_13 = scf.for %scan3A_733 = %scan3A_9 to %scan3A_11 step %scan3A_12 iter_args(%scan3A_734 = %scan3A) -> (i32)  : i32 {
      %mul3A_735 = arith.constant 16 : i32
      %mul3A_736 = arith.muli %scan3A_733, %mul3A_735 : i32
      %add3A_737 = arith.constant 8 : i32
      %add3A_738 = arith.addi %add3A_737, %mul3A_736 : i32
      %add3A_739 = vector.broadcast %add3A_738 : i32 to vector<16xi32>
      %add3A_740 = arith.addi %iota3A, %add3A_739 : vector<16xi32>
      %gather3A = tpu.vector_load_idx %arg5[%add3A_740] : memref<144xi32, #tpu.memory_space<vmem>>[vector<16xi32>], vector<16xi32>,
      %sub3A = arith.constant 1 : i32
      %sub3A_741 = arith.subi %add3A_738, %sub3A : i32
      %add3A_742 = vector.broadcast %sub3A_741 : i32 to vector<16xi32>
      %add3A_743 = arith.addi %iota3A, %add3A_742 : vector<16xi32>
      %gather3A_744 = tpu.vector_load_idx %arg5[%add3A_743] : memref<144xi32, #tpu.memory_space<vmem>>[vector<16xi32>], vector<16xi32>,
      %sub3A_745 = arith.constant 2 : i32
      %sub3A_746 = arith.subi %add3A_738, %sub3A_745 : i32
      %add3A_747 = vector.broadcast %sub3A_746 : i32 to vector<16xi32>
      %add3A_748 = arith.addi %iota3A, %add3A_747 : vector<16xi32>
      %gather3A_749 = tpu.vector_load_idx %arg5[%add3A_748] : memref<144xi32, #tpu.memory_space<vmem>>[vector<16xi32>], vector<16xi32>,
      %jit3A = arith.constant 20012 : i32
      %eq3A_750 = arith.constant 0 : i32
      %eq3A_751 = arith.cmpi eq, %jit3A, %eq3A_750 : i32
      %jit3A_752 = arith.constant 1 : i32
      %select_n3A = arith.select %eq3A_751, %jit3A_752, %jit3A : i32
      %rem3A = vector.broadcast %select_n3A : i32 to vector<16xi32>
      %rem3A_753 = arith.remui %gather3A, %rem3A : vector<16xi32>
      %ne3A_754 = arith.constant 0 : i32
      %ne3A_755 = vector.broadcast %ne3A_754 : i32 to vector<16xi32>
      %ne3A_756 = arith.cmpi ne, %rem3A_753, %ne3A_755 : vector<16xi32>
      %lt3A = arith.constant 0 : i32
      %lt3A_757 = vector.broadcast %lt3A : i32 to vector<16xi32>
      %lt3A_758 = arith.cmpi ult, %rem3A_753, %lt3A_757 : vector<16xi32>
      %lt3A_759 = arith.constant 0 : i32
      %lt3A_760 = arith.cmpi ult, %select_n3A, %lt3A_759 : i32
      %ne3A_761 = vector.broadcast %lt3A_760 : i1 to vector<16xi1>
      %ne3A_762 = vector.broadcast %ne3A_761 : vector<16xi1> to vector<16xi1>
      %ne3A_763 = arith.xori %lt3A_758, %ne3A_762 : vector<16xi1>
      %and3A = arith.andi %ne3A_763, %ne3A_756 : vector<16xi1>
      %add3A_764 = vector.broadcast %select_n3A : i32 to vector<16xi32>
      %add3A_765 = arith.addi %rem3A_753, %add3A_764 : vector<16xi32>
      %select_n3A_766 = arith.select %and3A, %add3A_765, %rem3A_753 : vector<16xi1>, vector<16xi32>
      %mul3A_767 = arith.constant 11988 : i32
      %mul3A_768 = vector.broadcast %mul3A_767 : i32 to vector<16xi32>
      %mul3A_769 = arith.muli %gather3A_744, %mul3A_768 : vector<16xi32>
      %jit3A_770 = arith.constant 20012 : i32
      %eq3A_771 = arith.constant 0 : i32
      %eq3A_772 = arith.cmpi eq, %jit3A_770, %eq3A_771 : i32
      %jit3A_773 = arith.constant 1 : i32
      %select_n3A_774 = arith.select %eq3A_772, %jit3A_773, %jit3A_770 : i32
      %rem3A_775 = vector.broadcast %select_n3A_774 : i32 to vector<16xi32>
      %rem3A_776 = arith.remui %mul3A_769, %rem3A_775 : vector<16xi32>
      %ne3A_777 = arith.constant 0 : i32
      %ne3A_778 = vector.broadcast %ne3A_777 : i32 to vector<16xi32>
      %ne3A_779 = arith.cmpi ne, %rem3A_776, %ne3A_778 : vector<16xi32>
      %lt3A_780 = arith.constant 0 : i32
      %lt3A_781 = vector.broadcast %lt3A_780 : i32 to vector<16xi32>
      %lt3A_782 = arith.cmpi ult, %rem3A_776, %lt3A_781 : vector<16xi32>
      %lt3A_783 = arith.constant 0 : i32
      %lt3A_784 = arith.cmpi ult, %select_n3A_774, %lt3A_783 : i32
      %ne3A_785 = vector.broadcast %lt3A_784 : i1 to vector<16xi1>
      %ne3A_786 = vector.broadcast %ne3A_785 : vector<16xi1> to vector<16xi1>
      %ne3A_787 = arith.xori %lt3A_782, %ne3A_786 : vector<16xi1>
      %and3A_788 = arith.andi %ne3A_787, %ne3A_779 : vector<16xi1>
      %add3A_789 = vector.broadcast %select_n3A_774 : i32 to vector<16xi32>
      %add3A_790 = arith.addi %rem3A_776, %add3A_789 : vector<16xi32>
      %select_n3A_791 = arith.select %and3A_788, %add3A_790, %rem3A_776 : vector<16xi1>, vector<16xi32>
      %add3A_792 = arith.addi %select_n3A_766, %select_n3A_791 : vector<16xi32>
      %jit3A_793 = arith.constant 20012 : i32
      %eq3A_794 = arith.constant 0 : i32
      %eq3A_795 = arith.cmpi eq, %jit3A_793, %eq3A_794 : i32
      %jit3A_796 = arith.constant 1 : i32
      %select_n3A_797 = arith.select %eq3A_795, %jit3A_796, %jit3A_793 : i32
      %rem3A_798 = vector.broadcast %select_n3A_797 : i32 to vector<16xi32>
      %rem3A_799 = arith.remui %add3A_792, %rem3A_798 : vector<16xi32>
      %ne3A_800 = arith.constant 0 : i32
      %ne3A_801 = vector.broadcast %ne3A_800 : i32 to vector<16xi32>
      %ne3A_802 = arith.cmpi ne, %rem3A_799, %ne3A_801 : vector<16xi32>
      %lt3A_803 = arith.constant 0 : i32
      %lt3A_804 = vector.broadcast %lt3A_803 : i32 to vector<16xi32>
      %lt3A_805 = arith.cmpi ult, %rem3A_799, %lt3A_804 : vector<16xi32>
      %lt3A_806 = arith.constant 0 : i32
      %lt3A_807 = arith.cmpi ult, %select_n3A_797, %lt3A_806 : i32
      %ne3A_808 = vector.broadcast %lt3A_807 : i1 to vector<16xi1>
      %ne3A_809 = vector.broadcast %ne3A_808 : vector<16xi1> to vector<16xi1>
      %ne3A_810 = arith.xori %lt3A_805, %ne3A_809 : vector<16xi1>
      %and3A_811 = arith.andi %ne3A_810, %ne3A_802 : vector<16xi1>
      %add3A_812 = vector.broadcast %select_n3A_797 : i32 to vector<16xi32>
      %add3A_813 = arith.addi %rem3A_799, %add3A_812 : vector<16xi32>
      %select_n3A_814 = arith.select %and3A_811, %add3A_813, %rem3A_799 : vector<16xi1>, vector<16xi32>
      %add3A_815 = arith.constant 0 : i32
      %add3A_816 = vector.broadcast %add3A_815 : i32 to vector<16xi32>
      %add3A_817 = arith.addi %select_n3A_814, %add3A_816 : vector<16xi32>
      %mul3A_818 = arith.constant 16 : i32
      %mul3A_819 = vector.broadcast %mul3A_818 : i32 to vector<16xi32>
      %mul3A_820 = arith.muli %iota3A, %mul3A_819 : vector<16xi32>
      %mul3A_821 = arith.constant 256 : i32
      %mul3A_822 = arith.muli %scan3A_733, %mul3A_821 : i32
      %add3A_823 = arith.constant 0 : i32
      %add3A_824 = arith.addi %mul3A_822, %add3A_823 : i32
      %add3A_825 = vector.broadcast %add3A_824 : i32 to vector<16xi32>
      %add3A_826 = arith.addi %mul3A_820, %add3A_825 : vector<16xi32>
      %shift_right_arithmetic3A = arith.constant 7 : i32
      %shift_right_arithmetic3A_827 = vector.broadcast %shift_right_arithmetic3A : i32 to vector<16xi32>
      %shift_right_arithmetic3A_828 = arith.shrsi %add3A_826, %shift_right_arithmetic3A_827 : vector<16xi32>
      %and3A_829 = arith.constant 127 : i32
      %and3A_830 = vector.broadcast %and3A_829 : i32 to vector<16xi32>
      %and3A_831 = arith.andi %add3A_826, %and3A_830 : vector<16xi32>
      tpu.vector_store_idx %arg6[%shift_right_arithmetic3A_828, %and3A_831], %add3A_817 : memref<16x128xi32, #tpu.memory_space<vmem>>[vector<16xi32>, vector<16xi32>], vector<16xi32>,
      %jit3A_832 = arith.constant 20014 : i32
      %eq3A_833 = arith.constant 0 : i32
      %eq3A_834 = arith.cmpi eq, %jit3A_832, %eq3A_833 : i32
      %jit3A_835 = arith.constant 1 : i32
      %select_n3A_836 = arith.select %eq3A_834, %jit3A_835, %jit3A_832 : i32
      %rem3A_837 = vector.broadcast %select_n3A_836 : i32 to vector<16xi32>
      %rem3A_838 = arith.remui %gather3A, %rem3A_837 : vector<16xi32>
      %ne3A_839 = arith.constant 0 : i32
      %ne3A_840 = vector.broadcast %ne3A_839 : i32 to vector<16xi32>
      %ne3A_841 = arith.cmpi ne, %rem3A_838, %ne3A_840 : vector<16xi32>
      %lt3A_842 = arith.constant 0 : i32
      %lt3A_843 = vector.broadcast %lt3A_842 : i32 to vector<16xi32>
      %lt3A_844 = arith.cmpi ult, %rem3A_838, %lt3A_843 : vector<16xi32>
      %lt3A_845 = arith.constant 0 : i32
      %lt3A_846 = arith.cmpi ult, %select_n3A_836, %lt3A_845 : i32
      %ne3A_847 = vector.broadcast %lt3A_846 : i1 to vector<16xi1>
      %ne3A_848 = vector.broadcast %ne3A_847 : vector<16xi1> to vector<16xi1>
      %ne3A_849 = arith.xori %lt3A_844, %ne3A_848 : vector<16xi1>
      %and3A_850 = arith.andi %ne3A_849, %ne3A_841 : vector<16xi1>
      %add3A_851 = vector.broadcast %select_n3A_836 : i32 to vector<16xi32>
      %add3A_852 = arith.addi %rem3A_838, %add3A_851 : vector<16xi32>
      %select_n3A_853 = arith.select %and3A_850, %add3A_852, %rem3A_838 : vector<16xi1>, vector<16xi32>
      %mul3A_854 = arith.constant 11986 : i32
      %mul3A_855 = vector.broadcast %mul3A_854 : i32 to vector<16xi32>
      %mul3A_856 = arith.muli %gather3A_744, %mul3A_855 : vector<16xi32>
      %jit3A_857 = arith.constant 20014 : i32
      %eq3A_858 = arith.constant 0 : i32
      %eq3A_859 = arith.cmpi eq, %jit3A_857, %eq3A_858 : i32
      %jit3A_860 = arith.constant 1 : i32
      %select_n3A_861 = arith.select %eq3A_859, %jit3A_860, %jit3A_857 : i32
      %rem3A_862 = vector.broadcast %select_n3A_861 : i32 to vector<16xi32>
      %rem3A_863 = arith.remui %mul3A_856, %rem3A_862 : vector<16xi32>
      %ne3A_864 = arith.constant 0 : i32
      %ne3A_865 = vector.broadcast %ne3A_864 : i32 to vector<16xi32>
      %ne3A_866 = arith.cmpi ne, %rem3A_863, %ne3A_865 : vector<16xi32>
      %lt3A_867 = arith.constant 0 : i32
      %lt3A_868 = vector.broadcast %lt3A_867 : i32 to vector<16xi32>
      %lt3A_869 = arith.cmpi ult, %rem3A_863, %lt3A_868 : vector<16xi32>
      %lt3A_870 = arith.constant 0 : i32
      %lt3A_871 = arith.cmpi ult, %select_n3A_861, %lt3A_870 : i32
      %ne3A_872 = vector.broadcast %lt3A_871 : i1 to vector<16xi1>
      %ne3A_873 = vector.broadcast %ne3A_872 : vector<16xi1> to vector<16xi1>
      %ne3A_874 = arith.xori %lt3A_869, %ne3A_873 : vector<16xi1>
      %and3A_875 = arith.andi %ne3A_874, %ne3A_866 : vector<16xi1>
      %add3A_876 = vector.broadcast %select_n3A_861 : i32 to vector<16xi32>
      %add3A_877 = arith.addi %rem3A_863, %add3A_876 : vector<16xi32>
      %select_n3A_878 = arith.select %and3A_875, %add3A_877, %rem3A_863 : vector<16xi1>, vector<16xi32>
      %add3A_879 = arith.addi %select_n3A_853, %select_n3A_878 : vector<16xi32>
      %jit3A_880 = arith.constant 20014 : i32
      %eq3A_881 = arith.constant 0 : i32
      %eq3A_882 = arith.cmpi eq, %jit3A_880, %eq3A_881 : i32
      %jit3A_883 = arith.constant 1 : i32
      %select_n3A_884 = arith.select %eq3A_882, %jit3A_883, %jit3A_880 : i32
      %rem3A_885 = vector.broadcast %select_n3A_884 : i32 to vector<16xi32>
      %rem3A_886 = arith.remui %add3A_879, %rem3A_885 : vector<16xi32>
      %ne3A_887 = arith.constant 0 : i32
      %ne3A_888 = vector.broadcast %ne3A_887 : i32 to vector<16xi32>
      %ne3A_889 = arith.cmpi ne, %rem3A_886, %ne3A_888 : vector<16xi32>
      %lt3A_890 = arith.constant 0 : i32
      %lt3A_891 = vector.broadcast %lt3A_890 : i32 to vector<16xi32>
      %lt3A_892 = arith.cmpi ult, %rem3A_886, %lt3A_891 : vector<16xi32>
      %lt3A_893 = arith.constant 0 : i32
      %lt3A_894 = arith.cmpi ult, %select_n3A_884, %lt3A_893 : i32
      %ne3A_895 = vector.broadcast %lt3A_894 : i1 to vector<16xi1>
      %ne3A_896 = vector.broadcast %ne3A_895 : vector<16xi1> to vector<16xi1>
      %ne3A_897 = arith.xori %lt3A_892, %ne3A_896 : vector<16xi1>
      %and3A_898 = arith.andi %ne3A_897, %ne3A_889 : vector<16xi1>
      %add3A_899 = vector.broadcast %select_n3A_884 : i32 to vector<16xi32>
      %add3A_900 = arith.addi %rem3A_886, %add3A_899 : vector<16xi32>
      %select_n3A_901 = arith.select %and3A_898, %add3A_900, %rem3A_886 : vector<16xi1>, vector<16xi32>
      %add3A_902 = arith.constant 20012 : i32
      %add3A_903 = vector.broadcast %add3A_902 : i32 to vector<16xi32>
      %add3A_904 = arith.addi %select_n3A_901, %add3A_903 : vector<16xi32>
      %mul3A_905 = arith.constant 16 : i32
      %mul3A_906 = vector.broadcast %mul3A_905 : i32 to vector<16xi32>
      %mul3A_907 = arith.muli %iota3A, %mul3A_906 : vector<16xi32>
      %mul3A_908 = arith.constant 256 : i32
      %mul3A_909 = arith.muli %scan3A_733, %mul3A_908 : i32
      %add3A_910 = arith.constant 1 : i32
      %add3A_911 = arith.addi %mul3A_909, %add3A_910 : i32
      %add3A_912 = vector.broadcast %add3A_911 : i32 to vector<16xi32>
      %add3A_913 = arith.addi %mul3A_907, %add3A_912 : vector<16xi32>
      %shift_right_arithmetic3A_914 = arith.constant 7 : i32
      %shift_right_arithmetic3A_915 = vector.broadcast %shift_right_arithmetic3A_914 : i32 to vector<16xi32>
      %shift_right_arithmetic3A_916 = arith.shrsi %add3A_913, %shift_right_arithmetic3A_915 : vector<16xi32>
      %and3A_917 = arith.constant 127 : i32
      %and3A_918 = vector.broadcast %and3A_917 : i32 to vector<16xi32>
      %and3A_919 = arith.andi %add3A_913, %and3A_918 : vector<16xi32>
      tpu.vector_store_idx %arg6[%shift_right_arithmetic3A_916, %and3A_919], %add3A_904 : memref<16x128xi32, #tpu.memory_space<vmem>>[vector<16xi32>, vector<16xi32>], vector<16xi32>,
      %jit3A_920 = arith.constant 20016 : i32
      %eq3A_921 = arith.constant 0 : i32
      %eq3A_922 = arith.cmpi eq, %jit3A_920, %eq3A_921 : i32
      %jit3A_923 = arith.constant 1 : i32
      %select_n3A_924 = arith.select %eq3A_922, %jit3A_923, %jit3A_920 : i32
      %rem3A_925 = vector.broadcast %select_n3A_924 : i32 to vector<16xi32>
      %rem3A_926 = arith.remui %gather3A, %rem3A_925 : vector<16xi32>
      %ne3A_927 = arith.constant 0 : i32
      %ne3A_928 = vector.broadcast %ne3A_927 : i32 to vector<16xi32>
      %ne3A_929 = arith.cmpi ne, %rem3A_926, %ne3A_928 : vector<16xi32>
      %lt3A_930 = arith.constant 0 : i32
      %lt3A_931 = vector.broadcast %lt3A_930 : i32 to vector<16xi32>
      %lt3A_932 = arith.cmpi ult, %rem3A_926, %lt3A_931 : vector<16xi32>
      %lt3A_933 = arith.constant 0 : i32
      %lt3A_934 = arith.cmpi ult, %select_n3A_924, %lt3A_933 : i32
      %ne3A_935 = vector.broadcast %lt3A_934 : i1 to vector<16xi1>
      %ne3A_936 = vector.broadcast %ne3A_935 : vector<16xi1> to vector<16xi1>
      %ne3A_937 = arith.xori %lt3A_932, %ne3A_936 : vector<16xi1>
      %and3A_938 = arith.andi %ne3A_937, %ne3A_929 : vector<16xi1>
      %add3A_939 = vector.broadcast %select_n3A_924 : i32 to vector<16xi32>
      %add3A_940 = arith.addi %rem3A_926, %add3A_939 : vector<16xi32>
      %select_n3A_941 = arith.select %and3A_938, %add3A_940, %rem3A_926 : vector<16xi1>, vector<16xi32>
      %mul3A_942 = arith.constant 11984 : i32
      %mul3A_943 = vector.broadcast %mul3A_942 : i32 to vector<16xi32>
      %mul3A_944 = arith.muli %gather3A_744, %mul3A_943 : vector<16xi32>
      %jit3A_945 = arith.constant 20016 : i32
      %eq3A_946 = arith.constant 0 : i32
      %eq3A_947 = arith.cmpi eq, %jit3A_945, %eq3A_946 : i32
      %jit3A_948 = arith.constant 1 : i32
      %select_n3A_949 = arith.select %eq3A_947, %jit3A_948, %jit3A_945 : i32
      %rem3A_950 = vector.broadcast %select_n3A_949 : i32 to vector<16xi32>
      %rem3A_951 = arith.remui %mul3A_944, %rem3A_950 : vector<16xi32>
      %ne3A_952 = arith.constant 0 : i32
      %ne3A_953 = vector.broadcast %ne3A_952 : i32 to vector<16xi32>
      %ne3A_954 = arith.cmpi ne, %rem3A_951, %ne3A_953 : vector<16xi32>
      %lt3A_955 = arith.constant 0 : i32
      %lt3A_956 = vector.broadcast %lt3A_955 : i32 to vector<16xi32>
      %lt3A_957 = arith.cmpi ult, %rem3A_951, %lt3A_956 : vector<16xi32>
      %lt3A_958 = arith.constant 0 : i32
      %lt3A_959 = arith.cmpi ult, %select_n3A_949, %lt3A_958 : i32
      %ne3A_960 = vector.broadcast %lt3A_959 : i1 to vector<16xi1>
      %ne3A_961 = vector.broadcast %ne3A_960 : vector<16xi1> to vector<16xi1>
      %ne3A_962 = arith.xori %lt3A_957, %ne3A_961 : vector<16xi1>
      %and3A_963 = arith.andi %ne3A_962, %ne3A_954 : vector<16xi1>
      %add3A_964 = vector.broadcast %select_n3A_949 : i32 to vector<16xi32>
      %add3A_965 = arith.addi %rem3A_951, %add3A_964 : vector<16xi32>
      %select_n3A_966 = arith.select %and3A_963, %add3A_965, %rem3A_951 : vector<16xi1>, vector<16xi32>
      %add3A_967 = arith.addi %select_n3A_941, %select_n3A_966 : vector<16xi32>
      %jit3A_968 = arith.constant 20016 : i32
      %eq3A_969 = arith.constant 0 : i32
      %eq3A_970 = arith.cmpi eq, %jit3A_968, %eq3A_969 : i32
      %jit3A_971 = arith.constant 1 : i32
      %select_n3A_972 = arith.select %eq3A_970, %jit3A_971, %jit3A_968 : i32
      %rem3A_973 = vector.broadcast %select_n3A_972 : i32 to vector<16xi32>
      %rem3A_974 = arith.remui %add3A_967, %rem3A_973 : vector<16xi32>
      %ne3A_975 = arith.constant 0 : i32
      %ne3A_976 = vector.broadcast %ne3A_975 : i32 to vector<16xi32>
      %ne3A_977 = arith.cmpi ne, %rem3A_974, %ne3A_976 : vector<16xi32>
      %lt3A_978 = arith.constant 0 : i32
      %lt3A_979 = vector.broadcast %lt3A_978 : i32 to vector<16xi32>
      %lt3A_980 = arith.cmpi ult, %rem3A_974, %lt3A_979 : vector<16xi32>
      %lt3A_981 = arith.constant 0 : i32
      %lt3A_982 = arith.cmpi ult, %select_n3A_972, %lt3A_981 : i32
      %ne3A_983 = vector.broadcast %lt3A_982 : i1 to vector<16xi1>
      %ne3A_984 = vector.broadcast %ne3A_983 : vector<16xi1> to vector<16xi1>
      %ne3A_985 = arith.xori %lt3A_980, %ne3A_984 : vector<16xi1>
      %and3A_986 = arith.andi %ne3A_985, %ne3A_977 : vector<16xi1>
      %add3A_987 = vector.broadcast %select_n3A_972 : i32 to vector<16xi32>
      %add3A_988 = arith.addi %rem3A_974, %add3A_987 : vector<16xi32>
      %select_n3A_989 = arith.select %and3A_986, %add3A_988, %rem3A_974 : vector<16xi1>, vector<16xi32>
      %add3A_990 = arith.constant 40026 : i32
      %add3A_991 = vector.broadcast %add3A_990 : i32 to vector<16xi32>
      %add3A_992 = arith.addi %select_n3A_989, %add3A_991 : vector<16xi32>
      %mul3A_993 = arith.constant 16 : i32
      %mul3A_994 = vector.broadcast %mul3A_993 : i32 to vector<16xi32>
      %mul3A_995 = arith.muli %iota3A, %mul3A_994 : vector<16xi32>
      %mul3A_996 = arith.constant 256 : i32
      %mul3A_997 = arith.muli %scan3A_733, %mul3A_996 : i32
      %add3A_998 = arith.constant 2 : i32
      %add3A_999 = arith.addi %mul3A_997, %add3A_998 : i32
      %add3A_1000 = vector.broadcast %add3A_999 : i32 to vector<16xi32>
      %add3A_1001 = arith.addi %mul3A_995, %add3A_1000 : vector<16xi32>
      %shift_right_arithmetic3A_1002 = arith.constant 7 : i32
      %shift_right_arithmetic3A_1003 = vector.broadcast %shift_right_arithmetic3A_1002 : i32 to vector<16xi32>
      %shift_right_arithmetic3A_1004 = arith.shrsi %add3A_1001, %shift_right_arithmetic3A_1003 : vector<16xi32>
      %and3A_1005 = arith.constant 127 : i32
      %and3A_1006 = vector.broadcast %and3A_1005 : i32 to vector<16xi32>
      %and3A_1007 = arith.andi %add3A_1001, %and3A_1006 : vector<16xi32>
      tpu.vector_store_idx %arg6[%shift_right_arithmetic3A_1004, %and3A_1007], %add3A_992 : memref<16x128xi32, #tpu.memory_space<vmem>>[vector<16xi32>, vector<16xi32>], vector<16xi32>,
      %jit3A_1008 = arith.constant 20018 : i32
      %eq3A_1009 = arith.constant 0 : i32
      %eq3A_1010 = arith.cmpi eq, %jit3A_1008, %eq3A_1009 : i32
      %jit3A_1011 = arith.constant 1 : i32
      %select_n3A_1012 = arith.select %eq3A_1010, %jit3A_1011, %jit3A_1008 : i32
      %rem3A_1013 = vector.broadcast %select_n3A_1012 : i32 to vector<16xi32>
      %rem3A_1014 = arith.remui %gather3A, %rem3A_1013 : vector<16xi32>
      %ne3A_1015 = arith.constant 0 : i32
      %ne3A_1016 = vector.broadcast %ne3A_1015 : i32 to vector<16xi32>
      %ne3A_1017 = arith.cmpi ne, %rem3A_1014, %ne3A_1016 : vector<16xi32>
      %lt3A_1018 = arith.constant 0 : i32
      %lt3A_1019 = vector.broadcast %lt3A_1018 : i32 to vector<16xi32>
      %lt3A_1020 = arith.cmpi ult, %rem3A_1014, %lt3A_1019 : vector<16xi32>
      %lt3A_1021 = arith.constant 0 : i32
      %lt3A_1022 = arith.cmpi ult, %select_n3A_1012, %lt3A_1021 : i32
      %ne3A_1023 = vector.broadcast %lt3A_1022 : i1 to vector<16xi1>
      %ne3A_1024 = vector.broadcast %ne3A_1023 : vector<16xi1> to vector<16xi1>
      %ne3A_1025 = arith.xori %lt3A_1020, %ne3A_1024 : vector<16xi1>
      %and3A_1026 = arith.andi %ne3A_1025, %ne3A_1017 : vector<16xi1>
      %add3A_1027 = vector.broadcast %select_n3A_1012 : i32 to vector<16xi32>
      %add3A_1028 = arith.addi %rem3A_1014, %add3A_1027 : vector<16xi32>
      %select_n3A_1029 = arith.select %and3A_1026, %add3A_1028, %rem3A_1014 : vector<16xi1>, vector<16xi32>
      %mul3A_1030 = arith.constant 11982 : i32
      %mul3A_1031 = vector.broadcast %mul3A_1030 : i32 to vector<16xi32>
      %mul3A_1032 = arith.muli %gather3A_744, %mul3A_1031 : vector<16xi32>
      %jit3A_1033 = arith.constant 20018 : i32
      %eq3A_1034 = arith.constant 0 : i32
      %eq3A_1035 = arith.cmpi eq, %jit3A_1033, %eq3A_1034 : i32
      %jit3A_1036 = arith.constant 1 : i32
      %select_n3A_1037 = arith.select %eq3A_1035, %jit3A_1036, %jit3A_1033 : i32
      %rem3A_1038 = vector.broadcast %select_n3A_1037 : i32 to vector<16xi32>
      %rem3A_1039 = arith.remui %mul3A_1032, %rem3A_1038 : vector<16xi32>
      %ne3A_1040 = arith.constant 0 : i32
      %ne3A_1041 = vector.broadcast %ne3A_1040 : i32 to vector<16xi32>
      %ne3A_1042 = arith.cmpi ne, %rem3A_1039, %ne3A_1041 : vector<16xi32>
      %lt3A_1043 = arith.constant 0 : i32
      %lt3A_1044 = vector.broadcast %lt3A_1043 : i32 to vector<16xi32>
      %lt3A_1045 = arith.cmpi ult, %rem3A_1039, %lt3A_1044 : vector<16xi32>
      %lt3A_1046 = arith.constant 0 : i32
      %lt3A_1047 = arith.cmpi ult, %select_n3A_1037, %lt3A_1046 : i32
      %ne3A_1048 = vector.broadcast %lt3A_1047 : i1 to vector<16xi1>
      %ne3A_1049 = vector.broadcast %ne3A_1048 : vector<16xi1> to vector<16xi1>
      %ne3A_1050 = arith.xori %lt3A_1045, %ne3A_1049 : vector<16xi1>
      %and3A_1051 = arith.andi %ne3A_1050, %ne3A_1042 : vector<16xi1>
      %add3A_1052 = vector.broadcast %select_n3A_1037 : i32 to vector<16xi32>
      %add3A_1053 = arith.addi %rem3A_1039, %add3A_1052 : vector<16xi32>
      %select_n3A_1054 = arith.select %and3A_1051, %add3A_1053, %rem3A_1039 : vector<16xi1>, vector<16xi32>
      %add3A_1055 = arith.addi %select_n3A_1029, %select_n3A_1054 : vector<16xi32>
      %jit3A_1056 = arith.constant 20018 : i32
      %eq3A_1057 = arith.constant 0 : i32
      %eq3A_1058 = arith.cmpi eq, %jit3A_1056, %eq3A_1057 : i32
      %jit3A_1059 = arith.constant 1 : i32
      %select_n3A_1060 = arith.select %eq3A_1058, %jit3A_1059, %jit3A_1056 : i32
      %rem3A_1061 = vector.broadcast %select_n3A_1060 : i32 to vector<16xi32>
      %rem3A_1062 = arith.remui %add3A_1055, %rem3A_1061 : vector<16xi32>
      %ne3A_1063 = arith.constant 0 : i32
      %ne3A_1064 = vector.broadcast %ne3A_1063 : i32 to vector<16xi32>
      %ne3A_1065 = arith.cmpi ne, %rem3A_1062, %ne3A_1064 : vector<16xi32>
      %lt3A_1066 = arith.constant 0 : i32
      %lt3A_1067 = vector.broadcast %lt3A_1066 : i32 to vector<16xi32>
      %lt3A_1068 = arith.cmpi ult, %rem3A_1062, %lt3A_1067 : vector<16xi32>
      %lt3A_1069 = arith.constant 0 : i32
      %lt3A_1070 = arith.cmpi ult, %select_n3A_1060, %lt3A_1069 : i32
      %ne3A_1071 = vector.broadcast %lt3A_1070 : i1 to vector<16xi1>
      %ne3A_1072 = vector.broadcast %ne3A_1071 : vector<16xi1> to vector<16xi1>
      %ne3A_1073 = arith.xori %lt3A_1068, %ne3A_1072 : vector<16xi1>
      %and3A_1074 = arith.andi %ne3A_1073, %ne3A_1065 : vector<16xi1>
      %add3A_1075 = vector.broadcast %select_n3A_1060 : i32 to vector<16xi32>
      %add3A_1076 = arith.addi %rem3A_1062, %add3A_1075 : vector<16xi32>
      %select_n3A_1077 = arith.select %and3A_1074, %add3A_1076, %rem3A_1062 : vector<16xi1>, vector<16xi32>
      %add3A_1078 = arith.constant 60042 : i32
      %add3A_1079 = vector.broadcast %add3A_1078 : i32 to vector<16xi32>
      %add3A_1080 = arith.addi %select_n3A_1077, %add3A_1079 : vector<16xi32>
      %mul3A_1081 = arith.constant 16 : i32
      %mul3A_1082 = vector.broadcast %mul3A_1081 : i32 to vector<16xi32>
      %mul3A_1083 = arith.muli %iota3A, %mul3A_1082 : vector<16xi32>
      %mul3A_1084 = arith.constant 256 : i32
      %mul3A_1085 = arith.muli %scan3A_733, %mul3A_1084 : i32
      %add3A_1086 = arith.constant 3 : i32
      %add3A_1087 = arith.addi %mul3A_1085, %add3A_1086 : i32
      %add3A_1088 = vector.broadcast %add3A_1087 : i32 to vector<16xi32>
      %add3A_1089 = arith.addi %mul3A_1083, %add3A_1088 : vector<16xi32>
      %shift_right_arithmetic3A_1090 = arith.constant 7 : i32
      %shift_right_arithmetic3A_1091 = vector.broadcast %shift_right_arithmetic3A_1090 : i32 to vector<16xi32>
      %shift_right_arithmetic3A_1092 = arith.shrsi %add3A_1089, %shift_right_arithmetic3A_1091 : vector<16xi32>
      %and3A_1093 = arith.constant 127 : i32
      %and3A_1094 = vector.broadcast %and3A_1093 : i32 to vector<16xi32>
      %and3A_1095 = arith.andi %add3A_1089, %and3A_1094 : vector<16xi32>
      tpu.vector_store_idx %arg6[%shift_right_arithmetic3A_1092, %and3A_1095], %add3A_1080 : memref<16x128xi32, #tpu.memory_space<vmem>>[vector<16xi32>, vector<16xi32>], vector<16xi32>,
      %jit3A_1096 = arith.constant 20020 : i32
      %eq3A_1097 = arith.constant 0 : i32
      %eq3A_1098 = arith.cmpi eq, %jit3A_1096, %eq3A_1097 : i32
      %jit3A_1099 = arith.constant 1 : i32
      %select_n3A_1100 = arith.select %eq3A_1098, %jit3A_1099, %jit3A_1096 : i32
      %rem3A_1101 = vector.broadcast %select_n3A_1100 : i32 to vector<16xi32>
      %rem3A_1102 = arith.remui %gather3A, %rem3A_1101 : vector<16xi32>
      %ne3A_1103 = arith.constant 0 : i32
      %ne3A_1104 = vector.broadcast %ne3A_1103 : i32 to vector<16xi32>
      %ne3A_1105 = arith.cmpi ne, %rem3A_1102, %ne3A_1104 : vector<16xi32>
      %lt3A_1106 = arith.constant 0 : i32
      %lt3A_1107 = vector.broadcast %lt3A_1106 : i32 to vector<16xi32>
      %lt3A_1108 = arith.cmpi ult, %rem3A_1102, %lt3A_1107 : vector<16xi32>
      %lt3A_1109 = arith.constant 0 : i32
      %lt3A_1110 = arith.cmpi ult, %select_n3A_1100, %lt3A_1109 : i32
      %ne3A_1111 = vector.broadcast %lt3A_1110 : i1 to vector<16xi1>
      %ne3A_1112 = vector.broadcast %ne3A_1111 : vector<16xi1> to vector<16xi1>
      %ne3A_1113 = arith.xori %lt3A_1108, %ne3A_1112 : vector<16xi1>
      %and3A_1114 = arith.andi %ne3A_1113, %ne3A_1105 : vector<16xi1>
      %add3A_1115 = vector.broadcast %select_n3A_1100 : i32 to vector<16xi32>
      %add3A_1116 = arith.addi %rem3A_1102, %add3A_1115 : vector<16xi32>
      %select_n3A_1117 = arith.select %and3A_1114, %add3A_1116, %rem3A_1102 : vector<16xi1>, vector<16xi32>
      %mul3A_1118 = arith.constant 11980 : i32
      %mul3A_1119 = vector.broadcast %mul3A_1118 : i32 to vector<16xi32>
      %mul3A_1120 = arith.muli %gather3A_744, %mul3A_1119 : vector<16xi32>
      %jit3A_1121 = arith.constant 20020 : i32
      %eq3A_1122 = arith.constant 0 : i32
      %eq3A_1123 = arith.cmpi eq, %jit3A_1121, %eq3A_1122 : i32
      %jit3A_1124 = arith.constant 1 : i32
      %select_n3A_1125 = arith.select %eq3A_1123, %jit3A_1124, %jit3A_1121 : i32
      %rem3A_1126 = vector.broadcast %select_n3A_1125 : i32 to vector<16xi32>
      %rem3A_1127 = arith.remui %mul3A_1120, %rem3A_1126 : vector<16xi32>
      %ne3A_1128 = arith.constant 0 : i32
      %ne3A_1129 = vector.broadcast %ne3A_1128 : i32 to vector<16xi32>
      %ne3A_1130 = arith.cmpi ne, %rem3A_1127, %ne3A_1129 : vector<16xi32>
      %lt3A_1131 = arith.constant 0 : i32
      %lt3A_1132 = vector.broadcast %lt3A_1131 : i32 to vector<16xi32>
      %lt3A_1133 = arith.cmpi ult, %rem3A_1127, %lt3A_1132 : vector<16xi32>
      %lt3A_1134 = arith.constant 0 : i32
      %lt3A_1135 = arith.cmpi ult, %select_n3A_1125, %lt3A_1134 : i32
      %ne3A_1136 = vector.broadcast %lt3A_1135 : i1 to vector<16xi1>
      %ne3A_1137 = vector.broadcast %ne3A_1136 : vector<16xi1> to vector<16xi1>
      %ne3A_1138 = arith.xori %lt3A_1133, %ne3A_1137 : vector<16xi1>
      %and3A_1139 = arith.andi %ne3A_1138, %ne3A_1130 : vector<16xi1>
      %add3A_1140 = vector.broadcast %select_n3A_1125 : i32 to vector<16xi32>
      %add3A_1141 = arith.addi %rem3A_1127, %add3A_1140 : vector<16xi32>
      %select_n3A_1142 = arith.select %and3A_1139, %add3A_1141, %rem3A_1127 : vector<16xi1>, vector<16xi32>
      %add3A_1143 = arith.addi %select_n3A_1117, %select_n3A_1142 : vector<16xi32>
      %jit3A_1144 = arith.constant 20020 : i32
      %eq3A_1145 = arith.constant 0 : i32
      %eq3A_1146 = arith.cmpi eq, %jit3A_1144, %eq3A_1145 : i32
      %jit3A_1147 = arith.constant 1 : i32
      %select_n3A_1148 = arith.select %eq3A_1146, %jit3A_1147, %jit3A_1144 : i32
      %rem3A_1149 = vector.broadcast %select_n3A_1148 : i32 to vector<16xi32>
      %rem3A_1150 = arith.remui %add3A_1143, %rem3A_1149 : vector<16xi32>
      %ne3A_1151 = arith.constant 0 : i32
      %ne3A_1152 = vector.broadcast %ne3A_1151 : i32 to vector<16xi32>
      %ne3A_1153 = arith.cmpi ne, %rem3A_1150, %ne3A_1152 : vector<16xi32>
      %lt3A_1154 = arith.constant 0 : i32
      %lt3A_1155 = vector.broadcast %lt3A_1154 : i32 to vector<16xi32>
      %lt3A_1156 = arith.cmpi ult, %rem3A_1150, %lt3A_1155 : vector<16xi32>
      %lt3A_1157 = arith.constant 0 : i32
      %lt3A_1158 = arith.cmpi ult, %select_n3A_1148, %lt3A_1157 : i32
      %ne3A_1159 = vector.broadcast %lt3A_1158 : i1 to vector<16xi1>
      %ne3A_1160 = vector.broadcast %ne3A_1159 : vector<16xi1> to vector<16xi1>
      %ne3A_1161 = arith.xori %lt3A_1156, %ne3A_1160 : vector<16xi1>
      %and3A_1162 = arith.andi %ne3A_1161, %ne3A_1153 : vector<16xi1>
      %add3A_1163 = vector.broadcast %select_n3A_1148 : i32 to vector<16xi32>
      %add3A_1164 = arith.addi %rem3A_1150, %add3A_1163 : vector<16xi32>
      %select_n3A_1165 = arith.select %and3A_1162, %add3A_1164, %rem3A_1150 : vector<16xi1>, vector<16xi32>
      %add3A_1166 = arith.constant 80060 : i32
      %add3A_1167 = vector.broadcast %add3A_1166 : i32 to vector<16xi32>
      %add3A_1168 = arith.addi %select_n3A_1165, %add3A_1167 : vector<16xi32>
      %mul3A_1169 = arith.constant 16 : i32
      %mul3A_1170 = vector.broadcast %mul3A_1169 : i32 to vector<16xi32>
      %mul3A_1171 = arith.muli %iota3A, %mul3A_1170 : vector<16xi32>
      %mul3A_1172 = arith.constant 256 : i32
      %mul3A_1173 = arith.muli %scan3A_733, %mul3A_1172 : i32
      %add3A_1174 = arith.constant 4 : i32
      %add3A_1175 = arith.addi %mul3A_1173, %add3A_1174 : i32
      %add3A_1176 = vector.broadcast %add3A_1175 : i32 to vector<16xi32>
      %add3A_1177 = arith.addi %mul3A_1171, %add3A_1176 : vector<16xi32>
      %shift_right_arithmetic3A_1178 = arith.constant 7 : i32
      %shift_right_arithmetic3A_1179 = vector.broadcast %shift_right_arithmetic3A_1178 : i32 to vector<16xi32>
      %shift_right_arithmetic3A_1180 = arith.shrsi %add3A_1177, %shift_right_arithmetic3A_1179 : vector<16xi32>
      %and3A_1181 = arith.constant 127 : i32
      %and3A_1182 = vector.broadcast %and3A_1181 : i32 to vector<16xi32>
      %and3A_1183 = arith.andi %add3A_1177, %and3A_1182 : vector<16xi32>
      tpu.vector_store_idx %arg6[%shift_right_arithmetic3A_1180, %and3A_1183], %add3A_1168 : memref<16x128xi32, #tpu.memory_space<vmem>>[vector<16xi32>, vector<16xi32>], vector<16xi32>,
      %jit3A_1184 = arith.constant 20022 : i32
      %eq3A_1185 = arith.constant 0 : i32
      %eq3A_1186 = arith.cmpi eq, %jit3A_1184, %eq3A_1185 : i32
      %jit3A_1187 = arith.constant 1 : i32
      %select_n3A_1188 = arith.select %eq3A_1186, %jit3A_1187, %jit3A_1184 : i32
      %rem3A_1189 = vector.broadcast %select_n3A_1188 : i32 to vector<16xi32>
      %rem3A_1190 = arith.remui %gather3A, %rem3A_1189 : vector<16xi32>
      %ne3A_1191 = arith.constant 0 : i32
      %ne3A_1192 = vector.broadcast %ne3A_1191 : i32 to vector<16xi32>
      %ne3A_1193 = arith.cmpi ne, %rem3A_1190, %ne3A_1192 : vector<16xi32>
      %lt3A_1194 = arith.constant 0 : i32
      %lt3A_1195 = vector.broadcast %lt3A_1194 : i32 to vector<16xi32>
      %lt3A_1196 = arith.cmpi ult, %rem3A_1190, %lt3A_1195 : vector<16xi32>
      %lt3A_1197 = arith.constant 0 : i32
      %lt3A_1198 = arith.cmpi ult, %select_n3A_1188, %lt3A_1197 : i32
      %ne3A_1199 = vector.broadcast %lt3A_1198 : i1 to vector<16xi1>
      %ne3A_1200 = vector.broadcast %ne3A_1199 : vector<16xi1> to vector<16xi1>
      %ne3A_1201 = arith.xori %lt3A_1196, %ne3A_1200 : vector<16xi1>
      %and3A_1202 = arith.andi %ne3A_1201, %ne3A_1193 : vector<16xi1>
      %add3A_1203 = vector.broadcast %select_n3A_1188 : i32 to vector<16xi32>
      %add3A_1204 = arith.addi %rem3A_1190, %add3A_1203 : vector<16xi32>
      %select_n3A_1205 = arith.select %and3A_1202, %add3A_1204, %rem3A_1190 : vector<16xi1>, vector<16xi32>
      %mul3A_1206 = arith.constant 11978 : i32
      %mul3A_1207 = vector.broadcast %mul3A_1206 : i32 to vector<16xi32>
      %mul3A_1208 = arith.muli %gather3A_744, %mul3A_1207 : vector<16xi32>
      %jit3A_1209 = arith.constant 20022 : i32
      %eq3A_1210 = arith.constant 0 : i32
      %eq3A_1211 = arith.cmpi eq, %jit3A_1209, %eq3A_1210 : i32
      %jit3A_1212 = arith.constant 1 : i32
      %select_n3A_1213 = arith.select %eq3A_1211, %jit3A_1212, %jit3A_1209 : i32
      %rem3A_1214 = vector.broadcast %select_n3A_1213 : i32 to vector<16xi32>
      %rem3A_1215 = arith.remui %mul3A_1208, %rem3A_1214 : vector<16xi32>
      %ne3A_1216 = arith.constant 0 : i32
      %ne3A_1217 = vector.broadcast %ne3A_1216 : i32 to vector<16xi32>
      %ne3A_1218 = arith.cmpi ne, %rem3A_1215, %ne3A_1217 : vector<16xi32>
      %lt3A_1219 = arith.constant 0 : i32
      %lt3A_1220 = vector.broadcast %lt3A_1219 : i32 to vector<16xi32>
      %lt3A_1221 = arith.cmpi ult, %rem3A_1215, %lt3A_1220 : vector<16xi32>
      %lt3A_1222 = arith.constant 0 : i32
      %lt3A_1223 = arith.cmpi ult, %select_n3A_1213, %lt3A_1222 : i32
      %ne3A_1224 = vector.broadcast %lt3A_1223 : i1 to vector<16xi1>
      %ne3A_1225 = vector.broadcast %ne3A_1224 : vector<16xi1> to vector<16xi1>
      %ne3A_1226 = arith.xori %lt3A_1221, %ne3A_1225 : vector<16xi1>
      %and3A_1227 = arith.andi %ne3A_1226, %ne3A_1218 : vector<16xi1>
      %add3A_1228 = vector.broadcast %select_n3A_1213 : i32 to vector<16xi32>
      %add3A_1229 = arith.addi %rem3A_1215, %add3A_1228 : vector<16xi32>
      %select_n3A_1230 = arith.select %and3A_1227, %add3A_1229, %rem3A_1215 : vector<16xi1>, vector<16xi32>
      %add3A_1231 = arith.addi %select_n3A_1205, %select_n3A_1230 : vector<16xi32>
      %jit3A_1232 = arith.constant 20022 : i32
      %eq3A_1233 = arith.constant 0 : i32
      %eq3A_1234 = arith.cmpi eq, %jit3A_1232, %eq3A_1233 : i32
      %jit3A_1235 = arith.constant 1 : i32
      %select_n3A_1236 = arith.select %eq3A_1234, %jit3A_1235, %jit3A_1232 : i32
      %rem3A_1237 = vector.broadcast %select_n3A_1236 : i32 to vector<16xi32>
      %rem3A_1238 = arith.remui %add3A_1231, %rem3A_1237 : vector<16xi32>
      %ne3A_1239 = arith.constant 0 : i32
      %ne3A_1240 = vector.broadcast %ne3A_1239 : i32 to vector<16xi32>
      %ne3A_1241 = arith.cmpi ne, %rem3A_1238, %ne3A_1240 : vector<16xi32>
      %lt3A_1242 = arith.constant 0 : i32
      %lt3A_1243 = vector.broadcast %lt3A_1242 : i32 to vector<16xi32>
      %lt3A_1244 = arith.cmpi ult, %rem3A_1238, %lt3A_1243 : vector<16xi32>
      %lt3A_1245 = arith.constant 0 : i32
      %lt3A_1246 = arith.cmpi ult, %select_n3A_1236, %lt3A_1245 : i32
      %ne3A_1247 = vector.broadcast %lt3A_1246 : i1 to vector<16xi1>
      %ne3A_1248 = vector.broadcast %ne3A_1247 : vector<16xi1> to vector<16xi1>
      %ne3A_1249 = arith.xori %lt3A_1244, %ne3A_1248 : vector<16xi1>
      %and3A_1250 = arith.andi %ne3A_1249, %ne3A_1241 : vector<16xi1>
      %add3A_1251 = vector.broadcast %select_n3A_1236 : i32 to vector<16xi32>
      %add3A_1252 = arith.addi %rem3A_1238, %add3A_1251 : vector<16xi32>
      %select_n3A_1253 = arith.select %and3A_1250, %add3A_1252, %rem3A_1238 : vector<16xi1>, vector<16xi32>
      %add3A_1254 = arith.constant 100080 : i32
      %add3A_1255 = vector.broadcast %add3A_1254 : i32 to vector<16xi32>
      %add3A_1256 = arith.addi %select_n3A_1253, %add3A_1255 : vector<16xi32>
      %mul3A_1257 = arith.constant 16 : i32
      %mul3A_1258 = vector.broadcast %mul3A_1257 : i32 to vector<16xi32>
      %mul3A_1259 = arith.muli %iota3A, %mul3A_1258 : vector<16xi32>
      %mul3A_1260 = arith.constant 256 : i32
      %mul3A_1261 = arith.muli %scan3A_733, %mul3A_1260 : i32
      %add3A_1262 = arith.constant 5 : i32
      %add3A_1263 = arith.addi %mul3A_1261, %add3A_1262 : i32
      %add3A_1264 = vector.broadcast %add3A_1263 : i32 to vector<16xi32>
      %add3A_1265 = arith.addi %mul3A_1259, %add3A_1264 : vector<16xi32>
      %shift_right_arithmetic3A_1266 = arith.constant 7 : i32
      %shift_right_arithmetic3A_1267 = vector.broadcast %shift_right_arithmetic3A_1266 : i32 to vector<16xi32>
      %shift_right_arithmetic3A_1268 = arith.shrsi %add3A_1265, %shift_right_arithmetic3A_1267 : vector<16xi32>
      %and3A_1269 = arith.constant 127 : i32
      %and3A_1270 = vector.broadcast %and3A_1269 : i32 to vector<16xi32>
      %and3A_1271 = arith.andi %add3A_1265, %and3A_1270 : vector<16xi32>
      tpu.vector_store_idx %arg6[%shift_right_arithmetic3A_1268, %and3A_1271], %add3A_1256 : memref<16x128xi32, #tpu.memory_space<vmem>>[vector<16xi32>, vector<16xi32>], vector<16xi32>,
      %jit3A_1272 = arith.constant 20024 : i32
      %eq3A_1273 = arith.constant 0 : i32
      %eq3A_1274 = arith.cmpi eq, %jit3A_1272, %eq3A_1273 : i32
      %jit3A_1275 = arith.constant 1 : i32
      %select_n3A_1276 = arith.select %eq3A_1274, %jit3A_1275, %jit3A_1272 : i32
      %rem3A_1277 = vector.broadcast %select_n3A_1276 : i32 to vector<16xi32>
      %rem3A_1278 = arith.remui %gather3A, %rem3A_1277 : vector<16xi32>
      %ne3A_1279 = arith.constant 0 : i32
      %ne3A_1280 = vector.broadcast %ne3A_1279 : i32 to vector<16xi32>
      %ne3A_1281 = arith.cmpi ne, %rem3A_1278, %ne3A_1280 : vector<16xi32>
      %lt3A_1282 = arith.constant 0 : i32
      %lt3A_1283 = vector.broadcast %lt3A_1282 : i32 to vector<16xi32>
      %lt3A_1284 = arith.cmpi ult, %rem3A_1278, %lt3A_1283 : vector<16xi32>
      %lt3A_1285 = arith.constant 0 : i32
      %lt3A_1286 = arith.cmpi ult, %select_n3A_1276, %lt3A_1285 : i32
      %ne3A_1287 = vector.broadcast %lt3A_1286 : i1 to vector<16xi1>
      %ne3A_1288 = vector.broadcast %ne3A_1287 : vector<16xi1> to vector<16xi1>
      %ne3A_1289 = arith.xori %lt3A_1284, %ne3A_1288 : vector<16xi1>
      %and3A_1290 = arith.andi %ne3A_1289, %ne3A_1281 : vector<16xi1>
      %add3A_1291 = vector.broadcast %select_n3A_1276 : i32 to vector<16xi32>
      %add3A_1292 = arith.addi %rem3A_1278, %add3A_1291 : vector<16xi32>
      %select_n3A_1293 = arith.select %and3A_1290, %add3A_1292, %rem3A_1278 : vector<16xi1>, vector<16xi32>
      %mul3A_1294 = arith.constant 11976 : i32
      %mul3A_1295 = vector.broadcast %mul3A_1294 : i32 to vector<16xi32>
      %mul3A_1296 = arith.muli %gather3A_744, %mul3A_1295 : vector<16xi32>
      %jit3A_1297 = arith.constant 20024 : i32
      %eq3A_1298 = arith.constant 0 : i32
      %eq3A_1299 = arith.cmpi eq, %jit3A_1297, %eq3A_1298 : i32
      %jit3A_1300 = arith.constant 1 : i32
      %select_n3A_1301 = arith.select %eq3A_1299, %jit3A_1300, %jit3A_1297 : i32
      %rem3A_1302 = vector.broadcast %select_n3A_1301 : i32 to vector<16xi32>
      %rem3A_1303 = arith.remui %mul3A_1296, %rem3A_1302 : vector<16xi32>
      %ne3A_1304 = arith.constant 0 : i32
      %ne3A_1305 = vector.broadcast %ne3A_1304 : i32 to vector<16xi32>
      %ne3A_1306 = arith.cmpi ne, %rem3A_1303, %ne3A_1305 : vector<16xi32>
      %lt3A_1307 = arith.constant 0 : i32
      %lt3A_1308 = vector.broadcast %lt3A_1307 : i32 to vector<16xi32>
      %lt3A_1309 = arith.cmpi ult, %rem3A_1303, %lt3A_1308 : vector<16xi32>
      %lt3A_1310 = arith.constant 0 : i32
      %lt3A_1311 = arith.cmpi ult, %select_n3A_1301, %lt3A_1310 : i32
      %ne3A_1312 = vector.broadcast %lt3A_1311 : i1 to vector<16xi1>
      %ne3A_1313 = vector.broadcast %ne3A_1312 : vector<16xi1> to vector<16xi1>
      %ne3A_1314 = arith.xori %lt3A_1309, %ne3A_1313 : vector<16xi1>
      %and3A_1315 = arith.andi %ne3A_1314, %ne3A_1306 : vector<16xi1>
      %add3A_1316 = vector.broadcast %select_n3A_1301 : i32 to vector<16xi32>
      %add3A_1317 = arith.addi %rem3A_1303, %add3A_1316 : vector<16xi32>
      %select_n3A_1318 = arith.select %and3A_1315, %add3A_1317, %rem3A_1303 : vector<16xi1>, vector<16xi32>
      %add3A_1319 = arith.addi %select_n3A_1293, %select_n3A_1318 : vector<16xi32>
      %jit3A_1320 = arith.constant 20024 : i32
      %eq3A_1321 = arith.constant 0 : i32
      %eq3A_1322 = arith.cmpi eq, %jit3A_1320, %eq3A_1321 : i32
      %jit3A_1323 = arith.constant 1 : i32
      %select_n3A_1324 = arith.select %eq3A_1322, %jit3A_1323, %jit3A_1320 : i32
      %rem3A_1325 = vector.broadcast %select_n3A_1324 : i32 to vector<16xi32>
      %rem3A_1326 = arith.remui %add3A_1319, %rem3A_1325 : vector<16xi32>
      %ne3A_1327 = arith.constant 0 : i32
      %ne3A_1328 = vector.broadcast %ne3A_1327 : i32 to vector<16xi32>
      %ne3A_1329 = arith.cmpi ne, %rem3A_1326, %ne3A_1328 : vector<16xi32>
      %lt3A_1330 = arith.constant 0 : i32
      %lt3A_1331 = vector.broadcast %lt3A_1330 : i32 to vector<16xi32>
      %lt3A_1332 = arith.cmpi ult, %rem3A_1326, %lt3A_1331 : vector<16xi32>
      %lt3A_1333 = arith.constant 0 : i32
      %lt3A_1334 = arith.cmpi ult, %select_n3A_1324, %lt3A_1333 : i32
      %ne3A_1335 = vector.broadcast %lt3A_1334 : i1 to vector<16xi1>
      %ne3A_1336 = vector.broadcast %ne3A_1335 : vector<16xi1> to vector<16xi1>
      %ne3A_1337 = arith.xori %lt3A_1332, %ne3A_1336 : vector<16xi1>
      %and3A_1338 = arith.andi %ne3A_1337, %ne3A_1329 : vector<16xi1>
      %add3A_1339 = vector.broadcast %select_n3A_1324 : i32 to vector<16xi32>
      %add3A_1340 = arith.addi %rem3A_1326, %add3A_1339 : vector<16xi32>
      %select_n3A_1341 = arith.select %and3A_1338, %add3A_1340, %rem3A_1326 : vector<16xi1>, vector<16xi32>
      %add3A_1342 = arith.constant 120102 : i32
      %add3A_1343 = vector.broadcast %add3A_1342 : i32 to vector<16xi32>
      %add3A_1344 = arith.addi %select_n3A_1341, %add3A_1343 : vector<16xi32>
      %mul3A_1345 = arith.constant 16 : i32
      %mul3A_1346 = vector.broadcast %mul3A_1345 : i32 to vector<16xi32>
      %mul3A_1347 = arith.muli %iota3A, %mul3A_1346 : vector<16xi32>
      %mul3A_1348 = arith.constant 256 : i32
      %mul3A_1349 = arith.muli %scan3A_733, %mul3A_1348 : i32
      %add3A_1350 = arith.constant 6 : i32
      %add3A_1351 = arith.addi %mul3A_1349, %add3A_1350 : i32
      %add3A_1352 = vector.broadcast %add3A_1351 : i32 to vector<16xi32>
      %add3A_1353 = arith.addi %mul3A_1347, %add3A_1352 : vector<16xi32>
      %shift_right_arithmetic3A_1354 = arith.constant 7 : i32
      %shift_right_arithmetic3A_1355 = vector.broadcast %shift_right_arithmetic3A_1354 : i32 to vector<16xi32>
      %shift_right_arithmetic3A_1356 = arith.shrsi %add3A_1353, %shift_right_arithmetic3A_1355 : vector<16xi32>
      %and3A_1357 = arith.constant 127 : i32
      %and3A_1358 = vector.broadcast %and3A_1357 : i32 to vector<16xi32>
      %and3A_1359 = arith.andi %add3A_1353, %and3A_1358 : vector<16xi32>
      tpu.vector_store_idx %arg6[%shift_right_arithmetic3A_1356, %and3A_1359], %add3A_1344 : memref<16x128xi32, #tpu.memory_space<vmem>>[vector<16xi32>, vector<16xi32>], vector<16xi32>,
      %jit3A_1360 = arith.constant 20026 : i32
      %eq3A_1361 = arith.constant 0 : i32
      %eq3A_1362 = arith.cmpi eq, %jit3A_1360, %eq3A_1361 : i32
      %jit3A_1363 = arith.constant 1 : i32
      %select_n3A_1364 = arith.select %eq3A_1362, %jit3A_1363, %jit3A_1360 : i32
      %rem3A_1365 = vector.broadcast %select_n3A_1364 : i32 to vector<16xi32>
      %rem3A_1366 = arith.remui %gather3A, %rem3A_1365 : vector<16xi32>
      %ne3A_1367 = arith.constant 0 : i32
      %ne3A_1368 = vector.broadcast %ne3A_1367 : i32 to vector<16xi32>
      %ne3A_1369 = arith.cmpi ne, %rem3A_1366, %ne3A_1368 : vector<16xi32>
      %lt3A_1370 = arith.constant 0 : i32
      %lt3A_1371 = vector.broadcast %lt3A_1370 : i32 to vector<16xi32>
      %lt3A_1372 = arith.cmpi ult, %rem3A_1366, %lt3A_1371 : vector<16xi32>
      %lt3A_1373 = arith.constant 0 : i32
      %lt3A_1374 = arith.cmpi ult, %select_n3A_1364, %lt3A_1373 : i32
      %ne3A_1375 = vector.broadcast %lt3A_1374 : i1 to vector<16xi1>
      %ne3A_1376 = vector.broadcast %ne3A_1375 : vector<16xi1> to vector<16xi1>
      %ne3A_1377 = arith.xori %lt3A_1372, %ne3A_1376 : vector<16xi1>
      %and3A_1378 = arith.andi %ne3A_1377, %ne3A_1369 : vector<16xi1>
      %add3A_1379 = vector.broadcast %select_n3A_1364 : i32 to vector<16xi32>
      %add3A_1380 = arith.addi %rem3A_1366, %add3A_1379 : vector<16xi32>
      %select_n3A_1381 = arith.select %and3A_1378, %add3A_1380, %rem3A_1366 : vector<16xi1>, vector<16xi32>
      %mul3A_1382 = arith.constant 11974 : i32
      %mul3A_1383 = vector.broadcast %mul3A_1382 : i32 to vector<16xi32>
      %mul3A_1384 = arith.muli %gather3A_744, %mul3A_1383 : vector<16xi32>
      %jit3A_1385 = arith.constant 20026 : i32
      %eq3A_1386 = arith.constant 0 : i32
      %eq3A_1387 = arith.cmpi eq, %jit3A_1385, %eq3A_1386 : i32
      %jit3A_1388 = arith.constant 1 : i32
      %select_n3A_1389 = arith.select %eq3A_1387, %jit3A_1388, %jit3A_1385 : i32
      %rem3A_1390 = vector.broadcast %select_n3A_1389 : i32 to vector<16xi32>
      %rem3A_1391 = arith.remui %mul3A_1384, %rem3A_1390 : vector<16xi32>
      %ne3A_1392 = arith.constant 0 : i32
      %ne3A_1393 = vector.broadcast %ne3A_1392 : i32 to vector<16xi32>
      %ne3A_1394 = arith.cmpi ne, %rem3A_1391, %ne3A_1393 : vector<16xi32>
      %lt3A_1395 = arith.constant 0 : i32
      %lt3A_1396 = vector.broadcast %lt3A_1395 : i32 to vector<16xi32>
      %lt3A_1397 = arith.cmpi ult, %rem3A_1391, %lt3A_1396 : vector<16xi32>
      %lt3A_1398 = arith.constant 0 : i32
      %lt3A_1399 = arith.cmpi ult, %select_n3A_1389, %lt3A_1398 : i32
      %ne3A_1400 = vector.broadcast %lt3A_1399 : i1 to vector<16xi1>
      %ne3A_1401 = vector.broadcast %ne3A_1400 : vector<16xi1> to vector<16xi1>
      %ne3A_1402 = arith.xori %lt3A_1397, %ne3A_1401 : vector<16xi1>
      %and3A_1403 = arith.andi %ne3A_1402, %ne3A_1394 : vector<16xi1>
      %add3A_1404 = vector.broadcast %select_n3A_1389 : i32 to vector<16xi32>
      %add3A_1405 = arith.addi %rem3A_1391, %add3A_1404 : vector<16xi32>
      %select_n3A_1406 = arith.select %and3A_1403, %add3A_1405, %rem3A_1391 : vector<16xi1>, vector<16xi32>
      %add3A_1407 = arith.addi %select_n3A_1381, %select_n3A_1406 : vector<16xi32>
      %jit3A_1408 = arith.constant 20026 : i32
      %eq3A_1409 = arith.constant 0 : i32
      %eq3A_1410 = arith.cmpi eq, %jit3A_1408, %eq3A_1409 : i32
      %jit3A_1411 = arith.constant 1 : i32
      %select_n3A_1412 = arith.select %eq3A_1410, %jit3A_1411, %jit3A_1408 : i32
      %rem3A_1413 = vector.broadcast %select_n3A_1412 : i32 to vector<16xi32>
      %rem3A_1414 = arith.remui %add3A_1407, %rem3A_1413 : vector<16xi32>
      %ne3A_1415 = arith.constant 0 : i32
      %ne3A_1416 = vector.broadcast %ne3A_1415 : i32 to vector<16xi32>
      %ne3A_1417 = arith.cmpi ne, %rem3A_1414, %ne3A_1416 : vector<16xi32>
      %lt3A_1418 = arith.constant 0 : i32
      %lt3A_1419 = vector.broadcast %lt3A_1418 : i32 to vector<16xi32>
      %lt3A_1420 = arith.cmpi ult, %rem3A_1414, %lt3A_1419 : vector<16xi32>
      %lt3A_1421 = arith.constant 0 : i32
      %lt3A_1422 = arith.cmpi ult, %select_n3A_1412, %lt3A_1421 : i32
      %ne3A_1423 = vector.broadcast %lt3A_1422 : i1 to vector<16xi1>
      %ne3A_1424 = vector.broadcast %ne3A_1423 : vector<16xi1> to vector<16xi1>
      %ne3A_1425 = arith.xori %lt3A_1420, %ne3A_1424 : vector<16xi1>
      %and3A_1426 = arith.andi %ne3A_1425, %ne3A_1417 : vector<16xi1>
      %add3A_1427 = vector.broadcast %select_n3A_1412 : i32 to vector<16xi32>
      %add3A_1428 = arith.addi %rem3A_1414, %add3A_1427 : vector<16xi32>
      %select_n3A_1429 = arith.select %and3A_1426, %add3A_1428, %rem3A_1414 : vector<16xi1>, vector<16xi32>
      %add3A_1430 = arith.constant 140126 : i32
      %add3A_1431 = vector.broadcast %add3A_1430 : i32 to vector<16xi32>
      %add3A_1432 = arith.addi %select_n3A_1429, %add3A_1431 : vector<16xi32>
      %mul3A_1433 = arith.constant 16 : i32
      %mul3A_1434 = vector.broadcast %mul3A_1433 : i32 to vector<16xi32>
      %mul3A_1435 = arith.muli %iota3A, %mul3A_1434 : vector<16xi32>
      %mul3A_1436 = arith.constant 256 : i32
      %mul3A_1437 = arith.muli %scan3A_733, %mul3A_1436 : i32
      %add3A_1438 = arith.constant 7 : i32
      %add3A_1439 = arith.addi %mul3A_1437, %add3A_1438 : i32
      %add3A_1440 = vector.broadcast %add3A_1439 : i32 to vector<16xi32>
      %add3A_1441 = arith.addi %mul3A_1435, %add3A_1440 : vector<16xi32>
      %shift_right_arithmetic3A_1442 = arith.constant 7 : i32
      %shift_right_arithmetic3A_1443 = vector.broadcast %shift_right_arithmetic3A_1442 : i32 to vector<16xi32>
      %shift_right_arithmetic3A_1444 = arith.shrsi %add3A_1441, %shift_right_arithmetic3A_1443 : vector<16xi32>
      %and3A_1445 = arith.constant 127 : i32
      %and3A_1446 = vector.broadcast %and3A_1445 : i32 to vector<16xi32>
      %and3A_1447 = arith.andi %add3A_1441, %and3A_1446 : vector<16xi32>
      tpu.vector_store_idx %arg6[%shift_right_arithmetic3A_1444, %and3A_1447], %add3A_1432 : memref<16x128xi32, #tpu.memory_space<vmem>>[vector<16xi32>, vector<16xi32>], vector<16xi32>,
      %jit3A_1448 = arith.constant 20028 : i32
      %eq3A_1449 = arith.constant 0 : i32
      %eq3A_1450 = arith.cmpi eq, %jit3A_1448, %eq3A_1449 : i32
      %jit3A_1451 = arith.constant 1 : i32
      %select_n3A_1452 = arith.select %eq3A_1450, %jit3A_1451, %jit3A_1448 : i32
      %rem3A_1453 = vector.broadcast %select_n3A_1452 : i32 to vector<16xi32>
      %rem3A_1454 = arith.remui %gather3A, %rem3A_1453 : vector<16xi32>
      %ne3A_1455 = arith.constant 0 : i32
      %ne3A_1456 = vector.broadcast %ne3A_1455 : i32 to vector<16xi32>
      %ne3A_1457 = arith.cmpi ne, %rem3A_1454, %ne3A_1456 : vector<16xi32>
      %lt3A_1458 = arith.constant 0 : i32
      %lt3A_1459 = vector.broadcast %lt3A_1458 : i32 to vector<16xi32>
      %lt3A_1460 = arith.cmpi ult, %rem3A_1454, %lt3A_1459 : vector<16xi32>
      %lt3A_1461 = arith.constant 0 : i32
      %lt3A_1462 = arith.cmpi ult, %select_n3A_1452, %lt3A_1461 : i32
      %ne3A_1463 = vector.broadcast %lt3A_1462 : i1 to vector<16xi1>
      %ne3A_1464 = vector.broadcast %ne3A_1463 : vector<16xi1> to vector<16xi1>
      %ne3A_1465 = arith.xori %lt3A_1460, %ne3A_1464 : vector<16xi1>
      %and3A_1466 = arith.andi %ne3A_1465, %ne3A_1457 : vector<16xi1>
      %add3A_1467 = vector.broadcast %select_n3A_1452 : i32 to vector<16xi32>
      %add3A_1468 = arith.addi %rem3A_1454, %add3A_1467 : vector<16xi32>
      %select_n3A_1469 = arith.select %and3A_1466, %add3A_1468, %rem3A_1454 : vector<16xi1>, vector<16xi32>
      %mul3A_1470 = arith.constant 11972 : i32
      %mul3A_1471 = vector.broadcast %mul3A_1470 : i32 to vector<16xi32>
      %mul3A_1472 = arith.muli %gather3A_744, %mul3A_1471 : vector<16xi32>
      %jit3A_1473 = arith.constant 20028 : i32
      %eq3A_1474 = arith.constant 0 : i32
      %eq3A_1475 = arith.cmpi eq, %jit3A_1473, %eq3A_1474 : i32
      %jit3A_1476 = arith.constant 1 : i32
      %select_n3A_1477 = arith.select %eq3A_1475, %jit3A_1476, %jit3A_1473 : i32
      %rem3A_1478 = vector.broadcast %select_n3A_1477 : i32 to vector<16xi32>
      %rem3A_1479 = arith.remui %mul3A_1472, %rem3A_1478 : vector<16xi32>
      %ne3A_1480 = arith.constant 0 : i32
      %ne3A_1481 = vector.broadcast %ne3A_1480 : i32 to vector<16xi32>
      %ne3A_1482 = arith.cmpi ne, %rem3A_1479, %ne3A_1481 : vector<16xi32>
      %lt3A_1483 = arith.constant 0 : i32
      %lt3A_1484 = vector.broadcast %lt3A_1483 : i32 to vector<16xi32>
      %lt3A_1485 = arith.cmpi ult, %rem3A_1479, %lt3A_1484 : vector<16xi32>
      %lt3A_1486 = arith.constant 0 : i32
      %lt3A_1487 = arith.cmpi ult, %select_n3A_1477, %lt3A_1486 : i32
      %ne3A_1488 = vector.broadcast %lt3A_1487 : i1 to vector<16xi1>
      %ne3A_1489 = vector.broadcast %ne3A_1488 : vector<16xi1> to vector<16xi1>
      %ne3A_1490 = arith.xori %lt3A_1485, %ne3A_1489 : vector<16xi1>
      %and3A_1491 = arith.andi %ne3A_1490, %ne3A_1482 : vector<16xi1>
      %add3A_1492 = vector.broadcast %select_n3A_1477 : i32 to vector<16xi32>
      %add3A_1493 = arith.addi %rem3A_1479, %add3A_1492 : vector<16xi32>
      %select_n3A_1494 = arith.select %and3A_1491, %add3A_1493, %rem3A_1479 : vector<16xi1>, vector<16xi32>
      %add3A_1495 = arith.addi %select_n3A_1469, %select_n3A_1494 : vector<16xi32>
      %jit3A_1496 = arith.constant 20028 : i32
      %eq3A_1497 = arith.constant 0 : i32
      %eq3A_1498 = arith.cmpi eq, %jit3A_1496, %eq3A_1497 : i32
      %jit3A_1499 = arith.constant 1 : i32
      %select_n3A_1500 = arith.select %eq3A_1498, %jit3A_1499, %jit3A_1496 : i32
      %rem3A_1501 = vector.broadcast %select_n3A_1500 : i32 to vector<16xi32>
      %rem3A_1502 = arith.remui %add3A_1495, %rem3A_1501 : vector<16xi32>
      %ne3A_1503 = arith.constant 0 : i32
      %ne3A_1504 = vector.broadcast %ne3A_1503 : i32 to vector<16xi32>
      %ne3A_1505 = arith.cmpi ne, %rem3A_1502, %ne3A_1504 : vector<16xi32>
      %lt3A_1506 = arith.constant 0 : i32
      %lt3A_1507 = vector.broadcast %lt3A_1506 : i32 to vector<16xi32>
      %lt3A_1508 = arith.cmpi ult, %rem3A_1502, %lt3A_1507 : vector<16xi32>
      %lt3A_1509 = arith.constant 0 : i32
      %lt3A_1510 = arith.cmpi ult, %select_n3A_1500, %lt3A_1509 : i32
      %ne3A_1511 = vector.broadcast %lt3A_1510 : i1 to vector<16xi1>
      %ne3A_1512 = vector.broadcast %ne3A_1511 : vector<16xi1> to vector<16xi1>
      %ne3A_1513 = arith.xori %lt3A_1508, %ne3A_1512 : vector<16xi1>
      %and3A_1514 = arith.andi %ne3A_1513, %ne3A_1505 : vector<16xi1>
      %add3A_1515 = vector.broadcast %select_n3A_1500 : i32 to vector<16xi32>
      %add3A_1516 = arith.addi %rem3A_1502, %add3A_1515 : vector<16xi32>
      %select_n3A_1517 = arith.select %and3A_1514, %add3A_1516, %rem3A_1502 : vector<16xi1>, vector<16xi32>
      %mul3A_1518 = arith.constant 8416 : i32
      %mul3A_1519 = vector.broadcast %mul3A_1518 : i32 to vector<16xi32>
      %mul3A_1520 = arith.muli %gather3A_749, %mul3A_1519 : vector<16xi32>
      %jit3A_1521 = arith.constant 20028 : i32
      %eq3A_1522 = arith.constant 0 : i32
      %eq3A_1523 = arith.cmpi eq, %jit3A_1521, %eq3A_1522 : i32
      %jit3A_1524 = arith.constant 1 : i32
      %select_n3A_1525 = arith.select %eq3A_1523, %jit3A_1524, %jit3A_1521 : i32
      %rem3A_1526 = vector.broadcast %select_n3A_1525 : i32 to vector<16xi32>
      %rem3A_1527 = arith.remui %mul3A_1520, %rem3A_1526 : vector<16xi32>
      %ne3A_1528 = arith.constant 0 : i32
      %ne3A_1529 = vector.broadcast %ne3A_1528 : i32 to vector<16xi32>
      %ne3A_1530 = arith.cmpi ne, %rem3A_1527, %ne3A_1529 : vector<16xi32>
      %lt3A_1531 = arith.constant 0 : i32
      %lt3A_1532 = vector.broadcast %lt3A_1531 : i32 to vector<16xi32>
      %lt3A_1533 = arith.cmpi ult, %rem3A_1527, %lt3A_1532 : vector<16xi32>
      %lt3A_1534 = arith.constant 0 : i32
      %lt3A_1535 = arith.cmpi ult, %select_n3A_1525, %lt3A_1534 : i32
      %ne3A_1536 = vector.broadcast %lt3A_1535 : i1 to vector<16xi1>
      %ne3A_1537 = vector.broadcast %ne3A_1536 : vector<16xi1> to vector<16xi1>
      %ne3A_1538 = arith.xori %lt3A_1533, %ne3A_1537 : vector<16xi1>
      %and3A_1539 = arith.andi %ne3A_1538, %ne3A_1530 : vector<16xi1>
      %add3A_1540 = vector.broadcast %select_n3A_1525 : i32 to vector<16xi32>
      %add3A_1541 = arith.addi %rem3A_1527, %add3A_1540 : vector<16xi32>
      %select_n3A_1542 = arith.select %and3A_1539, %add3A_1541, %rem3A_1527 : vector<16xi1>, vector<16xi32>
      %add3A_1543 = arith.addi %select_n3A_1517, %select_n3A_1542 : vector<16xi32>
      %jit3A_1544 = arith.constant 20028 : i32
      %eq3A_1545 = arith.constant 0 : i32
      %eq3A_1546 = arith.cmpi eq, %jit3A_1544, %eq3A_1545 : i32
      %jit3A_1547 = arith.constant 1 : i32
      %select_n3A_1548 = arith.select %eq3A_1546, %jit3A_1547, %jit3A_1544 : i32
      %rem3A_1549 = vector.broadcast %select_n3A_1548 : i32 to vector<16xi32>
      %rem3A_1550 = arith.remui %add3A_1543, %rem3A_1549 : vector<16xi32>
      %ne3A_1551 = arith.constant 0 : i32
      %ne3A_1552 = vector.broadcast %ne3A_1551 : i32 to vector<16xi32>
      %ne3A_1553 = arith.cmpi ne, %rem3A_1550, %ne3A_1552 : vector<16xi32>
      %lt3A_1554 = arith.constant 0 : i32
      %lt3A_1555 = vector.broadcast %lt3A_1554 : i32 to vector<16xi32>
      %lt3A_1556 = arith.cmpi ult, %rem3A_1550, %lt3A_1555 : vector<16xi32>
      %lt3A_1557 = arith.constant 0 : i32
      %lt3A_1558 = arith.cmpi ult, %select_n3A_1548, %lt3A_1557 : i32
      %ne3A_1559 = vector.broadcast %lt3A_1558 : i1 to vector<16xi1>
      %ne3A_1560 = vector.broadcast %ne3A_1559 : vector<16xi1> to vector<16xi1>
      %ne3A_1561 = arith.xori %lt3A_1556, %ne3A_1560 : vector<16xi1>
      %and3A_1562 = arith.andi %ne3A_1561, %ne3A_1553 : vector<16xi1>
      %add3A_1563 = vector.broadcast %select_n3A_1548 : i32 to vector<16xi32>
      %add3A_1564 = arith.addi %rem3A_1550, %add3A_1563 : vector<16xi32>
      %select_n3A_1565 = arith.select %and3A_1562, %add3A_1564, %rem3A_1550 : vector<16xi1>, vector<16xi32>
      %add3A_1566 = arith.constant 160152 : i32
      %add3A_1567 = vector.broadcast %add3A_1566 : i32 to vector<16xi32>
      %add3A_1568 = arith.addi %select_n3A_1565, %add3A_1567 : vector<16xi32>
      %mul3A_1569 = arith.constant 16 : i32
      %mul3A_1570 = vector.broadcast %mul3A_1569 : i32 to vector<16xi32>
      %mul3A_1571 = arith.muli %iota3A, %mul3A_1570 : vector<16xi32>
      %mul3A_1572 = arith.constant 256 : i32
      %mul3A_1573 = arith.muli %scan3A_733, %mul3A_1572 : i32
      %add3A_1574 = arith.constant 8 : i32
      %add3A_1575 = arith.addi %mul3A_1573, %add3A_1574 : i32
      %add3A_1576 = vector.broadcast %add3A_1575 : i32 to vector<16xi32>
      %add3A_1577 = arith.addi %mul3A_1571, %add3A_1576 : vector<16xi32>
      %shift_right_arithmetic3A_1578 = arith.constant 7 : i32
      %shift_right_arithmetic3A_1579 = vector.broadcast %shift_right_arithmetic3A_1578 : i32 to vector<16xi32>
      %shift_right_arithmetic3A_1580 = arith.shrsi %add3A_1577, %shift_right_arithmetic3A_1579 : vector<16xi32>
      %and3A_1581 = arith.constant 127 : i32
      %and3A_1582 = vector.broadcast %and3A_1581 : i32 to vector<16xi32>
      %and3A_1583 = arith.andi %add3A_1577, %and3A_1582 : vector<16xi32>
      tpu.vector_store_idx %arg6[%shift_right_arithmetic3A_1580, %and3A_1583], %add3A_1568 : memref<16x128xi32, #tpu.memory_space<vmem>>[vector<16xi32>, vector<16xi32>], vector<16xi32>,
      %jit3A_1584 = arith.constant 20030 : i32
      %eq3A_1585 = arith.constant 0 : i32
      %eq3A_1586 = arith.cmpi eq, %jit3A_1584, %eq3A_1585 : i32
      %jit3A_1587 = arith.constant 1 : i32
      %select_n3A_1588 = arith.select %eq3A_1586, %jit3A_1587, %jit3A_1584 : i32
      %rem3A_1589 = vector.broadcast %select_n3A_1588 : i32 to vector<16xi32>
      %rem3A_1590 = arith.remui %gather3A, %rem3A_1589 : vector<16xi32>
      %ne3A_1591 = arith.constant 0 : i32
      %ne3A_1592 = vector.broadcast %ne3A_1591 : i32 to vector<16xi32>
      %ne3A_1593 = arith.cmpi ne, %rem3A_1590, %ne3A_1592 : vector<16xi32>
      %lt3A_1594 = arith.constant 0 : i32
      %lt3A_1595 = vector.broadcast %lt3A_1594 : i32 to vector<16xi32>
      %lt3A_1596 = arith.cmpi ult, %rem3A_1590, %lt3A_1595 : vector<16xi32>
      %lt3A_1597 = arith.constant 0 : i32
      %lt3A_1598 = arith.cmpi ult, %select_n3A_1588, %lt3A_1597 : i32
      %ne3A_1599 = vector.broadcast %lt3A_1598 : i1 to vector<16xi1>
      %ne3A_1600 = vector.broadcast %ne3A_1599 : vector<16xi1> to vector<16xi1>
      %ne3A_1601 = arith.xori %lt3A_1596, %ne3A_1600 : vector<16xi1>
      %and3A_1602 = arith.andi %ne3A_1601, %ne3A_1593 : vector<16xi1>
      %add3A_1603 = vector.broadcast %select_n3A_1588 : i32 to vector<16xi32>
      %add3A_1604 = arith.addi %rem3A_1590, %add3A_1603 : vector<16xi32>
      %select_n3A_1605 = arith.select %and3A_1602, %add3A_1604, %rem3A_1590 : vector<16xi1>, vector<16xi32>
      %mul3A_1606 = arith.constant 11970 : i32
      %mul3A_1607 = vector.broadcast %mul3A_1606 : i32 to vector<16xi32>
      %mul3A_1608 = arith.muli %gather3A_744, %mul3A_1607 : vector<16xi32>
      %jit3A_1609 = arith.constant 20030 : i32
      %eq3A_1610 = arith.constant 0 : i32
      %eq3A_1611 = arith.cmpi eq, %jit3A_1609, %eq3A_1610 : i32
      %jit3A_1612 = arith.constant 1 : i32
      %select_n3A_1613 = arith.select %eq3A_1611, %jit3A_1612, %jit3A_1609 : i32
      %rem3A_1614 = vector.broadcast %select_n3A_1613 : i32 to vector<16xi32>
      %rem3A_1615 = arith.remui %mul3A_1608, %rem3A_1614 : vector<16xi32>
      %ne3A_1616 = arith.constant 0 : i32
      %ne3A_1617 = vector.broadcast %ne3A_1616 : i32 to vector<16xi32>
      %ne3A_1618 = arith.cmpi ne, %rem3A_1615, %ne3A_1617 : vector<16xi32>
      %lt3A_1619 = arith.constant 0 : i32
      %lt3A_1620 = vector.broadcast %lt3A_1619 : i32 to vector<16xi32>
      %lt3A_1621 = arith.cmpi ult, %rem3A_1615, %lt3A_1620 : vector<16xi32>
      %lt3A_1622 = arith.constant 0 : i32
      %lt3A_1623 = arith.cmpi ult, %select_n3A_1613, %lt3A_1622 : i32
      %ne3A_1624 = vector.broadcast %lt3A_1623 : i1 to vector<16xi1>
      %ne3A_1625 = vector.broadcast %ne3A_1624 : vector<16xi1> to vector<16xi1>
      %ne3A_1626 = arith.xori %lt3A_1621, %ne3A_1625 : vector<16xi1>
      %and3A_1627 = arith.andi %ne3A_1626, %ne3A_1618 : vector<16xi1>
      %add3A_1628 = vector.broadcast %select_n3A_1613 : i32 to vector<16xi32>
      %add3A_1629 = arith.addi %rem3A_1615, %add3A_1628 : vector<16xi32>
      %select_n3A_1630 = arith.select %and3A_1627, %add3A_1629, %rem3A_1615 : vector<16xi1>, vector<16xi32>
      %add3A_1631 = arith.addi %select_n3A_1605, %select_n3A_1630 : vector<16xi32>
      %jit3A_1632 = arith.constant 20030 : i32
      %eq3A_1633 = arith.constant 0 : i32
      %eq3A_1634 = arith.cmpi eq, %jit3A_1632, %eq3A_1633 : i32
      %jit3A_1635 = arith.constant 1 : i32
      %select_n3A_1636 = arith.select %eq3A_1634, %jit3A_1635, %jit3A_1632 : i32
      %rem3A_1637 = vector.broadcast %select_n3A_1636 : i32 to vector<16xi32>
      %rem3A_1638 = arith.remui %add3A_1631, %rem3A_1637 : vector<16xi32>
      %ne3A_1639 = arith.constant 0 : i32
      %ne3A_1640 = vector.broadcast %ne3A_1639 : i32 to vector<16xi32>
      %ne3A_1641 = arith.cmpi ne, %rem3A_1638, %ne3A_1640 : vector<16xi32>
      %lt3A_1642 = arith.constant 0 : i32
      %lt3A_1643 = vector.broadcast %lt3A_1642 : i32 to vector<16xi32>
      %lt3A_1644 = arith.cmpi ult, %rem3A_1638, %lt3A_1643 : vector<16xi32>
      %lt3A_1645 = arith.constant 0 : i32
      %lt3A_1646 = arith.cmpi ult, %select_n3A_1636, %lt3A_1645 : i32
      %ne3A_1647 = vector.broadcast %lt3A_1646 : i1 to vector<16xi1>
      %ne3A_1648 = vector.broadcast %ne3A_1647 : vector<16xi1> to vector<16xi1>
      %ne3A_1649 = arith.xori %lt3A_1644, %ne3A_1648 : vector<16xi1>
      %and3A_1650 = arith.andi %ne3A_1649, %ne3A_1641 : vector<16xi1>
      %add3A_1651 = vector.broadcast %select_n3A_1636 : i32 to vector<16xi32>
      %add3A_1652 = arith.addi %rem3A_1638, %add3A_1651 : vector<16xi32>
      %select_n3A_1653 = arith.select %and3A_1650, %add3A_1652, %rem3A_1638 : vector<16xi1>, vector<16xi32>
      %mul3A_1654 = arith.constant 6310 : i32
      %mul3A_1655 = vector.broadcast %mul3A_1654 : i32 to vector<16xi32>
      %mul3A_1656 = arith.muli %gather3A_749, %mul3A_1655 : vector<16xi32>
      %jit3A_1657 = arith.constant 20030 : i32
      %eq3A_1658 = arith.constant 0 : i32
      %eq3A_1659 = arith.cmpi eq, %jit3A_1657, %eq3A_1658 : i32
      %jit3A_1660 = arith.constant 1 : i32
      %select_n3A_1661 = arith.select %eq3A_1659, %jit3A_1660, %jit3A_1657 : i32
      %rem3A_1662 = vector.broadcast %select_n3A_1661 : i32 to vector<16xi32>
      %rem3A_1663 = arith.remui %mul3A_1656, %rem3A_1662 : vector<16xi32>
      %ne3A_1664 = arith.constant 0 : i32
      %ne3A_1665 = vector.broadcast %ne3A_1664 : i32 to vector<16xi32>
      %ne3A_1666 = arith.cmpi ne, %rem3A_1663, %ne3A_1665 : vector<16xi32>
      %lt3A_1667 = arith.constant 0 : i32
      %lt3A_1668 = vector.broadcast %lt3A_1667 : i32 to vector<16xi32>
      %lt3A_1669 = arith.cmpi ult, %rem3A_1663, %lt3A_1668 : vector<16xi32>
      %lt3A_1670 = arith.constant 0 : i32
      %lt3A_1671 = arith.cmpi ult, %select_n3A_1661, %lt3A_1670 : i32
      %ne3A_1672 = vector.broadcast %lt3A_1671 : i1 to vector<16xi1>
      %ne3A_1673 = vector.broadcast %ne3A_1672 : vector<16xi1> to vector<16xi1>
      %ne3A_1674 = arith.xori %lt3A_1669, %ne3A_1673 : vector<16xi1>
      %and3A_1675 = arith.andi %ne3A_1674, %ne3A_1666 : vector<16xi1>
      %add3A_1676 = vector.broadcast %select_n3A_1661 : i32 to vector<16xi32>
      %add3A_1677 = arith.addi %rem3A_1663, %add3A_1676 : vector<16xi32>
      %select_n3A_1678 = arith.select %and3A_1675, %add3A_1677, %rem3A_1663 : vector<16xi1>, vector<16xi32>
      %add3A_1679 = arith.addi %select_n3A_1653, %select_n3A_1678 : vector<16xi32>
      %jit3A_1680 = arith.constant 20030 : i32
      %eq3A_1681 = arith.constant 0 : i32
      %eq3A_1682 = arith.cmpi eq, %jit3A_1680, %eq3A_1681 : i32
      %jit3A_1683 = arith.constant 1 : i32
      %select_n3A_1684 = arith.select %eq3A_1682, %jit3A_1683, %jit3A_1680 : i32
      %rem3A_1685 = vector.broadcast %select_n3A_1684 : i32 to vector<16xi32>
      %rem3A_1686 = arith.remui %add3A_1679, %rem3A_1685 : vector<16xi32>
      %ne3A_1687 = arith.constant 0 : i32
      %ne3A_1688 = vector.broadcast %ne3A_1687 : i32 to vector<16xi32>
      %ne3A_1689 = arith.cmpi ne, %rem3A_1686, %ne3A_1688 : vector<16xi32>
      %lt3A_1690 = arith.constant 0 : i32
      %lt3A_1691 = vector.broadcast %lt3A_1690 : i32 to vector<16xi32>
      %lt3A_1692 = arith.cmpi ult, %rem3A_1686, %lt3A_1691 : vector<16xi32>
      %lt3A_1693 = arith.constant 0 : i32
      %lt3A_1694 = arith.cmpi ult, %select_n3A_1684, %lt3A_1693 : i32
      %ne3A_1695 = vector.broadcast %lt3A_1694 : i1 to vector<16xi1>
      %ne3A_1696 = vector.broadcast %ne3A_1695 : vector<16xi1> to vector<16xi1>
      %ne3A_1697 = arith.xori %lt3A_1692, %ne3A_1696 : vector<16xi1>
      %and3A_1698 = arith.andi %ne3A_1697, %ne3A_1689 : vector<16xi1>
      %add3A_1699 = vector.broadcast %select_n3A_1684 : i32 to vector<16xi32>
      %add3A_1700 = arith.addi %rem3A_1686, %add3A_1699 : vector<16xi32>
      %select_n3A_1701 = arith.select %and3A_1698, %add3A_1700, %rem3A_1686 : vector<16xi1>, vector<16xi32>
      %add3A_1702 = arith.constant 180180 : i32
      %add3A_1703 = vector.broadcast %add3A_1702 : i32 to vector<16xi32>
      %add3A_1704 = arith.addi %select_n3A_1701, %add3A_1703 : vector<16xi32>
      %mul3A_1705 = arith.constant 16 : i32
      %mul3A_1706 = vector.broadcast %mul3A_1705 : i32 to vector<16xi32>
      %mul3A_1707 = arith.muli %iota3A, %mul3A_1706 : vector<16xi32>
      %mul3A_1708 = arith.constant 256 : i32
      %mul3A_1709 = arith.muli %scan3A_733, %mul3A_1708 : i32
      %add3A_1710 = arith.constant 9 : i32
      %add3A_1711 = arith.addi %mul3A_1709, %add3A_1710 : i32
      %add3A_1712 = vector.broadcast %add3A_1711 : i32 to vector<16xi32>
      %add3A_1713 = arith.addi %mul3A_1707, %add3A_1712 : vector<16xi32>
      %shift_right_arithmetic3A_1714 = arith.constant 7 : i32
      %shift_right_arithmetic3A_1715 = vector.broadcast %shift_right_arithmetic3A_1714 : i32 to vector<16xi32>
      %shift_right_arithmetic3A_1716 = arith.shrsi %add3A_1713, %shift_right_arithmetic3A_1715 : vector<16xi32>
      %and3A_1717 = arith.constant 127 : i32
      %and3A_1718 = vector.broadcast %and3A_1717 : i32 to vector<16xi32>
      %and3A_1719 = arith.andi %add3A_1713, %and3A_1718 : vector<16xi32>
      tpu.vector_store_idx %arg6[%shift_right_arithmetic3A_1716, %and3A_1719], %add3A_1704 : memref<16x128xi32, #tpu.memory_space<vmem>>[vector<16xi32>, vector<16xi32>], vector<16xi32>,
      %jit3A_1720 = arith.constant 20032 : i32
      %eq3A_1721 = arith.constant 0 : i32
      %eq3A_1722 = arith.cmpi eq, %jit3A_1720, %eq3A_1721 : i32
      %jit3A_1723 = arith.constant 1 : i32
      %select_n3A_1724 = arith.select %eq3A_1722, %jit3A_1723, %jit3A_1720 : i32
      %rem3A_1725 = vector.broadcast %select_n3A_1724 : i32 to vector<16xi32>
      %rem3A_1726 = arith.remui %gather3A, %rem3A_1725 : vector<16xi32>
      %ne3A_1727 = arith.constant 0 : i32
      %ne3A_1728 = vector.broadcast %ne3A_1727 : i32 to vector<16xi32>
      %ne3A_1729 = arith.cmpi ne, %rem3A_1726, %ne3A_1728 : vector<16xi32>
      %lt3A_1730 = arith.constant 0 : i32
      %lt3A_1731 = vector.broadcast %lt3A_1730 : i32 to vector<16xi32>
      %lt3A_1732 = arith.cmpi ult, %rem3A_1726, %lt3A_1731 : vector<16xi32>
      %lt3A_1733 = arith.constant 0 : i32
      %lt3A_1734 = arith.cmpi ult, %select_n3A_1724, %lt3A_1733 : i32
      %ne3A_1735 = vector.broadcast %lt3A_1734 : i1 to vector<16xi1>
      %ne3A_1736 = vector.broadcast %ne3A_1735 : vector<16xi1> to vector<16xi1>
      %ne3A_1737 = arith.xori %lt3A_1732, %ne3A_1736 : vector<16xi1>
      %and3A_1738 = arith.andi %ne3A_1737, %ne3A_1729 : vector<16xi1>
      %add3A_1739 = vector.broadcast %select_n3A_1724 : i32 to vector<16xi32>
      %add3A_1740 = arith.addi %rem3A_1726, %add3A_1739 : vector<16xi32>
      %select_n3A_1741 = arith.select %and3A_1738, %add3A_1740, %rem3A_1726 : vector<16xi1>, vector<16xi32>
      %mul3A_1742 = arith.constant 11968 : i32
      %mul3A_1743 = vector.broadcast %mul3A_1742 : i32 to vector<16xi32>
      %mul3A_1744 = arith.muli %gather3A_744, %mul3A_1743 : vector<16xi32>
      %jit3A_1745 = arith.constant 20032 : i32
      %eq3A_1746 = arith.constant 0 : i32
      %eq3A_1747 = arith.cmpi eq, %jit3A_1745, %eq3A_1746 : i32
      %jit3A_1748 = arith.constant 1 : i32
      %select_n3A_1749 = arith.select %eq3A_1747, %jit3A_1748, %jit3A_1745 : i32
      %rem3A_1750 = vector.broadcast %select_n3A_1749 : i32 to vector<16xi32>
      %rem3A_1751 = arith.remui %mul3A_1744, %rem3A_1750 : vector<16xi32>
      %ne3A_1752 = arith.constant 0 : i32
      %ne3A_1753 = vector.broadcast %ne3A_1752 : i32 to vector<16xi32>
      %ne3A_1754 = arith.cmpi ne, %rem3A_1751, %ne3A_1753 : vector<16xi32>
      %lt3A_1755 = arith.constant 0 : i32
      %lt3A_1756 = vector.broadcast %lt3A_1755 : i32 to vector<16xi32>
      %lt3A_1757 = arith.cmpi ult, %rem3A_1751, %lt3A_1756 : vector<16xi32>
      %lt3A_1758 = arith.constant 0 : i32
      %lt3A_1759 = arith.cmpi ult, %select_n3A_1749, %lt3A_1758 : i32
      %ne3A_1760 = vector.broadcast %lt3A_1759 : i1 to vector<16xi1>
      %ne3A_1761 = vector.broadcast %ne3A_1760 : vector<16xi1> to vector<16xi1>
      %ne3A_1762 = arith.xori %lt3A_1757, %ne3A_1761 : vector<16xi1>
      %and3A_1763 = arith.andi %ne3A_1762, %ne3A_1754 : vector<16xi1>
      %add3A_1764 = vector.broadcast %select_n3A_1749 : i32 to vector<16xi32>
      %add3A_1765 = arith.addi %rem3A_1751, %add3A_1764 : vector<16xi32>
      %select_n3A_1766 = arith.select %and3A_1763, %add3A_1765, %rem3A_1751 : vector<16xi1>, vector<16xi32>
      %add3A_1767 = arith.addi %select_n3A_1741, %select_n3A_1766 : vector<16xi32>
      %jit3A_1768 = arith.constant 20032 : i32
      %eq3A_1769 = arith.constant 0 : i32
      %eq3A_1770 = arith.cmpi eq, %jit3A_1768, %eq3A_1769 : i32
      %jit3A_1771 = arith.constant 1 : i32
      %select_n3A_1772 = arith.select %eq3A_1770, %jit3A_1771, %jit3A_1768 : i32
      %rem3A_1773 = vector.broadcast %select_n3A_1772 : i32 to vector<16xi32>
      %rem3A_1774 = arith.remui %add3A_1767, %rem3A_1773 : vector<16xi32>
      %ne3A_1775 = arith.constant 0 : i32
      %ne3A_1776 = vector.broadcast %ne3A_1775 : i32 to vector<16xi32>
      %ne3A_1777 = arith.cmpi ne, %rem3A_1774, %ne3A_1776 : vector<16xi32>
      %lt3A_1778 = arith.constant 0 : i32
      %lt3A_1779 = vector.broadcast %lt3A_1778 : i32 to vector<16xi32>
      %lt3A_1780 = arith.cmpi ult, %rem3A_1774, %lt3A_1779 : vector<16xi32>
      %lt3A_1781 = arith.constant 0 : i32
      %lt3A_1782 = arith.cmpi ult, %select_n3A_1772, %lt3A_1781 : i32
      %ne3A_1783 = vector.broadcast %lt3A_1782 : i1 to vector<16xi1>
      %ne3A_1784 = vector.broadcast %ne3A_1783 : vector<16xi1> to vector<16xi1>
      %ne3A_1785 = arith.xori %lt3A_1780, %ne3A_1784 : vector<16xi1>
      %and3A_1786 = arith.andi %ne3A_1785, %ne3A_1777 : vector<16xi1>
      %add3A_1787 = vector.broadcast %select_n3A_1772 : i32 to vector<16xi32>
      %add3A_1788 = arith.addi %rem3A_1774, %add3A_1787 : vector<16xi32>
      %select_n3A_1789 = arith.select %and3A_1786, %add3A_1788, %rem3A_1774 : vector<16xi1>, vector<16xi32>
      %mul3A_1790 = arith.constant 4224 : i32
      %mul3A_1791 = vector.broadcast %mul3A_1790 : i32 to vector<16xi32>
      %mul3A_1792 = arith.muli %gather3A_749, %mul3A_1791 : vector<16xi32>
      %jit3A_1793 = arith.constant 20032 : i32
      %eq3A_1794 = arith.constant 0 : i32
      %eq3A_1795 = arith.cmpi eq, %jit3A_1793, %eq3A_1794 : i32
      %jit3A_1796 = arith.constant 1 : i32
      %select_n3A_1797 = arith.select %eq3A_1795, %jit3A_1796, %jit3A_1793 : i32
      %rem3A_1798 = vector.broadcast %select_n3A_1797 : i32 to vector<16xi32>
      %rem3A_1799 = arith.remui %mul3A_1792, %rem3A_1798 : vector<16xi32>
      %ne3A_1800 = arith.constant 0 : i32
      %ne3A_1801 = vector.broadcast %ne3A_1800 : i32 to vector<16xi32>
      %ne3A_1802 = arith.cmpi ne, %rem3A_1799, %ne3A_1801 : vector<16xi32>
      %lt3A_1803 = arith.constant 0 : i32
      %lt3A_1804 = vector.broadcast %lt3A_1803 : i32 to vector<16xi32>
      %lt3A_1805 = arith.cmpi ult, %rem3A_1799, %lt3A_1804 : vector<16xi32>
      %lt3A_1806 = arith.constant 0 : i32
      %lt3A_1807 = arith.cmpi ult, %select_n3A_1797, %lt3A_1806 : i32
      %ne3A_1808 = vector.broadcast %lt3A_1807 : i1 to vector<16xi1>
      %ne3A_1809 = vector.broadcast %ne3A_1808 : vector<16xi1> to vector<16xi1>
      %ne3A_1810 = arith.xori %lt3A_1805, %ne3A_1809 : vector<16xi1>
      %and3A_1811 = arith.andi %ne3A_1810, %ne3A_1802 : vector<16xi1>
      %add3A_1812 = vector.broadcast %select_n3A_1797 : i32 to vector<16xi32>
      %add3A_1813 = arith.addi %rem3A_1799, %add3A_1812 : vector<16xi32>
      %select_n3A_1814 = arith.select %and3A_1811, %add3A_1813, %rem3A_1799 : vector<16xi1>, vector<16xi32>
      %add3A_1815 = arith.addi %select_n3A_1789, %select_n3A_1814 : vector<16xi32>
      %jit3A_1816 = arith.constant 20032 : i32
      %eq3A_1817 = arith.constant 0 : i32
      %eq3A_1818 = arith.cmpi eq, %jit3A_1816, %eq3A_1817 : i32
      %jit3A_1819 = arith.constant 1 : i32
      %select_n3A_1820 = arith.select %eq3A_1818, %jit3A_1819, %jit3A_1816 : i32
      %rem3A_1821 = vector.broadcast %select_n3A_1820 : i32 to vector<16xi32>
      %rem3A_1822 = arith.remui %add3A_1815, %rem3A_1821 : vector<16xi32>
      %ne3A_1823 = arith.constant 0 : i32
      %ne3A_1824 = vector.broadcast %ne3A_1823 : i32 to vector<16xi32>
      %ne3A_1825 = arith.cmpi ne, %rem3A_1822, %ne3A_1824 : vector<16xi32>
      %lt3A_1826 = arith.constant 0 : i32
      %lt3A_1827 = vector.broadcast %lt3A_1826 : i32 to vector<16xi32>
      %lt3A_1828 = arith.cmpi ult, %rem3A_1822, %lt3A_1827 : vector<16xi32>
      %lt3A_1829 = arith.constant 0 : i32
      %lt3A_1830 = arith.cmpi ult, %select_n3A_1820, %lt3A_1829 : i32
      %ne3A_1831 = vector.broadcast %lt3A_1830 : i1 to vector<16xi1>
      %ne3A_1832 = vector.broadcast %ne3A_1831 : vector<16xi1> to vector<16xi1>
      %ne3A_1833 = arith.xori %lt3A_1828, %ne3A_1832 : vector<16xi1>
      %and3A_1834 = arith.andi %ne3A_1833, %ne3A_1825 : vector<16xi1>
      %add3A_1835 = vector.broadcast %select_n3A_1820 : i32 to vector<16xi32>
      %add3A_1836 = arith.addi %rem3A_1822, %add3A_1835 : vector<16xi32>
      %select_n3A_1837 = arith.select %and3A_1834, %add3A_1836, %rem3A_1822 : vector<16xi1>, vector<16xi32>
      %add3A_1838 = arith.constant 200210 : i32
      %add3A_1839 = vector.broadcast %add3A_1838 : i32 to vector<16xi32>
      %add3A_1840 = arith.addi %select_n3A_1837, %add3A_1839 : vector<16xi32>
      %mul3A_1841 = arith.constant 16 : i32
      %mul3A_1842 = vector.broadcast %mul3A_1841 : i32 to vector<16xi32>
      %mul3A_1843 = arith.muli %iota3A, %mul3A_1842 : vector<16xi32>
      %mul3A_1844 = arith.constant 256 : i32
      %mul3A_1845 = arith.muli %scan3A_733, %mul3A_1844 : i32
      %add3A_1846 = arith.constant 10 : i32
      %add3A_1847 = arith.addi %mul3A_1845, %add3A_1846 : i32
      %add3A_1848 = vector.broadcast %add3A_1847 : i32 to vector<16xi32>
      %add3A_1849 = arith.addi %mul3A_1843, %add3A_1848 : vector<16xi32>
      %shift_right_arithmetic3A_1850 = arith.constant 7 : i32
      %shift_right_arithmetic3A_1851 = vector.broadcast %shift_right_arithmetic3A_1850 : i32 to vector<16xi32>
      %shift_right_arithmetic3A_1852 = arith.shrsi %add3A_1849, %shift_right_arithmetic3A_1851 : vector<16xi32>
      %and3A_1853 = arith.constant 127 : i32
      %and3A_1854 = vector.broadcast %and3A_1853 : i32 to vector<16xi32>
      %and3A_1855 = arith.andi %add3A_1849, %and3A_1854 : vector<16xi32>
      tpu.vector_store_idx %arg6[%shift_right_arithmetic3A_1852, %and3A_1855], %add3A_1840 : memref<16x128xi32, #tpu.memory_space<vmem>>[vector<16xi32>, vector<16xi32>], vector<16xi32>,
      %jit3A_1856 = arith.constant 20034 : i32
      %eq3A_1857 = arith.constant 0 : i32
      %eq3A_1858 = arith.cmpi eq, %jit3A_1856, %eq3A_1857 : i32
      %jit3A_1859 = arith.constant 1 : i32
      %select_n3A_1860 = arith.select %eq3A_1858, %jit3A_1859, %jit3A_1856 : i32
      %rem3A_1861 = vector.broadcast %select_n3A_1860 : i32 to vector<16xi32>
      %rem3A_1862 = arith.remui %gather3A, %rem3A_1861 : vector<16xi32>
      %ne3A_1863 = arith.constant 0 : i32
      %ne3A_1864 = vector.broadcast %ne3A_1863 : i32 to vector<16xi32>
      %ne3A_1865 = arith.cmpi ne, %rem3A_1862, %ne3A_1864 : vector<16xi32>
      %lt3A_1866 = arith.constant 0 : i32
      %lt3A_1867 = vector.broadcast %lt3A_1866 : i32 to vector<16xi32>
      %lt3A_1868 = arith.cmpi ult, %rem3A_1862, %lt3A_1867 : vector<16xi32>
      %lt3A_1869 = arith.constant 0 : i32
      %lt3A_1870 = arith.cmpi ult, %select_n3A_1860, %lt3A_1869 : i32
      %ne3A_1871 = vector.broadcast %lt3A_1870 : i1 to vector<16xi1>
      %ne3A_1872 = vector.broadcast %ne3A_1871 : vector<16xi1> to vector<16xi1>
      %ne3A_1873 = arith.xori %lt3A_1868, %ne3A_1872 : vector<16xi1>
      %and3A_1874 = arith.andi %ne3A_1873, %ne3A_1865 : vector<16xi1>
      %add3A_1875 = vector.broadcast %select_n3A_1860 : i32 to vector<16xi32>
      %add3A_1876 = arith.addi %rem3A_1862, %add3A_1875 : vector<16xi32>
      %select_n3A_1877 = arith.select %and3A_1874, %add3A_1876, %rem3A_1862 : vector<16xi1>, vector<16xi32>
      %mul3A_1878 = arith.constant 11966 : i32
      %mul3A_1879 = vector.broadcast %mul3A_1878 : i32 to vector<16xi32>
      %mul3A_1880 = arith.muli %gather3A_744, %mul3A_1879 : vector<16xi32>
      %jit3A_1881 = arith.constant 20034 : i32
      %eq3A_1882 = arith.constant 0 : i32
      %eq3A_1883 = arith.cmpi eq, %jit3A_1881, %eq3A_1882 : i32
      %jit3A_1884 = arith.constant 1 : i32
      %select_n3A_1885 = arith.select %eq3A_1883, %jit3A_1884, %jit3A_1881 : i32
      %rem3A_1886 = vector.broadcast %select_n3A_1885 : i32 to vector<16xi32>
      %rem3A_1887 = arith.remui %mul3A_1880, %rem3A_1886 : vector<16xi32>
      %ne3A_1888 = arith.constant 0 : i32
      %ne3A_1889 = vector.broadcast %ne3A_1888 : i32 to vector<16xi32>
      %ne3A_1890 = arith.cmpi ne, %rem3A_1887, %ne3A_1889 : vector<16xi32>
      %lt3A_1891 = arith.constant 0 : i32
      %lt3A_1892 = vector.broadcast %lt3A_1891 : i32 to vector<16xi32>
      %lt3A_1893 = arith.cmpi ult, %rem3A_1887, %lt3A_1892 : vector<16xi32>
      %lt3A_1894 = arith.constant 0 : i32
      %lt3A_1895 = arith.cmpi ult, %select_n3A_1885, %lt3A_1894 : i32
      %ne3A_1896 = vector.broadcast %lt3A_1895 : i1 to vector<16xi1>
      %ne3A_1897 = vector.broadcast %ne3A_1896 : vector<16xi1> to vector<16xi1>
      %ne3A_1898 = arith.xori %lt3A_1893, %ne3A_1897 : vector<16xi1>
      %and3A_1899 = arith.andi %ne3A_1898, %ne3A_1890 : vector<16xi1>
      %add3A_1900 = vector.broadcast %select_n3A_1885 : i32 to vector<16xi32>
      %add3A_1901 = arith.addi %rem3A_1887, %add3A_1900 : vector<16xi32>
      %select_n3A_1902 = arith.select %and3A_1899, %add3A_1901, %rem3A_1887 : vector<16xi1>, vector<16xi32>
      %add3A_1903 = arith.addi %select_n3A_1877, %select_n3A_1902 : vector<16xi32>
      %jit3A_1904 = arith.constant 20034 : i32
      %eq3A_1905 = arith.constant 0 : i32
      %eq3A_1906 = arith.cmpi eq, %jit3A_1904, %eq3A_1905 : i32
      %jit3A_1907 = arith.constant 1 : i32
      %select_n3A_1908 = arith.select %eq3A_1906, %jit3A_1907, %jit3A_1904 : i32
      %rem3A_1909 = vector.broadcast %select_n3A_1908 : i32 to vector<16xi32>
      %rem3A_1910 = arith.remui %add3A_1903, %rem3A_1909 : vector<16xi32>
      %ne3A_1911 = arith.constant 0 : i32
      %ne3A_1912 = vector.broadcast %ne3A_1911 : i32 to vector<16xi32>
      %ne3A_1913 = arith.cmpi ne, %rem3A_1910, %ne3A_1912 : vector<16xi32>
      %lt3A_1914 = arith.constant 0 : i32
      %lt3A_1915 = vector.broadcast %lt3A_1914 : i32 to vector<16xi32>
      %lt3A_1916 = arith.cmpi ult, %rem3A_1910, %lt3A_1915 : vector<16xi32>
      %lt3A_1917 = arith.constant 0 : i32
      %lt3A_1918 = arith.cmpi ult, %select_n3A_1908, %lt3A_1917 : i32
      %ne3A_1919 = vector.broadcast %lt3A_1918 : i1 to vector<16xi1>
      %ne3A_1920 = vector.broadcast %ne3A_1919 : vector<16xi1> to vector<16xi1>
      %ne3A_1921 = arith.xori %lt3A_1916, %ne3A_1920 : vector<16xi1>
      %and3A_1922 = arith.andi %ne3A_1921, %ne3A_1913 : vector<16xi1>
      %add3A_1923 = vector.broadcast %select_n3A_1908 : i32 to vector<16xi32>
      %add3A_1924 = arith.addi %rem3A_1910, %add3A_1923 : vector<16xi32>
      %select_n3A_1925 = arith.select %and3A_1922, %add3A_1924, %rem3A_1910 : vector<16xi1>, vector<16xi32>
      %mul3A_1926 = arith.constant 2158 : i32
      %mul3A_1927 = vector.broadcast %mul3A_1926 : i32 to vector<16xi32>
      %mul3A_1928 = arith.muli %gather3A_749, %mul3A_1927 : vector<16xi32>
      %jit3A_1929 = arith.constant 20034 : i32
      %eq3A_1930 = arith.constant 0 : i32
      %eq3A_1931 = arith.cmpi eq, %jit3A_1929, %eq3A_1930 : i32
      %jit3A_1932 = arith.constant 1 : i32
      %select_n3A_1933 = arith.select %eq3A_1931, %jit3A_1932, %jit3A_1929 : i32
      %rem3A_1934 = vector.broadcast %select_n3A_1933 : i32 to vector<16xi32>
      %rem3A_1935 = arith.remui %mul3A_1928, %rem3A_1934 : vector<16xi32>
      %ne3A_1936 = arith.constant 0 : i32
      %ne3A_1937 = vector.broadcast %ne3A_1936 : i32 to vector<16xi32>
      %ne3A_1938 = arith.cmpi ne, %rem3A_1935, %ne3A_1937 : vector<16xi32>
      %lt3A_1939 = arith.constant 0 : i32
      %lt3A_1940 = vector.broadcast %lt3A_1939 : i32 to vector<16xi32>
      %lt3A_1941 = arith.cmpi ult, %rem3A_1935, %lt3A_1940 : vector<16xi32>
      %lt3A_1942 = arith.constant 0 : i32
      %lt3A_1943 = arith.cmpi ult, %select_n3A_1933, %lt3A_1942 : i32
      %ne3A_1944 = vector.broadcast %lt3A_1943 : i1 to vector<16xi1>
      %ne3A_1945 = vector.broadcast %ne3A_1944 : vector<16xi1> to vector<16xi1>
      %ne3A_1946 = arith.xori %lt3A_1941, %ne3A_1945 : vector<16xi1>
      %and3A_1947 = arith.andi %ne3A_1946, %ne3A_1938 : vector<16xi1>
      %add3A_1948 = vector.broadcast %select_n3A_1933 : i32 to vector<16xi32>
      %add3A_1949 = arith.addi %rem3A_1935, %add3A_1948 : vector<16xi32>
      %select_n3A_1950 = arith.select %and3A_1947, %add3A_1949, %rem3A_1935 : vector<16xi1>, vector<16xi32>
      %add3A_1951 = arith.addi %select_n3A_1925, %select_n3A_1950 : vector<16xi32>
      %jit3A_1952 = arith.constant 20034 : i32
      %eq3A_1953 = arith.constant 0 : i32
      %eq3A_1954 = arith.cmpi eq, %jit3A_1952, %eq3A_1953 : i32
      %jit3A_1955 = arith.constant 1 : i32
      %select_n3A_1956 = arith.select %eq3A_1954, %jit3A_1955, %jit3A_1952 : i32
      %rem3A_1957 = vector.broadcast %select_n3A_1956 : i32 to vector<16xi32>
      %rem3A_1958 = arith.remui %add3A_1951, %rem3A_1957 : vector<16xi32>
      %ne3A_1959 = arith.constant 0 : i32
      %ne3A_1960 = vector.broadcast %ne3A_1959 : i32 to vector<16xi32>
      %ne3A_1961 = arith.cmpi ne, %rem3A_1958, %ne3A_1960 : vector<16xi32>
      %lt3A_1962 = arith.constant 0 : i32
      %lt3A_1963 = vector.broadcast %lt3A_1962 : i32 to vector<16xi32>
      %lt3A_1964 = arith.cmpi ult, %rem3A_1958, %lt3A_1963 : vector<16xi32>
      %lt3A_1965 = arith.constant 0 : i32
      %lt3A_1966 = arith.cmpi ult, %select_n3A_1956, %lt3A_1965 : i32
      %ne3A_1967 = vector.broadcast %lt3A_1966 : i1 to vector<16xi1>
      %ne3A_1968 = vector.broadcast %ne3A_1967 : vector<16xi1> to vector<16xi1>
      %ne3A_1969 = arith.xori %lt3A_1964, %ne3A_1968 : vector<16xi1>
      %and3A_1970 = arith.andi %ne3A_1969, %ne3A_1961 : vector<16xi1>
      %add3A_1971 = vector.broadcast %select_n3A_1956 : i32 to vector<16xi32>
      %add3A_1972 = arith.addi %rem3A_1958, %add3A_1971 : vector<16xi32>
      %select_n3A_1973 = arith.select %and3A_1970, %add3A_1972, %rem3A_1958 : vector<16xi1>, vector<16xi32>
      %add3A_1974 = arith.constant 220242 : i32
      %add3A_1975 = vector.broadcast %add3A_1974 : i32 to vector<16xi32>
      %add3A_1976 = arith.addi %select_n3A_1973, %add3A_1975 : vector<16xi32>
      %mul3A_1977 = arith.constant 16 : i32
      %mul3A_1978 = vector.broadcast %mul3A_1977 : i32 to vector<16xi32>
      %mul3A_1979 = arith.muli %iota3A, %mul3A_1978 : vector<16xi32>
      %mul3A_1980 = arith.constant 256 : i32
      %mul3A_1981 = arith.muli %scan3A_733, %mul3A_1980 : i32
      %add3A_1982 = arith.constant 11 : i32
      %add3A_1983 = arith.addi %mul3A_1981, %add3A_1982 : i32
      %add3A_1984 = vector.broadcast %add3A_1983 : i32 to vector<16xi32>
      %add3A_1985 = arith.addi %mul3A_1979, %add3A_1984 : vector<16xi32>
      %shift_right_arithmetic3A_1986 = arith.constant 7 : i32
      %shift_right_arithmetic3A_1987 = vector.broadcast %shift_right_arithmetic3A_1986 : i32 to vector<16xi32>
      %shift_right_arithmetic3A_1988 = arith.shrsi %add3A_1985, %shift_right_arithmetic3A_1987 : vector<16xi32>
      %and3A_1989 = arith.constant 127 : i32
      %and3A_1990 = vector.broadcast %and3A_1989 : i32 to vector<16xi32>
      %and3A_1991 = arith.andi %add3A_1985, %and3A_1990 : vector<16xi32>
      tpu.vector_store_idx %arg6[%shift_right_arithmetic3A_1988, %and3A_1991], %add3A_1976 : memref<16x128xi32, #tpu.memory_space<vmem>>[vector<16xi32>, vector<16xi32>], vector<16xi32>,
      %jit3A_1992 = arith.constant 20036 : i32
      %eq3A_1993 = arith.constant 0 : i32
      %eq3A_1994 = arith.cmpi eq, %jit3A_1992, %eq3A_1993 : i32
      %jit3A_1995 = arith.constant 1 : i32
      %select_n3A_1996 = arith.select %eq3A_1994, %jit3A_1995, %jit3A_1992 : i32
      %rem3A_1997 = vector.broadcast %select_n3A_1996 : i32 to vector<16xi32>
      %rem3A_1998 = arith.remui %gather3A, %rem3A_1997 : vector<16xi32>
      %ne3A_1999 = arith.constant 0 : i32
      %ne3A_2000 = vector.broadcast %ne3A_1999 : i32 to vector<16xi32>
      %ne3A_2001 = arith.cmpi ne, %rem3A_1998, %ne3A_2000 : vector<16xi32>
      %lt3A_2002 = arith.constant 0 : i32
      %lt3A_2003 = vector.broadcast %lt3A_2002 : i32 to vector<16xi32>
      %lt3A_2004 = arith.cmpi ult, %rem3A_1998, %lt3A_2003 : vector<16xi32>
      %lt3A_2005 = arith.constant 0 : i32
      %lt3A_2006 = arith.cmpi ult, %select_n3A_1996, %lt3A_2005 : i32
      %ne3A_2007 = vector.broadcast %lt3A_2006 : i1 to vector<16xi1>
      %ne3A_2008 = vector.broadcast %ne3A_2007 : vector<16xi1> to vector<16xi1>
      %ne3A_2009 = arith.xori %lt3A_2004, %ne3A_2008 : vector<16xi1>
      %and3A_2010 = arith.andi %ne3A_2009, %ne3A_2001 : vector<16xi1>
      %add3A_2011 = vector.broadcast %select_n3A_1996 : i32 to vector<16xi32>
      %add3A_2012 = arith.addi %rem3A_1998, %add3A_2011 : vector<16xi32>
      %select_n3A_2013 = arith.select %and3A_2010, %add3A_2012, %rem3A_1998 : vector<16xi1>, vector<16xi32>
      %mul3A_2014 = arith.constant 11964 : i32
      %mul3A_2015 = vector.broadcast %mul3A_2014 : i32 to vector<16xi32>
      %mul3A_2016 = arith.muli %gather3A_744, %mul3A_2015 : vector<16xi32>
      %jit3A_2017 = arith.constant 20036 : i32
      %eq3A_2018 = arith.constant 0 : i32
      %eq3A_2019 = arith.cmpi eq, %jit3A_2017, %eq3A_2018 : i32
      %jit3A_2020 = arith.constant 1 : i32
      %select_n3A_2021 = arith.select %eq3A_2019, %jit3A_2020, %jit3A_2017 : i32
      %rem3A_2022 = vector.broadcast %select_n3A_2021 : i32 to vector<16xi32>
      %rem3A_2023 = arith.remui %mul3A_2016, %rem3A_2022 : vector<16xi32>
      %ne3A_2024 = arith.constant 0 : i32
      %ne3A_2025 = vector.broadcast %ne3A_2024 : i32 to vector<16xi32>
      %ne3A_2026 = arith.cmpi ne, %rem3A_2023, %ne3A_2025 : vector<16xi32>
      %lt3A_2027 = arith.constant 0 : i32
      %lt3A_2028 = vector.broadcast %lt3A_2027 : i32 to vector<16xi32>
      %lt3A_2029 = arith.cmpi ult, %rem3A_2023, %lt3A_2028 : vector<16xi32>
      %lt3A_2030 = arith.constant 0 : i32
      %lt3A_2031 = arith.cmpi ult, %select_n3A_2021, %lt3A_2030 : i32
      %ne3A_2032 = vector.broadcast %lt3A_2031 : i1 to vector<16xi1>
      %ne3A_2033 = vector.broadcast %ne3A_2032 : vector<16xi1> to vector<16xi1>
      %ne3A_2034 = arith.xori %lt3A_2029, %ne3A_2033 : vector<16xi1>
      %and3A_2035 = arith.andi %ne3A_2034, %ne3A_2026 : vector<16xi1>
      %add3A_2036 = vector.broadcast %select_n3A_2021 : i32 to vector<16xi32>
      %add3A_2037 = arith.addi %rem3A_2023, %add3A_2036 : vector<16xi32>
      %select_n3A_2038 = arith.select %and3A_2035, %add3A_2037, %rem3A_2023 : vector<16xi1>, vector<16xi32>
      %add3A_2039 = arith.addi %select_n3A_2013, %select_n3A_2038 : vector<16xi32>
      %jit3A_2040 = arith.constant 20036 : i32
      %eq3A_2041 = arith.constant 0 : i32
      %eq3A_2042 = arith.cmpi eq, %jit3A_2040, %eq3A_2041 : i32
      %jit3A_2043 = arith.constant 1 : i32
      %select_n3A_2044 = arith.select %eq3A_2042, %jit3A_2043, %jit3A_2040 : i32
      %rem3A_2045 = vector.broadcast %select_n3A_2044 : i32 to vector<16xi32>
      %rem3A_2046 = arith.remui %add3A_2039, %rem3A_2045 : vector<16xi32>
      %ne3A_2047 = arith.constant 0 : i32
      %ne3A_2048 = vector.broadcast %ne3A_2047 : i32 to vector<16xi32>
      %ne3A_2049 = arith.cmpi ne, %rem3A_2046, %ne3A_2048 : vector<16xi32>
      %lt3A_2050 = arith.constant 0 : i32
      %lt3A_2051 = vector.broadcast %lt3A_2050 : i32 to vector<16xi32>
      %lt3A_2052 = arith.cmpi ult, %rem3A_2046, %lt3A_2051 : vector<16xi32>
      %lt3A_2053 = arith.constant 0 : i32
      %lt3A_2054 = arith.cmpi ult, %select_n3A_2044, %lt3A_2053 : i32
      %ne3A_2055 = vector.broadcast %lt3A_2054 : i1 to vector<16xi1>
      %ne3A_2056 = vector.broadcast %ne3A_2055 : vector<16xi1> to vector<16xi1>
      %ne3A_2057 = arith.xori %lt3A_2052, %ne3A_2056 : vector<16xi1>
      %and3A_2058 = arith.andi %ne3A_2057, %ne3A_2049 : vector<16xi1>
      %add3A_2059 = vector.broadcast %select_n3A_2044 : i32 to vector<16xi32>
      %add3A_2060 = arith.addi %rem3A_2046, %add3A_2059 : vector<16xi32>
      %select_n3A_2061 = arith.select %and3A_2058, %add3A_2060, %rem3A_2046 : vector<16xi1>, vector<16xi32>
      %mul3A_2062 = arith.constant 112 : i32
      %mul3A_2063 = vector.broadcast %mul3A_2062 : i32 to vector<16xi32>
      %mul3A_2064 = arith.muli %gather3A_749, %mul3A_2063 : vector<16xi32>
      %jit3A_2065 = arith.constant 20036 : i32
      %eq3A_2066 = arith.constant 0 : i32
      %eq3A_2067 = arith.cmpi eq, %jit3A_2065, %eq3A_2066 : i32
      %jit3A_2068 = arith.constant 1 : i32
      %select_n3A_2069 = arith.select %eq3A_2067, %jit3A_2068, %jit3A_2065 : i32
      %rem3A_2070 = vector.broadcast %select_n3A_2069 : i32 to vector<16xi32>
      %rem3A_2071 = arith.remui %mul3A_2064, %rem3A_2070 : vector<16xi32>
      %ne3A_2072 = arith.constant 0 : i32
      %ne3A_2073 = vector.broadcast %ne3A_2072 : i32 to vector<16xi32>
      %ne3A_2074 = arith.cmpi ne, %rem3A_2071, %ne3A_2073 : vector<16xi32>
      %lt3A_2075 = arith.constant 0 : i32
      %lt3A_2076 = vector.broadcast %lt3A_2075 : i32 to vector<16xi32>
      %lt3A_2077 = arith.cmpi ult, %rem3A_2071, %lt3A_2076 : vector<16xi32>
      %lt3A_2078 = arith.constant 0 : i32
      %lt3A_2079 = arith.cmpi ult, %select_n3A_2069, %lt3A_2078 : i32
      %ne3A_2080 = vector.broadcast %lt3A_2079 : i1 to vector<16xi1>
      %ne3A_2081 = vector.broadcast %ne3A_2080 : vector<16xi1> to vector<16xi1>
      %ne3A_2082 = arith.xori %lt3A_2077, %ne3A_2081 : vector<16xi1>
      %and3A_2083 = arith.andi %ne3A_2082, %ne3A_2074 : vector<16xi1>
      %add3A_2084 = vector.broadcast %select_n3A_2069 : i32 to vector<16xi32>
      %add3A_2085 = arith.addi %rem3A_2071, %add3A_2084 : vector<16xi32>
      %select_n3A_2086 = arith.select %and3A_2083, %add3A_2085, %rem3A_2071 : vector<16xi1>, vector<16xi32>
      %add3A_2087 = arith.addi %select_n3A_2061, %select_n3A_2086 : vector<16xi32>
      %jit3A_2088 = arith.constant 20036 : i32
      %eq3A_2089 = arith.constant 0 : i32
      %eq3A_2090 = arith.cmpi eq, %jit3A_2088, %eq3A_2089 : i32
      %jit3A_2091 = arith.constant 1 : i32
      %select_n3A_2092 = arith.select %eq3A_2090, %jit3A_2091, %jit3A_2088 : i32
      %rem3A_2093 = vector.broadcast %select_n3A_2092 : i32 to vector<16xi32>
      %rem3A_2094 = arith.remui %add3A_2087, %rem3A_2093 : vector<16xi32>
      %ne3A_2095 = arith.constant 0 : i32
      %ne3A_2096 = vector.broadcast %ne3A_2095 : i32 to vector<16xi32>
      %ne3A_2097 = arith.cmpi ne, %rem3A_2094, %ne3A_2096 : vector<16xi32>
      %lt3A_2098 = arith.constant 0 : i32
      %lt3A_2099 = vector.broadcast %lt3A_2098 : i32 to vector<16xi32>
      %lt3A_2100 = arith.cmpi ult, %rem3A_2094, %lt3A_2099 : vector<16xi32>
      %lt3A_2101 = arith.constant 0 : i32
      %lt3A_2102 = arith.cmpi ult, %select_n3A_2092, %lt3A_2101 : i32
      %ne3A_2103 = vector.broadcast %lt3A_2102 : i1 to vector<16xi1>
      %ne3A_2104 = vector.broadcast %ne3A_2103 : vector<16xi1> to vector<16xi1>
      %ne3A_2105 = arith.xori %lt3A_2100, %ne3A_2104 : vector<16xi1>
      %and3A_2106 = arith.andi %ne3A_2105, %ne3A_2097 : vector<16xi1>
      %add3A_2107 = vector.broadcast %select_n3A_2092 : i32 to vector<16xi32>
      %add3A_2108 = arith.addi %rem3A_2094, %add3A_2107 : vector<16xi32>
      %select_n3A_2109 = arith.select %and3A_2106, %add3A_2108, %rem3A_2094 : vector<16xi1>, vector<16xi32>
      %add3A_2110 = arith.constant 240276 : i32
      %add3A_2111 = vector.broadcast %add3A_2110 : i32 to vector<16xi32>
      %add3A_2112 = arith.addi %select_n3A_2109, %add3A_2111 : vector<16xi32>
      %mul3A_2113 = arith.constant 16 : i32
      %mul3A_2114 = vector.broadcast %mul3A_2113 : i32 to vector<16xi32>
      %mul3A_2115 = arith.muli %iota3A, %mul3A_2114 : vector<16xi32>
      %mul3A_2116 = arith.constant 256 : i32
      %mul3A_2117 = arith.muli %scan3A_733, %mul3A_2116 : i32
      %add3A_2118 = arith.constant 12 : i32
      %add3A_2119 = arith.addi %mul3A_2117, %add3A_2118 : i32
      %add3A_2120 = vector.broadcast %add3A_2119 : i32 to vector<16xi32>
      %add3A_2121 = arith.addi %mul3A_2115, %add3A_2120 : vector<16xi32>
      %shift_right_arithmetic3A_2122 = arith.constant 7 : i32
      %shift_right_arithmetic3A_2123 = vector.broadcast %shift_right_arithmetic3A_2122 : i32 to vector<16xi32>
      %shift_right_arithmetic3A_2124 = arith.shrsi %add3A_2121, %shift_right_arithmetic3A_2123 : vector<16xi32>
      %and3A_2125 = arith.constant 127 : i32
      %and3A_2126 = vector.broadcast %and3A_2125 : i32 to vector<16xi32>
      %and3A_2127 = arith.andi %add3A_2121, %and3A_2126 : vector<16xi32>
      tpu.vector_store_idx %arg6[%shift_right_arithmetic3A_2124, %and3A_2127], %add3A_2112 : memref<16x128xi32, #tpu.memory_space<vmem>>[vector<16xi32>, vector<16xi32>], vector<16xi32>,
      %jit3A_2128 = arith.constant 20038 : i32
      %eq3A_2129 = arith.constant 0 : i32
      %eq3A_2130 = arith.cmpi eq, %jit3A_2128, %eq3A_2129 : i32
      %jit3A_2131 = arith.constant 1 : i32
      %select_n3A_2132 = arith.select %eq3A_2130, %jit3A_2131, %jit3A_2128 : i32
      %rem3A_2133 = vector.broadcast %select_n3A_2132 : i32 to vector<16xi32>
      %rem3A_2134 = arith.remui %gather3A, %rem3A_2133 : vector<16xi32>
      %ne3A_2135 = arith.constant 0 : i32
      %ne3A_2136 = vector.broadcast %ne3A_2135 : i32 to vector<16xi32>
      %ne3A_2137 = arith.cmpi ne, %rem3A_2134, %ne3A_2136 : vector<16xi32>
      %lt3A_2138 = arith.constant 0 : i32
      %lt3A_2139 = vector.broadcast %lt3A_2138 : i32 to vector<16xi32>
      %lt3A_2140 = arith.cmpi ult, %rem3A_2134, %lt3A_2139 : vector<16xi32>
      %lt3A_2141 = arith.constant 0 : i32
      %lt3A_2142 = arith.cmpi ult, %select_n3A_2132, %lt3A_2141 : i32
      %ne3A_2143 = vector.broadcast %lt3A_2142 : i1 to vector<16xi1>
      %ne3A_2144 = vector.broadcast %ne3A_2143 : vector<16xi1> to vector<16xi1>
      %ne3A_2145 = arith.xori %lt3A_2140, %ne3A_2144 : vector<16xi1>
      %and3A_2146 = arith.andi %ne3A_2145, %ne3A_2137 : vector<16xi1>
      %add3A_2147 = vector.broadcast %select_n3A_2132 : i32 to vector<16xi32>
      %add3A_2148 = arith.addi %rem3A_2134, %add3A_2147 : vector<16xi32>
      %select_n3A_2149 = arith.select %and3A_2146, %add3A_2148, %rem3A_2134 : vector<16xi1>, vector<16xi32>
      %mul3A_2150 = arith.constant 11962 : i32
      %mul3A_2151 = vector.broadcast %mul3A_2150 : i32 to vector<16xi32>
      %mul3A_2152 = arith.muli %gather3A_744, %mul3A_2151 : vector<16xi32>
      %jit3A_2153 = arith.constant 20038 : i32
      %eq3A_2154 = arith.constant 0 : i32
      %eq3A_2155 = arith.cmpi eq, %jit3A_2153, %eq3A_2154 : i32
      %jit3A_2156 = arith.constant 1 : i32
      %select_n3A_2157 = arith.select %eq3A_2155, %jit3A_2156, %jit3A_2153 : i32
      %rem3A_2158 = vector.broadcast %select_n3A_2157 : i32 to vector<16xi32>
      %rem3A_2159 = arith.remui %mul3A_2152, %rem3A_2158 : vector<16xi32>
      %ne3A_2160 = arith.constant 0 : i32
      %ne3A_2161 = vector.broadcast %ne3A_2160 : i32 to vector<16xi32>
      %ne3A_2162 = arith.cmpi ne, %rem3A_2159, %ne3A_2161 : vector<16xi32>
      %lt3A_2163 = arith.constant 0 : i32
      %lt3A_2164 = vector.broadcast %lt3A_2163 : i32 to vector<16xi32>
      %lt3A_2165 = arith.cmpi ult, %rem3A_2159, %lt3A_2164 : vector<16xi32>
      %lt3A_2166 = arith.constant 0 : i32
      %lt3A_2167 = arith.cmpi ult, %select_n3A_2157, %lt3A_2166 : i32
      %ne3A_2168 = vector.broadcast %lt3A_2167 : i1 to vector<16xi1>
      %ne3A_2169 = vector.broadcast %ne3A_2168 : vector<16xi1> to vector<16xi1>
      %ne3A_2170 = arith.xori %lt3A_2165, %ne3A_2169 : vector<16xi1>
      %and3A_2171 = arith.andi %ne3A_2170, %ne3A_2162 : vector<16xi1>
      %add3A_2172 = vector.broadcast %select_n3A_2157 : i32 to vector<16xi32>
      %add3A_2173 = arith.addi %rem3A_2159, %add3A_2172 : vector<16xi32>
      %select_n3A_2174 = arith.select %and3A_2171, %add3A_2173, %rem3A_2159 : vector<16xi1>, vector<16xi32>
      %add3A_2175 = arith.addi %select_n3A_2149, %select_n3A_2174 : vector<16xi32>
      %jit3A_2176 = arith.constant 20038 : i32
      %eq3A_2177 = arith.constant 0 : i32
      %eq3A_2178 = arith.cmpi eq, %jit3A_2176, %eq3A_2177 : i32
      %jit3A_2179 = arith.constant 1 : i32
      %select_n3A_2180 = arith.select %eq3A_2178, %jit3A_2179, %jit3A_2176 : i32
      %rem3A_2181 = vector.broadcast %select_n3A_2180 : i32 to vector<16xi32>
      %rem3A_2182 = arith.remui %add3A_2175, %rem3A_2181 : vector<16xi32>
      %ne3A_2183 = arith.constant 0 : i32
      %ne3A_2184 = vector.broadcast %ne3A_2183 : i32 to vector<16xi32>
      %ne3A_2185 = arith.cmpi ne, %rem3A_2182, %ne3A_2184 : vector<16xi32>
      %lt3A_2186 = arith.constant 0 : i32
      %lt3A_2187 = vector.broadcast %lt3A_2186 : i32 to vector<16xi32>
      %lt3A_2188 = arith.cmpi ult, %rem3A_2182, %lt3A_2187 : vector<16xi32>
      %lt3A_2189 = arith.constant 0 : i32
      %lt3A_2190 = arith.cmpi ult, %select_n3A_2180, %lt3A_2189 : i32
      %ne3A_2191 = vector.broadcast %lt3A_2190 : i1 to vector<16xi1>
      %ne3A_2192 = vector.broadcast %ne3A_2191 : vector<16xi1> to vector<16xi1>
      %ne3A_2193 = arith.xori %lt3A_2188, %ne3A_2192 : vector<16xi1>
      %and3A_2194 = arith.andi %ne3A_2193, %ne3A_2185 : vector<16xi1>
      %add3A_2195 = vector.broadcast %select_n3A_2180 : i32 to vector<16xi32>
      %add3A_2196 = arith.addi %rem3A_2182, %add3A_2195 : vector<16xi32>
      %select_n3A_2197 = arith.select %and3A_2194, %add3A_2196, %rem3A_2182 : vector<16xi1>, vector<16xi32>
      %mul3A_2198 = arith.constant 18124 : i32
      %mul3A_2199 = vector.broadcast %mul3A_2198 : i32 to vector<16xi32>
      %mul3A_2200 = arith.muli %gather3A_749, %mul3A_2199 : vector<16xi32>
      %jit3A_2201 = arith.constant 20038 : i32
      %eq3A_2202 = arith.constant 0 : i32
      %eq3A_2203 = arith.cmpi eq, %jit3A_2201, %eq3A_2202 : i32
      %jit3A_2204 = arith.constant 1 : i32
      %select_n3A_2205 = arith.select %eq3A_2203, %jit3A_2204, %jit3A_2201 : i32
      %rem3A_2206 = vector.broadcast %select_n3A_2205 : i32 to vector<16xi32>
      %rem3A_2207 = arith.remui %mul3A_2200, %rem3A_2206 : vector<16xi32>
      %ne3A_2208 = arith.constant 0 : i32
      %ne3A_2209 = vector.broadcast %ne3A_2208 : i32 to vector<16xi32>
      %ne3A_2210 = arith.cmpi ne, %rem3A_2207, %ne3A_2209 : vector<16xi32>
      %lt3A_2211 = arith.constant 0 : i32
      %lt3A_2212 = vector.broadcast %lt3A_2211 : i32 to vector<16xi32>
      %lt3A_2213 = arith.cmpi ult, %rem3A_2207, %lt3A_2212 : vector<16xi32>
      %lt3A_2214 = arith.constant 0 : i32
      %lt3A_2215 = arith.cmpi ult, %select_n3A_2205, %lt3A_2214 : i32
      %ne3A_2216 = vector.broadcast %lt3A_2215 : i1 to vector<16xi1>
      %ne3A_2217 = vector.broadcast %ne3A_2216 : vector<16xi1> to vector<16xi1>
      %ne3A_2218 = arith.xori %lt3A_2213, %ne3A_2217 : vector<16xi1>
      %and3A_2219 = arith.andi %ne3A_2218, %ne3A_2210 : vector<16xi1>
      %add3A_2220 = vector.broadcast %select_n3A_2205 : i32 to vector<16xi32>
      %add3A_2221 = arith.addi %rem3A_2207, %add3A_2220 : vector<16xi32>
      %select_n3A_2222 = arith.select %and3A_2219, %add3A_2221, %rem3A_2207 : vector<16xi1>, vector<16xi32>
      %add3A_2223 = arith.addi %select_n3A_2197, %select_n3A_2222 : vector<16xi32>
      %jit3A_2224 = arith.constant 20038 : i32
      %eq3A_2225 = arith.constant 0 : i32
      %eq3A_2226 = arith.cmpi eq, %jit3A_2224, %eq3A_2225 : i32
      %jit3A_2227 = arith.constant 1 : i32
      %select_n3A_2228 = arith.select %eq3A_2226, %jit3A_2227, %jit3A_2224 : i32
      %rem3A_2229 = vector.broadcast %select_n3A_2228 : i32 to vector<16xi32>
      %rem3A_2230 = arith.remui %add3A_2223, %rem3A_2229 : vector<16xi32>
      %ne3A_2231 = arith.constant 0 : i32
      %ne3A_2232 = vector.broadcast %ne3A_2231 : i32 to vector<16xi32>
      %ne3A_2233 = arith.cmpi ne, %rem3A_2230, %ne3A_2232 : vector<16xi32>
      %lt3A_2234 = arith.constant 0 : i32
      %lt3A_2235 = vector.broadcast %lt3A_2234 : i32 to vector<16xi32>
      %lt3A_2236 = arith.cmpi ult, %rem3A_2230, %lt3A_2235 : vector<16xi32>
      %lt3A_2237 = arith.constant 0 : i32
      %lt3A_2238 = arith.cmpi ult, %select_n3A_2228, %lt3A_2237 : i32
      %ne3A_2239 = vector.broadcast %lt3A_2238 : i1 to vector<16xi1>
      %ne3A_2240 = vector.broadcast %ne3A_2239 : vector<16xi1> to vector<16xi1>
      %ne3A_2241 = arith.xori %lt3A_2236, %ne3A_2240 : vector<16xi1>
      %and3A_2242 = arith.andi %ne3A_2241, %ne3A_2233 : vector<16xi1>
      %add3A_2243 = vector.broadcast %select_n3A_2228 : i32 to vector<16xi32>
      %add3A_2244 = arith.addi %rem3A_2230, %add3A_2243 : vector<16xi32>
      %select_n3A_2245 = arith.select %and3A_2242, %add3A_2244, %rem3A_2230 : vector<16xi1>, vector<16xi32>
      %add3A_2246 = arith.constant 260312 : i32
      %add3A_2247 = vector.broadcast %add3A_2246 : i32 to vector<16xi32>
      %add3A_2248 = arith.addi %select_n3A_2245, %add3A_2247 : vector<16xi32>
      %mul3A_2249 = arith.constant 16 : i32
      %mul3A_2250 = vector.broadcast %mul3A_2249 : i32 to vector<16xi32>
      %mul3A_2251 = arith.muli %iota3A, %mul3A_2250 : vector<16xi32>
      %mul3A_2252 = arith.constant 256 : i32
      %mul3A_2253 = arith.muli %scan3A_733, %mul3A_2252 : i32
      %add3A_2254 = arith.constant 13 : i32
      %add3A_2255 = arith.addi %mul3A_2253, %add3A_2254 : i32
      %add3A_2256 = vector.broadcast %add3A_2255 : i32 to vector<16xi32>
      %add3A_2257 = arith.addi %mul3A_2251, %add3A_2256 : vector<16xi32>
      %shift_right_arithmetic3A_2258 = arith.constant 7 : i32
      %shift_right_arithmetic3A_2259 = vector.broadcast %shift_right_arithmetic3A_2258 : i32 to vector<16xi32>
      %shift_right_arithmetic3A_2260 = arith.shrsi %add3A_2257, %shift_right_arithmetic3A_2259 : vector<16xi32>
      %and3A_2261 = arith.constant 127 : i32
      %and3A_2262 = vector.broadcast %and3A_2261 : i32 to vector<16xi32>
      %and3A_2263 = arith.andi %add3A_2257, %and3A_2262 : vector<16xi32>
      tpu.vector_store_idx %arg6[%shift_right_arithmetic3A_2260, %and3A_2263], %add3A_2248 : memref<16x128xi32, #tpu.memory_space<vmem>>[vector<16xi32>, vector<16xi32>], vector<16xi32>,
      %jit3A_2264 = arith.constant 20040 : i32
      %eq3A_2265 = arith.constant 0 : i32
      %eq3A_2266 = arith.cmpi eq, %jit3A_2264, %eq3A_2265 : i32
      %jit3A_2267 = arith.constant 1 : i32
      %select_n3A_2268 = arith.select %eq3A_2266, %jit3A_2267, %jit3A_2264 : i32
      %rem3A_2269 = vector.broadcast %select_n3A_2268 : i32 to vector<16xi32>
      %rem3A_2270 = arith.remui %gather3A, %rem3A_2269 : vector<16xi32>
      %ne3A_2271 = arith.constant 0 : i32
      %ne3A_2272 = vector.broadcast %ne3A_2271 : i32 to vector<16xi32>
      %ne3A_2273 = arith.cmpi ne, %rem3A_2270, %ne3A_2272 : vector<16xi32>
      %lt3A_2274 = arith.constant 0 : i32
      %lt3A_2275 = vector.broadcast %lt3A_2274 : i32 to vector<16xi32>
      %lt3A_2276 = arith.cmpi ult, %rem3A_2270, %lt3A_2275 : vector<16xi32>
      %lt3A_2277 = arith.constant 0 : i32
      %lt3A_2278 = arith.cmpi ult, %select_n3A_2268, %lt3A_2277 : i32
      %ne3A_2279 = vector.broadcast %lt3A_2278 : i1 to vector<16xi1>
      %ne3A_2280 = vector.broadcast %ne3A_2279 : vector<16xi1> to vector<16xi1>
      %ne3A_2281 = arith.xori %lt3A_2276, %ne3A_2280 : vector<16xi1>
      %and3A_2282 = arith.andi %ne3A_2281, %ne3A_2273 : vector<16xi1>
      %add3A_2283 = vector.broadcast %select_n3A_2268 : i32 to vector<16xi32>
      %add3A_2284 = arith.addi %rem3A_2270, %add3A_2283 : vector<16xi32>
      %select_n3A_2285 = arith.select %and3A_2282, %add3A_2284, %rem3A_2270 : vector<16xi1>, vector<16xi32>
      %mul3A_2286 = arith.constant 11960 : i32
      %mul3A_2287 = vector.broadcast %mul3A_2286 : i32 to vector<16xi32>
      %mul3A_2288 = arith.muli %gather3A_744, %mul3A_2287 : vector<16xi32>
      %jit3A_2289 = arith.constant 20040 : i32
      %eq3A_2290 = arith.constant 0 : i32
      %eq3A_2291 = arith.cmpi eq, %jit3A_2289, %eq3A_2290 : i32
      %jit3A_2292 = arith.constant 1 : i32
      %select_n3A_2293 = arith.select %eq3A_2291, %jit3A_2292, %jit3A_2289 : i32
      %rem3A_2294 = vector.broadcast %select_n3A_2293 : i32 to vector<16xi32>
      %rem3A_2295 = arith.remui %mul3A_2288, %rem3A_2294 : vector<16xi32>
      %ne3A_2296 = arith.constant 0 : i32
      %ne3A_2297 = vector.broadcast %ne3A_2296 : i32 to vector<16xi32>
      %ne3A_2298 = arith.cmpi ne, %rem3A_2295, %ne3A_2297 : vector<16xi32>
      %lt3A_2299 = arith.constant 0 : i32
      %lt3A_2300 = vector.broadcast %lt3A_2299 : i32 to vector<16xi32>
      %lt3A_2301 = arith.cmpi ult, %rem3A_2295, %lt3A_2300 : vector<16xi32>
      %lt3A_2302 = arith.constant 0 : i32
      %lt3A_2303 = arith.cmpi ult, %select_n3A_2293, %lt3A_2302 : i32
      %ne3A_2304 = vector.broadcast %lt3A_2303 : i1 to vector<16xi1>
      %ne3A_2305 = vector.broadcast %ne3A_2304 : vector<16xi1> to vector<16xi1>
      %ne3A_2306 = arith.xori %lt3A_2301, %ne3A_2305 : vector<16xi1>
      %and3A_2307 = arith.andi %ne3A_2306, %ne3A_2298 : vector<16xi1>
      %add3A_2308 = vector.broadcast %select_n3A_2293 : i32 to vector<16xi32>
      %add3A_2309 = arith.addi %rem3A_2295, %add3A_2308 : vector<16xi32>
      %select_n3A_2310 = arith.select %and3A_2307, %add3A_2309, %rem3A_2295 : vector<16xi1>, vector<16xi32>
      %add3A_2311 = arith.addi %select_n3A_2285, %select_n3A_2310 : vector<16xi32>
      %jit3A_2312 = arith.constant 20040 : i32
      %eq3A_2313 = arith.constant 0 : i32
      %eq3A_2314 = arith.cmpi eq, %jit3A_2312, %eq3A_2313 : i32
      %jit3A_2315 = arith.constant 1 : i32
      %select_n3A_2316 = arith.select %eq3A_2314, %jit3A_2315, %jit3A_2312 : i32
      %rem3A_2317 = vector.broadcast %select_n3A_2316 : i32 to vector<16xi32>
      %rem3A_2318 = arith.remui %add3A_2311, %rem3A_2317 : vector<16xi32>
      %ne3A_2319 = arith.constant 0 : i32
      %ne3A_2320 = vector.broadcast %ne3A_2319 : i32 to vector<16xi32>
      %ne3A_2321 = arith.cmpi ne, %rem3A_2318, %ne3A_2320 : vector<16xi32>
      %lt3A_2322 = arith.constant 0 : i32
      %lt3A_2323 = vector.broadcast %lt3A_2322 : i32 to vector<16xi32>
      %lt3A_2324 = arith.cmpi ult, %rem3A_2318, %lt3A_2323 : vector<16xi32>
      %lt3A_2325 = arith.constant 0 : i32
      %lt3A_2326 = arith.cmpi ult, %select_n3A_2316, %lt3A_2325 : i32
      %ne3A_2327 = vector.broadcast %lt3A_2326 : i1 to vector<16xi1>
      %ne3A_2328 = vector.broadcast %ne3A_2327 : vector<16xi1> to vector<16xi1>
      %ne3A_2329 = arith.xori %lt3A_2324, %ne3A_2328 : vector<16xi1>
      %and3A_2330 = arith.andi %ne3A_2329, %ne3A_2321 : vector<16xi1>
      %add3A_2331 = vector.broadcast %select_n3A_2316 : i32 to vector<16xi32>
      %add3A_2332 = arith.addi %rem3A_2318, %add3A_2331 : vector<16xi32>
      %select_n3A_2333 = arith.select %and3A_2330, %add3A_2332, %rem3A_2318 : vector<16xi1>, vector<16xi32>
      %mul3A_2334 = arith.constant 16120 : i32
      %mul3A_2335 = vector.broadcast %mul3A_2334 : i32 to vector<16xi32>
      %mul3A_2336 = arith.muli %gather3A_749, %mul3A_2335 : vector<16xi32>
      %jit3A_2337 = arith.constant 20040 : i32
      %eq3A_2338 = arith.constant 0 : i32
      %eq3A_2339 = arith.cmpi eq, %jit3A_2337, %eq3A_2338 : i32
      %jit3A_2340 = arith.constant 1 : i32
      %select_n3A_2341 = arith.select %eq3A_2339, %jit3A_2340, %jit3A_2337 : i32
      %rem3A_2342 = vector.broadcast %select_n3A_2341 : i32 to vector<16xi32>
      %rem3A_2343 = arith.remui %mul3A_2336, %rem3A_2342 : vector<16xi32>
      %ne3A_2344 = arith.constant 0 : i32
      %ne3A_2345 = vector.broadcast %ne3A_2344 : i32 to vector<16xi32>
      %ne3A_2346 = arith.cmpi ne, %rem3A_2343, %ne3A_2345 : vector<16xi32>
      %lt3A_2347 = arith.constant 0 : i32
      %lt3A_2348 = vector.broadcast %lt3A_2347 : i32 to vector<16xi32>
      %lt3A_2349 = arith.cmpi ult, %rem3A_2343, %lt3A_2348 : vector<16xi32>
      %lt3A_2350 = arith.constant 0 : i32
      %lt3A_2351 = arith.cmpi ult, %select_n3A_2341, %lt3A_2350 : i32
      %ne3A_2352 = vector.broadcast %lt3A_2351 : i1 to vector<16xi1>
      %ne3A_2353 = vector.broadcast %ne3A_2352 : vector<16xi1> to vector<16xi1>
      %ne3A_2354 = arith.xori %lt3A_2349, %ne3A_2353 : vector<16xi1>
      %and3A_2355 = arith.andi %ne3A_2354, %ne3A_2346 : vector<16xi1>
      %add3A_2356 = vector.broadcast %select_n3A_2341 : i32 to vector<16xi32>
      %add3A_2357 = arith.addi %rem3A_2343, %add3A_2356 : vector<16xi32>
      %select_n3A_2358 = arith.select %and3A_2355, %add3A_2357, %rem3A_2343 : vector<16xi1>, vector<16xi32>
      %add3A_2359 = arith.addi %select_n3A_2333, %select_n3A_2358 : vector<16xi32>
      %jit3A_2360 = arith.constant 20040 : i32
      %eq3A_2361 = arith.constant 0 : i32
      %eq3A_2362 = arith.cmpi eq, %jit3A_2360, %eq3A_2361 : i32
      %jit3A_2363 = arith.constant 1 : i32
      %select_n3A_2364 = arith.select %eq3A_2362, %jit3A_2363, %jit3A_2360 : i32
      %rem3A_2365 = vector.broadcast %select_n3A_2364 : i32 to vector<16xi32>
      %rem3A_2366 = arith.remui %add3A_2359, %rem3A_2365 : vector<16xi32>
      %ne3A_2367 = arith.constant 0 : i32
      %ne3A_2368 = vector.broadcast %ne3A_2367 : i32 to vector<16xi32>
      %ne3A_2369 = arith.cmpi ne, %rem3A_2366, %ne3A_2368 : vector<16xi32>
      %lt3A_2370 = arith.constant 0 : i32
      %lt3A_2371 = vector.broadcast %lt3A_2370 : i32 to vector<16xi32>
      %lt3A_2372 = arith.cmpi ult, %rem3A_2366, %lt3A_2371 : vector<16xi32>
      %lt3A_2373 = arith.constant 0 : i32
      %lt3A_2374 = arith.cmpi ult, %select_n3A_2364, %lt3A_2373 : i32
      %ne3A_2375 = vector.broadcast %lt3A_2374 : i1 to vector<16xi1>
      %ne3A_2376 = vector.broadcast %ne3A_2375 : vector<16xi1> to vector<16xi1>
      %ne3A_2377 = arith.xori %lt3A_2372, %ne3A_2376 : vector<16xi1>
      %and3A_2378 = arith.andi %ne3A_2377, %ne3A_2369 : vector<16xi1>
      %add3A_2379 = vector.broadcast %select_n3A_2364 : i32 to vector<16xi32>
      %add3A_2380 = arith.addi %rem3A_2366, %add3A_2379 : vector<16xi32>
      %select_n3A_2381 = arith.select %and3A_2378, %add3A_2380, %rem3A_2366 : vector<16xi1>, vector<16xi32>
      %add3A_2382 = arith.constant 280350 : i32
      %add3A_2383 = vector.broadcast %add3A_2382 : i32 to vector<16xi32>
      %add3A_2384 = arith.addi %select_n3A_2381, %add3A_2383 : vector<16xi32>
      %mul3A_2385 = arith.constant 16 : i32
      %mul3A_2386 = vector.broadcast %mul3A_2385 : i32 to vector<16xi32>
      %mul3A_2387 = arith.muli %iota3A, %mul3A_2386 : vector<16xi32>
      %mul3A_2388 = arith.constant 256 : i32
      %mul3A_2389 = arith.muli %scan3A_733, %mul3A_2388 : i32
      %add3A_2390 = arith.constant 14 : i32
      %add3A_2391 = arith.addi %mul3A_2389, %add3A_2390 : i32
      %add3A_2392 = vector.broadcast %add3A_2391 : i32 to vector<16xi32>
      %add3A_2393 = arith.addi %mul3A_2387, %add3A_2392 : vector<16xi32>
      %shift_right_arithmetic3A_2394 = arith.constant 7 : i32
      %shift_right_arithmetic3A_2395 = vector.broadcast %shift_right_arithmetic3A_2394 : i32 to vector<16xi32>
      %shift_right_arithmetic3A_2396 = arith.shrsi %add3A_2393, %shift_right_arithmetic3A_2395 : vector<16xi32>
      %and3A_2397 = arith.constant 127 : i32
      %and3A_2398 = vector.broadcast %and3A_2397 : i32 to vector<16xi32>
      %and3A_2399 = arith.andi %add3A_2393, %and3A_2398 : vector<16xi32>
      tpu.vector_store_idx %arg6[%shift_right_arithmetic3A_2396, %and3A_2399], %add3A_2384 : memref<16x128xi32, #tpu.memory_space<vmem>>[vector<16xi32>, vector<16xi32>], vector<16xi32>,
      %jit3A_2400 = arith.constant 20042 : i32
      %eq3A_2401 = arith.constant 0 : i32
      %eq3A_2402 = arith.cmpi eq, %jit3A_2400, %eq3A_2401 : i32
      %jit3A_2403 = arith.constant 1 : i32
      %select_n3A_2404 = arith.select %eq3A_2402, %jit3A_2403, %jit3A_2400 : i32
      %rem3A_2405 = vector.broadcast %select_n3A_2404 : i32 to vector<16xi32>
      %rem3A_2406 = arith.remui %gather3A, %rem3A_2405 : vector<16xi32>
      %ne3A_2407 = arith.constant 0 : i32
      %ne3A_2408 = vector.broadcast %ne3A_2407 : i32 to vector<16xi32>
      %ne3A_2409 = arith.cmpi ne, %rem3A_2406, %ne3A_2408 : vector<16xi32>
      %lt3A_2410 = arith.constant 0 : i32
      %lt3A_2411 = vector.broadcast %lt3A_2410 : i32 to vector<16xi32>
      %lt3A_2412 = arith.cmpi ult, %rem3A_2406, %lt3A_2411 : vector<16xi32>
      %lt3A_2413 = arith.constant 0 : i32
      %lt3A_2414 = arith.cmpi ult, %select_n3A_2404, %lt3A_2413 : i32
      %ne3A_2415 = vector.broadcast %lt3A_2414 : i1 to vector<16xi1>
      %ne3A_2416 = vector.broadcast %ne3A_2415 : vector<16xi1> to vector<16xi1>
      %ne3A_2417 = arith.xori %lt3A_2412, %ne3A_2416 : vector<16xi1>
      %and3A_2418 = arith.andi %ne3A_2417, %ne3A_2409 : vector<16xi1>
      %add3A_2419 = vector.broadcast %select_n3A_2404 : i32 to vector<16xi32>
      %add3A_2420 = arith.addi %rem3A_2406, %add3A_2419 : vector<16xi32>
      %select_n3A_2421 = arith.select %and3A_2418, %add3A_2420, %rem3A_2406 : vector<16xi1>, vector<16xi32>
      %mul3A_2422 = arith.constant 11958 : i32
      %mul3A_2423 = vector.broadcast %mul3A_2422 : i32 to vector<16xi32>
      %mul3A_2424 = arith.muli %gather3A_744, %mul3A_2423 : vector<16xi32>
      %jit3A_2425 = arith.constant 20042 : i32
      %eq3A_2426 = arith.constant 0 : i32
      %eq3A_2427 = arith.cmpi eq, %jit3A_2425, %eq3A_2426 : i32
      %jit3A_2428 = arith.constant 1 : i32
      %select_n3A_2429 = arith.select %eq3A_2427, %jit3A_2428, %jit3A_2425 : i32
      %rem3A_2430 = vector.broadcast %select_n3A_2429 : i32 to vector<16xi32>
      %rem3A_2431 = arith.remui %mul3A_2424, %rem3A_2430 : vector<16xi32>
      %ne3A_2432 = arith.constant 0 : i32
      %ne3A_2433 = vector.broadcast %ne3A_2432 : i32 to vector<16xi32>
      %ne3A_2434 = arith.cmpi ne, %rem3A_2431, %ne3A_2433 : vector<16xi32>
      %lt3A_2435 = arith.constant 0 : i32
      %lt3A_2436 = vector.broadcast %lt3A_2435 : i32 to vector<16xi32>
      %lt3A_2437 = arith.cmpi ult, %rem3A_2431, %lt3A_2436 : vector<16xi32>
      %lt3A_2438 = arith.constant 0 : i32
      %lt3A_2439 = arith.cmpi ult, %select_n3A_2429, %lt3A_2438 : i32
      %ne3A_2440 = vector.broadcast %lt3A_2439 : i1 to vector<16xi1>
      %ne3A_2441 = vector.broadcast %ne3A_2440 : vector<16xi1> to vector<16xi1>
      %ne3A_2442 = arith.xori %lt3A_2437, %ne3A_2441 : vector<16xi1>
      %and3A_2443 = arith.andi %ne3A_2442, %ne3A_2434 : vector<16xi1>
      %add3A_2444 = vector.broadcast %select_n3A_2429 : i32 to vector<16xi32>
      %add3A_2445 = arith.addi %rem3A_2431, %add3A_2444 : vector<16xi32>
      %select_n3A_2446 = arith.select %and3A_2443, %add3A_2445, %rem3A_2431 : vector<16xi1>, vector<16xi32>
      %add3A_2447 = arith.addi %select_n3A_2421, %select_n3A_2446 : vector<16xi32>
      %jit3A_2448 = arith.constant 20042 : i32
      %eq3A_2449 = arith.constant 0 : i32
      %eq3A_2450 = arith.cmpi eq, %jit3A_2448, %eq3A_2449 : i32
      %jit3A_2451 = arith.constant 1 : i32
      %select_n3A_2452 = arith.select %eq3A_2450, %jit3A_2451, %jit3A_2448 : i32
      %rem3A_2453 = vector.broadcast %select_n3A_2452 : i32 to vector<16xi32>
      %rem3A_2454 = arith.remui %add3A_2447, %rem3A_2453 : vector<16xi32>
      %ne3A_2455 = arith.constant 0 : i32
      %ne3A_2456 = vector.broadcast %ne3A_2455 : i32 to vector<16xi32>
      %ne3A_2457 = arith.cmpi ne, %rem3A_2454, %ne3A_2456 : vector<16xi32>
      %lt3A_2458 = arith.constant 0 : i32
      %lt3A_2459 = vector.broadcast %lt3A_2458 : i32 to vector<16xi32>
      %lt3A_2460 = arith.cmpi ult, %rem3A_2454, %lt3A_2459 : vector<16xi32>
      %lt3A_2461 = arith.constant 0 : i32
      %lt3A_2462 = arith.cmpi ult, %select_n3A_2452, %lt3A_2461 : i32
      %ne3A_2463 = vector.broadcast %lt3A_2462 : i1 to vector<16xi1>
      %ne3A_2464 = vector.broadcast %ne3A_2463 : vector<16xi1> to vector<16xi1>
      %ne3A_2465 = arith.xori %lt3A_2460, %ne3A_2464 : vector<16xi1>
      %and3A_2466 = arith.andi %ne3A_2465, %ne3A_2457 : vector<16xi1>
      %add3A_2467 = vector.broadcast %select_n3A_2452 : i32 to vector<16xi32>
      %add3A_2468 = arith.addi %rem3A_2454, %add3A_2467 : vector<16xi32>
      %select_n3A_2469 = arith.select %and3A_2466, %add3A_2468, %rem3A_2454 : vector<16xi1>, vector<16xi32>
      %mul3A_2470 = arith.constant 14136 : i32
      %mul3A_2471 = vector.broadcast %mul3A_2470 : i32 to vector<16xi32>
      %mul3A_2472 = arith.muli %gather3A_749, %mul3A_2471 : vector<16xi32>
      %jit3A_2473 = arith.constant 20042 : i32
      %eq3A_2474 = arith.constant 0 : i32
      %eq3A_2475 = arith.cmpi eq, %jit3A_2473, %eq3A_2474 : i32
      %jit3A_2476 = arith.constant 1 : i32
      %select_n3A_2477 = arith.select %eq3A_2475, %jit3A_2476, %jit3A_2473 : i32
      %rem3A_2478 = vector.broadcast %select_n3A_2477 : i32 to vector<16xi32>
      %rem3A_2479 = arith.remui %mul3A_2472, %rem3A_2478 : vector<16xi32>
      %ne3A_2480 = arith.constant 0 : i32
      %ne3A_2481 = vector.broadcast %ne3A_2480 : i32 to vector<16xi32>
      %ne3A_2482 = arith.cmpi ne, %rem3A_2479, %ne3A_2481 : vector<16xi32>
      %lt3A_2483 = arith.constant 0 : i32
      %lt3A_2484 = vector.broadcast %lt3A_2483 : i32 to vector<16xi32>
      %lt3A_2485 = arith.cmpi ult, %rem3A_2479, %lt3A_2484 : vector<16xi32>
      %lt3A_2486 = arith.constant 0 : i32
      %lt3A_2487 = arith.cmpi ult, %select_n3A_2477, %lt3A_2486 : i32
      %ne3A_2488 = vector.broadcast %lt3A_2487 : i1 to vector<16xi1>
      %ne3A_2489 = vector.broadcast %ne3A_2488 : vector<16xi1> to vector<16xi1>
      %ne3A_2490 = arith.xori %lt3A_2485, %ne3A_2489 : vector<16xi1>
      %and3A_2491 = arith.andi %ne3A_2490, %ne3A_2482 : vector<16xi1>
      %add3A_2492 = vector.broadcast %select_n3A_2477 : i32 to vector<16xi32>
      %add3A_2493 = arith.addi %rem3A_2479, %add3A_2492 : vector<16xi32>
      %select_n3A_2494 = arith.select %and3A_2491, %add3A_2493, %rem3A_2479 : vector<16xi1>, vector<16xi32>
      %add3A_2495 = arith.addi %select_n3A_2469, %select_n3A_2494 : vector<16xi32>
      %jit3A_2496 = arith.constant 20042 : i32
      %eq3A_2497 = arith.constant 0 : i32
      %eq3A_2498 = arith.cmpi eq, %jit3A_2496, %eq3A_2497 : i32
      %jit3A_2499 = arith.constant 1 : i32
      %select_n3A_2500 = arith.select %eq3A_2498, %jit3A_2499, %jit3A_2496 : i32
      %rem3A_2501 = vector.broadcast %select_n3A_2500 : i32 to vector<16xi32>
      %rem3A_2502 = arith.remui %add3A_2495, %rem3A_2501 : vector<16xi32>
      %ne3A_2503 = arith.constant 0 : i32
      %ne3A_2504 = vector.broadcast %ne3A_2503 : i32 to vector<16xi32>
      %ne3A_2505 = arith.cmpi ne, %rem3A_2502, %ne3A_2504 : vector<16xi32>
      %lt3A_2506 = arith.constant 0 : i32
      %lt3A_2507 = vector.broadcast %lt3A_2506 : i32 to vector<16xi32>
      %lt3A_2508 = arith.cmpi ult, %rem3A_2502, %lt3A_2507 : vector<16xi32>
      %lt3A_2509 = arith.constant 0 : i32
      %lt3A_2510 = arith.cmpi ult, %select_n3A_2500, %lt3A_2509 : i32
      %ne3A_2511 = vector.broadcast %lt3A_2510 : i1 to vector<16xi1>
      %ne3A_2512 = vector.broadcast %ne3A_2511 : vector<16xi1> to vector<16xi1>
      %ne3A_2513 = arith.xori %lt3A_2508, %ne3A_2512 : vector<16xi1>
      %and3A_2514 = arith.andi %ne3A_2513, %ne3A_2505 : vector<16xi1>
      %add3A_2515 = vector.broadcast %select_n3A_2500 : i32 to vector<16xi32>
      %add3A_2516 = arith.addi %rem3A_2502, %add3A_2515 : vector<16xi32>
      %select_n3A_2517 = arith.select %and3A_2514, %add3A_2516, %rem3A_2502 : vector<16xi1>, vector<16xi32>
      %add3A_2518 = arith.constant 300390 : i32
      %add3A_2519 = vector.broadcast %add3A_2518 : i32 to vector<16xi32>
      %add3A_2520 = arith.addi %select_n3A_2517, %add3A_2519 : vector<16xi32>
      %mul3A_2521 = arith.constant 16 : i32
      %mul3A_2522 = vector.broadcast %mul3A_2521 : i32 to vector<16xi32>
      %mul3A_2523 = arith.muli %iota3A, %mul3A_2522 : vector<16xi32>
      %mul3A_2524 = arith.constant 256 : i32
      %mul3A_2525 = arith.muli %scan3A_733, %mul3A_2524 : i32
      %add3A_2526 = arith.constant 15 : i32
      %add3A_2527 = arith.addi %mul3A_2525, %add3A_2526 : i32
      %add3A_2528 = vector.broadcast %add3A_2527 : i32 to vector<16xi32>
      %add3A_2529 = arith.addi %mul3A_2523, %add3A_2528 : vector<16xi32>
      %shift_right_arithmetic3A_2530 = arith.constant 7 : i32
      %shift_right_arithmetic3A_2531 = vector.broadcast %shift_right_arithmetic3A_2530 : i32 to vector<16xi32>
      %shift_right_arithmetic3A_2532 = arith.shrsi %add3A_2529, %shift_right_arithmetic3A_2531 : vector<16xi32>
      %and3A_2533 = arith.constant 127 : i32
      %and3A_2534 = vector.broadcast %and3A_2533 : i32 to vector<16xi32>
      %and3A_2535 = arith.andi %add3A_2529, %and3A_2534 : vector<16xi32>
      tpu.vector_store_idx %arg6[%shift_right_arithmetic3A_2532, %and3A_2535], %add3A_2520 : memref<16x128xi32, #tpu.memory_space<vmem>>[vector<16xi32>, vector<16xi32>], vector<16xi32>,
      %scan3A_2536 = arith.constant 0 : i32
      scf.yield %scan3A_2536 : i32
    }
    %scan3A_14 = arith.constant 8 : i32
    %dma_start3A = arith.constant 0 : i32
    %dma_start3A_15 = arith.constant 0 : i32
    %dma_start3A_16 = arith.constant 0 : i32
    %dma_start3A_17 = arith.constant 0 : i32
    %dma_start3A_18 = arith.constant 0 : i32
    %dma_start3A_19 = tpu.memref_slice %arg7[%dma_start3A_15, %dma_start3A_17, %dma_start3A_18] : memref<3x256x64xf32, #tpu.memory_space<vmem>> -> memref<1x128x64xf32, #tpu.memory_space<vmem>>
    %dma_start3A_20 = tpu.memref_squeeze %dma_start3A_19 : memref<1x128x64xf32, #tpu.memory_space<vmem>> -> memref<128x64xf32, #tpu.memory_space<vmem>>
    %dma_start3A_21 = arith.constant 0 : i32
    %dma_start3A_22 = tpu.memref_slice %arg6[%dma_start3A, %dma_start3A_21] : memref<16x128xi32, #tpu.memory_space<vmem>> -> memref<1x128xi32, #tpu.memory_space<vmem>>
    %dma_start3A_23 = tpu.memref_squeeze %dma_start3A_22 : memref<1x128xi32, #tpu.memory_space<vmem>> -> memref<128xi32, #tpu.memory_space<vmem>>
    %dma_start3A_24 = arith.constant 0 : i32
    %dma_start3A_25 = arith.constant 0 : i32
    %dma_start3A_26 = tpu.memref_slice %arg3[%dma_start3A_24, %dma_start3A_25] : memref<320432x64xf32, #tpu.memory_space<hbm>> -> memref<320432x64xf32, #tpu.memory_space<hbm>>
    %dma_start3A_27 = tpu.memref_slice %arg8[%dma_start3A_16] : memref<3x!tpu.dma_semaphore, #tpu.memory_space<semaphore_mem>> -> memref<1x!tpu.dma_semaphore, #tpu.memory_space<semaphore_mem>>
    %dma_start3A_28 = tpu.memref_squeeze %dma_start3A_27 : memref<1x!tpu.dma_semaphore, #tpu.memory_space<semaphore_mem>> -> memref<!tpu.dma_semaphore, #tpu.memory_space<semaphore_mem>>
    tpu.enqueue_indirect_dma source(%dma_start3A_26 : memref<320432x64xf32, #tpu.memory_space<hbm>>) target(%dma_start3A_20 : memref<128x64xf32, #tpu.memory_space<vmem>>) offsets(%dma_start3A_23 : memref<128xi32, #tpu.memory_space<vmem>>) semaphore(%dma_start3A_28 : memref<!tpu.dma_semaphore, #tpu.memory_space<semaphore_mem>>)
    %dma_start3A_29 = arith.constant 1 : i32
    %dma_start3A_30 = arith.constant 0 : i32
    %dma_start3A_31 = arith.constant 0 : i32
    %dma_start3A_32 = arith.constant 128 : i32
    %dma_start3A_33 = arith.constant 0 : i32
    %dma_start3A_34 = tpu.memref_slice %arg7[%dma_start3A_30, %dma_start3A_32, %dma_start3A_33] : memref<3x256x64xf32, #tpu.memory_space<vmem>> -> memref<1x128x64xf32, #tpu.memory_space<vmem>>
    %dma_start3A_35 = tpu.memref_squeeze %dma_start3A_34 : memref<1x128x64xf32, #tpu.memory_space<vmem>> -> memref<128x64xf32, #tpu.memory_space<vmem>>
    %dma_start3A_36 = arith.constant 0 : i32
    %dma_start3A_37 = tpu.memref_slice %arg6[%dma_start3A_29, %dma_start3A_36] : memref<16x128xi32, #tpu.memory_space<vmem>> -> memref<1x128xi32, #tpu.memory_space<vmem>>
    %dma_start3A_38 = tpu.memref_squeeze %dma_start3A_37 : memref<1x128xi32, #tpu.memory_space<vmem>> -> memref<128xi32, #tpu.memory_space<vmem>>
    %dma_start3A_39 = arith.constant 0 : i32
    %dma_start3A_40 = arith.constant 0 : i32
    %dma_start3A_41 = tpu.memref_slice %arg3[%dma_start3A_39, %dma_start3A_40] : memref<320432x64xf32, #tpu.memory_space<hbm>> -> memref<320432x64xf32, #tpu.memory_space<hbm>>
    %dma_start3A_42 = tpu.memref_slice %arg8[%dma_start3A_31] : memref<3x!tpu.dma_semaphore, #tpu.memory_space<semaphore_mem>> -> memref<1x!tpu.dma_semaphore, #tpu.memory_space<semaphore_mem>>
    %dma_start3A_43 = tpu.memref_squeeze %dma_start3A_42 : memref<1x!tpu.dma_semaphore, #tpu.memory_space<semaphore_mem>> -> memref<!tpu.dma_semaphore, #tpu.memory_space<semaphore_mem>>
    tpu.enqueue_indirect_dma source(%dma_start3A_41 : memref<320432x64xf32, #tpu.memory_space<hbm>>) target(%dma_start3A_35 : memref<128x64xf32, #tpu.memory_space<vmem>>) offsets(%dma_start3A_38 : memref<128xi32, #tpu.memory_space<vmem>>) semaphore(%dma_start3A_43 : memref<!tpu.dma_semaphore, #tpu.memory_space<semaphore_mem>>)
    %dma_start3A_44 = arith.constant 2 : i32
    %dma_start3A_45 = arith.constant 1 : i32
    %dma_start3A_46 = arith.constant 1 : i32
    %dma_start3A_47 = arith.constant 0 : i32
    %dma_start3A_48 = arith.constant 0 : i32
    %dma_start3A_49 = tpu.memref_slice %arg7[%dma_start3A_45, %dma_start3A_47, %dma_start3A_48] : memref<3x256x64xf32, #tpu.memory_space<vmem>> -> memref<1x128x64xf32, #tpu.memory_space<vmem>>
    %dma_start3A_50 = tpu.memref_squeeze %dma_start3A_49 : memref<1x128x64xf32, #tpu.memory_space<vmem>> -> memref<128x64xf32, #tpu.memory_space<vmem>>
    %dma_start3A_51 = arith.constant 0 : i32
    %dma_start3A_52 = tpu.memref_slice %arg6[%dma_start3A_44, %dma_start3A_51] : memref<16x128xi32, #tpu.memory_space<vmem>> -> memref<1x128xi32, #tpu.memory_space<vmem>>
    %dma_start3A_53 = tpu.memref_squeeze %dma_start3A_52 : memref<1x128xi32, #tpu.memory_space<vmem>> -> memref<128xi32, #tpu.memory_space<vmem>>
    %dma_start3A_54 = arith.constant 0 : i32
    %dma_start3A_55 = arith.constant 0 : i32
    %dma_start3A_56 = tpu.memref_slice %arg3[%dma_start3A_54, %dma_start3A_55] : memref<320432x64xf32, #tpu.memory_space<hbm>> -> memref<320432x64xf32, #tpu.memory_space<hbm>>
    %dma_start3A_57 = tpu.memref_slice %arg8[%dma_start3A_46] : memref<3x!tpu.dma_semaphore, #tpu.memory_space<semaphore_mem>> -> memref<1x!tpu.dma_semaphore, #tpu.memory_space<semaphore_mem>>
    %dma_start3A_58 = tpu.memref_squeeze %dma_start3A_57 : memref<1x!tpu.dma_semaphore, #tpu.memory_space<semaphore_mem>> -> memref<!tpu.dma_semaphore, #tpu.memory_space<semaphore_mem>>
    tpu.enqueue_indirect_dma source(%dma_start3A_56 : memref<320432x64xf32, #tpu.memory_space<hbm>>) target(%dma_start3A_50 : memref<128x64xf32, #tpu.memory_space<vmem>>) offsets(%dma_start3A_53 : memref<128xi32, #tpu.memory_space<vmem>>) semaphore(%dma_start3A_58 : memref<!tpu.dma_semaphore, #tpu.memory_space<semaphore_mem>>)
    %dma_start3A_59 = arith.constant 3 : i32
    %dma_start3A_60 = arith.constant 1 : i32
    %dma_start3A_61 = arith.constant 1 : i32
    %dma_start3A_62 = arith.constant 128 : i32
    %dma_start3A_63 = arith.constant 0 : i32
    %dma_start3A_64 = tpu.memref_slice %arg7[%dma_start3A_60, %dma_start3A_62, %dma_start3A_63] : memref<3x256x64xf32, #tpu.memory_space<vmem>> -> memref<1x128x64xf32, #tpu.memory_space<vmem>>
    %dma_start3A_65 = tpu.memref_squeeze %dma_start3A_64 : memref<1x128x64xf32, #tpu.memory_space<vmem>> -> memref<128x64xf32, #tpu.memory_space<vmem>>
    %dma_start3A_66 = arith.constant 0 : i32
    %dma_start3A_67 = tpu.memref_slice %arg6[%dma_start3A_59, %dma_start3A_66] : memref<16x128xi32, #tpu.memory_space<vmem>> -> memref<1x128xi32, #tpu.memory_space<vmem>>
    %dma_start3A_68 = tpu.memref_squeeze %dma_start3A_67 : memref<1x128xi32, #tpu.memory_space<vmem>> -> memref<128xi32, #tpu.memory_space<vmem>>
    %dma_start3A_69 = arith.constant 0 : i32
    %dma_start3A_70 = arith.constant 0 : i32
    %dma_start3A_71 = tpu.memref_slice %arg3[%dma_start3A_69, %dma_start3A_70] : memref<320432x64xf32, #tpu.memory_space<hbm>> -> memref<320432x64xf32, #tpu.memory_space<hbm>>
    %dma_start3A_72 = tpu.memref_slice %arg8[%dma_start3A_61] : memref<3x!tpu.dma_semaphore, #tpu.memory_space<semaphore_mem>> -> memref<1x!tpu.dma_semaphore, #tpu.memory_space<semaphore_mem>>
    %dma_start3A_73 = tpu.memref_squeeze %dma_start3A_72 : memref<1x!tpu.dma_semaphore, #tpu.memory_space<semaphore_mem>> -> memref<!tpu.dma_semaphore, #tpu.memory_space<semaphore_mem>>
    tpu.enqueue_indirect_dma source(%dma_start3A_71 : memref<320432x64xf32, #tpu.memory_space<hbm>>) target(%dma_start3A_65 : memref<128x64xf32, #tpu.memory_space<vmem>>) offsets(%dma_start3A_68 : memref<128xi32, #tpu.memory_space<vmem>>) semaphore(%dma_start3A_73 : memref<!tpu.dma_semaphore, #tpu.memory_space<semaphore_mem>>)
    %dma_start3A_74 = arith.constant 4 : i32
    %dma_start3A_75 = arith.constant 2 : i32
    %dma_start3A_76 = arith.constant 2 : i32
    %dma_start3A_77 = arith.constant 0 : i32
    %dma_start3A_78 = arith.constant 0 : i32
    %dma_start3A_79 = tpu.memref_slice %arg7[%dma_start3A_75, %dma_start3A_77, %dma_start3A_78] : memref<3x256x64xf32, #tpu.memory_space<vmem>> -> memref<1x128x64xf32, #tpu.memory_space<vmem>>
    %dma_start3A_80 = tpu.memref_squeeze %dma_start3A_79 : memref<1x128x64xf32, #tpu.memory_space<vmem>> -> memref<128x64xf32, #tpu.memory_space<vmem>>
    %dma_start3A_81 = arith.constant 0 : i32
    %dma_start3A_82 = tpu.memref_slice %arg6[%dma_start3A_74, %dma_start3A_81] : memref<16x128xi32, #tpu.memory_space<vmem>> -> memref<1x128xi32, #tpu.memory_space<vmem>>
    %dma_start3A_83 = tpu.memref_squeeze %dma_start3A_82 : memref<1x128xi32, #tpu.memory_space<vmem>> -> memref<128xi32, #tpu.memory_space<vmem>>
    %dma_start3A_84 = arith.constant 0 : i32
    %dma_start3A_85 = arith.constant 0 : i32
    %dma_start3A_86 = tpu.memref_slice %arg3[%dma_start3A_84, %dma_start3A_85] : memref<320432x64xf32, #tpu.memory_space<hbm>> -> memref<320432x64xf32, #tpu.memory_space<hbm>>
    %dma_start3A_87 = tpu.memref_slice %arg8[%dma_start3A_76] : memref<3x!tpu.dma_semaphore, #tpu.memory_space<semaphore_mem>> -> memref<1x!tpu.dma_semaphore, #tpu.memory_space<semaphore_mem>>
    %dma_start3A_88 = tpu.memref_squeeze %dma_start3A_87 : memref<1x!tpu.dma_semaphore, #tpu.memory_space<semaphore_mem>> -> memref<!tpu.dma_semaphore, #tpu.memory_space<semaphore_mem>>
    tpu.enqueue_indirect_dma source(%dma_start3A_86 : memref<320432x64xf32, #tpu.memory_space<hbm>>) target(%dma_start3A_80 : memref<128x64xf32, #tpu.memory_space<vmem>>) offsets(%dma_start3A_83 : memref<128xi32, #tpu.memory_space<vmem>>) semaphore(%dma_start3A_88 : memref<!tpu.dma_semaphore, #tpu.memory_space<semaphore_mem>>)
    %dma_start3A_89 = arith.constant 5 : i32
    %dma_start3A_90 = arith.constant 2 : i32
    %dma_start3A_91 = arith.constant 2 : i32
    %dma_start3A_92 = arith.constant 128 : i32
    %dma_start3A_93 = arith.constant 0 : i32
    %dma_start3A_94 = tpu.memref_slice %arg7[%dma_start3A_90, %dma_start3A_92, %dma_start3A_93] : memref<3x256x64xf32, #tpu.memory_space<vmem>> -> memref<1x128x64xf32, #tpu.memory_space<vmem>>
    %dma_start3A_95 = tpu.memref_squeeze %dma_start3A_94 : memref<1x128x64xf32, #tpu.memory_space<vmem>> -> memref<128x64xf32, #tpu.memory_space<vmem>>
    %dma_start3A_96 = arith.constant 0 : i32
    %dma_start3A_97 = tpu.memref_slice %arg6[%dma_start3A_89, %dma_start3A_96] : memref<16x128xi32, #tpu.memory_space<vmem>> -> memref<1x128xi32, #tpu.memory_space<vmem>>
    %dma_start3A_98 = tpu.memref_squeeze %dma_start3A_97 : memref<1x128xi32, #tpu.memory_space<vmem>> -> memref<128xi32, #tpu.memory_space<vmem>>
    %dma_start3A_99 = arith.constant 0 : i32
    %dma_start3A_100 = arith.constant 0 : i32
    %dma_start3A_101 = tpu.memref_slice %arg3[%dma_start3A_99, %dma_start3A_100] : memref<320432x64xf32, #tpu.memory_space<hbm>> -> memref<320432x64xf32, #tpu.memory_space<hbm>>
    %dma_start3A_102 = tpu.memref_slice %arg8[%dma_start3A_91] : memref<3x!tpu.dma_semaphore, #tpu.memory_space<semaphore_mem>> -> memref<1x!tpu.dma_semaphore, #tpu.memory_space<semaphore_mem>>
    %dma_start3A_103 = tpu.memref_squeeze %dma_start3A_102 : memref<1x!tpu.dma_semaphore, #tpu.memory_space<semaphore_mem>> -> memref<!tpu.dma_semaphore, #tpu.memory_space<semaphore_mem>>
    tpu.enqueue_indirect_dma source(%dma_start3A_101 : memref<320432x64xf32, #tpu.memory_space<hbm>>) target(%dma_start3A_95 : memref<128x64xf32, #tpu.memory_space<vmem>>) offsets(%dma_start3A_98 : memref<128xi32, #tpu.memory_space<vmem>>) semaphore(%dma_start3A_103 : memref<!tpu.dma_semaphore, #tpu.memory_space<semaphore_mem>>)
    %dma_wait3A = arith.constant 0 : i32
    %dma_wait3A_104 = arith.constant 0 : i32
    %dma_wait3A_105 = arith.constant 0 : i32
    %dma_wait3A_106 = arith.constant 0 : i32
    %dma_wait3A_107 = arith.constant 0 : i32
    %dma_wait3A_108 = tpu.memref_slice %arg7[%dma_wait3A_104, %dma_wait3A_106, %dma_wait3A_107] : memref<3x256x64xf32, #tpu.memory_space<vmem>> -> memref<1x128x64xf32, #tpu.memory_space<vmem>>
    %dma_wait3A_109 = tpu.memref_squeeze %dma_wait3A_108 : memref<1x128x64xf32, #tpu.memory_space<vmem>> -> memref<128x64xf32, #tpu.memory_space<vmem>>
    %dma_wait3A_110 = arith.constant 0 : i32
    %dma_wait3A_111 = tpu.memref_slice %arg6[%dma_wait3A, %dma_wait3A_110] : memref<16x128xi32, #tpu.memory_space<vmem>> -> memref<1x128xi32, #tpu.memory_space<vmem>>
    %dma_wait3A_112 = tpu.memref_squeeze %dma_wait3A_111 : memref<1x128xi32, #tpu.memory_space<vmem>> -> memref<128xi32, #tpu.memory_space<vmem>>
    %dma_wait3A_113 = arith.constant 0 : i32
    %dma_wait3A_114 = arith.constant 0 : i32
    %dma_wait3A_115 = tpu.memref_slice %arg3[%dma_wait3A_113, %dma_wait3A_114] : memref<320432x64xf32, #tpu.memory_space<hbm>> -> memref<320432x64xf32, #tpu.memory_space<hbm>>
    %dma_wait3A_116 = tpu.memref_slice %arg8[%dma_wait3A_105] : memref<3x!tpu.dma_semaphore, #tpu.memory_space<semaphore_mem>> -> memref<1x!tpu.dma_semaphore, #tpu.memory_space<semaphore_mem>>
    %dma_wait3A_117 = tpu.memref_squeeze %dma_wait3A_116 : memref<1x!tpu.dma_semaphore, #tpu.memory_space<semaphore_mem>> -> memref<!tpu.dma_semaphore, #tpu.memory_space<semaphore_mem>>
    tpu.wait_indirect_dma semaphore(%dma_wait3A_117 : memref<!tpu.dma_semaphore, #tpu.memory_space<semaphore_mem>>) src(%dma_wait3A_115 : memref<320432x64xf32, #tpu.memory_space<hbm>>) dst(%dma_wait3A_109 : memref<128x64xf32, #tpu.memory_space<vmem>>)
    %dma_wait3A_118 = arith.constant 1 : i32
    %dma_wait3A_119 = arith.constant 0 : i32
    %dma_wait3A_120 = arith.constant 0 : i32
    %dma_wait3A_121 = arith.constant 128 : i32
    %dma_wait3A_122 = arith.constant 0 : i32
    %dma_wait3A_123 = tpu.memref_slice %arg7[%dma_wait3A_119, %dma_wait3A_121, %dma_wait3A_122] : memref<3x256x64xf32, #tpu.memory_space<vmem>> -> memref<1x128x64xf32, #tpu.memory_space<vmem>>
    %dma_wait3A_124 = tpu.memref_squeeze %dma_wait3A_123 : memref<1x128x64xf32, #tpu.memory_space<vmem>> -> memref<128x64xf32, #tpu.memory_space<vmem>>
    %dma_wait3A_125 = arith.constant 0 : i32
    %dma_wait3A_126 = tpu.memref_slice %arg6[%dma_wait3A_118, %dma_wait3A_125] : memref<16x128xi32, #tpu.memory_space<vmem>> -> memref<1x128xi32, #tpu.memory_space<vmem>>
    %dma_wait3A_127 = tpu.memref_squeeze %dma_wait3A_126 : memref<1x128xi32, #tpu.memory_space<vmem>> -> memref<128xi32, #tpu.memory_space<vmem>>
    %dma_wait3A_128 = arith.constant 0 : i32
    %dma_wait3A_129 = arith.constant 0 : i32
    %dma_wait3A_130 = tpu.memref_slice %arg3[%dma_wait3A_128, %dma_wait3A_129] : memref<320432x64xf32, #tpu.memory_space<hbm>> -> memref<320432x64xf32, #tpu.memory_space<hbm>>
    %dma_wait3A_131 = tpu.memref_slice %arg8[%dma_wait3A_120] : memref<3x!tpu.dma_semaphore, #tpu.memory_space<semaphore_mem>> -> memref<1x!tpu.dma_semaphore, #tpu.memory_space<semaphore_mem>>
    %dma_wait3A_132 = tpu.memref_squeeze %dma_wait3A_131 : memref<1x!tpu.dma_semaphore, #tpu.memory_space<semaphore_mem>> -> memref<!tpu.dma_semaphore, #tpu.memory_space<semaphore_mem>>
    tpu.wait_indirect_dma semaphore(%dma_wait3A_132 : memref<!tpu.dma_semaphore, #tpu.memory_space<semaphore_mem>>) src(%dma_wait3A_130 : memref<320432x64xf32, #tpu.memory_space<hbm>>) dst(%dma_wait3A_124 : memref<128x64xf32, #tpu.memory_space<vmem>>)
    %add3A_133 = arith.constant 0 : i32
    %add3A_134 = arith.addi %mul3A_2, %add3A_133 : i32
    %mul3A_135 = arith.constant 16 : i32
    %mul3A_136 = arith.muli %add3A_134, %mul3A_135 : i32
    %dma_start3A_137 = arith.constant 0 : i32
    %dma_start3A_138 = arith.constant 0 : i32
    %dma_start3A_139 = arith.constant 0 : i32
    %dma_start3A_140 = tpu.memref_slice %arg7[%dma_start3A_137, %dma_start3A_138, %dma_start3A_139] : memref<3x256x64xf32, #tpu.memory_space<vmem>> -> memref<1x256x64xf32, #tpu.memory_space<vmem>>
    %dma_start3A_141 = tpu.memref_squeeze %dma_start3A_140 : memref<1x256x64xf32, #tpu.memory_space<vmem>> -> memref<256x64xf32, #tpu.memory_space<vmem>>
    %dma_start3A_142 = arith.constant 0 : i32
    %dma_start3A_143 = tpu.memref_slice %arg4[%mul3A_136, %dma_start3A_142] : memref<65536x64xf32, #tpu.memory_space<hbm>> -> memref<256x64xf32, #tpu.memory_space<hbm>>
    %dma_start3A_144 = arith.constant 0 : i32
    %dma_start3A_145 = tpu.memref_slice %arg4[%mul3A_136, %dma_start3A_144] : memref<65536x64xf32, #tpu.memory_space<hbm>> -> memref<256x64xf32, #tpu.memory_space<hbm>>
    %dma_start3A_146 = arith.constant 0 : i32
    %dma_start3A_147 = arith.constant 0 : i32
    %dma_start3A_148 = tpu.memref_slice %arg7[%dma_start3A_137, %dma_start3A_146, %dma_start3A_147] : memref<3x256x64xf32, #tpu.memory_space<vmem>> -> memref<1x256x64xf32, #tpu.memory_space<vmem>>
    %dma_start3A_149 = tpu.memref_squeeze %dma_start3A_148 : memref<1x256x64xf32, #tpu.memory_space<vmem>> -> memref<256x64xf32, #tpu.memory_space<vmem>>
    tpu.enqueue_dma source(%dma_start3A_149 : memref<256x64xf32, #tpu.memory_space<vmem>>) target(%dma_start3A_145 : memref<256x64xf32, #tpu.memory_space<hbm>>) target_semaphore(%arg9 : memref<!tpu.dma_semaphore, #tpu.memory_space<semaphore_mem>>)
    %dma_wait3A_150 = arith.constant 0 : i32
    %dma_wait3A_151 = arith.constant 0 : i32
    %dma_wait3A_152 = arith.constant 0 : i32
    %dma_wait3A_153 = tpu.memref_slice %arg7[%dma_wait3A_150, %dma_wait3A_151, %dma_wait3A_152] : memref<3x256x64xf32, #tpu.memory_space<vmem>> -> memref<1x256x64xf32, #tpu.memory_space<vmem>>
    %dma_wait3A_154 = tpu.memref_squeeze %dma_wait3A_153 : memref<1x256x64xf32, #tpu.memory_space<vmem>> -> memref<256x64xf32, #tpu.memory_space<vmem>>
    %dma_wait3A_155 = arith.constant 0 : i32
    %dma_wait3A_156 = tpu.memref_slice %arg4[%mul3A_136, %dma_wait3A_155] : memref<65536x64xf32, #tpu.memory_space<hbm>> -> memref<256x64xf32, #tpu.memory_space<hbm>>
    %dma_wait3A_157 = arith.constant 0 : i32
    %dma_wait3A_158 = tpu.memref_slice %arg4[%mul3A_136, %dma_wait3A_157] : memref<65536x64xf32, #tpu.memory_space<hbm>> -> memref<256x64xf32, #tpu.memory_space<hbm>>
    %dma_wait3A_159 = arith.constant 0 : i32
    %dma_wait3A_160 = arith.constant 0 : i32
    %dma_wait3A_161 = tpu.memref_slice %arg7[%dma_wait3A_150, %dma_wait3A_159, %dma_wait3A_160] : memref<3x256x64xf32, #tpu.memory_space<vmem>> -> memref<1x256x64xf32, #tpu.memory_space<vmem>>
    %dma_wait3A_162 = tpu.memref_squeeze %dma_wait3A_161 : memref<1x256x64xf32, #tpu.memory_space<vmem>> -> memref<256x64xf32, #tpu.memory_space<vmem>>
    tpu.wait_dma2 semaphore(%arg9 : memref<!tpu.dma_semaphore, #tpu.memory_space<semaphore_mem>>) src(%dma_wait3A_162 : memref<256x64xf32, #tpu.memory_space<vmem>>) dst(%dma_wait3A_158 : memref<256x64xf32, #tpu.memory_space<hbm>>)
    %dma_start3A_163 = arith.constant 6 : i32
    %dma_start3A_164 = arith.constant 0 : i32
    %dma_start3A_165 = arith.constant 0 : i32
    %dma_start3A_166 = arith.constant 0 : i32
    %dma_start3A_167 = arith.constant 0 : i32
    %dma_start3A_168 = tpu.memref_slice %arg7[%dma_start3A_164, %dma_start3A_166, %dma_start3A_167] : memref<3x256x64xf32, #tpu.memory_space<vmem>> -> memref<1x128x64xf32, #tpu.memory_space<vmem>>
    %dma_start3A_169 = tpu.memref_squeeze %dma_start3A_168 : memref<1x128x64xf32, #tpu.memory_space<vmem>> -> memref<128x64xf32, #tpu.memory_space<vmem>>
    %dma_start3A_170 = arith.constant 0 : i32
    %dma_start3A_171 = tpu.memref_slice %arg6[%dma_start3A_163, %dma_start3A_170] : memref<16x128xi32, #tpu.memory_space<vmem>> -> memref<1x128xi32, #tpu.memory_space<vmem>>
    %dma_start3A_172 = tpu.memref_squeeze %dma_start3A_171 : memref<1x128xi32, #tpu.memory_space<vmem>> -> memref<128xi32, #tpu.memory_space<vmem>>
    %dma_start3A_173 = arith.constant 0 : i32
    %dma_start3A_174 = arith.constant 0 : i32
    %dma_start3A_175 = tpu.memref_slice %arg3[%dma_start3A_173, %dma_start3A_174] : memref<320432x64xf32, #tpu.memory_space<hbm>> -> memref<320432x64xf32, #tpu.memory_space<hbm>>
    %dma_start3A_176 = tpu.memref_slice %arg8[%dma_start3A_165] : memref<3x!tpu.dma_semaphore, #tpu.memory_space<semaphore_mem>> -> memref<1x!tpu.dma_semaphore, #tpu.memory_space<semaphore_mem>>
    %dma_start3A_177 = tpu.memref_squeeze %dma_start3A_176 : memref<1x!tpu.dma_semaphore, #tpu.memory_space<semaphore_mem>> -> memref<!tpu.dma_semaphore, #tpu.memory_space<semaphore_mem>>
    tpu.enqueue_indirect_dma source(%dma_start3A_175 : memref<320432x64xf32, #tpu.memory_space<hbm>>) target(%dma_start3A_169 : memref<128x64xf32, #tpu.memory_space<vmem>>) offsets(%dma_start3A_172 : memref<128xi32, #tpu.memory_space<vmem>>) semaphore(%dma_start3A_177 : memref<!tpu.dma_semaphore, #tpu.memory_space<semaphore_mem>>)
    %dma_start3A_178 = arith.constant 7 : i32
    %dma_start3A_179 = arith.constant 0 : i32
    %dma_start3A_180 = arith.constant 0 : i32
    %dma_start3A_181 = arith.constant 128 : i32
    %dma_start3A_182 = arith.constant 0 : i32
    %dma_start3A_183 = tpu.memref_slice %arg7[%dma_start3A_179, %dma_start3A_181, %dma_start3A_182] : memref<3x256x64xf32, #tpu.memory_space<vmem>> -> memref<1x128x64xf32, #tpu.memory_space<vmem>>
    %dma_start3A_184 = tpu.memref_squeeze %dma_start3A_183 : memref<1x128x64xf32, #tpu.memory_space<vmem>> -> memref<128x64xf32, #tpu.memory_space<vmem>>
    %dma_start3A_185 = arith.constant 0 : i32
    %dma_start3A_186 = tpu.memref_slice %arg6[%dma_start3A_178, %dma_start3A_185] : memref<16x128xi32, #tpu.memory_space<vmem>> -> memref<1x128xi32, #tpu.memory_space<vmem>>
    %dma_start3A_187 = tpu.memref_squeeze %dma_start3A_186 : memref<1x128xi32, #tpu.memory_space<vmem>> -> memref<128xi32, #tpu.memory_space<vmem>>
    %dma_start3A_188 = arith.constant 0 : i32
    %dma_start3A_189 = arith.constant 0 : i32
    %dma_start3A_190 = tpu.memref_slice %arg3[%dma_start3A_188, %dma_start3A_189] : memref<320432x64xf32, #tpu.memory_space<hbm>> -> memref<320432x64xf32, #tpu.memory_space<hbm>>
    %dma_start3A_191 = tpu.memref_slice %arg8[%dma_start3A_180] : memref<3x!tpu.dma_semaphore, #tpu.memory_space<semaphore_mem>> -> memref<1x!tpu.dma_semaphore, #tpu.memory_space<semaphore_mem>>
    %dma_start3A_192 = tpu.memref_squeeze %dma_start3A_191 : memref<1x!tpu.dma_semaphore, #tpu.memory_space<semaphore_mem>> -> memref<!tpu.dma_semaphore, #tpu.memory_space<semaphore_mem>>
    tpu.enqueue_indirect_dma source(%dma_start3A_190 : memref<320432x64xf32, #tpu.memory_space<hbm>>) target(%dma_start3A_184 : memref<128x64xf32, #tpu.memory_space<vmem>>) offsets(%dma_start3A_187 : memref<128xi32, #tpu.memory_space<vmem>>) semaphore(%dma_start3A_192 : memref<!tpu.dma_semaphore, #tpu.memory_space<semaphore_mem>>)
    %dma_wait3A_193 = arith.constant 2 : i32
    %dma_wait3A_194 = arith.constant 1 : i32
    %dma_wait3A_195 = arith.constant 1 : i32
    %dma_wait3A_196 = arith.constant 0 : i32
    %dma_wait3A_197 = arith.constant 0 : i32
    %dma_wait3A_198 = tpu.memref_slice %arg7[%dma_wait3A_194, %dma_wait3A_196, %dma_wait3A_197] : memref<3x256x64xf32, #tpu.memory_space<vmem>> -> memref<1x128x64xf32, #tpu.memory_space<vmem>>
    %dma_wait3A_199 = tpu.memref_squeeze %dma_wait3A_198 : memref<1x128x64xf32, #tpu.memory_space<vmem>> -> memref<128x64xf32, #tpu.memory_space<vmem>>
    %dma_wait3A_200 = arith.constant 0 : i32
    %dma_wait3A_201 = tpu.memref_slice %arg6[%dma_wait3A_193, %dma_wait3A_200] : memref<16x128xi32, #tpu.memory_space<vmem>> -> memref<1x128xi32, #tpu.memory_space<vmem>>
    %dma_wait3A_202 = tpu.memref_squeeze %dma_wait3A_201 : memref<1x128xi32, #tpu.memory_space<vmem>> -> memref<128xi32, #tpu.memory_space<vmem>>
    %dma_wait3A_203 = arith.constant 0 : i32
    %dma_wait3A_204 = arith.constant 0 : i32
    %dma_wait3A_205 = tpu.memref_slice %arg3[%dma_wait3A_203, %dma_wait3A_204] : memref<320432x64xf32, #tpu.memory_space<hbm>> -> memref<320432x64xf32, #tpu.memory_space<hbm>>
    %dma_wait3A_206 = tpu.memref_slice %arg8[%dma_wait3A_195] : memref<3x!tpu.dma_semaphore, #tpu.memory_space<semaphore_mem>> -> memref<1x!tpu.dma_semaphore, #tpu.memory_space<semaphore_mem>>
    %dma_wait3A_207 = tpu.memref_squeeze %dma_wait3A_206 : memref<1x!tpu.dma_semaphore, #tpu.memory_space<semaphore_mem>> -> memref<!tpu.dma_semaphore, #tpu.memory_space<semaphore_mem>>
    tpu.wait_indirect_dma semaphore(%dma_wait3A_207 : memref<!tpu.dma_semaphore, #tpu.memory_space<semaphore_mem>>) src(%dma_wait3A_205 : memref<320432x64xf32, #tpu.memory_space<hbm>>) dst(%dma_wait3A_199 : memref<128x64xf32, #tpu.memory_space<vmem>>)
    %dma_wait3A_208 = arith.constant 3 : i32
    %dma_wait3A_209 = arith.constant 1 : i32
    %dma_wait3A_210 = arith.constant 1 : i32
    %dma_wait3A_211 = arith.constant 128 : i32
    %dma_wait3A_212 = arith.constant 0 : i32
    %dma_wait3A_213 = tpu.memref_slice %arg7[%dma_wait3A_209, %dma_wait3A_211, %dma_wait3A_212] : memref<3x256x64xf32, #tpu.memory_space<vmem>> -> memref<1x128x64xf32, #tpu.memory_space<vmem>>
    %dma_wait3A_214 = tpu.memref_squeeze %dma_wait3A_213 : memref<1x128x64xf32, #tpu.memory_space<vmem>> -> memref<128x64xf32, #tpu.memory_space<vmem>>
    %dma_wait3A_215 = arith.constant 0 : i32
    %dma_wait3A_216 = tpu.memref_slice %arg6[%dma_wait3A_208, %dma_wait3A_215] : memref<16x128xi32, #tpu.memory_space<vmem>> -> memref<1x128xi32, #tpu.memory_space<vmem>>
    %dma_wait3A_217 = tpu.memref_squeeze %dma_wait3A_216 : memref<1x128xi32, #tpu.memory_space<vmem>> -> memref<128xi32, #tpu.memory_space<vmem>>
    %dma_wait3A_218 = arith.constant 0 : i32
    %dma_wait3A_219 = arith.constant 0 : i32
    %dma_wait3A_220 = tpu.memref_slice %arg3[%dma_wait3A_218, %dma_wait3A_219] : memref<320432x64xf32, #tpu.memory_space<hbm>> -> memref<320432x64xf32, #tpu.memory_space<hbm>>
    %dma_wait3A_221 = tpu.memref_slice %arg8[%dma_wait3A_210] : memref<3x!tpu.dma_semaphore, #tpu.memory_space<semaphore_mem>> -> memref<1x!tpu.dma_semaphore, #tpu.memory_space<semaphore_mem>>
    %dma_wait3A_222 = tpu.memref_squeeze %dma_wait3A_221 : memref<1x!tpu.dma_semaphore, #tpu.memory_space<semaphore_mem>> -> memref<!tpu.dma_semaphore, #tpu.memory_space<semaphore_mem>>
    tpu.wait_indirect_dma semaphore(%dma_wait3A_222 : memref<!tpu.dma_semaphore, #tpu.memory_space<semaphore_mem>>) src(%dma_wait3A_220 : memref<320432x64xf32, #tpu.memory_space<hbm>>) dst(%dma_wait3A_214 : memref<128x64xf32, #tpu.memory_space<vmem>>)
    %add3A_223 = arith.constant 16 : i32
    %add3A_224 = arith.addi %mul3A_2, %add3A_223 : i32
    %mul3A_225 = arith.constant 16 : i32
    %mul3A_226 = arith.muli %add3A_224, %mul3A_225 : i32
    %dma_start3A_227 = arith.constant 1 : i32
    %dma_start3A_228 = arith.constant 0 : i32
    %dma_start3A_229 = arith.constant 0 : i32
    %dma_start3A_230 = tpu.memref_slice %arg7[%dma_start3A_227, %dma_start3A_228, %dma_start3A_229] : memref<3x256x64xf32, #tpu.memory_space<vmem>> -> memref<1x256x64xf32, #tpu.memory_space<vmem>>
    %dma_start3A_231 = tpu.memref_squeeze %dma_start3A_230 : memref<1x256x64xf32, #tpu.memory_space<vmem>> -> memref<256x64xf32, #tpu.memory_space<vmem>>
    %dma_start3A_232 = arith.constant 0 : i32
    %dma_start3A_233 = tpu.memref_slice %arg4[%mul3A_226, %dma_start3A_232] : memref<65536x64xf32, #tpu.memory_space<hbm>> -> memref<256x64xf32, #tpu.memory_space<hbm>>
    %dma_start3A_234 = arith.constant 0 : i32
    %dma_start3A_235 = tpu.memref_slice %arg4[%mul3A_226, %dma_start3A_234] : memref<65536x64xf32, #tpu.memory_space<hbm>> -> memref<256x64xf32, #tpu.memory_space<hbm>>
    %dma_start3A_236 = arith.constant 0 : i32
    %dma_start3A_237 = arith.constant 0 : i32
    %dma_start3A_238 = tpu.memref_slice %arg7[%dma_start3A_227, %dma_start3A_236, %dma_start3A_237] : memref<3x256x64xf32, #tpu.memory_space<vmem>> -> memref<1x256x64xf32, #tpu.memory_space<vmem>>
    %dma_start3A_239 = tpu.memref_squeeze %dma_start3A_238 : memref<1x256x64xf32, #tpu.memory_space<vmem>> -> memref<256x64xf32, #tpu.memory_space<vmem>>
    tpu.enqueue_dma source(%dma_start3A_239 : memref<256x64xf32, #tpu.memory_space<vmem>>) target(%dma_start3A_235 : memref<256x64xf32, #tpu.memory_space<hbm>>) target_semaphore(%arg9 : memref<!tpu.dma_semaphore, #tpu.memory_space<semaphore_mem>>)
    %dma_wait3A_240 = arith.constant 1 : i32
    %dma_wait3A_241 = arith.constant 0 : i32
    %dma_wait3A_242 = arith.constant 0 : i32
    %dma_wait3A_243 = tpu.memref_slice %arg7[%dma_wait3A_240, %dma_wait3A_241, %dma_wait3A_242] : memref<3x256x64xf32, #tpu.memory_space<vmem>> -> memref<1x256x64xf32, #tpu.memory_space<vmem>>
    %dma_wait3A_244 = tpu.memref_squeeze %dma_wait3A_243 : memref<1x256x64xf32, #tpu.memory_space<vmem>> -> memref<256x64xf32, #tpu.memory_space<vmem>>
    %dma_wait3A_245 = arith.constant 0 : i32
    %dma_wait3A_246 = tpu.memref_slice %arg4[%mul3A_226, %dma_wait3A_245] : memref<65536x64xf32, #tpu.memory_space<hbm>> -> memref<256x64xf32, #tpu.memory_space<hbm>>
    %dma_wait3A_247 = arith.constant 0 : i32
    %dma_wait3A_248 = tpu.memref_slice %arg4[%mul3A_226, %dma_wait3A_247] : memref<65536x64xf32, #tpu.memory_space<hbm>> -> memref<256x64xf32, #tpu.memory_space<hbm>>
    %dma_wait3A_249 = arith.constant 0 : i32
    %dma_wait3A_250 = arith.constant 0 : i32
    %dma_wait3A_251 = tpu.memref_slice %arg7[%dma_wait3A_240, %dma_wait3A_249, %dma_wait3A_250] : memref<3x256x64xf32, #tpu.memory_space<vmem>> -> memref<1x256x64xf32, #tpu.memory_space<vmem>>
    %dma_wait3A_252 = tpu.memref_squeeze %dma_wait3A_251 : memref<1x256x64xf32, #tpu.memory_space<vmem>> -> memref<256x64xf32, #tpu.memory_space<vmem>>
    tpu.wait_dma2 semaphore(%arg9 : memref<!tpu.dma_semaphore, #tpu.memory_space<semaphore_mem>>) src(%dma_wait3A_252 : memref<256x64xf32, #tpu.memory_space<vmem>>) dst(%dma_wait3A_248 : memref<256x64xf32, #tpu.memory_space<hbm>>)
    %dma_start3A_253 = arith.constant 8 : i32
    %dma_start3A_254 = arith.constant 1 : i32
    %dma_start3A_255 = arith.constant 1 : i32
    %dma_start3A_256 = arith.constant 0 : i32
    %dma_start3A_257 = arith.constant 0 : i32
    %dma_start3A_258 = tpu.memref_slice %arg7[%dma_start3A_254, %dma_start3A_256, %dma_start3A_257] : memref<3x256x64xf32, #tpu.memory_space<vmem>> -> memref<1x128x64xf32, #tpu.memory_space<vmem>>
    %dma_start3A_259 = tpu.memref_squeeze %dma_start3A_258 : memref<1x128x64xf32, #tpu.memory_space<vmem>> -> memref<128x64xf32, #tpu.memory_space<vmem>>
    %dma_start3A_260 = arith.constant 0 : i32
    %dma_start3A_261 = tpu.memref_slice %arg6[%dma_start3A_253, %dma_start3A_260] : memref<16x128xi32, #tpu.memory_space<vmem>> -> memref<1x128xi32, #tpu.memory_space<vmem>>
    %dma_start3A_262 = tpu.memref_squeeze %dma_start3A_261 : memref<1x128xi32, #tpu.memory_space<vmem>> -> memref<128xi32, #tpu.memory_space<vmem>>
    %dma_start3A_263 = arith.constant 0 : i32
    %dma_start3A_264 = arith.constant 0 : i32
    %dma_start3A_265 = tpu.memref_slice %arg3[%dma_start3A_263, %dma_start3A_264] : memref<320432x64xf32, #tpu.memory_space<hbm>> -> memref<320432x64xf32, #tpu.memory_space<hbm>>
    %dma_start3A_266 = tpu.memref_slice %arg8[%dma_start3A_255] : memref<3x!tpu.dma_semaphore, #tpu.memory_space<semaphore_mem>> -> memref<1x!tpu.dma_semaphore, #tpu.memory_space<semaphore_mem>>
    %dma_start3A_267 = tpu.memref_squeeze %dma_start3A_266 : memref<1x!tpu.dma_semaphore, #tpu.memory_space<semaphore_mem>> -> memref<!tpu.dma_semaphore, #tpu.memory_space<semaphore_mem>>
    tpu.enqueue_indirect_dma source(%dma_start3A_265 : memref<320432x64xf32, #tpu.memory_space<hbm>>) target(%dma_start3A_259 : memref<128x64xf32, #tpu.memory_space<vmem>>) offsets(%dma_start3A_262 : memref<128xi32, #tpu.memory_space<vmem>>) semaphore(%dma_start3A_267 : memref<!tpu.dma_semaphore, #tpu.memory_space<semaphore_mem>>)
    %dma_start3A_268 = arith.constant 9 : i32
    %dma_start3A_269 = arith.constant 1 : i32
    %dma_start3A_270 = arith.constant 1 : i32
    %dma_start3A_271 = arith.constant 128 : i32
    %dma_start3A_272 = arith.constant 0 : i32
    %dma_start3A_273 = tpu.memref_slice %arg7[%dma_start3A_269, %dma_start3A_271, %dma_start3A_272] : memref<3x256x64xf32, #tpu.memory_space<vmem>> -> memref<1x128x64xf32, #tpu.memory_space<vmem>>
    %dma_start3A_274 = tpu.memref_squeeze %dma_start3A_273 : memref<1x128x64xf32, #tpu.memory_space<vmem>> -> memref<128x64xf32, #tpu.memory_space<vmem>>
    %dma_start3A_275 = arith.constant 0 : i32
    %dma_start3A_276 = tpu.memref_slice %arg6[%dma_start3A_268, %dma_start3A_275] : memref<16x128xi32, #tpu.memory_space<vmem>> -> memref<1x128xi32, #tpu.memory_space<vmem>>
    %dma_start3A_277 = tpu.memref_squeeze %dma_start3A_276 : memref<1x128xi32, #tpu.memory_space<vmem>> -> memref<128xi32, #tpu.memory_space<vmem>>
    %dma_start3A_278 = arith.constant 0 : i32
    %dma_start3A_279 = arith.constant 0 : i32
    %dma_start3A_280 = tpu.memref_slice %arg3[%dma_start3A_278, %dma_start3A_279] : memref<320432x64xf32, #tpu.memory_space<hbm>> -> memref<320432x64xf32, #tpu.memory_space<hbm>>
    %dma_start3A_281 = tpu.memref_slice %arg8[%dma_start3A_270] : memref<3x!tpu.dma_semaphore, #tpu.memory_space<semaphore_mem>> -> memref<1x!tpu.dma_semaphore, #tpu.memory_space<semaphore_mem>>
    %dma_start3A_282 = tpu.memref_squeeze %dma_start3A_281 : memref<1x!tpu.dma_semaphore, #tpu.memory_space<semaphore_mem>> -> memref<!tpu.dma_semaphore, #tpu.memory_space<semaphore_mem>>
    tpu.enqueue_indirect_dma source(%dma_start3A_280 : memref<320432x64xf32, #tpu.memory_space<hbm>>) target(%dma_start3A_274 : memref<128x64xf32, #tpu.memory_space<vmem>>) offsets(%dma_start3A_277 : memref<128xi32, #tpu.memory_space<vmem>>) semaphore(%dma_start3A_282 : memref<!tpu.dma_semaphore, #tpu.memory_space<semaphore_mem>>)
    %dma_wait3A_283 = arith.constant 4 : i32
    %dma_wait3A_284 = arith.constant 2 : i32
    %dma_wait3A_285 = arith.constant 2 : i32
    %dma_wait3A_286 = arith.constant 0 : i32
    %dma_wait3A_287 = arith.constant 0 : i32
    %dma_wait3A_288 = tpu.memref_slice %arg7[%dma_wait3A_284, %dma_wait3A_286, %dma_wait3A_287] : memref<3x256x64xf32, #tpu.memory_space<vmem>> -> memref<1x128x64xf32, #tpu.memory_space<vmem>>
    %dma_wait3A_289 = tpu.memref_squeeze %dma_wait3A_288 : memref<1x128x64xf32, #tpu.memory_space<vmem>> -> memref<128x64xf32, #tpu.memory_space<vmem>>
    %dma_wait3A_290 = arith.constant 0 : i32
    %dma_wait3A_291 = tpu.memref_slice %arg6[%dma_wait3A_283, %dma_wait3A_290] : memref<16x128xi32, #tpu.memory_space<vmem>> -> memref<1x128xi32, #tpu.memory_space<vmem>>
    %dma_wait3A_292 = tpu.memref_squeeze %dma_wait3A_291 : memref<1x128xi32, #tpu.memory_space<vmem>> -> memref<128xi32, #tpu.memory_space<vmem>>
    %dma_wait3A_293 = arith.constant 0 : i32
    %dma_wait3A_294 = arith.constant 0 : i32
    %dma_wait3A_295 = tpu.memref_slice %arg3[%dma_wait3A_293, %dma_wait3A_294] : memref<320432x64xf32, #tpu.memory_space<hbm>> -> memref<320432x64xf32, #tpu.memory_space<hbm>>
    %dma_wait3A_296 = tpu.memref_slice %arg8[%dma_wait3A_285] : memref<3x!tpu.dma_semaphore, #tpu.memory_space<semaphore_mem>> -> memref<1x!tpu.dma_semaphore, #tpu.memory_space<semaphore_mem>>
    %dma_wait3A_297 = tpu.memref_squeeze %dma_wait3A_296 : memref<1x!tpu.dma_semaphore, #tpu.memory_space<semaphore_mem>> -> memref<!tpu.dma_semaphore, #tpu.memory_space<semaphore_mem>>
    tpu.wait_indirect_dma semaphore(%dma_wait3A_297 : memref<!tpu.dma_semaphore, #tpu.memory_space<semaphore_mem>>) src(%dma_wait3A_295 : memref<320432x64xf32, #tpu.memory_space<hbm>>) dst(%dma_wait3A_289 : memref<128x64xf32, #tpu.memory_space<vmem>>)
    %dma_wait3A_298 = arith.constant 5 : i32
    %dma_wait3A_299 = arith.constant 2 : i32
    %dma_wait3A_300 = arith.constant 2 : i32
    %dma_wait3A_301 = arith.constant 128 : i32
    %dma_wait3A_302 = arith.constant 0 : i32
    %dma_wait3A_303 = tpu.memref_slice %arg7[%dma_wait3A_299, %dma_wait3A_301, %dma_wait3A_302] : memref<3x256x64xf32, #tpu.memory_space<vmem>> -> memref<1x128x64xf32, #tpu.memory_space<vmem>>
    %dma_wait3A_304 = tpu.memref_squeeze %dma_wait3A_303 : memref<1x128x64xf32, #tpu.memory_space<vmem>> -> memref<128x64xf32, #tpu.memory_space<vmem>>
    %dma_wait3A_305 = arith.constant 0 : i32
    %dma_wait3A_306 = tpu.memref_slice %arg6[%dma_wait3A_298, %dma_wait3A_305] : memref<16x128xi32, #tpu.memory_space<vmem>> -> memref<1x128xi32, #tpu.memory_space<vmem>>
    %dma_wait3A_307 = tpu.memref_squeeze %dma_wait3A_306 : memref<1x128xi32, #tpu.memory_space<vmem>> -> memref<128xi32, #tpu.memory_space<vmem>>
    %dma_wait3A_308 = arith.constant 0 : i32
    %dma_wait3A_309 = arith.constant 0 : i32
    %dma_wait3A_310 = tpu.memref_slice %arg3[%dma_wait3A_308, %dma_wait3A_309] : memref<320432x64xf32, #tpu.memory_space<hbm>> -> memref<320432x64xf32, #tpu.memory_space<hbm>>
    %dma_wait3A_311 = tpu.memref_slice %arg8[%dma_wait3A_300] : memref<3x!tpu.dma_semaphore, #tpu.memory_space<semaphore_mem>> -> memref<1x!tpu.dma_semaphore, #tpu.memory_space<semaphore_mem>>
    %dma_wait3A_312 = tpu.memref_squeeze %dma_wait3A_311 : memref<1x!tpu.dma_semaphore, #tpu.memory_space<semaphore_mem>> -> memref<!tpu.dma_semaphore, #tpu.memory_space<semaphore_mem>>
    tpu.wait_indirect_dma semaphore(%dma_wait3A_312 : memref<!tpu.dma_semaphore, #tpu.memory_space<semaphore_mem>>) src(%dma_wait3A_310 : memref<320432x64xf32, #tpu.memory_space<hbm>>) dst(%dma_wait3A_304 : memref<128x64xf32, #tpu.memory_space<vmem>>)
    %add3A_313 = arith.constant 32 : i32
    %add3A_314 = arith.addi %mul3A_2, %add3A_313 : i32
    %mul3A_315 = arith.constant 16 : i32
    %mul3A_316 = arith.muli %add3A_314, %mul3A_315 : i32
    %dma_start3A_317 = arith.constant 2 : i32
    %dma_start3A_318 = arith.constant 0 : i32
    %dma_start3A_319 = arith.constant 0 : i32
    %dma_start3A_320 = tpu.memref_slice %arg7[%dma_start3A_317, %dma_start3A_318, %dma_start3A_319] : memref<3x256x64xf32, #tpu.memory_space<vmem>> -> memref<1x256x64xf32, #tpu.memory_space<vmem>>
    %dma_start3A_321 = tpu.memref_squeeze %dma_start3A_320 : memref<1x256x64xf32, #tpu.memory_space<vmem>> -> memref<256x64xf32, #tpu.memory_space<vmem>>
    %dma_start3A_322 = arith.constant 0 : i32
    %dma_start3A_323 = tpu.memref_slice %arg4[%mul3A_316, %dma_start3A_322] : memref<65536x64xf32, #tpu.memory_space<hbm>> -> memref<256x64xf32, #tpu.memory_space<hbm>>
    %dma_start3A_324 = arith.constant 0 : i32
    %dma_start3A_325 = tpu.memref_slice %arg4[%mul3A_316, %dma_start3A_324] : memref<65536x64xf32, #tpu.memory_space<hbm>> -> memref<256x64xf32, #tpu.memory_space<hbm>>
    %dma_start3A_326 = arith.constant 0 : i32
    %dma_start3A_327 = arith.constant 0 : i32
    %dma_start3A_328 = tpu.memref_slice %arg7[%dma_start3A_317, %dma_start3A_326, %dma_start3A_327] : memref<3x256x64xf32, #tpu.memory_space<vmem>> -> memref<1x256x64xf32, #tpu.memory_space<vmem>>
    %dma_start3A_329 = tpu.memref_squeeze %dma_start3A_328 : memref<1x256x64xf32, #tpu.memory_space<vmem>> -> memref<256x64xf32, #tpu.memory_space<vmem>>
    tpu.enqueue_dma source(%dma_start3A_329 : memref<256x64xf32, #tpu.memory_space<vmem>>) target(%dma_start3A_325 : memref<256x64xf32, #tpu.memory_space<hbm>>) target_semaphore(%arg9 : memref<!tpu.dma_semaphore, #tpu.memory_space<semaphore_mem>>)
    %dma_wait3A_330 = arith.constant 2 : i32
    %dma_wait3A_331 = arith.constant 0 : i32
    %dma_wait3A_332 = arith.constant 0 : i32
    %dma_wait3A_333 = tpu.memref_slice %arg7[%dma_wait3A_330, %dma_wait3A_331, %dma_wait3A_332] : memref<3x256x64xf32, #tpu.memory_space<vmem>> -> memref<1x256x64xf32, #tpu.memory_space<vmem>>
    %dma_wait3A_334 = tpu.memref_squeeze %dma_wait3A_333 : memref<1x256x64xf32, #tpu.memory_space<vmem>> -> memref<256x64xf32, #tpu.memory_space<vmem>>
    %dma_wait3A_335 = arith.constant 0 : i32
    %dma_wait3A_336 = tpu.memref_slice %arg4[%mul3A_316, %dma_wait3A_335] : memref<65536x64xf32, #tpu.memory_space<hbm>> -> memref<256x64xf32, #tpu.memory_space<hbm>>
    %dma_wait3A_337 = arith.constant 0 : i32
    %dma_wait3A_338 = tpu.memref_slice %arg4[%mul3A_316, %dma_wait3A_337] : memref<65536x64xf32, #tpu.memory_space<hbm>> -> memref<256x64xf32, #tpu.memory_space<hbm>>
    %dma_wait3A_339 = arith.constant 0 : i32
    %dma_wait3A_340 = arith.constant 0 : i32
    %dma_wait3A_341 = tpu.memref_slice %arg7[%dma_wait3A_330, %dma_wait3A_339, %dma_wait3A_340] : memref<3x256x64xf32, #tpu.memory_space<vmem>> -> memref<1x256x64xf32, #tpu.memory_space<vmem>>
    %dma_wait3A_342 = tpu.memref_squeeze %dma_wait3A_341 : memref<1x256x64xf32, #tpu.memory_space<vmem>> -> memref<256x64xf32, #tpu.memory_space<vmem>>
    tpu.wait_dma2 semaphore(%arg9 : memref<!tpu.dma_semaphore, #tpu.memory_space<semaphore_mem>>) src(%dma_wait3A_342 : memref<256x64xf32, #tpu.memory_space<vmem>>) dst(%dma_wait3A_338 : memref<256x64xf32, #tpu.memory_space<hbm>>)
    %dma_start3A_343 = arith.constant 10 : i32
    %dma_start3A_344 = arith.constant 2 : i32
    %dma_start3A_345 = arith.constant 2 : i32
    %dma_start3A_346 = arith.constant 0 : i32
    %dma_start3A_347 = arith.constant 0 : i32
    %dma_start3A_348 = tpu.memref_slice %arg7[%dma_start3A_344, %dma_start3A_346, %dma_start3A_347] : memref<3x256x64xf32, #tpu.memory_space<vmem>> -> memref<1x128x64xf32, #tpu.memory_space<vmem>>
    %dma_start3A_349 = tpu.memref_squeeze %dma_start3A_348 : memref<1x128x64xf32, #tpu.memory_space<vmem>> -> memref<128x64xf32, #tpu.memory_space<vmem>>
    %dma_start3A_350 = arith.constant 0 : i32
    %dma_start3A_351 = tpu.memref_slice %arg6[%dma_start3A_343, %dma_start3A_350] : memref<16x128xi32, #tpu.memory_space<vmem>> -> memref<1x128xi32, #tpu.memory_space<vmem>>
    %dma_start3A_352 = tpu.memref_squeeze %dma_start3A_351 : memref<1x128xi32, #tpu.memory_space<vmem>> -> memref<128xi32, #tpu.memory_space<vmem>>
    %dma_start3A_353 = arith.constant 0 : i32
    %dma_start3A_354 = arith.constant 0 : i32
    %dma_start3A_355 = tpu.memref_slice %arg3[%dma_start3A_353, %dma_start3A_354] : memref<320432x64xf32, #tpu.memory_space<hbm>> -> memref<320432x64xf32, #tpu.memory_space<hbm>>
    %dma_start3A_356 = tpu.memref_slice %arg8[%dma_start3A_345] : memref<3x!tpu.dma_semaphore, #tpu.memory_space<semaphore_mem>> -> memref<1x!tpu.dma_semaphore, #tpu.memory_space<semaphore_mem>>
    %dma_start3A_357 = tpu.memref_squeeze %dma_start3A_356 : memref<1x!tpu.dma_semaphore, #tpu.memory_space<semaphore_mem>> -> memref<!tpu.dma_semaphore, #tpu.memory_space<semaphore_mem>>
    tpu.enqueue_indirect_dma source(%dma_start3A_355 : memref<320432x64xf32, #tpu.memory_space<hbm>>) target(%dma_start3A_349 : memref<128x64xf32, #tpu.memory_space<vmem>>) offsets(%dma_start3A_352 : memref<128xi32, #tpu.memory_space<vmem>>) semaphore(%dma_start3A_357 : memref<!tpu.dma_semaphore, #tpu.memory_space<semaphore_mem>>)
    %dma_start3A_358 = arith.constant 11 : i32
    %dma_start3A_359 = arith.constant 2 : i32
    %dma_start3A_360 = arith.constant 2 : i32
    %dma_start3A_361 = arith.constant 128 : i32
    %dma_start3A_362 = arith.constant 0 : i32
    %dma_start3A_363 = tpu.memref_slice %arg7[%dma_start3A_359, %dma_start3A_361, %dma_start3A_362] : memref<3x256x64xf32, #tpu.memory_space<vmem>> -> memref<1x128x64xf32, #tpu.memory_space<vmem>>
    %dma_start3A_364 = tpu.memref_squeeze %dma_start3A_363 : memref<1x128x64xf32, #tpu.memory_space<vmem>> -> memref<128x64xf32, #tpu.memory_space<vmem>>
    %dma_start3A_365 = arith.constant 0 : i32
    %dma_start3A_366 = tpu.memref_slice %arg6[%dma_start3A_358, %dma_start3A_365] : memref<16x128xi32, #tpu.memory_space<vmem>> -> memref<1x128xi32, #tpu.memory_space<vmem>>
    %dma_start3A_367 = tpu.memref_squeeze %dma_start3A_366 : memref<1x128xi32, #tpu.memory_space<vmem>> -> memref<128xi32, #tpu.memory_space<vmem>>
    %dma_start3A_368 = arith.constant 0 : i32
    %dma_start3A_369 = arith.constant 0 : i32
    %dma_start3A_370 = tpu.memref_slice %arg3[%dma_start3A_368, %dma_start3A_369] : memref<320432x64xf32, #tpu.memory_space<hbm>> -> memref<320432x64xf32, #tpu.memory_space<hbm>>
    %dma_start3A_371 = tpu.memref_slice %arg8[%dma_start3A_360] : memref<3x!tpu.dma_semaphore, #tpu.memory_space<semaphore_mem>> -> memref<1x!tpu.dma_semaphore, #tpu.memory_space<semaphore_mem>>
    %dma_start3A_372 = tpu.memref_squeeze %dma_start3A_371 : memref<1x!tpu.dma_semaphore, #tpu.memory_space<semaphore_mem>> -> memref<!tpu.dma_semaphore, #tpu.memory_space<semaphore_mem>>
    tpu.enqueue_indirect_dma source(%dma_start3A_370 : memref<320432x64xf32, #tpu.memory_space<hbm>>) target(%dma_start3A_364 : memref<128x64xf32, #tpu.memory_space<vmem>>) offsets(%dma_start3A_367 : memref<128xi32, #tpu.memory_space<vmem>>) semaphore(%dma_start3A_372 : memref<!tpu.dma_semaphore, #tpu.memory_space<semaphore_mem>>)
    %dma_wait3A_373 = arith.constant 6 : i32
    %dma_wait3A_374 = arith.constant 0 : i32
    %dma_wait3A_375 = arith.constant 0 : i32
    %dma_wait3A_376 = arith.constant 0 : i32
    %dma_wait3A_377 = arith.constant 0 : i32
    %dma_wait3A_378 = tpu.memref_slice %arg7[%dma_wait3A_374, %dma_wait3A_376, %dma_wait3A_377] : memref<3x256x64xf32, #tpu.memory_space<vmem>> -> memref<1x128x64xf32, #tpu.memory_space<vmem>>
    %dma_wait3A_379 = tpu.memref_squeeze %dma_wait3A_378 : memref<1x128x64xf32, #tpu.memory_space<vmem>> -> memref<128x64xf32, #tpu.memory_space<vmem>>
    %dma_wait3A_380 = arith.constant 0 : i32
    %dma_wait3A_381 = tpu.memref_slice %arg6[%dma_wait3A_373, %dma_wait3A_380] : memref<16x128xi32, #tpu.memory_space<vmem>> -> memref<1x128xi32, #tpu.memory_space<vmem>>
    %dma_wait3A_382 = tpu.memref_squeeze %dma_wait3A_381 : memref<1x128xi32, #tpu.memory_space<vmem>> -> memref<128xi32, #tpu.memory_space<vmem>>
    %dma_wait3A_383 = arith.constant 0 : i32
    %dma_wait3A_384 = arith.constant 0 : i32
    %dma_wait3A_385 = tpu.memref_slice %arg3[%dma_wait3A_383, %dma_wait3A_384] : memref<320432x64xf32, #tpu.memory_space<hbm>> -> memref<320432x64xf32, #tpu.memory_space<hbm>>
    %dma_wait3A_386 = tpu.memref_slice %arg8[%dma_wait3A_375] : memref<3x!tpu.dma_semaphore, #tpu.memory_space<semaphore_mem>> -> memref<1x!tpu.dma_semaphore, #tpu.memory_space<semaphore_mem>>
    %dma_wait3A_387 = tpu.memref_squeeze %dma_wait3A_386 : memref<1x!tpu.dma_semaphore, #tpu.memory_space<semaphore_mem>> -> memref<!tpu.dma_semaphore, #tpu.memory_space<semaphore_mem>>
    tpu.wait_indirect_dma semaphore(%dma_wait3A_387 : memref<!tpu.dma_semaphore, #tpu.memory_space<semaphore_mem>>) src(%dma_wait3A_385 : memref<320432x64xf32, #tpu.memory_space<hbm>>) dst(%dma_wait3A_379 : memref<128x64xf32, #tpu.memory_space<vmem>>)
    %dma_wait3A_388 = arith.constant 7 : i32
    %dma_wait3A_389 = arith.constant 0 : i32
    %dma_wait3A_390 = arith.constant 0 : i32
    %dma_wait3A_391 = arith.constant 128 : i32
    %dma_wait3A_392 = arith.constant 0 : i32
    %dma_wait3A_393 = tpu.memref_slice %arg7[%dma_wait3A_389, %dma_wait3A_391, %dma_wait3A_392] : memref<3x256x64xf32, #tpu.memory_space<vmem>> -> memref<1x128x64xf32, #tpu.memory_space<vmem>>
    %dma_wait3A_394 = tpu.memref_squeeze %dma_wait3A_393 : memref<1x128x64xf32, #tpu.memory_space<vmem>> -> memref<128x64xf32, #tpu.memory_space<vmem>>
    %dma_wait3A_395 = arith.constant 0 : i32
    %dma_wait3A_396 = tpu.memref_slice %arg6[%dma_wait3A_388, %dma_wait3A_395] : memref<16x128xi32, #tpu.memory_space<vmem>> -> memref<1x128xi32, #tpu.memory_space<vmem>>
    %dma_wait3A_397 = tpu.memref_squeeze %dma_wait3A_396 : memref<1x128xi32, #tpu.memory_space<vmem>> -> memref<128xi32, #tpu.memory_space<vmem>>
    %dma_wait3A_398 = arith.constant 0 : i32
    %dma_wait3A_399 = arith.constant 0 : i32
    %dma_wait3A_400 = tpu.memref_slice %arg3[%dma_wait3A_398, %dma_wait3A_399] : memref<320432x64xf32, #tpu.memory_space<hbm>> -> memref<320432x64xf32, #tpu.memory_space<hbm>>
    %dma_wait3A_401 = tpu.memref_slice %arg8[%dma_wait3A_390] : memref<3x!tpu.dma_semaphore, #tpu.memory_space<semaphore_mem>> -> memref<1x!tpu.dma_semaphore, #tpu.memory_space<semaphore_mem>>
    %dma_wait3A_402 = tpu.memref_squeeze %dma_wait3A_401 : memref<1x!tpu.dma_semaphore, #tpu.memory_space<semaphore_mem>> -> memref<!tpu.dma_semaphore, #tpu.memory_space<semaphore_mem>>
    tpu.wait_indirect_dma semaphore(%dma_wait3A_402 : memref<!tpu.dma_semaphore, #tpu.memory_space<semaphore_mem>>) src(%dma_wait3A_400 : memref<320432x64xf32, #tpu.memory_space<hbm>>) dst(%dma_wait3A_394 : memref<128x64xf32, #tpu.memory_space<vmem>>)
    %add3A_403 = arith.constant 48 : i32
    %add3A_404 = arith.addi %mul3A_2, %add3A_403 : i32
    %mul3A_405 = arith.constant 16 : i32
    %mul3A_406 = arith.muli %add3A_404, %mul3A_405 : i32
    %dma_start3A_407 = arith.constant 0 : i32
    %dma_start3A_408 = arith.constant 0 : i32
    %dma_start3A_409 = arith.constant 0 : i32
    %dma_start3A_410 = tpu.memref_slice %arg7[%dma_start3A_407, %dma_start3A_408, %dma_start3A_409] : memref<3x256x64xf32, #tpu.memory_space<vmem>> -> memref<1x256x64xf32, #tpu.memory_space<vmem>>
    %dma_start3A_411 = tpu.memref_squeeze %dma_start3A_410 : memref<1x256x64xf32, #tpu.memory_space<vmem>> -> memref<256x64xf32, #tpu.memory_space<vmem>>
    %dma_start3A_412 = arith.constant 0 : i32
    %dma_start3A_413 = tpu.memref_slice %arg4[%mul3A_406, %dma_start3A_412] : memref<65536x64xf32, #tpu.memory_space<hbm>> -> memref<256x64xf32, #tpu.memory_space<hbm>>
    %dma_start3A_414 = arith.constant 0 : i32
    %dma_start3A_415 = tpu.memref_slice %arg4[%mul3A_406, %dma_start3A_414] : memref<65536x64xf32, #tpu.memory_space<hbm>> -> memref<256x64xf32, #tpu.memory_space<hbm>>
    %dma_start3A_416 = arith.constant 0 : i32
    %dma_start3A_417 = arith.constant 0 : i32
    %dma_start3A_418 = tpu.memref_slice %arg7[%dma_start3A_407, %dma_start3A_416, %dma_start3A_417] : memref<3x256x64xf32, #tpu.memory_space<vmem>> -> memref<1x256x64xf32, #tpu.memory_space<vmem>>
    %dma_start3A_419 = tpu.memref_squeeze %dma_start3A_418 : memref<1x256x64xf32, #tpu.memory_space<vmem>> -> memref<256x64xf32, #tpu.memory_space<vmem>>
    tpu.enqueue_dma source(%dma_start3A_419 : memref<256x64xf32, #tpu.memory_space<vmem>>) target(%dma_start3A_415 : memref<256x64xf32, #tpu.memory_space<hbm>>) target_semaphore(%arg9 : memref<!tpu.dma_semaphore, #tpu.memory_space<semaphore_mem>>)
    %dma_wait3A_420 = arith.constant 0 : i32
    %dma_wait3A_421 = arith.constant 0 : i32
    %dma_wait3A_422 = arith.constant 0 : i32
    %dma_wait3A_423 = tpu.memref_slice %arg7[%dma_wait3A_420, %dma_wait3A_421, %dma_wait3A_422] : memref<3x256x64xf32, #tpu.memory_space<vmem>> -> memref<1x256x64xf32, #tpu.memory_space<vmem>>
    %dma_wait3A_424 = tpu.memref_squeeze %dma_wait3A_423 : memref<1x256x64xf32, #tpu.memory_space<vmem>> -> memref<256x64xf32, #tpu.memory_space<vmem>>
    %dma_wait3A_425 = arith.constant 0 : i32
    %dma_wait3A_426 = tpu.memref_slice %arg4[%mul3A_406, %dma_wait3A_425] : memref<65536x64xf32, #tpu.memory_space<hbm>> -> memref<256x64xf32, #tpu.memory_space<hbm>>
    %dma_wait3A_427 = arith.constant 0 : i32
    %dma_wait3A_428 = tpu.memref_slice %arg4[%mul3A_406, %dma_wait3A_427] : memref<65536x64xf32, #tpu.memory_space<hbm>> -> memref<256x64xf32, #tpu.memory_space<hbm>>
    %dma_wait3A_429 = arith.constant 0 : i32
    %dma_wait3A_430 = arith.constant 0 : i32
    %dma_wait3A_431 = tpu.memref_slice %arg7[%dma_wait3A_420, %dma_wait3A_429, %dma_wait3A_430] : memref<3x256x64xf32, #tpu.memory_space<vmem>> -> memref<1x256x64xf32, #tpu.memory_space<vmem>>
    %dma_wait3A_432 = tpu.memref_squeeze %dma_wait3A_431 : memref<1x256x64xf32, #tpu.memory_space<vmem>> -> memref<256x64xf32, #tpu.memory_space<vmem>>
    tpu.wait_dma2 semaphore(%arg9 : memref<!tpu.dma_semaphore, #tpu.memory_space<semaphore_mem>>) src(%dma_wait3A_432 : memref<256x64xf32, #tpu.memory_space<vmem>>) dst(%dma_wait3A_428 : memref<256x64xf32, #tpu.memory_space<hbm>>)
    %dma_start3A_433 = arith.constant 12 : i32
    %dma_start3A_434 = arith.constant 0 : i32
    %dma_start3A_435 = arith.constant 0 : i32
    %dma_start3A_436 = arith.constant 0 : i32
    %dma_start3A_437 = arith.constant 0 : i32
    %dma_start3A_438 = tpu.memref_slice %arg7[%dma_start3A_434, %dma_start3A_436, %dma_start3A_437] : memref<3x256x64xf32, #tpu.memory_space<vmem>> -> memref<1x128x64xf32, #tpu.memory_space<vmem>>
    %dma_start3A_439 = tpu.memref_squeeze %dma_start3A_438 : memref<1x128x64xf32, #tpu.memory_space<vmem>> -> memref<128x64xf32, #tpu.memory_space<vmem>>
    %dma_start3A_440 = arith.constant 0 : i32
    %dma_start3A_441 = tpu.memref_slice %arg6[%dma_start3A_433, %dma_start3A_440] : memref<16x128xi32, #tpu.memory_space<vmem>> -> memref<1x128xi32, #tpu.memory_space<vmem>>
    %dma_start3A_442 = tpu.memref_squeeze %dma_start3A_441 : memref<1x128xi32, #tpu.memory_space<vmem>> -> memref<128xi32, #tpu.memory_space<vmem>>
    %dma_start3A_443 = arith.constant 0 : i32
    %dma_start3A_444 = arith.constant 0 : i32
    %dma_start3A_445 = tpu.memref_slice %arg3[%dma_start3A_443, %dma_start3A_444] : memref<320432x64xf32, #tpu.memory_space<hbm>> -> memref<320432x64xf32, #tpu.memory_space<hbm>>
    %dma_start3A_446 = tpu.memref_slice %arg8[%dma_start3A_435] : memref<3x!tpu.dma_semaphore, #tpu.memory_space<semaphore_mem>> -> memref<1x!tpu.dma_semaphore, #tpu.memory_space<semaphore_mem>>
    %dma_start3A_447 = tpu.memref_squeeze %dma_start3A_446 : memref<1x!tpu.dma_semaphore, #tpu.memory_space<semaphore_mem>> -> memref<!tpu.dma_semaphore, #tpu.memory_space<semaphore_mem>>
    tpu.enqueue_indirect_dma source(%dma_start3A_445 : memref<320432x64xf32, #tpu.memory_space<hbm>>) target(%dma_start3A_439 : memref<128x64xf32, #tpu.memory_space<vmem>>) offsets(%dma_start3A_442 : memref<128xi32, #tpu.memory_space<vmem>>) semaphore(%dma_start3A_447 : memref<!tpu.dma_semaphore, #tpu.memory_space<semaphore_mem>>)
    %dma_start3A_448 = arith.constant 13 : i32
    %dma_start3A_449 = arith.constant 0 : i32
    %dma_start3A_450 = arith.constant 0 : i32
    %dma_start3A_451 = arith.constant 128 : i32
    %dma_start3A_452 = arith.constant 0 : i32
    %dma_start3A_453 = tpu.memref_slice %arg7[%dma_start3A_449, %dma_start3A_451, %dma_start3A_452] : memref<3x256x64xf32, #tpu.memory_space<vmem>> -> memref<1x128x64xf32, #tpu.memory_space<vmem>>
    %dma_start3A_454 = tpu.memref_squeeze %dma_start3A_453 : memref<1x128x64xf32, #tpu.memory_space<vmem>> -> memref<128x64xf32, #tpu.memory_space<vmem>>
    %dma_start3A_455 = arith.constant 0 : i32
    %dma_start3A_456 = tpu.memref_slice %arg6[%dma_start3A_448, %dma_start3A_455] : memref<16x128xi32, #tpu.memory_space<vmem>> -> memref<1x128xi32, #tpu.memory_space<vmem>>
    %dma_start3A_457 = tpu.memref_squeeze %dma_start3A_456 : memref<1x128xi32, #tpu.memory_space<vmem>> -> memref<128xi32, #tpu.memory_space<vmem>>
    %dma_start3A_458 = arith.constant 0 : i32
    %dma_start3A_459 = arith.constant 0 : i32
    %dma_start3A_460 = tpu.memref_slice %arg3[%dma_start3A_458, %dma_start3A_459] : memref<320432x64xf32, #tpu.memory_space<hbm>> -> memref<320432x64xf32, #tpu.memory_space<hbm>>
    %dma_start3A_461 = tpu.memref_slice %arg8[%dma_start3A_450] : memref<3x!tpu.dma_semaphore, #tpu.memory_space<semaphore_mem>> -> memref<1x!tpu.dma_semaphore, #tpu.memory_space<semaphore_mem>>
    %dma_start3A_462 = tpu.memref_squeeze %dma_start3A_461 : memref<1x!tpu.dma_semaphore, #tpu.memory_space<semaphore_mem>> -> memref<!tpu.dma_semaphore, #tpu.memory_space<semaphore_mem>>
    tpu.enqueue_indirect_dma source(%dma_start3A_460 : memref<320432x64xf32, #tpu.memory_space<hbm>>) target(%dma_start3A_454 : memref<128x64xf32, #tpu.memory_space<vmem>>) offsets(%dma_start3A_457 : memref<128xi32, #tpu.memory_space<vmem>>) semaphore(%dma_start3A_462 : memref<!tpu.dma_semaphore, #tpu.memory_space<semaphore_mem>>)
    %dma_wait3A_463 = arith.constant 8 : i32
    %dma_wait3A_464 = arith.constant 1 : i32
    %dma_wait3A_465 = arith.constant 1 : i32
    %dma_wait3A_466 = arith.constant 0 : i32
    %dma_wait3A_467 = arith.constant 0 : i32
    %dma_wait3A_468 = tpu.memref_slice %arg7[%dma_wait3A_464, %dma_wait3A_466, %dma_wait3A_467] : memref<3x256x64xf32, #tpu.memory_space<vmem>> -> memref<1x128x64xf32, #tpu.memory_space<vmem>>
    %dma_wait3A_469 = tpu.memref_squeeze %dma_wait3A_468 : memref<1x128x64xf32, #tpu.memory_space<vmem>> -> memref<128x64xf32, #tpu.memory_space<vmem>>
    %dma_wait3A_470 = arith.constant 0 : i32
    %dma_wait3A_471 = tpu.memref_slice %arg6[%dma_wait3A_463, %dma_wait3A_470] : memref<16x128xi32, #tpu.memory_space<vmem>> -> memref<1x128xi32, #tpu.memory_space<vmem>>
    %dma_wait3A_472 = tpu.memref_squeeze %dma_wait3A_471 : memref<1x128xi32, #tpu.memory_space<vmem>> -> memref<128xi32, #tpu.memory_space<vmem>>
    %dma_wait3A_473 = arith.constant 0 : i32
    %dma_wait3A_474 = arith.constant 0 : i32
    %dma_wait3A_475 = tpu.memref_slice %arg3[%dma_wait3A_473, %dma_wait3A_474] : memref<320432x64xf32, #tpu.memory_space<hbm>> -> memref<320432x64xf32, #tpu.memory_space<hbm>>
    %dma_wait3A_476 = tpu.memref_slice %arg8[%dma_wait3A_465] : memref<3x!tpu.dma_semaphore, #tpu.memory_space<semaphore_mem>> -> memref<1x!tpu.dma_semaphore, #tpu.memory_space<semaphore_mem>>
    %dma_wait3A_477 = tpu.memref_squeeze %dma_wait3A_476 : memref<1x!tpu.dma_semaphore, #tpu.memory_space<semaphore_mem>> -> memref<!tpu.dma_semaphore, #tpu.memory_space<semaphore_mem>>
    tpu.wait_indirect_dma semaphore(%dma_wait3A_477 : memref<!tpu.dma_semaphore, #tpu.memory_space<semaphore_mem>>) src(%dma_wait3A_475 : memref<320432x64xf32, #tpu.memory_space<hbm>>) dst(%dma_wait3A_469 : memref<128x64xf32, #tpu.memory_space<vmem>>)
    %dma_wait3A_478 = arith.constant 9 : i32
    %dma_wait3A_479 = arith.constant 1 : i32
    %dma_wait3A_480 = arith.constant 1 : i32
    %dma_wait3A_481 = arith.constant 128 : i32
    %dma_wait3A_482 = arith.constant 0 : i32
    %dma_wait3A_483 = tpu.memref_slice %arg7[%dma_wait3A_479, %dma_wait3A_481, %dma_wait3A_482] : memref<3x256x64xf32, #tpu.memory_space<vmem>> -> memref<1x128x64xf32, #tpu.memory_space<vmem>>
    %dma_wait3A_484 = tpu.memref_squeeze %dma_wait3A_483 : memref<1x128x64xf32, #tpu.memory_space<vmem>> -> memref<128x64xf32, #tpu.memory_space<vmem>>
    %dma_wait3A_485 = arith.constant 0 : i32
    %dma_wait3A_486 = tpu.memref_slice %arg6[%dma_wait3A_478, %dma_wait3A_485] : memref<16x128xi32, #tpu.memory_space<vmem>> -> memref<1x128xi32, #tpu.memory_space<vmem>>
    %dma_wait3A_487 = tpu.memref_squeeze %dma_wait3A_486 : memref<1x128xi32, #tpu.memory_space<vmem>> -> memref<128xi32, #tpu.memory_space<vmem>>
    %dma_wait3A_488 = arith.constant 0 : i32
    %dma_wait3A_489 = arith.constant 0 : i32
    %dma_wait3A_490 = tpu.memref_slice %arg3[%dma_wait3A_488, %dma_wait3A_489] : memref<320432x64xf32, #tpu.memory_space<hbm>> -> memref<320432x64xf32, #tpu.memory_space<hbm>>
    %dma_wait3A_491 = tpu.memref_slice %arg8[%dma_wait3A_480] : memref<3x!tpu.dma_semaphore, #tpu.memory_space<semaphore_mem>> -> memref<1x!tpu.dma_semaphore, #tpu.memory_space<semaphore_mem>>
    %dma_wait3A_492 = tpu.memref_squeeze %dma_wait3A_491 : memref<1x!tpu.dma_semaphore, #tpu.memory_space<semaphore_mem>> -> memref<!tpu.dma_semaphore, #tpu.memory_space<semaphore_mem>>
    tpu.wait_indirect_dma semaphore(%dma_wait3A_492 : memref<!tpu.dma_semaphore, #tpu.memory_space<semaphore_mem>>) src(%dma_wait3A_490 : memref<320432x64xf32, #tpu.memory_space<hbm>>) dst(%dma_wait3A_484 : memref<128x64xf32, #tpu.memory_space<vmem>>)
    %add3A_493 = arith.constant 64 : i32
    %add3A_494 = arith.addi %mul3A_2, %add3A_493 : i32
    %mul3A_495 = arith.constant 16 : i32
    %mul3A_496 = arith.muli %add3A_494, %mul3A_495 : i32
    %dma_start3A_497 = arith.constant 1 : i32
    %dma_start3A_498 = arith.constant 0 : i32
    %dma_start3A_499 = arith.constant 0 : i32
    %dma_start3A_500 = tpu.memref_slice %arg7[%dma_start3A_497, %dma_start3A_498, %dma_start3A_499] : memref<3x256x64xf32, #tpu.memory_space<vmem>> -> memref<1x256x64xf32, #tpu.memory_space<vmem>>
    %dma_start3A_501 = tpu.memref_squeeze %dma_start3A_500 : memref<1x256x64xf32, #tpu.memory_space<vmem>> -> memref<256x64xf32, #tpu.memory_space<vmem>>
    %dma_start3A_502 = arith.constant 0 : i32
    %dma_start3A_503 = tpu.memref_slice %arg4[%mul3A_496, %dma_start3A_502] : memref<65536x64xf32, #tpu.memory_space<hbm>> -> memref<256x64xf32, #tpu.memory_space<hbm>>
    %dma_start3A_504 = arith.constant 0 : i32
    %dma_start3A_505 = tpu.memref_slice %arg4[%mul3A_496, %dma_start3A_504] : memref<65536x64xf32, #tpu.memory_space<hbm>> -> memref<256x64xf32, #tpu.memory_space<hbm>>
    %dma_start3A_506 = arith.constant 0 : i32
    %dma_start3A_507 = arith.constant 0 : i32
    %dma_start3A_508 = tpu.memref_slice %arg7[%dma_start3A_497, %dma_start3A_506, %dma_start3A_507] : memref<3x256x64xf32, #tpu.memory_space<vmem>> -> memref<1x256x64xf32, #tpu.memory_space<vmem>>
    %dma_start3A_509 = tpu.memref_squeeze %dma_start3A_508 : memref<1x256x64xf32, #tpu.memory_space<vmem>> -> memref<256x64xf32, #tpu.memory_space<vmem>>
    tpu.enqueue_dma source(%dma_start3A_509 : memref<256x64xf32, #tpu.memory_space<vmem>>) target(%dma_start3A_505 : memref<256x64xf32, #tpu.memory_space<hbm>>) target_semaphore(%arg9 : memref<!tpu.dma_semaphore, #tpu.memory_space<semaphore_mem>>)
    %dma_wait3A_510 = arith.constant 1 : i32
    %dma_wait3A_511 = arith.constant 0 : i32
    %dma_wait3A_512 = arith.constant 0 : i32
    %dma_wait3A_513 = tpu.memref_slice %arg7[%dma_wait3A_510, %dma_wait3A_511, %dma_wait3A_512] : memref<3x256x64xf32, #tpu.memory_space<vmem>> -> memref<1x256x64xf32, #tpu.memory_space<vmem>>
    %dma_wait3A_514 = tpu.memref_squeeze %dma_wait3A_513 : memref<1x256x64xf32, #tpu.memory_space<vmem>> -> memref<256x64xf32, #tpu.memory_space<vmem>>
    %dma_wait3A_515 = arith.constant 0 : i32
    %dma_wait3A_516 = tpu.memref_slice %arg4[%mul3A_496, %dma_wait3A_515] : memref<65536x64xf32, #tpu.memory_space<hbm>> -> memref<256x64xf32, #tpu.memory_space<hbm>>
    %dma_wait3A_517 = arith.constant 0 : i32
    %dma_wait3A_518 = tpu.memref_slice %arg4[%mul3A_496, %dma_wait3A_517] : memref<65536x64xf32, #tpu.memory_space<hbm>> -> memref<256x64xf32, #tpu.memory_space<hbm>>
    %dma_wait3A_519 = arith.constant 0 : i32
    %dma_wait3A_520 = arith.constant 0 : i32
    %dma_wait3A_521 = tpu.memref_slice %arg7[%dma_wait3A_510, %dma_wait3A_519, %dma_wait3A_520] : memref<3x256x64xf32, #tpu.memory_space<vmem>> -> memref<1x256x64xf32, #tpu.memory_space<vmem>>
    %dma_wait3A_522 = tpu.memref_squeeze %dma_wait3A_521 : memref<1x256x64xf32, #tpu.memory_space<vmem>> -> memref<256x64xf32, #tpu.memory_space<vmem>>
    tpu.wait_dma2 semaphore(%arg9 : memref<!tpu.dma_semaphore, #tpu.memory_space<semaphore_mem>>) src(%dma_wait3A_522 : memref<256x64xf32, #tpu.memory_space<vmem>>) dst(%dma_wait3A_518 : memref<256x64xf32, #tpu.memory_space<hbm>>)
    %dma_start3A_523 = arith.constant 14 : i32
    %dma_start3A_524 = arith.constant 1 : i32
    %dma_start3A_525 = arith.constant 1 : i32
    %dma_start3A_526 = arith.constant 0 : i32
    %dma_start3A_527 = arith.constant 0 : i32
    %dma_start3A_528 = tpu.memref_slice %arg7[%dma_start3A_524, %dma_start3A_526, %dma_start3A_527] : memref<3x256x64xf32, #tpu.memory_space<vmem>> -> memref<1x128x64xf32, #tpu.memory_space<vmem>>
    %dma_start3A_529 = tpu.memref_squeeze %dma_start3A_528 : memref<1x128x64xf32, #tpu.memory_space<vmem>> -> memref<128x64xf32, #tpu.memory_space<vmem>>
    %dma_start3A_530 = arith.constant 0 : i32
    %dma_start3A_531 = tpu.memref_slice %arg6[%dma_start3A_523, %dma_start3A_530] : memref<16x128xi32, #tpu.memory_space<vmem>> -> memref<1x128xi32, #tpu.memory_space<vmem>>
    %dma_start3A_532 = tpu.memref_squeeze %dma_start3A_531 : memref<1x128xi32, #tpu.memory_space<vmem>> -> memref<128xi32, #tpu.memory_space<vmem>>
    %dma_start3A_533 = arith.constant 0 : i32
    %dma_start3A_534 = arith.constant 0 : i32
    %dma_start3A_535 = tpu.memref_slice %arg3[%dma_start3A_533, %dma_start3A_534] : memref<320432x64xf32, #tpu.memory_space<hbm>> -> memref<320432x64xf32, #tpu.memory_space<hbm>>
    %dma_start3A_536 = tpu.memref_slice %arg8[%dma_start3A_525] : memref<3x!tpu.dma_semaphore, #tpu.memory_space<semaphore_mem>> -> memref<1x!tpu.dma_semaphore, #tpu.memory_space<semaphore_mem>>
    %dma_start3A_537 = tpu.memref_squeeze %dma_start3A_536 : memref<1x!tpu.dma_semaphore, #tpu.memory_space<semaphore_mem>> -> memref<!tpu.dma_semaphore, #tpu.memory_space<semaphore_mem>>
    tpu.enqueue_indirect_dma source(%dma_start3A_535 : memref<320432x64xf32, #tpu.memory_space<hbm>>) target(%dma_start3A_529 : memref<128x64xf32, #tpu.memory_space<vmem>>) offsets(%dma_start3A_532 : memref<128xi32, #tpu.memory_space<vmem>>) semaphore(%dma_start3A_537 : memref<!tpu.dma_semaphore, #tpu.memory_space<semaphore_mem>>)
    %dma_start3A_538 = arith.constant 15 : i32
    %dma_start3A_539 = arith.constant 1 : i32
    %dma_start3A_540 = arith.constant 1 : i32
    %dma_start3A_541 = arith.constant 128 : i32
    %dma_start3A_542 = arith.constant 0 : i32
    %dma_start3A_543 = tpu.memref_slice %arg7[%dma_start3A_539, %dma_start3A_541, %dma_start3A_542] : memref<3x256x64xf32, #tpu.memory_space<vmem>> -> memref<1x128x64xf32, #tpu.memory_space<vmem>>
    %dma_start3A_544 = tpu.memref_squeeze %dma_start3A_543 : memref<1x128x64xf32, #tpu.memory_space<vmem>> -> memref<128x64xf32, #tpu.memory_space<vmem>>
    %dma_start3A_545 = arith.constant 0 : i32
    %dma_start3A_546 = tpu.memref_slice %arg6[%dma_start3A_538, %dma_start3A_545] : memref<16x128xi32, #tpu.memory_space<vmem>> -> memref<1x128xi32, #tpu.memory_space<vmem>>
    %dma_start3A_547 = tpu.memref_squeeze %dma_start3A_546 : memref<1x128xi32, #tpu.memory_space<vmem>> -> memref<128xi32, #tpu.memory_space<vmem>>
    %dma_start3A_548 = arith.constant 0 : i32
    %dma_start3A_549 = arith.constant 0 : i32
    %dma_start3A_550 = tpu.memref_slice %arg3[%dma_start3A_548, %dma_start3A_549] : memref<320432x64xf32, #tpu.memory_space<hbm>> -> memref<320432x64xf32, #tpu.memory_space<hbm>>
    %dma_start3A_551 = tpu.memref_slice %arg8[%dma_start3A_540] : memref<3x!tpu.dma_semaphore, #tpu.memory_space<semaphore_mem>> -> memref<1x!tpu.dma_semaphore, #tpu.memory_space<semaphore_mem>>
    %dma_start3A_552 = tpu.memref_squeeze %dma_start3A_551 : memref<1x!tpu.dma_semaphore, #tpu.memory_space<semaphore_mem>> -> memref<!tpu.dma_semaphore, #tpu.memory_space<semaphore_mem>>
    tpu.enqueue_indirect_dma source(%dma_start3A_550 : memref<320432x64xf32, #tpu.memory_space<hbm>>) target(%dma_start3A_544 : memref<128x64xf32, #tpu.memory_space<vmem>>) offsets(%dma_start3A_547 : memref<128xi32, #tpu.memory_space<vmem>>) semaphore(%dma_start3A_552 : memref<!tpu.dma_semaphore, #tpu.memory_space<semaphore_mem>>)
    %dma_wait3A_553 = arith.constant 10 : i32
    %dma_wait3A_554 = arith.constant 2 : i32
    %dma_wait3A_555 = arith.constant 2 : i32
    %dma_wait3A_556 = arith.constant 0 : i32
    %dma_wait3A_557 = arith.constant 0 : i32
    %dma_wait3A_558 = tpu.memref_slice %arg7[%dma_wait3A_554, %dma_wait3A_556, %dma_wait3A_557] : memref<3x256x64xf32, #tpu.memory_space<vmem>> -> memref<1x128x64xf32, #tpu.memory_space<vmem>>
    %dma_wait3A_559 = tpu.memref_squeeze %dma_wait3A_558 : memref<1x128x64xf32, #tpu.memory_space<vmem>> -> memref<128x64xf32, #tpu.memory_space<vmem>>
    %dma_wait3A_560 = arith.constant 0 : i32
    %dma_wait3A_561 = tpu.memref_slice %arg6[%dma_wait3A_553, %dma_wait3A_560] : memref<16x128xi32, #tpu.memory_space<vmem>> -> memref<1x128xi32, #tpu.memory_space<vmem>>
    %dma_wait3A_562 = tpu.memref_squeeze %dma_wait3A_561 : memref<1x128xi32, #tpu.memory_space<vmem>> -> memref<128xi32, #tpu.memory_space<vmem>>
    %dma_wait3A_563 = arith.constant 0 : i32
    %dma_wait3A_564 = arith.constant 0 : i32
    %dma_wait3A_565 = tpu.memref_slice %arg3[%dma_wait3A_563, %dma_wait3A_564] : memref<320432x64xf32, #tpu.memory_space<hbm>> -> memref<320432x64xf32, #tpu.memory_space<hbm>>
    %dma_wait3A_566 = tpu.memref_slice %arg8[%dma_wait3A_555] : memref<3x!tpu.dma_semaphore, #tpu.memory_space<semaphore_mem>> -> memref<1x!tpu.dma_semaphore, #tpu.memory_space<semaphore_mem>>
    %dma_wait3A_567 = tpu.memref_squeeze %dma_wait3A_566 : memref<1x!tpu.dma_semaphore, #tpu.memory_space<semaphore_mem>> -> memref<!tpu.dma_semaphore, #tpu.memory_space<semaphore_mem>>
    tpu.wait_indirect_dma semaphore(%dma_wait3A_567 : memref<!tpu.dma_semaphore, #tpu.memory_space<semaphore_mem>>) src(%dma_wait3A_565 : memref<320432x64xf32, #tpu.memory_space<hbm>>) dst(%dma_wait3A_559 : memref<128x64xf32, #tpu.memory_space<vmem>>)
    %dma_wait3A_568 = arith.constant 11 : i32
    %dma_wait3A_569 = arith.constant 2 : i32
    %dma_wait3A_570 = arith.constant 2 : i32
    %dma_wait3A_571 = arith.constant 128 : i32
    %dma_wait3A_572 = arith.constant 0 : i32
    %dma_wait3A_573 = tpu.memref_slice %arg7[%dma_wait3A_569, %dma_wait3A_571, %dma_wait3A_572] : memref<3x256x64xf32, #tpu.memory_space<vmem>> -> memref<1x128x64xf32, #tpu.memory_space<vmem>>
    %dma_wait3A_574 = tpu.memref_squeeze %dma_wait3A_573 : memref<1x128x64xf32, #tpu.memory_space<vmem>> -> memref<128x64xf32, #tpu.memory_space<vmem>>
    %dma_wait3A_575 = arith.constant 0 : i32
    %dma_wait3A_576 = tpu.memref_slice %arg6[%dma_wait3A_568, %dma_wait3A_575] : memref<16x128xi32, #tpu.memory_space<vmem>> -> memref<1x128xi32, #tpu.memory_space<vmem>>
    %dma_wait3A_577 = tpu.memref_squeeze %dma_wait3A_576 : memref<1x128xi32, #tpu.memory_space<vmem>> -> memref<128xi32, #tpu.memory_space<vmem>>
    %dma_wait3A_578 = arith.constant 0 : i32
    %dma_wait3A_579 = arith.constant 0 : i32
    %dma_wait3A_580 = tpu.memref_slice %arg3[%dma_wait3A_578, %dma_wait3A_579] : memref<320432x64xf32, #tpu.memory_space<hbm>> -> memref<320432x64xf32, #tpu.memory_space<hbm>>
    %dma_wait3A_581 = tpu.memref_slice %arg8[%dma_wait3A_570] : memref<3x!tpu.dma_semaphore, #tpu.memory_space<semaphore_mem>> -> memref<1x!tpu.dma_semaphore, #tpu.memory_space<semaphore_mem>>
    %dma_wait3A_582 = tpu.memref_squeeze %dma_wait3A_581 : memref<1x!tpu.dma_semaphore, #tpu.memory_space<semaphore_mem>> -> memref<!tpu.dma_semaphore, #tpu.memory_space<semaphore_mem>>
    tpu.wait_indirect_dma semaphore(%dma_wait3A_582 : memref<!tpu.dma_semaphore, #tpu.memory_space<semaphore_mem>>) src(%dma_wait3A_580 : memref<320432x64xf32, #tpu.memory_space<hbm>>) dst(%dma_wait3A_574 : memref<128x64xf32, #tpu.memory_space<vmem>>)
    %add3A_583 = arith.constant 80 : i32
    %add3A_584 = arith.addi %mul3A_2, %add3A_583 : i32
    %mul3A_585 = arith.constant 16 : i32
    %mul3A_586 = arith.muli %add3A_584, %mul3A_585 : i32
    %dma_start3A_587 = arith.constant 2 : i32
    %dma_start3A_588 = arith.constant 0 : i32
    %dma_start3A_589 = arith.constant 0 : i32
    %dma_start3A_590 = tpu.memref_slice %arg7[%dma_start3A_587, %dma_start3A_588, %dma_start3A_589] : memref<3x256x64xf32, #tpu.memory_space<vmem>> -> memref<1x256x64xf32, #tpu.memory_space<vmem>>
    %dma_start3A_591 = tpu.memref_squeeze %dma_start3A_590 : memref<1x256x64xf32, #tpu.memory_space<vmem>> -> memref<256x64xf32, #tpu.memory_space<vmem>>
    %dma_start3A_592 = arith.constant 0 : i32
    %dma_start3A_593 = tpu.memref_slice %arg4[%mul3A_586, %dma_start3A_592] : memref<65536x64xf32, #tpu.memory_space<hbm>> -> memref<256x64xf32, #tpu.memory_space<hbm>>
    %dma_start3A_594 = arith.constant 0 : i32
    %dma_start3A_595 = tpu.memref_slice %arg4[%mul3A_586, %dma_start3A_594] : memref<65536x64xf32, #tpu.memory_space<hbm>> -> memref<256x64xf32, #tpu.memory_space<hbm>>
    %dma_start3A_596 = arith.constant 0 : i32
    %dma_start3A_597 = arith.constant 0 : i32
    %dma_start3A_598 = tpu.memref_slice %arg7[%dma_start3A_587, %dma_start3A_596, %dma_start3A_597] : memref<3x256x64xf32, #tpu.memory_space<vmem>> -> memref<1x256x64xf32, #tpu.memory_space<vmem>>
    %dma_start3A_599 = tpu.memref_squeeze %dma_start3A_598 : memref<1x256x64xf32, #tpu.memory_space<vmem>> -> memref<256x64xf32, #tpu.memory_space<vmem>>
    tpu.enqueue_dma source(%dma_start3A_599 : memref<256x64xf32, #tpu.memory_space<vmem>>) target(%dma_start3A_595 : memref<256x64xf32, #tpu.memory_space<hbm>>) target_semaphore(%arg9 : memref<!tpu.dma_semaphore, #tpu.memory_space<semaphore_mem>>)
    %dma_wait3A_600 = arith.constant 12 : i32
    %dma_wait3A_601 = arith.constant 0 : i32
    %dma_wait3A_602 = arith.constant 0 : i32
    %dma_wait3A_603 = arith.constant 0 : i32
    %dma_wait3A_604 = arith.constant 0 : i32
    %dma_wait3A_605 = tpu.memref_slice %arg7[%dma_wait3A_601, %dma_wait3A_603, %dma_wait3A_604] : memref<3x256x64xf32, #tpu.memory_space<vmem>> -> memref<1x128x64xf32, #tpu.memory_space<vmem>>
    %dma_wait3A_606 = tpu.memref_squeeze %dma_wait3A_605 : memref<1x128x64xf32, #tpu.memory_space<vmem>> -> memref<128x64xf32, #tpu.memory_space<vmem>>
    %dma_wait3A_607 = arith.constant 0 : i32
    %dma_wait3A_608 = tpu.memref_slice %arg6[%dma_wait3A_600, %dma_wait3A_607] : memref<16x128xi32, #tpu.memory_space<vmem>> -> memref<1x128xi32, #tpu.memory_space<vmem>>
    %dma_wait3A_609 = tpu.memref_squeeze %dma_wait3A_608 : memref<1x128xi32, #tpu.memory_space<vmem>> -> memref<128xi32, #tpu.memory_space<vmem>>
    %dma_wait3A_610 = arith.constant 0 : i32
    %dma_wait3A_611 = arith.constant 0 : i32
    %dma_wait3A_612 = tpu.memref_slice %arg3[%dma_wait3A_610, %dma_wait3A_611] : memref<320432x64xf32, #tpu.memory_space<hbm>> -> memref<320432x64xf32, #tpu.memory_space<hbm>>
    %dma_wait3A_613 = tpu.memref_slice %arg8[%dma_wait3A_602] : memref<3x!tpu.dma_semaphore, #tpu.memory_space<semaphore_mem>> -> memref<1x!tpu.dma_semaphore, #tpu.memory_space<semaphore_mem>>
    %dma_wait3A_614 = tpu.memref_squeeze %dma_wait3A_613 : memref<1x!tpu.dma_semaphore, #tpu.memory_space<semaphore_mem>> -> memref<!tpu.dma_semaphore, #tpu.memory_space<semaphore_mem>>
    tpu.wait_indirect_dma semaphore(%dma_wait3A_614 : memref<!tpu.dma_semaphore, #tpu.memory_space<semaphore_mem>>) src(%dma_wait3A_612 : memref<320432x64xf32, #tpu.memory_space<hbm>>) dst(%dma_wait3A_606 : memref<128x64xf32, #tpu.memory_space<vmem>>)
    %dma_wait3A_615 = arith.constant 13 : i32
    %dma_wait3A_616 = arith.constant 0 : i32
    %dma_wait3A_617 = arith.constant 0 : i32
    %dma_wait3A_618 = arith.constant 128 : i32
    %dma_wait3A_619 = arith.constant 0 : i32
    %dma_wait3A_620 = tpu.memref_slice %arg7[%dma_wait3A_616, %dma_wait3A_618, %dma_wait3A_619] : memref<3x256x64xf32, #tpu.memory_space<vmem>> -> memref<1x128x64xf32, #tpu.memory_space<vmem>>
    %dma_wait3A_621 = tpu.memref_squeeze %dma_wait3A_620 : memref<1x128x64xf32, #tpu.memory_space<vmem>> -> memref<128x64xf32, #tpu.memory_space<vmem>>
    %dma_wait3A_622 = arith.constant 0 : i32
    %dma_wait3A_623 = tpu.memref_slice %arg6[%dma_wait3A_615, %dma_wait3A_622] : memref<16x128xi32, #tpu.memory_space<vmem>> -> memref<1x128xi32, #tpu.memory_space<vmem>>
    %dma_wait3A_624 = tpu.memref_squeeze %dma_wait3A_623 : memref<1x128xi32, #tpu.memory_space<vmem>> -> memref<128xi32, #tpu.memory_space<vmem>>
    %dma_wait3A_625 = arith.constant 0 : i32
    %dma_wait3A_626 = arith.constant 0 : i32
    %dma_wait3A_627 = tpu.memref_slice %arg3[%dma_wait3A_625, %dma_wait3A_626] : memref<320432x64xf32, #tpu.memory_space<hbm>> -> memref<320432x64xf32, #tpu.memory_space<hbm>>
    %dma_wait3A_628 = tpu.memref_slice %arg8[%dma_wait3A_617] : memref<3x!tpu.dma_semaphore, #tpu.memory_space<semaphore_mem>> -> memref<1x!tpu.dma_semaphore, #tpu.memory_space<semaphore_mem>>
    %dma_wait3A_629 = tpu.memref_squeeze %dma_wait3A_628 : memref<1x!tpu.dma_semaphore, #tpu.memory_space<semaphore_mem>> -> memref<!tpu.dma_semaphore, #tpu.memory_space<semaphore_mem>>
    tpu.wait_indirect_dma semaphore(%dma_wait3A_629 : memref<!tpu.dma_semaphore, #tpu.memory_space<semaphore_mem>>) src(%dma_wait3A_627 : memref<320432x64xf32, #tpu.memory_space<hbm>>) dst(%dma_wait3A_621 : memref<128x64xf32, #tpu.memory_space<vmem>>)
    %add3A_630 = arith.constant 96 : i32
    %add3A_631 = arith.addi %mul3A_2, %add3A_630 : i32
    %mul3A_632 = arith.constant 16 : i32
    %mul3A_633 = arith.muli %add3A_631, %mul3A_632 : i32
    %dma_start3A_634 = arith.constant 0 : i32
    %dma_start3A_635 = arith.constant 0 : i32
    %dma_start3A_636 = arith.constant 0 : i32
    %dma_start3A_637 = tpu.memref_slice %arg7[%dma_start3A_634, %dma_start3A_635, %dma_start3A_636] : memref<3x256x64xf32, #tpu.memory_space<vmem>> -> memref<1x256x64xf32, #tpu.memory_space<vmem>>
    %dma_start3A_638 = tpu.memref_squeeze %dma_start3A_637 : memref<1x256x64xf32, #tpu.memory_space<vmem>> -> memref<256x64xf32, #tpu.memory_space<vmem>>
    %dma_start3A_639 = arith.constant 0 : i32
    %dma_start3A_640 = tpu.memref_slice %arg4[%mul3A_633, %dma_start3A_639] : memref<65536x64xf32, #tpu.memory_space<hbm>> -> memref<256x64xf32, #tpu.memory_space<hbm>>
    %dma_start3A_641 = arith.constant 0 : i32
    %dma_start3A_642 = tpu.memref_slice %arg4[%mul3A_633, %dma_start3A_641] : memref<65536x64xf32, #tpu.memory_space<hbm>> -> memref<256x64xf32, #tpu.memory_space<hbm>>
    %dma_start3A_643 = arith.constant 0 : i32
    %dma_start3A_644 = arith.constant 0 : i32
    %dma_start3A_645 = tpu.memref_slice %arg7[%dma_start3A_634, %dma_start3A_643, %dma_start3A_644] : memref<3x256x64xf32, #tpu.memory_space<vmem>> -> memref<1x256x64xf32, #tpu.memory_space<vmem>>
    %dma_start3A_646 = tpu.memref_squeeze %dma_start3A_645 : memref<1x256x64xf32, #tpu.memory_space<vmem>> -> memref<256x64xf32, #tpu.memory_space<vmem>>
    tpu.enqueue_dma source(%dma_start3A_646 : memref<256x64xf32, #tpu.memory_space<vmem>>) target(%dma_start3A_642 : memref<256x64xf32, #tpu.memory_space<hbm>>) target_semaphore(%arg9 : memref<!tpu.dma_semaphore, #tpu.memory_space<semaphore_mem>>)
    %dma_wait3A_647 = arith.constant 14 : i32
    %dma_wait3A_648 = arith.constant 1 : i32
    %dma_wait3A_649 = arith.constant 1 : i32
    %dma_wait3A_650 = arith.constant 0 : i32
    %dma_wait3A_651 = arith.constant 0 : i32
    %dma_wait3A_652 = tpu.memref_slice %arg7[%dma_wait3A_648, %dma_wait3A_650, %dma_wait3A_651] : memref<3x256x64xf32, #tpu.memory_space<vmem>> -> memref<1x128x64xf32, #tpu.memory_space<vmem>>
    %dma_wait3A_653 = tpu.memref_squeeze %dma_wait3A_652 : memref<1x128x64xf32, #tpu.memory_space<vmem>> -> memref<128x64xf32, #tpu.memory_space<vmem>>
    %dma_wait3A_654 = arith.constant 0 : i32
    %dma_wait3A_655 = tpu.memref_slice %arg6[%dma_wait3A_647, %dma_wait3A_654] : memref<16x128xi32, #tpu.memory_space<vmem>> -> memref<1x128xi32, #tpu.memory_space<vmem>>
    %dma_wait3A_656 = tpu.memref_squeeze %dma_wait3A_655 : memref<1x128xi32, #tpu.memory_space<vmem>> -> memref<128xi32, #tpu.memory_space<vmem>>
    %dma_wait3A_657 = arith.constant 0 : i32
    %dma_wait3A_658 = arith.constant 0 : i32
    %dma_wait3A_659 = tpu.memref_slice %arg3[%dma_wait3A_657, %dma_wait3A_658] : memref<320432x64xf32, #tpu.memory_space<hbm>> -> memref<320432x64xf32, #tpu.memory_space<hbm>>
    %dma_wait3A_660 = tpu.memref_slice %arg8[%dma_wait3A_649] : memref<3x!tpu.dma_semaphore, #tpu.memory_space<semaphore_mem>> -> memref<1x!tpu.dma_semaphore, #tpu.memory_space<semaphore_mem>>
    %dma_wait3A_661 = tpu.memref_squeeze %dma_wait3A_660 : memref<1x!tpu.dma_semaphore, #tpu.memory_space<semaphore_mem>> -> memref<!tpu.dma_semaphore, #tpu.memory_space<semaphore_mem>>
    tpu.wait_indirect_dma semaphore(%dma_wait3A_661 : memref<!tpu.dma_semaphore, #tpu.memory_space<semaphore_mem>>) src(%dma_wait3A_659 : memref<320432x64xf32, #tpu.memory_space<hbm>>) dst(%dma_wait3A_653 : memref<128x64xf32, #tpu.memory_space<vmem>>)
    %dma_wait3A_662 = arith.constant 15 : i32
    %dma_wait3A_663 = arith.constant 1 : i32
    %dma_wait3A_664 = arith.constant 1 : i32
    %dma_wait3A_665 = arith.constant 128 : i32
    %dma_wait3A_666 = arith.constant 0 : i32
    %dma_wait3A_667 = tpu.memref_slice %arg7[%dma_wait3A_663, %dma_wait3A_665, %dma_wait3A_666] : memref<3x256x64xf32, #tpu.memory_space<vmem>> -> memref<1x128x64xf32, #tpu.memory_space<vmem>>
    %dma_wait3A_668 = tpu.memref_squeeze %dma_wait3A_667 : memref<1x128x64xf32, #tpu.memory_space<vmem>> -> memref<128x64xf32, #tpu.memory_space<vmem>>
    %dma_wait3A_669 = arith.constant 0 : i32
    %dma_wait3A_670 = tpu.memref_slice %arg6[%dma_wait3A_662, %dma_wait3A_669] : memref<16x128xi32, #tpu.memory_space<vmem>> -> memref<1x128xi32, #tpu.memory_space<vmem>>
    %dma_wait3A_671 = tpu.memref_squeeze %dma_wait3A_670 : memref<1x128xi32, #tpu.memory_space<vmem>> -> memref<128xi32, #tpu.memory_space<vmem>>
    %dma_wait3A_672 = arith.constant 0 : i32
    %dma_wait3A_673 = arith.constant 0 : i32
    %dma_wait3A_674 = tpu.memref_slice %arg3[%dma_wait3A_672, %dma_wait3A_673] : memref<320432x64xf32, #tpu.memory_space<hbm>> -> memref<320432x64xf32, #tpu.memory_space<hbm>>
    %dma_wait3A_675 = tpu.memref_slice %arg8[%dma_wait3A_664] : memref<3x!tpu.dma_semaphore, #tpu.memory_space<semaphore_mem>> -> memref<1x!tpu.dma_semaphore, #tpu.memory_space<semaphore_mem>>
    %dma_wait3A_676 = tpu.memref_squeeze %dma_wait3A_675 : memref<1x!tpu.dma_semaphore, #tpu.memory_space<semaphore_mem>> -> memref<!tpu.dma_semaphore, #tpu.memory_space<semaphore_mem>>
    tpu.wait_indirect_dma semaphore(%dma_wait3A_676 : memref<!tpu.dma_semaphore, #tpu.memory_space<semaphore_mem>>) src(%dma_wait3A_674 : memref<320432x64xf32, #tpu.memory_space<hbm>>) dst(%dma_wait3A_668 : memref<128x64xf32, #tpu.memory_space<vmem>>)
    %add3A_677 = arith.constant 112 : i32
    %add3A_678 = arith.addi %mul3A_2, %add3A_677 : i32
    %mul3A_679 = arith.constant 16 : i32
    %mul3A_680 = arith.muli %add3A_678, %mul3A_679 : i32
    %dma_start3A_681 = arith.constant 1 : i32
    %dma_start3A_682 = arith.constant 0 : i32
    %dma_start3A_683 = arith.constant 0 : i32
    %dma_start3A_684 = tpu.memref_slice %arg7[%dma_start3A_681, %dma_start3A_682, %dma_start3A_683] : memref<3x256x64xf32, #tpu.memory_space<vmem>> -> memref<1x256x64xf32, #tpu.memory_space<vmem>>
    %dma_start3A_685 = tpu.memref_squeeze %dma_start3A_684 : memref<1x256x64xf32, #tpu.memory_space<vmem>> -> memref<256x64xf32, #tpu.memory_space<vmem>>
    %dma_start3A_686 = arith.constant 0 : i32
    %dma_start3A_687 = tpu.memref_slice %arg4[%mul3A_680, %dma_start3A_686] : memref<65536x64xf32, #tpu.memory_space<hbm>> -> memref<256x64xf32, #tpu.memory_space<hbm>>
    %dma_start3A_688 = arith.constant 0 : i32
    %dma_start3A_689 = tpu.memref_slice %arg4[%mul3A_680, %dma_start3A_688] : memref<65536x64xf32, #tpu.memory_space<hbm>> -> memref<256x64xf32, #tpu.memory_space<hbm>>
    %dma_start3A_690 = arith.constant 0 : i32
    %dma_start3A_691 = arith.constant 0 : i32
    %dma_start3A_692 = tpu.memref_slice %arg7[%dma_start3A_681, %dma_start3A_690, %dma_start3A_691] : memref<3x256x64xf32, #tpu.memory_space<vmem>> -> memref<1x256x64xf32, #tpu.memory_space<vmem>>
    %dma_start3A_693 = tpu.memref_squeeze %dma_start3A_692 : memref<1x256x64xf32, #tpu.memory_space<vmem>> -> memref<256x64xf32, #tpu.memory_space<vmem>>
    tpu.enqueue_dma source(%dma_start3A_693 : memref<256x64xf32, #tpu.memory_space<vmem>>) target(%dma_start3A_689 : memref<256x64xf32, #tpu.memory_space<hbm>>) target_semaphore(%arg9 : memref<!tpu.dma_semaphore, #tpu.memory_space<semaphore_mem>>)
    %dma_wait3A_694 = arith.constant 2 : i32
    %dma_wait3A_695 = arith.constant 0 : i32
    %dma_wait3A_696 = arith.constant 0 : i32
    %dma_wait3A_697 = tpu.memref_slice %arg7[%dma_wait3A_694, %dma_wait3A_695, %dma_wait3A_696] : memref<3x256x64xf32, #tpu.memory_space<vmem>> -> memref<1x256x64xf32, #tpu.memory_space<vmem>>
    %dma_wait3A_698 = tpu.memref_squeeze %dma_wait3A_697 : memref<1x256x64xf32, #tpu.memory_space<vmem>> -> memref<256x64xf32, #tpu.memory_space<vmem>>
    %dma_wait3A_699 = arith.constant 0 : i32
    %dma_wait3A_700 = tpu.memref_slice %arg4[%mul3A_586, %dma_wait3A_699] : memref<65536x64xf32, #tpu.memory_space<hbm>> -> memref<256x64xf32, #tpu.memory_space<hbm>>
    %dma_wait3A_701 = arith.constant 0 : i32
    %dma_wait3A_702 = tpu.memref_slice %arg4[%mul3A_586, %dma_wait3A_701] : memref<65536x64xf32, #tpu.memory_space<hbm>> -> memref<256x64xf32, #tpu.memory_space<hbm>>
    %dma_wait3A_703 = arith.constant 0 : i32
    %dma_wait3A_704 = arith.constant 0 : i32
    %dma_wait3A_705 = tpu.memref_slice %arg7[%dma_wait3A_694, %dma_wait3A_703, %dma_wait3A_704] : memref<3x256x64xf32, #tpu.memory_space<vmem>> -> memref<1x256x64xf32, #tpu.memory_space<vmem>>
    %dma_wait3A_706 = tpu.memref_squeeze %dma_wait3A_705 : memref<1x256x64xf32, #tpu.memory_space<vmem>> -> memref<256x64xf32, #tpu.memory_space<vmem>>
    tpu.wait_dma2 semaphore(%arg9 : memref<!tpu.dma_semaphore, #tpu.memory_space<semaphore_mem>>) src(%dma_wait3A_706 : memref<256x64xf32, #tpu.memory_space<vmem>>) dst(%dma_wait3A_702 : memref<256x64xf32, #tpu.memory_space<hbm>>)
    %dma_wait3A_707 = arith.constant 0 : i32
    %dma_wait3A_708 = arith.constant 0 : i32
    %dma_wait3A_709 = arith.constant 0 : i32
    %dma_wait3A_710 = tpu.memref_slice %arg7[%dma_wait3A_707, %dma_wait3A_708, %dma_wait3A_709] : memref<3x256x64xf32, #tpu.memory_space<vmem>> -> memref<1x256x64xf32, #tpu.memory_space<vmem>>
    %dma_wait3A_711 = tpu.memref_squeeze %dma_wait3A_710 : memref<1x256x64xf32, #tpu.memory_space<vmem>> -> memref<256x64xf32, #tpu.memory_space<vmem>>
    %dma_wait3A_712 = arith.constant 0 : i32
    %dma_wait3A_713 = tpu.memref_slice %arg4[%mul3A_633, %dma_wait3A_712] : memref<65536x64xf32, #tpu.memory_space<hbm>> -> memref<256x64xf32, #tpu.memory_space<hbm>>
    %dma_wait3A_714 = arith.constant 0 : i32
    %dma_wait3A_715 = tpu.memref_slice %arg4[%mul3A_633, %dma_wait3A_714] : memref<65536x64xf32, #tpu.memory_space<hbm>> -> memref<256x64xf32, #tpu.memory_space<hbm>>
    %dma_wait3A_716 = arith.constant 0 : i32
    %dma_wait3A_717 = arith.constant 0 : i32
    %dma_wait3A_718 = tpu.memref_slice %arg7[%dma_wait3A_707, %dma_wait3A_716, %dma_wait3A_717] : memref<3x256x64xf32, #tpu.memory_space<vmem>> -> memref<1x256x64xf32, #tpu.memory_space<vmem>>
    %dma_wait3A_719 = tpu.memref_squeeze %dma_wait3A_718 : memref<1x256x64xf32, #tpu.memory_space<vmem>> -> memref<256x64xf32, #tpu.memory_space<vmem>>
    tpu.wait_dma2 semaphore(%arg9 : memref<!tpu.dma_semaphore, #tpu.memory_space<semaphore_mem>>) src(%dma_wait3A_719 : memref<256x64xf32, #tpu.memory_space<vmem>>) dst(%dma_wait3A_715 : memref<256x64xf32, #tpu.memory_space<hbm>>)
    %dma_wait3A_720 = arith.constant 1 : i32
    %dma_wait3A_721 = arith.constant 0 : i32
    %dma_wait3A_722 = arith.constant 0 : i32
    %dma_wait3A_723 = tpu.memref_slice %arg7[%dma_wait3A_720, %dma_wait3A_721, %dma_wait3A_722] : memref<3x256x64xf32, #tpu.memory_space<vmem>> -> memref<1x256x64xf32, #tpu.memory_space<vmem>>
    %dma_wait3A_724 = tpu.memref_squeeze %dma_wait3A_723 : memref<1x256x64xf32, #tpu.memory_space<vmem>> -> memref<256x64xf32, #tpu.memory_space<vmem>>
    %dma_wait3A_725 = arith.constant 0 : i32
    %dma_wait3A_726 = tpu.memref_slice %arg4[%mul3A_680, %dma_wait3A_725] : memref<65536x64xf32, #tpu.memory_space<hbm>> -> memref<256x64xf32, #tpu.memory_space<hbm>>
    %dma_wait3A_727 = arith.constant 0 : i32
    %dma_wait3A_728 = tpu.memref_slice %arg4[%mul3A_680, %dma_wait3A_727] : memref<65536x64xf32, #tpu.memory_space<hbm>> -> memref<256x64xf32, #tpu.memory_space<hbm>>
    %dma_wait3A_729 = arith.constant 0 : i32
    %dma_wait3A_730 = arith.constant 0 : i32
    %dma_wait3A_731 = tpu.memref_slice %arg7[%dma_wait3A_720, %dma_wait3A_729, %dma_wait3A_730] : memref<3x256x64xf32, #tpu.memory_space<vmem>> -> memref<1x256x64xf32, #tpu.memory_space<vmem>>
    %dma_wait3A_732 = tpu.memref_squeeze %dma_wait3A_731 : memref<1x256x64xf32, #tpu.memory_space<vmem>> -> memref<256x64xf32, #tpu.memory_space<vmem>>
    tpu.wait_dma2 semaphore(%arg9 : memref<!tpu.dma_semaphore, #tpu.memory_space<semaphore_mem>>) src(%dma_wait3A_732 : memref<256x64xf32, #tpu.memory_space<vmem>>) dst(%dma_wait3A_728 : memref<256x64xf32, #tpu.memory_space<hbm>>)
    return
  }
}

#map = affine_map<(d0, d1) -> (0)>
#map1 = affine_map<(d0, d1) -> (0, 0)>
module attributes {stable_mosaic.version = 14 : i64} {
  func.func @_sc_word_body(%arg0: i32, %arg1: i32, %arg2: memref<4096xi32, #tpu.memory_space<hbm>>, %arg3: memref<32000x1024xf32, #tpu.memory_space<hbm>>, %arg4: memref<4096x1024xf32, #tpu.memory_space<hbm>>, %arg5: memref<128xi32, #tpu.memory_space<vmem>>, %arg6: memref<4x32xi32, #tpu.memory_space<vmem>>, %arg7: memref<2x32x1024xf32, #tpu.memory_space<vmem>>, %arg8: memref<2x!tpu.dma_semaphore, #tpu.memory_space<semaphore_mem>>) attributes {dimension_semantics = [#tpu.dimension_semantics<core_parallel>, #tpu.dimension_semantics<subcore_parallel>], iteration_bounds = array<i64: 2, 16>, scalar_prefetch = 0 : i64, scratch_operands = 4 : i64, tpu.core_type = #tpu.core_type<sc_vector_subcore>, window_params = [{transform_indices = #map}, {transform_indices = #map1}, {transform_indices = #map1}]} {
    %mul3A = arith.constant 2 : i32
    %mul3A_0 = arith.muli %arg1, %mul3A : i32
    %add3A = arith.addi %mul3A_0, %arg0 : i32
    %mul3A_1 = arith.constant 128 : i32
    %mul3A_2 = arith.muli %add3A, %mul3A_1 : i32
    "tpu.region"() ({
      %run_scoped3A_194 = tpu.sem_alloc : memref<!tpu.dma_semaphore, #tpu.memory_space<semaphore_mem>>
      %dma_start3A_195 = tpu.memref_slice %arg2[%mul3A_2] : memref<4096xi32, #tpu.memory_space<hbm>> -> memref<128xi32, #tpu.memory_space<hbm>>
      %dma_start3A_196 = tpu.memref_slice %arg2[%mul3A_2] : memref<4096xi32, #tpu.memory_space<hbm>> -> memref<128xi32, #tpu.memory_space<hbm>>
      tpu.enqueue_dma source(%dma_start3A_196 : memref<128xi32, #tpu.memory_space<hbm>>) target(%arg5 : memref<128xi32, #tpu.memory_space<vmem>>) target_semaphore(%run_scoped3A_194 : memref<!tpu.dma_semaphore, #tpu.memory_space<semaphore_mem>>)
      %dma_wait3A_197 = tpu.memref_slice %arg2[%mul3A_2] : memref<4096xi32, #tpu.memory_space<hbm>> -> memref<128xi32, #tpu.memory_space<hbm>>
      %dma_wait3A_198 = tpu.memref_slice %arg2[%mul3A_2] : memref<4096xi32, #tpu.memory_space<hbm>> -> memref<128xi32, #tpu.memory_space<hbm>>
      tpu.wait_dma2 semaphore(%run_scoped3A_194 : memref<!tpu.dma_semaphore, #tpu.memory_space<semaphore_mem>>) src(%dma_wait3A_198 : memref<128xi32, #tpu.memory_space<hbm>>) dst(%arg5 : memref<128xi32, #tpu.memory_space<vmem>>)
      tpu.yield
    }) : () -> ()
    %iota3A = tpu.iota {dimensions = array<i32: 0>} : vector<16xi32>
    %add3A_3 = arith.constant 0 : i32
    %add3A_4 = vector.broadcast %add3A_3 : i32 to vector<16xi32>
    %add3A_5 = arith.addi %iota3A, %add3A_4 : vector<16xi32>
    %gather3A = tpu.vector_load_idx %arg5[%add3A_5] : memref<128xi32, #tpu.memory_space<vmem>>[vector<16xi32>], vector<16xi32>,
    %swap3A = arith.constant 0 : i32
    %swap3A_6 = arith.index_cast %swap3A : i32 to index
    %swap3A_7 = arith.constant 0 : index
    %swap3A_8 = tpu.vector_load %arg6[%swap3A_6, %swap3A_7] {strides = array<i32>} : memref<4x32xi32, #tpu.memory_space<vmem>>, vector<16xi32>,
    tpu.vector_store %arg6[%swap3A_6, %swap3A_7], %gather3A {strides = array<i32>} : memref<4x32xi32, #tpu.memory_space<vmem>>, vector<16xi32>,
    %add3A_9 = arith.constant 16 : i32
    %add3A_10 = vector.broadcast %add3A_9 : i32 to vector<16xi32>
    %add3A_11 = arith.addi %iota3A, %add3A_10 : vector<16xi32>
    %gather3A_12 = tpu.vector_load_idx %arg5[%add3A_11] : memref<128xi32, #tpu.memory_space<vmem>>[vector<16xi32>], vector<16xi32>,
    %swap3A_13 = arith.constant 0 : i32
    %swap3A_14 = arith.index_cast %swap3A_13 : i32 to index
    %swap3A_15 = arith.constant 16 : index
    %swap3A_16 = tpu.vector_load %arg6[%swap3A_14, %swap3A_15] {strides = array<i32>} : memref<4x32xi32, #tpu.memory_space<vmem>>, vector<16xi32>,
    tpu.vector_store %arg6[%swap3A_14, %swap3A_15], %gather3A_12 {strides = array<i32>} : memref<4x32xi32, #tpu.memory_space<vmem>>, vector<16xi32>,
    %add3A_17 = arith.constant 32 : i32
    %add3A_18 = vector.broadcast %add3A_17 : i32 to vector<16xi32>
    %add3A_19 = arith.addi %iota3A, %add3A_18 : vector<16xi32>
    %gather3A_20 = tpu.vector_load_idx %arg5[%add3A_19] : memref<128xi32, #tpu.memory_space<vmem>>[vector<16xi32>], vector<16xi32>,
    %swap3A_21 = arith.constant 1 : i32
    %swap3A_22 = arith.index_cast %swap3A_21 : i32 to index
    %swap3A_23 = arith.constant 0 : index
    %swap3A_24 = tpu.vector_load %arg6[%swap3A_22, %swap3A_23] {strides = array<i32>} : memref<4x32xi32, #tpu.memory_space<vmem>>, vector<16xi32>,
    tpu.vector_store %arg6[%swap3A_22, %swap3A_23], %gather3A_20 {strides = array<i32>} : memref<4x32xi32, #tpu.memory_space<vmem>>, vector<16xi32>,
    %add3A_25 = arith.constant 48 : i32
    %add3A_26 = vector.broadcast %add3A_25 : i32 to vector<16xi32>
    %add3A_27 = arith.addi %iota3A, %add3A_26 : vector<16xi32>
    %gather3A_28 = tpu.vector_load_idx %arg5[%add3A_27] : memref<128xi32, #tpu.memory_space<vmem>>[vector<16xi32>], vector<16xi32>,
    %swap3A_29 = arith.constant 1 : i32
    %swap3A_30 = arith.index_cast %swap3A_29 : i32 to index
    %swap3A_31 = arith.constant 16 : index
    %swap3A_32 = tpu.vector_load %arg6[%swap3A_30, %swap3A_31] {strides = array<i32>} : memref<4x32xi32, #tpu.memory_space<vmem>>, vector<16xi32>,
    tpu.vector_store %arg6[%swap3A_30, %swap3A_31], %gather3A_28 {strides = array<i32>} : memref<4x32xi32, #tpu.memory_space<vmem>>, vector<16xi32>,
    %add3A_33 = arith.constant 64 : i32
    %add3A_34 = vector.broadcast %add3A_33 : i32 to vector<16xi32>
    %add3A_35 = arith.addi %iota3A, %add3A_34 : vector<16xi32>
    %gather3A_36 = tpu.vector_load_idx %arg5[%add3A_35] : memref<128xi32, #tpu.memory_space<vmem>>[vector<16xi32>], vector<16xi32>,
    %swap3A_37 = arith.constant 2 : i32
    %swap3A_38 = arith.index_cast %swap3A_37 : i32 to index
    %swap3A_39 = arith.constant 0 : index
    %swap3A_40 = tpu.vector_load %arg6[%swap3A_38, %swap3A_39] {strides = array<i32>} : memref<4x32xi32, #tpu.memory_space<vmem>>, vector<16xi32>,
    tpu.vector_store %arg6[%swap3A_38, %swap3A_39], %gather3A_36 {strides = array<i32>} : memref<4x32xi32, #tpu.memory_space<vmem>>, vector<16xi32>,
    %add3A_41 = arith.constant 80 : i32
    %add3A_42 = vector.broadcast %add3A_41 : i32 to vector<16xi32>
    %add3A_43 = arith.addi %iota3A, %add3A_42 : vector<16xi32>
    %gather3A_44 = tpu.vector_load_idx %arg5[%add3A_43] : memref<128xi32, #tpu.memory_space<vmem>>[vector<16xi32>], vector<16xi32>,
    %swap3A_45 = arith.constant 2 : i32
    %swap3A_46 = arith.index_cast %swap3A_45 : i32 to index
    %swap3A_47 = arith.constant 16 : index
    %swap3A_48 = tpu.vector_load %arg6[%swap3A_46, %swap3A_47] {strides = array<i32>} : memref<4x32xi32, #tpu.memory_space<vmem>>, vector<16xi32>,
    tpu.vector_store %arg6[%swap3A_46, %swap3A_47], %gather3A_44 {strides = array<i32>} : memref<4x32xi32, #tpu.memory_space<vmem>>, vector<16xi32>,
    %add3A_49 = arith.constant 96 : i32
    %add3A_50 = vector.broadcast %add3A_49 : i32 to vector<16xi32>
    %add3A_51 = arith.addi %iota3A, %add3A_50 : vector<16xi32>
    %gather3A_52 = tpu.vector_load_idx %arg5[%add3A_51] : memref<128xi32, #tpu.memory_space<vmem>>[vector<16xi32>], vector<16xi32>,
    %swap3A_53 = arith.constant 3 : i32
    %swap3A_54 = arith.index_cast %swap3A_53 : i32 to index
    %swap3A_55 = arith.constant 0 : index
    %swap3A_56 = tpu.vector_load %arg6[%swap3A_54, %swap3A_55] {strides = array<i32>} : memref<4x32xi32, #tpu.memory_space<vmem>>, vector<16xi32>,
    tpu.vector_store %arg6[%swap3A_54, %swap3A_55], %gather3A_52 {strides = array<i32>} : memref<4x32xi32, #tpu.memory_space<vmem>>, vector<16xi32>,
    %add3A_57 = arith.constant 112 : i32
    %add3A_58 = vector.broadcast %add3A_57 : i32 to vector<16xi32>
    %add3A_59 = arith.addi %iota3A, %add3A_58 : vector<16xi32>
    %gather3A_60 = tpu.vector_load_idx %arg5[%add3A_59] : memref<128xi32, #tpu.memory_space<vmem>>[vector<16xi32>], vector<16xi32>,
    %swap3A_61 = arith.constant 3 : i32
    %swap3A_62 = arith.index_cast %swap3A_61 : i32 to index
    %swap3A_63 = arith.constant 16 : index
    %swap3A_64 = tpu.vector_load %arg6[%swap3A_62, %swap3A_63] {strides = array<i32>} : memref<4x32xi32, #tpu.memory_space<vmem>>, vector<16xi32>,
    tpu.vector_store %arg6[%swap3A_62, %swap3A_63], %gather3A_60 {strides = array<i32>} : memref<4x32xi32, #tpu.memory_space<vmem>>, vector<16xi32>,
    %dma_start3A = arith.constant 0 : i32
    %dma_start3A_65 = arith.constant 0 : i32
    %dma_start3A_66 = arith.constant 0 : i32
    %dma_start3A_67 = arith.constant 0 : i32
    %dma_start3A_68 = arith.constant 0 : i32
    %dma_start3A_69 = tpu.memref_slice %arg7[%dma_start3A_65, %dma_start3A_67, %dma_start3A_68] : memref<2x32x1024xf32, #tpu.memory_space<vmem>> -> memref<1x32x1024xf32, #tpu.memory_space<vmem>>
    %dma_start3A_70 = tpu.memref_squeeze %dma_start3A_69 : memref<1x32x1024xf32, #tpu.memory_space<vmem>> -> memref<32x1024xf32, #tpu.memory_space<vmem>>
    %dma_start3A_71 = arith.constant 0 : i32
    %dma_start3A_72 = tpu.memref_slice %arg6[%dma_start3A, %dma_start3A_71] : memref<4x32xi32, #tpu.memory_space<vmem>> -> memref<1x32xi32, #tpu.memory_space<vmem>>
    %dma_start3A_73 = tpu.memref_squeeze %dma_start3A_72 : memref<1x32xi32, #tpu.memory_space<vmem>> -> memref<32xi32, #tpu.memory_space<vmem>>
    %dma_start3A_74 = arith.constant 0 : i32
    %dma_start3A_75 = arith.constant 0 : i32
    %dma_start3A_76 = tpu.memref_slice %arg3[%dma_start3A_74, %dma_start3A_75] : memref<32000x1024xf32, #tpu.memory_space<hbm>> -> memref<32000x1024xf32, #tpu.memory_space<hbm>>
    %dma_start3A_77 = tpu.memref_slice %arg8[%dma_start3A_66] : memref<2x!tpu.dma_semaphore, #tpu.memory_space<semaphore_mem>> -> memref<1x!tpu.dma_semaphore, #tpu.memory_space<semaphore_mem>>
    %dma_start3A_78 = tpu.memref_squeeze %dma_start3A_77 : memref<1x!tpu.dma_semaphore, #tpu.memory_space<semaphore_mem>> -> memref<!tpu.dma_semaphore, #tpu.memory_space<semaphore_mem>>
    tpu.enqueue_indirect_dma source(%dma_start3A_76 : memref<32000x1024xf32, #tpu.memory_space<hbm>>) target(%dma_start3A_70 : memref<32x1024xf32, #tpu.memory_space<vmem>>) offsets(%dma_start3A_73 : memref<32xi32, #tpu.memory_space<vmem>>) semaphore(%dma_start3A_78 : memref<!tpu.dma_semaphore, #tpu.memory_space<semaphore_mem>>)
    %dma_start3A_79 = arith.constant 1 : i32
    %dma_start3A_80 = arith.constant 1 : i32
    %dma_start3A_81 = arith.constant 1 : i32
    %dma_start3A_82 = arith.constant 0 : i32
    %dma_start3A_83 = arith.constant 0 : i32
    %dma_start3A_84 = tpu.memref_slice %arg7[%dma_start3A_80, %dma_start3A_82, %dma_start3A_83] : memref<2x32x1024xf32, #tpu.memory_space<vmem>> -> memref<1x32x1024xf32, #tpu.memory_space<vmem>>
    %dma_start3A_85 = tpu.memref_squeeze %dma_start3A_84 : memref<1x32x1024xf32, #tpu.memory_space<vmem>> -> memref<32x1024xf32, #tpu.memory_space<vmem>>
    %dma_start3A_86 = arith.constant 0 : i32
    %dma_start3A_87 = tpu.memref_slice %arg6[%dma_start3A_79, %dma_start3A_86] : memref<4x32xi32, #tpu.memory_space<vmem>> -> memref<1x32xi32, #tpu.memory_space<vmem>>
    %dma_start3A_88 = tpu.memref_squeeze %dma_start3A_87 : memref<1x32xi32, #tpu.memory_space<vmem>> -> memref<32xi32, #tpu.memory_space<vmem>>
    %dma_start3A_89 = arith.constant 0 : i32
    %dma_start3A_90 = arith.constant 0 : i32
    %dma_start3A_91 = tpu.memref_slice %arg3[%dma_start3A_89, %dma_start3A_90] : memref<32000x1024xf32, #tpu.memory_space<hbm>> -> memref<32000x1024xf32, #tpu.memory_space<hbm>>
    %dma_start3A_92 = tpu.memref_slice %arg8[%dma_start3A_81] : memref<2x!tpu.dma_semaphore, #tpu.memory_space<semaphore_mem>> -> memref<1x!tpu.dma_semaphore, #tpu.memory_space<semaphore_mem>>
    %dma_start3A_93 = tpu.memref_squeeze %dma_start3A_92 : memref<1x!tpu.dma_semaphore, #tpu.memory_space<semaphore_mem>> -> memref<!tpu.dma_semaphore, #tpu.memory_space<semaphore_mem>>
    tpu.enqueue_indirect_dma source(%dma_start3A_91 : memref<32000x1024xf32, #tpu.memory_space<hbm>>) target(%dma_start3A_85 : memref<32x1024xf32, #tpu.memory_space<vmem>>) offsets(%dma_start3A_88 : memref<32xi32, #tpu.memory_space<vmem>>) semaphore(%dma_start3A_93 : memref<!tpu.dma_semaphore, #tpu.memory_space<semaphore_mem>>)
    %dma_wait3A = arith.constant 0 : i32
    %dma_wait3A_94 = arith.constant 0 : i32
    %dma_wait3A_95 = arith.constant 0 : i32
    %dma_wait3A_96 = arith.constant 0 : i32
    %dma_wait3A_97 = arith.constant 0 : i32
    %dma_wait3A_98 = tpu.memref_slice %arg7[%dma_wait3A_94, %dma_wait3A_96, %dma_wait3A_97] : memref<2x32x1024xf32, #tpu.memory_space<vmem>> -> memref<1x32x1024xf32, #tpu.memory_space<vmem>>
    %dma_wait3A_99 = tpu.memref_squeeze %dma_wait3A_98 : memref<1x32x1024xf32, #tpu.memory_space<vmem>> -> memref<32x1024xf32, #tpu.memory_space<vmem>>
    %dma_wait3A_100 = arith.constant 0 : i32
    %dma_wait3A_101 = tpu.memref_slice %arg6[%dma_wait3A, %dma_wait3A_100] : memref<4x32xi32, #tpu.memory_space<vmem>> -> memref<1x32xi32, #tpu.memory_space<vmem>>
    %dma_wait3A_102 = tpu.memref_squeeze %dma_wait3A_101 : memref<1x32xi32, #tpu.memory_space<vmem>> -> memref<32xi32, #tpu.memory_space<vmem>>
    %dma_wait3A_103 = arith.constant 0 : i32
    %dma_wait3A_104 = arith.constant 0 : i32
    %dma_wait3A_105 = tpu.memref_slice %arg3[%dma_wait3A_103, %dma_wait3A_104] : memref<32000x1024xf32, #tpu.memory_space<hbm>> -> memref<32000x1024xf32, #tpu.memory_space<hbm>>
    %dma_wait3A_106 = tpu.memref_slice %arg8[%dma_wait3A_95] : memref<2x!tpu.dma_semaphore, #tpu.memory_space<semaphore_mem>> -> memref<1x!tpu.dma_semaphore, #tpu.memory_space<semaphore_mem>>
    %dma_wait3A_107 = tpu.memref_squeeze %dma_wait3A_106 : memref<1x!tpu.dma_semaphore, #tpu.memory_space<semaphore_mem>> -> memref<!tpu.dma_semaphore, #tpu.memory_space<semaphore_mem>>
    tpu.wait_indirect_dma semaphore(%dma_wait3A_107 : memref<!tpu.dma_semaphore, #tpu.memory_space<semaphore_mem>>) src(%dma_wait3A_105 : memref<32000x1024xf32, #tpu.memory_space<hbm>>) dst(%dma_wait3A_99 : memref<32x1024xf32, #tpu.memory_space<vmem>>)
    %add3A_108 = arith.constant 0 : i32
    %add3A_109 = arith.addi %mul3A_2, %add3A_108 : i32
    %run_scoped3A = arith.constant 0 : i32
    "tpu.region"() ({
      %run_scoped3A_194 = tpu.sem_alloc : memref<!tpu.dma_semaphore, #tpu.memory_space<semaphore_mem>>
      %dma_start3A_195 = arith.constant 0 : i32
      %dma_start3A_196 = arith.constant 0 : i32
      %dma_start3A_197 = tpu.memref_slice %arg7[%run_scoped3A, %dma_start3A_195, %dma_start3A_196] : memref<2x32x1024xf32, #tpu.memory_space<vmem>> -> memref<1x32x1024xf32, #tpu.memory_space<vmem>>
      %dma_start3A_198 = tpu.memref_squeeze %dma_start3A_197 : memref<1x32x1024xf32, #tpu.memory_space<vmem>> -> memref<32x1024xf32, #tpu.memory_space<vmem>>
      %dma_start3A_199 = arith.constant 0 : i32
      %dma_start3A_200 = tpu.memref_slice %arg4[%add3A_109, %dma_start3A_199] : memref<4096x1024xf32, #tpu.memory_space<hbm>> -> memref<32x1024xf32, #tpu.memory_space<hbm>>
      %dma_start3A_201 = arith.constant 0 : i32
      %dma_start3A_202 = tpu.memref_slice %arg4[%add3A_109, %dma_start3A_201] : memref<4096x1024xf32, #tpu.memory_space<hbm>> -> memref<32x1024xf32, #tpu.memory_space<hbm>>
      %dma_start3A_203 = arith.constant 0 : i32
      %dma_start3A_204 = arith.constant 0 : i32
      %dma_start3A_205 = tpu.memref_slice %arg7[%run_scoped3A, %dma_start3A_203, %dma_start3A_204] : memref<2x32x1024xf32, #tpu.memory_space<vmem>> -> memref<1x32x1024xf32, #tpu.memory_space<vmem>>
      %dma_start3A_206 = tpu.memref_squeeze %dma_start3A_205 : memref<1x32x1024xf32, #tpu.memory_space<vmem>> -> memref<32x1024xf32, #tpu.memory_space<vmem>>
      tpu.enqueue_dma source(%dma_start3A_206 : memref<32x1024xf32, #tpu.memory_space<vmem>>) target(%dma_start3A_202 : memref<32x1024xf32, #tpu.memory_space<hbm>>) target_semaphore(%run_scoped3A_194 : memref<!tpu.dma_semaphore, #tpu.memory_space<semaphore_mem>>)
      %dma_wait3A_207 = arith.constant 0 : i32
      %dma_wait3A_208 = arith.constant 0 : i32
      %dma_wait3A_209 = tpu.memref_slice %arg7[%run_scoped3A, %dma_wait3A_207, %dma_wait3A_208] : memref<2x32x1024xf32, #tpu.memory_space<vmem>> -> memref<1x32x1024xf32, #tpu.memory_space<vmem>>
      %dma_wait3A_210 = tpu.memref_squeeze %dma_wait3A_209 : memref<1x32x1024xf32, #tpu.memory_space<vmem>> -> memref<32x1024xf32, #tpu.memory_space<vmem>>
      %dma_wait3A_211 = arith.constant 0 : i32
      %dma_wait3A_212 = tpu.memref_slice %arg4[%add3A_109, %dma_wait3A_211] : memref<4096x1024xf32, #tpu.memory_space<hbm>> -> memref<32x1024xf32, #tpu.memory_space<hbm>>
      %dma_wait3A_213 = arith.constant 0 : i32
      %dma_wait3A_214 = tpu.memref_slice %arg4[%add3A_109, %dma_wait3A_213] : memref<4096x1024xf32, #tpu.memory_space<hbm>> -> memref<32x1024xf32, #tpu.memory_space<hbm>>
      %dma_wait3A_215 = arith.constant 0 : i32
      %dma_wait3A_216 = arith.constant 0 : i32
      %dma_wait3A_217 = tpu.memref_slice %arg7[%run_scoped3A, %dma_wait3A_215, %dma_wait3A_216] : memref<2x32x1024xf32, #tpu.memory_space<vmem>> -> memref<1x32x1024xf32, #tpu.memory_space<vmem>>
      %dma_wait3A_218 = tpu.memref_squeeze %dma_wait3A_217 : memref<1x32x1024xf32, #tpu.memory_space<vmem>> -> memref<32x1024xf32, #tpu.memory_space<vmem>>
      tpu.wait_dma2 semaphore(%run_scoped3A_194 : memref<!tpu.dma_semaphore, #tpu.memory_space<semaphore_mem>>) src(%dma_wait3A_218 : memref<32x1024xf32, #tpu.memory_space<vmem>>) dst(%dma_wait3A_214 : memref<32x1024xf32, #tpu.memory_space<hbm>>)
      tpu.yield
    }) : () -> ()
    %dma_start3A_110 = arith.constant 2 : i32
    %dma_start3A_111 = arith.constant 0 : i32
    %dma_start3A_112 = arith.constant 0 : i32
    %dma_start3A_113 = arith.constant 0 : i32
    %dma_start3A_114 = arith.constant 0 : i32
    %dma_start3A_115 = tpu.memref_slice %arg7[%dma_start3A_111, %dma_start3A_113, %dma_start3A_114] : memref<2x32x1024xf32, #tpu.memory_space<vmem>> -> memref<1x32x1024xf32, #tpu.memory_space<vmem>>
    %dma_start3A_116 = tpu.memref_squeeze %dma_start3A_115 : memref<1x32x1024xf32, #tpu.memory_space<vmem>> -> memref<32x1024xf32, #tpu.memory_space<vmem>>
    %dma_start3A_117 = arith.constant 0 : i32
    %dma_start3A_118 = tpu.memref_slice %arg6[%dma_start3A_110, %dma_start3A_117] : memref<4x32xi32, #tpu.memory_space<vmem>> -> memref<1x32xi32, #tpu.memory_space<vmem>>
    %dma_start3A_119 = tpu.memref_squeeze %dma_start3A_118 : memref<1x32xi32, #tpu.memory_space<vmem>> -> memref<32xi32, #tpu.memory_space<vmem>>
    %dma_start3A_120 = arith.constant 0 : i32
    %dma_start3A_121 = arith.constant 0 : i32
    %dma_start3A_122 = tpu.memref_slice %arg3[%dma_start3A_120, %dma_start3A_121] : memref<32000x1024xf32, #tpu.memory_space<hbm>> -> memref<32000x1024xf32, #tpu.memory_space<hbm>>
    %dma_start3A_123 = tpu.memref_slice %arg8[%dma_start3A_112] : memref<2x!tpu.dma_semaphore, #tpu.memory_space<semaphore_mem>> -> memref<1x!tpu.dma_semaphore, #tpu.memory_space<semaphore_mem>>
    %dma_start3A_124 = tpu.memref_squeeze %dma_start3A_123 : memref<1x!tpu.dma_semaphore, #tpu.memory_space<semaphore_mem>> -> memref<!tpu.dma_semaphore, #tpu.memory_space<semaphore_mem>>
    tpu.enqueue_indirect_dma source(%dma_start3A_122 : memref<32000x1024xf32, #tpu.memory_space<hbm>>) target(%dma_start3A_116 : memref<32x1024xf32, #tpu.memory_space<vmem>>) offsets(%dma_start3A_119 : memref<32xi32, #tpu.memory_space<vmem>>) semaphore(%dma_start3A_124 : memref<!tpu.dma_semaphore, #tpu.memory_space<semaphore_mem>>)
    %dma_wait3A_125 = arith.constant 1 : i32
    %dma_wait3A_126 = arith.constant 1 : i32
    %dma_wait3A_127 = arith.constant 1 : i32
    %dma_wait3A_128 = arith.constant 0 : i32
    %dma_wait3A_129 = arith.constant 0 : i32
    %dma_wait3A_130 = tpu.memref_slice %arg7[%dma_wait3A_126, %dma_wait3A_128, %dma_wait3A_129] : memref<2x32x1024xf32, #tpu.memory_space<vmem>> -> memref<1x32x1024xf32, #tpu.memory_space<vmem>>
    %dma_wait3A_131 = tpu.memref_squeeze %dma_wait3A_130 : memref<1x32x1024xf32, #tpu.memory_space<vmem>> -> memref<32x1024xf32, #tpu.memory_space<vmem>>
    %dma_wait3A_132 = arith.constant 0 : i32
    %dma_wait3A_133 = tpu.memref_slice %arg6[%dma_wait3A_125, %dma_wait3A_132] : memref<4x32xi32, #tpu.memory_space<vmem>> -> memref<1x32xi32, #tpu.memory_space<vmem>>
    %dma_wait3A_134 = tpu.memref_squeeze %dma_wait3A_133 : memref<1x32xi32, #tpu.memory_space<vmem>> -> memref<32xi32, #tpu.memory_space<vmem>>
    %dma_wait3A_135 = arith.constant 0 : i32
    %dma_wait3A_136 = arith.constant 0 : i32
    %dma_wait3A_137 = tpu.memref_slice %arg3[%dma_wait3A_135, %dma_wait3A_136] : memref<32000x1024xf32, #tpu.memory_space<hbm>> -> memref<32000x1024xf32, #tpu.memory_space<hbm>>
    %dma_wait3A_138 = tpu.memref_slice %arg8[%dma_wait3A_127] : memref<2x!tpu.dma_semaphore, #tpu.memory_space<semaphore_mem>> -> memref<1x!tpu.dma_semaphore, #tpu.memory_space<semaphore_mem>>
    %dma_wait3A_139 = tpu.memref_squeeze %dma_wait3A_138 : memref<1x!tpu.dma_semaphore, #tpu.memory_space<semaphore_mem>> -> memref<!tpu.dma_semaphore, #tpu.memory_space<semaphore_mem>>
    tpu.wait_indirect_dma semaphore(%dma_wait3A_139 : memref<!tpu.dma_semaphore, #tpu.memory_space<semaphore_mem>>) src(%dma_wait3A_137 : memref<32000x1024xf32, #tpu.memory_space<hbm>>) dst(%dma_wait3A_131 : memref<32x1024xf32, #tpu.memory_space<vmem>>)
    %add3A_140 = arith.constant 32 : i32
    %add3A_141 = arith.addi %mul3A_2, %add3A_140 : i32
    %run_scoped3A_142 = arith.constant 1 : i32
    "tpu.region"() ({
      %run_scoped3A_194 = tpu.sem_alloc : memref<!tpu.dma_semaphore, #tpu.memory_space<semaphore_mem>>
      %dma_start3A_195 = arith.constant 0 : i32
      %dma_start3A_196 = arith.constant 0 : i32
      %dma_start3A_197 = tpu.memref_slice %arg7[%run_scoped3A_142, %dma_start3A_195, %dma_start3A_196] : memref<2x32x1024xf32, #tpu.memory_space<vmem>> -> memref<1x32x1024xf32, #tpu.memory_space<vmem>>
      %dma_start3A_198 = tpu.memref_squeeze %dma_start3A_197 : memref<1x32x1024xf32, #tpu.memory_space<vmem>> -> memref<32x1024xf32, #tpu.memory_space<vmem>>
      %dma_start3A_199 = arith.constant 0 : i32
      %dma_start3A_200 = tpu.memref_slice %arg4[%add3A_141, %dma_start3A_199] : memref<4096x1024xf32, #tpu.memory_space<hbm>> -> memref<32x1024xf32, #tpu.memory_space<hbm>>
      %dma_start3A_201 = arith.constant 0 : i32
      %dma_start3A_202 = tpu.memref_slice %arg4[%add3A_141, %dma_start3A_201] : memref<4096x1024xf32, #tpu.memory_space<hbm>> -> memref<32x1024xf32, #tpu.memory_space<hbm>>
      %dma_start3A_203 = arith.constant 0 : i32
      %dma_start3A_204 = arith.constant 0 : i32
      %dma_start3A_205 = tpu.memref_slice %arg7[%run_scoped3A_142, %dma_start3A_203, %dma_start3A_204] : memref<2x32x1024xf32, #tpu.memory_space<vmem>> -> memref<1x32x1024xf32, #tpu.memory_space<vmem>>
      %dma_start3A_206 = tpu.memref_squeeze %dma_start3A_205 : memref<1x32x1024xf32, #tpu.memory_space<vmem>> -> memref<32x1024xf32, #tpu.memory_space<vmem>>
      tpu.enqueue_dma source(%dma_start3A_206 : memref<32x1024xf32, #tpu.memory_space<vmem>>) target(%dma_start3A_202 : memref<32x1024xf32, #tpu.memory_space<hbm>>) target_semaphore(%run_scoped3A_194 : memref<!tpu.dma_semaphore, #tpu.memory_space<semaphore_mem>>)
      %dma_wait3A_207 = arith.constant 0 : i32
      %dma_wait3A_208 = arith.constant 0 : i32
      %dma_wait3A_209 = tpu.memref_slice %arg7[%run_scoped3A_142, %dma_wait3A_207, %dma_wait3A_208] : memref<2x32x1024xf32, #tpu.memory_space<vmem>> -> memref<1x32x1024xf32, #tpu.memory_space<vmem>>
      %dma_wait3A_210 = tpu.memref_squeeze %dma_wait3A_209 : memref<1x32x1024xf32, #tpu.memory_space<vmem>> -> memref<32x1024xf32, #tpu.memory_space<vmem>>
      %dma_wait3A_211 = arith.constant 0 : i32
      %dma_wait3A_212 = tpu.memref_slice %arg4[%add3A_141, %dma_wait3A_211] : memref<4096x1024xf32, #tpu.memory_space<hbm>> -> memref<32x1024xf32, #tpu.memory_space<hbm>>
      %dma_wait3A_213 = arith.constant 0 : i32
      %dma_wait3A_214 = tpu.memref_slice %arg4[%add3A_141, %dma_wait3A_213] : memref<4096x1024xf32, #tpu.memory_space<hbm>> -> memref<32x1024xf32, #tpu.memory_space<hbm>>
      %dma_wait3A_215 = arith.constant 0 : i32
      %dma_wait3A_216 = arith.constant 0 : i32
      %dma_wait3A_217 = tpu.memref_slice %arg7[%run_scoped3A_142, %dma_wait3A_215, %dma_wait3A_216] : memref<2x32x1024xf32, #tpu.memory_space<vmem>> -> memref<1x32x1024xf32, #tpu.memory_space<vmem>>
      %dma_wait3A_218 = tpu.memref_squeeze %dma_wait3A_217 : memref<1x32x1024xf32, #tpu.memory_space<vmem>> -> memref<32x1024xf32, #tpu.memory_space<vmem>>
      tpu.wait_dma2 semaphore(%run_scoped3A_194 : memref<!tpu.dma_semaphore, #tpu.memory_space<semaphore_mem>>) src(%dma_wait3A_218 : memref<32x1024xf32, #tpu.memory_space<vmem>>) dst(%dma_wait3A_214 : memref<32x1024xf32, #tpu.memory_space<hbm>>)
      tpu.yield
    }) : () -> ()
    %dma_start3A_143 = arith.constant 3 : i32
    %dma_start3A_144 = arith.constant 1 : i32
    %dma_start3A_145 = arith.constant 1 : i32
    %dma_start3A_146 = arith.constant 0 : i32
    %dma_start3A_147 = arith.constant 0 : i32
    %dma_start3A_148 = tpu.memref_slice %arg7[%dma_start3A_144, %dma_start3A_146, %dma_start3A_147] : memref<2x32x1024xf32, #tpu.memory_space<vmem>> -> memref<1x32x1024xf32, #tpu.memory_space<vmem>>
    %dma_start3A_149 = tpu.memref_squeeze %dma_start3A_148 : memref<1x32x1024xf32, #tpu.memory_space<vmem>> -> memref<32x1024xf32, #tpu.memory_space<vmem>>
    %dma_start3A_150 = arith.constant 0 : i32
    %dma_start3A_151 = tpu.memref_slice %arg6[%dma_start3A_143, %dma_start3A_150] : memref<4x32xi32, #tpu.memory_space<vmem>> -> memref<1x32xi32, #tpu.memory_space<vmem>>
    %dma_start3A_152 = tpu.memref_squeeze %dma_start3A_151 : memref<1x32xi32, #tpu.memory_space<vmem>> -> memref<32xi32, #tpu.memory_space<vmem>>
    %dma_start3A_153 = arith.constant 0 : i32
    %dma_start3A_154 = arith.constant 0 : i32
    %dma_start3A_155 = tpu.memref_slice %arg3[%dma_start3A_153, %dma_start3A_154] : memref<32000x1024xf32, #tpu.memory_space<hbm>> -> memref<32000x1024xf32, #tpu.memory_space<hbm>>
    %dma_start3A_156 = tpu.memref_slice %arg8[%dma_start3A_145] : memref<2x!tpu.dma_semaphore, #tpu.memory_space<semaphore_mem>> -> memref<1x!tpu.dma_semaphore, #tpu.memory_space<semaphore_mem>>
    %dma_start3A_157 = tpu.memref_squeeze %dma_start3A_156 : memref<1x!tpu.dma_semaphore, #tpu.memory_space<semaphore_mem>> -> memref<!tpu.dma_semaphore, #tpu.memory_space<semaphore_mem>>
    tpu.enqueue_indirect_dma source(%dma_start3A_155 : memref<32000x1024xf32, #tpu.memory_space<hbm>>) target(%dma_start3A_149 : memref<32x1024xf32, #tpu.memory_space<vmem>>) offsets(%dma_start3A_152 : memref<32xi32, #tpu.memory_space<vmem>>) semaphore(%dma_start3A_157 : memref<!tpu.dma_semaphore, #tpu.memory_space<semaphore_mem>>)
    %dma_wait3A_158 = arith.constant 2 : i32
    %dma_wait3A_159 = arith.constant 0 : i32
    %dma_wait3A_160 = arith.constant 0 : i32
    %dma_wait3A_161 = arith.constant 0 : i32
    %dma_wait3A_162 = arith.constant 0 : i32
    %dma_wait3A_163 = tpu.memref_slice %arg7[%dma_wait3A_159, %dma_wait3A_161, %dma_wait3A_162] : memref<2x32x1024xf32, #tpu.memory_space<vmem>> -> memref<1x32x1024xf32, #tpu.memory_space<vmem>>
    %dma_wait3A_164 = tpu.memref_squeeze %dma_wait3A_163 : memref<1x32x1024xf32, #tpu.memory_space<vmem>> -> memref<32x1024xf32, #tpu.memory_space<vmem>>
    %dma_wait3A_165 = arith.constant 0 : i32
    %dma_wait3A_166 = tpu.memref_slice %arg6[%dma_wait3A_158, %dma_wait3A_165] : memref<4x32xi32, #tpu.memory_space<vmem>> -> memref<1x32xi32, #tpu.memory_space<vmem>>
    %dma_wait3A_167 = tpu.memref_squeeze %dma_wait3A_166 : memref<1x32xi32, #tpu.memory_space<vmem>> -> memref<32xi32, #tpu.memory_space<vmem>>
    %dma_wait3A_168 = arith.constant 0 : i32
    %dma_wait3A_169 = arith.constant 0 : i32
    %dma_wait3A_170 = tpu.memref_slice %arg3[%dma_wait3A_168, %dma_wait3A_169] : memref<32000x1024xf32, #tpu.memory_space<hbm>> -> memref<32000x1024xf32, #tpu.memory_space<hbm>>
    %dma_wait3A_171 = tpu.memref_slice %arg8[%dma_wait3A_160] : memref<2x!tpu.dma_semaphore, #tpu.memory_space<semaphore_mem>> -> memref<1x!tpu.dma_semaphore, #tpu.memory_space<semaphore_mem>>
    %dma_wait3A_172 = tpu.memref_squeeze %dma_wait3A_171 : memref<1x!tpu.dma_semaphore, #tpu.memory_space<semaphore_mem>> -> memref<!tpu.dma_semaphore, #tpu.memory_space<semaphore_mem>>
    tpu.wait_indirect_dma semaphore(%dma_wait3A_172 : memref<!tpu.dma_semaphore, #tpu.memory_space<semaphore_mem>>) src(%dma_wait3A_170 : memref<32000x1024xf32, #tpu.memory_space<hbm>>) dst(%dma_wait3A_164 : memref<32x1024xf32, #tpu.memory_space<vmem>>)
    %add3A_173 = arith.constant 64 : i32
    %add3A_174 = arith.addi %mul3A_2, %add3A_173 : i32
    %run_scoped3A_175 = arith.constant 0 : i32
    "tpu.region"() ({
      %run_scoped3A_194 = tpu.sem_alloc : memref<!tpu.dma_semaphore, #tpu.memory_space<semaphore_mem>>
      %dma_start3A_195 = arith.constant 0 : i32
      %dma_start3A_196 = arith.constant 0 : i32
      %dma_start3A_197 = tpu.memref_slice %arg7[%run_scoped3A_175, %dma_start3A_195, %dma_start3A_196] : memref<2x32x1024xf32, #tpu.memory_space<vmem>> -> memref<1x32x1024xf32, #tpu.memory_space<vmem>>
      %dma_start3A_198 = tpu.memref_squeeze %dma_start3A_197 : memref<1x32x1024xf32, #tpu.memory_space<vmem>> -> memref<32x1024xf32, #tpu.memory_space<vmem>>
      %dma_start3A_199 = arith.constant 0 : i32
      %dma_start3A_200 = tpu.memref_slice %arg4[%add3A_174, %dma_start3A_199] : memref<4096x1024xf32, #tpu.memory_space<hbm>> -> memref<32x1024xf32, #tpu.memory_space<hbm>>
      %dma_start3A_201 = arith.constant 0 : i32
      %dma_start3A_202 = tpu.memref_slice %arg4[%add3A_174, %dma_start3A_201] : memref<4096x1024xf32, #tpu.memory_space<hbm>> -> memref<32x1024xf32, #tpu.memory_space<hbm>>
      %dma_start3A_203 = arith.constant 0 : i32
      %dma_start3A_204 = arith.constant 0 : i32
      %dma_start3A_205 = tpu.memref_slice %arg7[%run_scoped3A_175, %dma_start3A_203, %dma_start3A_204] : memref<2x32x1024xf32, #tpu.memory_space<vmem>> -> memref<1x32x1024xf32, #tpu.memory_space<vmem>>
      %dma_start3A_206 = tpu.memref_squeeze %dma_start3A_205 : memref<1x32x1024xf32, #tpu.memory_space<vmem>> -> memref<32x1024xf32, #tpu.memory_space<vmem>>
      tpu.enqueue_dma source(%dma_start3A_206 : memref<32x1024xf32, #tpu.memory_space<vmem>>) target(%dma_start3A_202 : memref<32x1024xf32, #tpu.memory_space<hbm>>) target_semaphore(%run_scoped3A_194 : memref<!tpu.dma_semaphore, #tpu.memory_space<semaphore_mem>>)
      %dma_wait3A_207 = arith.constant 0 : i32
      %dma_wait3A_208 = arith.constant 0 : i32
      %dma_wait3A_209 = tpu.memref_slice %arg7[%run_scoped3A_175, %dma_wait3A_207, %dma_wait3A_208] : memref<2x32x1024xf32, #tpu.memory_space<vmem>> -> memref<1x32x1024xf32, #tpu.memory_space<vmem>>
      %dma_wait3A_210 = tpu.memref_squeeze %dma_wait3A_209 : memref<1x32x1024xf32, #tpu.memory_space<vmem>> -> memref<32x1024xf32, #tpu.memory_space<vmem>>
      %dma_wait3A_211 = arith.constant 0 : i32
      %dma_wait3A_212 = tpu.memref_slice %arg4[%add3A_174, %dma_wait3A_211] : memref<4096x1024xf32, #tpu.memory_space<hbm>> -> memref<32x1024xf32, #tpu.memory_space<hbm>>
      %dma_wait3A_213 = arith.constant 0 : i32
      %dma_wait3A_214 = tpu.memref_slice %arg4[%add3A_174, %dma_wait3A_213] : memref<4096x1024xf32, #tpu.memory_space<hbm>> -> memref<32x1024xf32, #tpu.memory_space<hbm>>
      %dma_wait3A_215 = arith.constant 0 : i32
      %dma_wait3A_216 = arith.constant 0 : i32
      %dma_wait3A_217 = tpu.memref_slice %arg7[%run_scoped3A_175, %dma_wait3A_215, %dma_wait3A_216] : memref<2x32x1024xf32, #tpu.memory_space<vmem>> -> memref<1x32x1024xf32, #tpu.memory_space<vmem>>
      %dma_wait3A_218 = tpu.memref_squeeze %dma_wait3A_217 : memref<1x32x1024xf32, #tpu.memory_space<vmem>> -> memref<32x1024xf32, #tpu.memory_space<vmem>>
      tpu.wait_dma2 semaphore(%run_scoped3A_194 : memref<!tpu.dma_semaphore, #tpu.memory_space<semaphore_mem>>) src(%dma_wait3A_218 : memref<32x1024xf32, #tpu.memory_space<vmem>>) dst(%dma_wait3A_214 : memref<32x1024xf32, #tpu.memory_space<hbm>>)
      tpu.yield
    }) : () -> ()
    %dma_wait3A_176 = arith.constant 3 : i32
    %dma_wait3A_177 = arith.constant 1 : i32
    %dma_wait3A_178 = arith.constant 1 : i32
    %dma_wait3A_179 = arith.constant 0 : i32
    %dma_wait3A_180 = arith.constant 0 : i32
    %dma_wait3A_181 = tpu.memref_slice %arg7[%dma_wait3A_177, %dma_wait3A_179, %dma_wait3A_180] : memref<2x32x1024xf32, #tpu.memory_space<vmem>> -> memref<1x32x1024xf32, #tpu.memory_space<vmem>>
    %dma_wait3A_182 = tpu.memref_squeeze %dma_wait3A_181 : memref<1x32x1024xf32, #tpu.memory_space<vmem>> -> memref<32x1024xf32, #tpu.memory_space<vmem>>
    %dma_wait3A_183 = arith.constant 0 : i32
    %dma_wait3A_184 = tpu.memref_slice %arg6[%dma_wait3A_176, %dma_wait3A_183] : memref<4x32xi32, #tpu.memory_space<vmem>> -> memref<1x32xi32, #tpu.memory_space<vmem>>
    %dma_wait3A_185 = tpu.memref_squeeze %dma_wait3A_184 : memref<1x32xi32, #tpu.memory_space<vmem>> -> memref<32xi32, #tpu.memory_space<vmem>>
    %dma_wait3A_186 = arith.constant 0 : i32
    %dma_wait3A_187 = arith.constant 0 : i32
    %dma_wait3A_188 = tpu.memref_slice %arg3[%dma_wait3A_186, %dma_wait3A_187] : memref<32000x1024xf32, #tpu.memory_space<hbm>> -> memref<32000x1024xf32, #tpu.memory_space<hbm>>
    %dma_wait3A_189 = tpu.memref_slice %arg8[%dma_wait3A_178] : memref<2x!tpu.dma_semaphore, #tpu.memory_space<semaphore_mem>> -> memref<1x!tpu.dma_semaphore, #tpu.memory_space<semaphore_mem>>
    %dma_wait3A_190 = tpu.memref_squeeze %dma_wait3A_189 : memref<1x!tpu.dma_semaphore, #tpu.memory_space<semaphore_mem>> -> memref<!tpu.dma_semaphore, #tpu.memory_space<semaphore_mem>>
    tpu.wait_indirect_dma semaphore(%dma_wait3A_190 : memref<!tpu.dma_semaphore, #tpu.memory_space<semaphore_mem>>) src(%dma_wait3A_188 : memref<32000x1024xf32, #tpu.memory_space<hbm>>) dst(%dma_wait3A_182 : memref<32x1024xf32, #tpu.memory_space<vmem>>)
    %add3A_191 = arith.constant 96 : i32
    %add3A_192 = arith.addi %mul3A_2, %add3A_191 : i32
    %run_scoped3A_193 = arith.constant 1 : i32
    "tpu.region"() ({
      %run_scoped3A_194 = tpu.sem_alloc : memref<!tpu.dma_semaphore, #tpu.memory_space<semaphore_mem>>
      %dma_start3A_195 = arith.constant 0 : i32
      %dma_start3A_196 = arith.constant 0 : i32
      %dma_start3A_197 = tpu.memref_slice %arg7[%run_scoped3A_193, %dma_start3A_195, %dma_start3A_196] : memref<2x32x1024xf32, #tpu.memory_space<vmem>> -> memref<1x32x1024xf32, #tpu.memory_space<vmem>>
      %dma_start3A_198 = tpu.memref_squeeze %dma_start3A_197 : memref<1x32x1024xf32, #tpu.memory_space<vmem>> -> memref<32x1024xf32, #tpu.memory_space<vmem>>
      %dma_start3A_199 = arith.constant 0 : i32
      %dma_start3A_200 = tpu.memref_slice %arg4[%add3A_192, %dma_start3A_199] : memref<4096x1024xf32, #tpu.memory_space<hbm>> -> memref<32x1024xf32, #tpu.memory_space<hbm>>
      %dma_start3A_201 = arith.constant 0 : i32
      %dma_start3A_202 = tpu.memref_slice %arg4[%add3A_192, %dma_start3A_201] : memref<4096x1024xf32, #tpu.memory_space<hbm>> -> memref<32x1024xf32, #tpu.memory_space<hbm>>
      %dma_start3A_203 = arith.constant 0 : i32
      %dma_start3A_204 = arith.constant 0 : i32
      %dma_start3A_205 = tpu.memref_slice %arg7[%run_scoped3A_193, %dma_start3A_203, %dma_start3A_204] : memref<2x32x1024xf32, #tpu.memory_space<vmem>> -> memref<1x32x1024xf32, #tpu.memory_space<vmem>>
      %dma_start3A_206 = tpu.memref_squeeze %dma_start3A_205 : memref<1x32x1024xf32, #tpu.memory_space<vmem>> -> memref<32x1024xf32, #tpu.memory_space<vmem>>
      tpu.enqueue_dma source(%dma_start3A_206 : memref<32x1024xf32, #tpu.memory_space<vmem>>) target(%dma_start3A_202 : memref<32x1024xf32, #tpu.memory_space<hbm>>) target_semaphore(%run_scoped3A_194 : memref<!tpu.dma_semaphore, #tpu.memory_space<semaphore_mem>>)
      %dma_wait3A_207 = arith.constant 0 : i32
      %dma_wait3A_208 = arith.constant 0 : i32
      %dma_wait3A_209 = tpu.memref_slice %arg7[%run_scoped3A_193, %dma_wait3A_207, %dma_wait3A_208] : memref<2x32x1024xf32, #tpu.memory_space<vmem>> -> memref<1x32x1024xf32, #tpu.memory_space<vmem>>
      %dma_wait3A_210 = tpu.memref_squeeze %dma_wait3A_209 : memref<1x32x1024xf32, #tpu.memory_space<vmem>> -> memref<32x1024xf32, #tpu.memory_space<vmem>>
      %dma_wait3A_211 = arith.constant 0 : i32
      %dma_wait3A_212 = tpu.memref_slice %arg4[%add3A_192, %dma_wait3A_211] : memref<4096x1024xf32, #tpu.memory_space<hbm>> -> memref<32x1024xf32, #tpu.memory_space<hbm>>
      %dma_wait3A_213 = arith.constant 0 : i32
      %dma_wait3A_214 = tpu.memref_slice %arg4[%add3A_192, %dma_wait3A_213] : memref<4096x1024xf32, #tpu.memory_space<hbm>> -> memref<32x1024xf32, #tpu.memory_space<hbm>>
      %dma_wait3A_215 = arith.constant 0 : i32
      %dma_wait3A_216 = arith.constant 0 : i32
      %dma_wait3A_217 = tpu.memref_slice %arg7[%run_scoped3A_193, %dma_wait3A_215, %dma_wait3A_216] : memref<2x32x1024xf32, #tpu.memory_space<vmem>> -> memref<1x32x1024xf32, #tpu.memory_space<vmem>>
      %dma_wait3A_218 = tpu.memref_squeeze %dma_wait3A_217 : memref<1x32x1024xf32, #tpu.memory_space<vmem>> -> memref<32x1024xf32, #tpu.memory_space<vmem>>
      tpu.wait_dma2 semaphore(%run_scoped3A_194 : memref<!tpu.dma_semaphore, #tpu.memory_space<semaphore_mem>>) src(%dma_wait3A_218 : memref<32x1024xf32, #tpu.memory_space<vmem>>) dst(%dma_wait3A_214 : memref<32x1024xf32, #tpu.memory_space<hbm>>)
      tpu.yield
    }) : () -> ()
    return
  }
}

module attributes {stable_mosaic.version = 14 : i64} {
  func.func @_tc_body(%arg0: i32, %arg1: memref<256x1xi32, #tpu.memory_space<vmem>>, %arg2: memref<256x1024xf32, #tpu.memory_space<vmem>>, %arg3: memref<1024x1024xf32, #tpu.memory_space<vmem>>, %arg4: memref<256x1024xf32, #tpu.memory_space<vmem>>, %arg5: memref<256x1024xf32, #tpu.memory_space<vmem>>) attributes {dimension_semantics = [#tpu.dimension_semantics<arbitrary>], iteration_bounds = array<i64: 16>, scalar_prefetch = 0 : i64, scratch_operands = 0 : i64, tpu.core_type = #tpu.core_type<tc>, window_params = [{transform_indices = @transform_0, window_bounds = array<i64: 256, 1>}, {transform_indices = @transform_1, window_bounds = array<i64: 256, 1024>}, {pipeline_mode = #tpu.pipeline_mode<synchronous>, transform_indices = @transform_2, window_bounds = array<i64: 1024, 1024>}, {transform_indices = @transform_3, window_bounds = array<i64: 256, 1024>}, {transform_indices = @transform_4, window_bounds = array<i64: 256, 1024>}]} {
    %get3A = arith.constant 0 : index
    %get3A_0 = arith.constant 0 : index
    %get3A_1 = vector.load %arg1[%get3A, %get3A_0] : memref<256x1xi32, #tpu.memory_space<vmem>>, vector<256x1xi32>
    %ne3A = arith.constant 0 : i32
    %ne3A_2 = vector.broadcast %ne3A : i32 to vector<256x1xi32>
    %ne3A_3 = arith.cmpi ne, %get3A_1, %ne3A_2 : vector<256x1xi32>
    %ne3A_4 = arith.constant 1 : i32
    %ne3A_5 = vector.broadcast %ne3A_4 : i32 to vector<256x1xi32>
    %ne3A_6 = arith.cmpi ne, %get3A_1, %ne3A_5 : vector<256x1xi32>
    %and3A = arith.andi %ne3A_3, %ne3A_6 : vector<256x1xi1>
    %ne3A_7 = arith.constant 2 : i32
    %ne3A_8 = vector.broadcast %ne3A_7 : i32 to vector<256x1xi32>
    %ne3A_9 = arith.cmpi ne, %get3A_1, %ne3A_8 : vector<256x1xi32>
    %and3A_10 = arith.andi %and3A, %ne3A_9 : vector<256x1xi1>
    %convert_element_type3A = arith.extui %and3A_10 : vector<256x1xi1> to vector<256x1xi32>
    %convert_element_type3A_11 = arith.sitofp %convert_element_type3A : vector<256x1xi32> to vector<256x1xf32>
    %get3A_12 = arith.constant 0 : index
    %get3A_13 = arith.constant 0 : index
    %get3A_14 = vector.load %arg2[%get3A_12, %get3A_13] : memref<256x1024xf32, #tpu.memory_space<vmem>>, vector<256x1024xf32>
    %get3A_15 = arith.constant 0 : index
    %get3A_16 = arith.constant 0 : index
    %get3A_17 = vector.load %arg3[%get3A_15, %get3A_16] : memref<1024x1024xf32, #tpu.memory_space<vmem>>, vector<1024x1024xf32>
    %dot_general3A = arith.constant dense<0.000000e+00> : vector<256x1024xf32>
    %dot_general3A_18 = tpu.matmul %get3A_14, %get3A_17, %dot_general3A {dimension_numbers = #tpu.dot_dimension_numbers<[1], [0], [0], [1], [0, 0, 1, 1], [], []>, transpose_lhs_hint = false} : vector<256x1024xf32>, vector<1024x1024xf32>, vector<256x1024xf32> -> vector<256x1024xf32>
    %get3A_19 = arith.constant 0 : index
    %get3A_20 = arith.constant 0 : index
    %get3A_21 = vector.load %arg4[%get3A_19, %get3A_20] : memref<256x1024xf32, #tpu.memory_space<vmem>>, vector<256x1024xf32>
    %mul3A = vector.broadcast %convert_element_type3A_11 : vector<256x1xf32> to vector<256x1024xf32>
    %mul3A_22 = arith.mulf %dot_general3A_18, %mul3A : vector<256x1024xf32>
    %add3A = arith.addf %get3A_21, %mul3A_22 : vector<256x1024xf32>
    %mul3A_23 = arith.constant 0.0588235296 : f32
    %mul3A_24 = vector.broadcast %mul3A_23 : f32 to vector<256x1024xf32>
    %mul3A_25 = arith.mulf %add3A, %mul3A_24 : vector<256x1024xf32>
    %swap3A = arith.constant 0 : index
    %swap3A_26 = arith.constant 0 : index
    %swap3A_27 = vector.load %arg5[%swap3A, %swap3A_26] : memref<256x1024xf32, #tpu.memory_space<vmem>>, vector<256x1024xf32>
    tpu.vector_store %arg5[%swap3A, %swap3A_26], %mul3A_25 {strides = array<i32>} : memref<256x1024xf32, #tpu.memory_space<vmem>>, vector<256x1024xf32>,
    return
  }
  func.func @transform_0(%arg0: i32) -> (i32, i32) {
    %c0_i32 = arith.constant 0 : i32
    %c0_i32_0 = arith.constant 0 : i32
    return %arg0, %c0_i32 : i32, i32
  }
  func.func @transform_1(%arg0: i32) -> (i32, i32) {
    %c0_i32 = arith.constant 0 : i32
    %c0_i32_0 = arith.constant 0 : i32
    return %arg0, %c0_i32 : i32, i32
  }
  func.func @transform_2(%arg0: i32) -> (i32, i32) {
    %c0_i32 = arith.constant 0 : i32
    %c0_i32_0 = arith.constant 0 : i32
    %c0_i32_1 = arith.constant 0 : i32
    return %c0_i32, %c0_i32_0 : i32, i32
  }
  func.func @transform_3(%arg0: i32) -> (i32, i32) {
    %c0_i32 = arith.constant 0 : i32
    %c0_i32_0 = arith.constant 0 : i32
    return %arg0, %c0_i32 : i32, i32
  }
  func.func @transform_4(%arg0: i32) -> (i32, i32) {
    %c0_i32 = arith.constant 0 : i32
    %c0_i32_0 = arith.constant 0 : i32
    return %arg0, %c0_i32 : i32, i32
  }
}

</mosaic_0001>

<sc_bundles>
// kernel: kernel.5.cloned.1.call-start
scs
__scs_entry_jumppad:
0x0: {  	(pc) =	sbr.rel $0x88, $3  }
0x1: {  	(tag) =	ssettag $0x0;
	lr =	simm.s32 $0x1  }
0x2: {  	[smem:$0x3F9D] =	sst lr;
	_ =	strace $0xD0000000  }
0x3: {  	_ = 	snop  }
0x4: {  	_ = 	snop  }
0x5: {  	_ = 	snop  }
0x6: {  	_ = 	snop  }
0x7: {  	_ = 	snop  }
__scs_overlays_trampoline_lowered:
0x8: {  	[smem:$0x3FAC] =	sst s0  }
0x9: {  	[smem:$0x3FAD] =	sst s1  }
0xa: {  	[smem:$0x3FAE] =	sst s2  }
0xb: {  	[smem:$0x3FAF] =	sst s3  }
0xc: {  	[smem:$0x3FB0] =	sst s4  }
0xd: {  	[smem:$0x3FB1] =	sst s5  }
0xe: {  	[smem:$0x3FB2] =	sst s6  }
0xf: {  	[smem:$0x3FB3] =	sst s7  }
0x10: {  	[smem:$0x3FB4] =	sst s8  }
0x11: {  	[smem:$0x3FB5] =	sst s9;
	s0 =	simm.s32 @!p0 $0x0  }
0x12: {  	s1 =	sld [smem:$0x3F9B];
	s0 =	simm.s32 @p0 $0x1  }
0x13: {  	[smem:$0x3FB6] =	sst s0;
	s0 =	simm.s32 @!p1 $0x0  }
0x14: {  	s2 =	sld [smem:$0x3F9A];
	s0 =	simm.s32 @p1 $0x1  }
0x15: {  	[smem:$0x3FB7] =	sst s0;
	s0 =	simm.s32 @!p2 $0x0  }
0x16: {  	s3 =	sld [smem:$0x3FDB];
	s0 =	simm.s32 @p2 $0x1  }
0x17: {  	s4 =	simm.s32 $0x1BF5;
	[smem:$0x3FB9] =	sst s0  }
0x18: {  	s0 =	sld [smem:$0x3F9C];
	_ =	swait.ge [sflag:s4], $0x0  }
0x19: {  	s7 =	sld [smem:$0x3F9D]  }
0x1a: {  	s8 =	sadd.s32 $0xFFFFE003, lr  }
0x1b: {  	s9 =	sadd.s32 $0xFFFFFEF7, lr;
	s5 =	simm.s32 $0xFFFFFFFF;
	p2 =	slt.u32 s8, $0xFFFFF086  }
0x1c: {  	p1 =	slt.u32 s9, $0xF7A;
	s5 =	simm.s32 @!p2 $0x0  }
0x1d: {  	s5 =	simm.s32 @p1 $0x1;
	p0 =	seq.s32 s7, s2  }
0x1e: {  	s7 =	smul.u32 @!p0 $0xF7A, s2;
	p2 =	seq.s32 @!p0 s5, $0x0  }
0x1f: {  	s9 =	smul.u32 $0xF7A, s1;
	s8 =	simm.s32 @!p0 $0x1BF5;
	p2 =	por !p2, p0  }
0x20: {  	[sflag:s8] =	ssyncset.s32 @!p0 $0xFFFFF086;
	s6 =	sadd.s32 @!p0 s3, s7;
	s7 =	simm.s32 @!p0 $0x108  }
0x21: {  	s3 =	sadd.s32 s3, s9;
	s6 =	sadd.s32 @!p0 $0x88, s6;
	s7 =	simm.s32 @p2 $0x1082  }
0x22: {  	[simem:s7], [sflag:s8] =	dma.local @!p0 [hbm:s6], $0xF7A  }
0x23: {  	s9 =	sor.u32 $0xD0000000, s2;
	s6 =	simm.s32 $0x108;
	_ =	swait.ge @!p0 [sflag:s8], $0x0  }
0x24: {  	s3 =	sadd.s32 $0x88, s3;
	s6 =	simm.s32 @!p1 $0x1082;
	[sflag:s4] =	ssyncset.s32 $0xFFFFF086  }
0x25: {  	[simem:s6], [sflag:s4] =	dma.local [hbm:s3], $0xF7A  }
0x26: {  	[smem:$0x3F9D] =	sst s1;
	(tag) =	ssettag s2;
	_ =	strace s9  }
0x27: {  	s1 =	sld [smem:$0x3FAD]  }
0x28: {  	s2 =	sld [smem:$0x3FAE]  }
0x29: {  	s4 =	sld [smem:$0x3FB0]  }
0x2a: {  	p0 =	seq.s32 s5, $0x0;
	s5 =	sld [smem:$0x3FB1]  }
0x2b: {  	s6 =	sld [smem:$0x3FB2]  }
0x2c: {  	s7 =	sld [smem:$0x3FB3]  }
0x2d: {  	s3 =	simm.s32 $0x108;
	s8 =	sld [smem:$0x3FB4]  }
0x2e: {  	s3 =	simm.s32 @!p0 $0x1082;
	s9 =	sld [smem:$0x3FB5]  }
0x2f: {  	lr =	sadd.s32 s0, s3;
	s0 =	sld [smem:$0x3FAC]  }
0x30: {  	s3 =	sld [smem:$0x3FAF]  }
0x31: {  	[smem:$0x3FB8] =	sst s10  }
0x32: {  	s10 =	sld [smem:$0x3FB6];
	_ =	sdelay $0x3  }
0x33: {  	p0 =	seq.s32 s10, $0x1;
	s10 =	sld [smem:$0x3FB8];
	_ =	sdelay $0x3  }
0x34: {  	[smem:$0x3FB8] =	sst s10  }
0x35: {  	s10 =	sld [smem:$0x3FB7];
	_ =	sdelay $0x3  }
0x36: {  	p1 =	seq.s32 s10, $0x1;
	s10 =	sld [smem:$0x3FB8];
	_ =	sdelay $0x3  }
0x37: {  	[smem:$0x3FB8] =	sst s10  }
0x38: {  	s10 =	sld [smem:$0x3FB9]  }
0x39: {  	_ = 	snop;
	(pc) =	sbr.ind lr, $3  }
0x3a: {  	_ = 	snop  }
0x3b: {  	_ = 	snop  }
0x3c: {  	p2 =	seq.s32 s10, $0x1;
	s10 =	sld [smem:$0x3FB8]  }
0x3d: {  	_ =	shalt  }
0x3e: {  	_ =	shalt  }
0x3f: {  	_ =	shalt  }
0x40: {  	_ =	shalt  }
0x41: {  	_ =	shalt  }
0x42: {  	_ =	shalt  }
0x43: {  	_ =	shalt  }
0x44: {  	_ =	shalt  }
0x45: {  	_ =	shalt  }
0x46: {  	_ =	shalt  }
0x47: {  	_ =	shalt  }
0x48: {  	_ =	shalt  }
0x49: {  	_ =	shalt  }
0x4a: {  	_ =	shalt  }
0x4b: {  	_ =	shalt  }
0x4c: {  	_ =	shalt  }
0x4d: {  	_ =	shalt  }
0x4e: {  	_ =	shalt  }
0x4f: {  	_ =	shalt  }
0x50: {  	_ =	shalt  }
0x51: {  	_ =	shalt  }
0x52: {  	_ =	shalt  }
0x53: {  	_ =	shalt  }
0x54: {  	_ =	shalt  }
0x55: {  	_ =	shalt  }
0x56: {  	_ =	shalt  }
0x57: {  	_ =	shalt  }
0x58: {  	_ =	shalt  }
0x59: {  	_ =	shalt  }
0x5a: {  	_ =	shalt  }
0x5b: {  	_ =	shalt  }
0x5c: {  	_ =	shalt  }
0x5d: {  	_ =	shalt  }
0x5e: {  	_ =	shalt  }
0x5f: {  	_ =	shalt  }
0x60: {  	_ =	shalt  }
0x61: {  	_ =	shalt  }
0x62: {  	_ =	shalt  }
0x63: {  	_ =	shalt  }
0x64: {  	_ =	shalt  }
0x65: {  	_ =	shalt  }
0x66: {  	_ =	shalt  }
0x67: {  	_ =	shalt  }
0x68: {  	_ =	shalt  }
0x69: {  	_ =	shalt  }
0x6a: {  	_ =	shalt  }
0x6b: {  	_ =	shalt  }
0x6c: {  	_ =	shalt  }
0x6d: {  	_ =	shalt  }
0x6e: {  	_ =	shalt  }
0x6f: {  	_ =	shalt  }
0x70: {  	_ =	shalt  }
0x71: {  	_ =	shalt  }
0x72: {  	_ =	shalt  }
0x73: {  	_ =	shalt  }
0x74: {  	_ =	shalt  }
0x75: {  	_ =	shalt  }
0x76: {  	_ =	shalt  }
0x77: {  	_ =	shalt  }
0x78: {  	_ =	shalt  }
0x79: {  	_ =	shalt  }
0x7a: {  	_ =	shalt  }
0x7b: {  	_ =	shalt  }
0x7c: {  	_ =	shalt  }
0x7d: {  	_ =	shalt  }
0x7e: {  	_ =	shalt  }
0x7f: {  	_ =	shalt  }
0x80: {  	_ =	shalt  }
0x81: {  	_ =	shalt  }
0x82: {  	_ =	shalt  }
0x83: {  	_ =	shalt  }
0x84: {  	_ =	shalt  }
0x85: {  	_ =	shalt  }
0x86: {  	_ =	shalt  }
0x87: {  	_ =	shalt  }
.Lfunc_end0:
.L_simem_size_0:
called_computation_lowered:
.L_overlay_start_0:
0x88: {  	s2 =	sld [smem:$0x3FD9]  }
0x89: {  	s3 =	sld [smem:$0x3FFE];
	_ =	sdelay $0x1  }
0x8a: {  	s1 =	srdreg.scid  }
0x8b: {  	s0 =	sand.u32 $0x1, s1  }
0x8c: {  	s17 =	sshll.u32 s0, $0xA;
	s2 =	sadd.s32 s3, s2  }
0x8d: {  	s2 =	sadd.s32 s2, s17  }
0x8e: {  	[smem:$0x3FC4] =	sst s2  }
0x8f: {  	_ = 	snop  }
0x90: {  	s18 =	sld [smem:$0x3FC9]  }
0x91: {  	s4 =	sld [smem:$0x3FC8];
	(tm) =	ssettm $0x1  }
0x92: {  	s19 =	sld [smem:$0x3FFB];
	_ =	sdelay $0x3  }
0x93: {  	_ =	strace s19  }
0x94: {  	s2 =	sld [smem:$0x3FFC];
	_ =	sdelay $0x3  }
0x95: {  	_ =	strace s2  }
0x96: {  	s2 =	sld [smem:$0x3FFD];
	_ =	sdelay $0x3  }
0x97: {  	_ =	strace s2  }
0x98: {  	_ =	strace $0x8FFFFFFF  }
0x99: {  	s20 =	sld [smem:$0x3FDB];
	_ =	sdelay $0x1  }
0x9a: {  	s5 =	simm.s32 $_scs_section_size  }
0x9b: {  	s6 =	simm.s32 $_size__tile_overlayer_lowered;
	s7 =	simm.s32 $_tile_overlayer_lowered  }
0x9c: {  	s8 =	simm.s32 $0x1BFF;
	s21 =	sshll.u32 s7, $0x1;
	s5 =	sadd.s32 s5, s20  }
0x9d: {  	s22 =	simm.s32 $0x0;
	s6 =	sshll.u32 s6, $0x1;
	s7 =	sadd.s32 s21, s5  }
0x9e: {  	[timem:s22], [sflag:s8] =	dma.local [hbm:s7], s6  }
0x9f: {  	_ =	swait.ge [sflag:s8], s6  }
0xa0: {  	s6 =	ssub.s32 $0x0, s6;
	[sflag:s8] =	ssyncset.done $0x0  }
0xa1: {  	[sflag:s8] =	ssyncadd.s32 s6;
	_ =	sdelay $0x1  }
0xa2: {  	s23 =	simm.s32 $0x1B8B  }
0xa3: {  	_ =	swait.ge [sflag:s23], $0x1  }
0xa4: {  	[sflag:s23] =	ssyncset.done $0x0  }
0xa5: {  	[sflag:s23] =	ssyncadd.s32 $0xFFFFFFFF  }
0xa6: {  	s6 =	sld [smem:$0x0]  }
0xa7: {  	s7 =	sand.u32 $0xFFFFFFFE, s1  }
0xa8: {  	p0 =	sne.s32 s1, s7  }
0xa9: {  	s7 =	sshll.u32 @p0 s7, $0xE  }
0xaa: {  	s7 =	sadd.s32 @p0 $0x11B8D, s7;
	s8 =	sshll.u32 @p0 s6, $0x11  }
0xab: {  	s7 =	sor.u32 @p0 s8, s7  }
0xac: {  	[sflag:s7] =	ssyncadd.remote.s32 @p0 $0x1;
	_ =	sdelay $0x1  }
0xad: {  	s7 =	simm.s32 @p0 $0x1B8D  }
0xae: {  	_ =	swait.eq @p0 [sflag:s7], $0x1  }
0xaf: {  	[sflag:s7] =	ssyncadd.s32 @p0 $0xFFFFFFFF  }
0xb0: {  	s8 =	sshll.u32 @!p0 s1, $0xE  }
0xb1: {  	s8 =	sor.u32 @!p0 $0x4000, s8;
	s7 =	simm.s32 @!p0 $0x1B8D  }
0xb2: {  	s6 =	sshll.u32 @!p0 s6, $0x11;
	s8 =	sadd.s32 @!p0 $0x11B8D, s8;
	_ =	swait.eq @!p0 [sflag:s7], $0x1  }
0xb3: {  	s6 =	sor.u32 @!p0 s6, s8;
	[sflag:s7] =	ssyncadd.s32 @!p0 $0xFFFFFFFF  }
0xb4: {  	s25 =	simm.s32 $0x1B8E;
	s24 =	sld [smem:$0x3FFE];
	[sflag:s6] =	ssyncadd.remote.s32 @!p0 $0x1  }
0xb5: {  	s26 =	simm.s32 $execute0_lowered;
	[smem:$0x3FD2] =	sst s25  }
0xb6: {  	s7 =	sshll.u32 s26, $0x1;
	_ =	strace $0x80000049;
	[dreg:$0x1] =	wrdreg $0xFFFFFFFF  }
0xb7: {  	s28 =	simm.s32 $_size_execute0_lowered;
	s5 =	sadd.s32 s5, s7;
	[dreg:$0x0] =	wrdreg $0x0  }
0xb8: {  	s7 =	sshll.u32 s28, $0x1;
	[dreg:$0x2] =	wrdreg s5  }
0xb9: {  	[dreg:$0x3] =	wrdreg s7  }
0xba: {  	[dreg:$0x4] =	wrdreg $0xC0  }
0xbb: {  	_ =	task [dreg:s22], $0x5FFFF  }
0xbc: {  	[dreg:$0x1] =	wrdreg $0xFFFFFFFF  }
0xbd: {  	[dreg:$0x0] =	wrdreg $0x60  }
0xbe: {  	[dreg:$0x2] =	wrdreg s18  }
0xbf: {  	[dreg:$0x3] =	wrdreg s4  }
0xc0: {  	[dreg:$0x4] =	wrdreg s24  }
0xc1: {  	[dreg:$0x5] =	wrdreg $0x9  }
0xc2: {  	_ =	task.clear_ibuf [dreg:s22], $0x6FFFF;
	_ =	strace $0x90000049  }
0xc3: {  	s29 =	simm.s32 $0x9;
	_ =	strace $0x8000004B  }
0xc4: {  	_ =	swait.ge [sflag:s29], $0x1  }
0xc5: {  	[sflag:s29] =	ssyncadd.s32 $0xFFFFFFFF  }
0xc6: {  	_ =	strace $0x9000004B  }
0xc7: {  	_ =	sfence  }
0xc8: {  	s30 =	sld [smem:$0x0];
	_ =	sdelay $0x2  }
0xc9: {  	s31 =	sshll.u32 s1, $0xD;
	s1 =	sshrl.u32 s1, $0x2  }
0xca: {  	s4 =	sand.u32 $0x4000, s31;
	s1 =	sadd.s32 s1, s30  }
0xcb: {  	s0 =	sor.u32 s4, s0;
	s1 =	sshll.u32 s1, $0x11  }
0xcc: {  	s0 =	sor.u32 s1, s0  }
0xcd: {  	s0 =	sadd.s32 $0x8F2B, s0  }
0xce: {  	[sflag:s0] =	ssyncadd.remote.s32 $0x1  }
0xcf: {  	_ =	sfence.sel $0xFFFF  }
0xd0: {  	[dreg:$0x0] =	wrdreg $0xFFFFFFFF;
	(pc) =	sbr.abs _section_cstart, $3  }
0xd1: {  	[dreg:$0x1] =	wrdreg $0xFFFFFFFF  }
0xd2: {  	_ =	task.clear_ibuf [dreg:s22], $0x2FFFF;
	_ =	strace $0x9FFFFFFF  }
0xd3: {  	(tm) =	ssettm $0x7FFFFFFF  }
tec
execute0_lowered:
.L_overlay_start_1:
0x0: {  	(tag) =	ssettag $0x1  }
0x1: {  	s0 =	rddreg [dreg:$0x0];
	s1 =	srdreg.scid  }
0x2: {  	s2 =	rddreg [dreg:$0x1];
	s3 =	stileid.u32  }
0x3: {  	s4 =	rddreg [dreg:$0x2];
	s8 =	simm.s32 $0x3;
	s9 =	simm.s32 $0x1  }
0x4: {  	s19 =	simm.s32 $0x2;
	s21 =	simm.s32 $0xA80;
	s28 =	simm.s32 $0x3280  }
0x5: {  	s29 =	simm.s32 $0x3A80;
	s30 =	simm.s32 $0x4280;
	s31 =	simm.s32 $0x4A80  }
0x6: {  	s10 =	simm.s32 $0x6280;
	s11 =	simm.s32 $0x6A80;
	s12 =	simm.s32 $0x7280  }
0x7: {  	s13 =	simm.s32 $0x7A80;
	s18 =	simm.s32 $0x8280;
	s14 =	simm.s32 $0x8A80  }
0x8: {  	s15 =	simm.s32 $0x9280;
	s16 =	simm.s32 $0x9A80;
	s17 =	simm.s32 $0xA280  }
0x9: {  	s1 =	sand.u32 $0x1, s1;
	s5 =	sshll.u32 s3, $0x8;
	s3 =	simm.s32 $0x0  }
0xa: {  	s6 =	sshll.u32 s1, $0x7;
	[smem:$0x7FF] =	sst s3;
	s1 =	ssub.s32 $0x2, s1  }
0xb: {  	s5 =	sor.u32 s6, s5;
	_ =	strace $0x8000004A;
	s23 =	sshrl.u32 s1, $0x1  }
0xc: {  	s6 =	sshll.u32 s5, $0x7;
	s5 =	sshrl.u32 s5, $0x3;
	s1 =	ssub.s32 s1, s23  }
0xd: {  	s23 =	simm.s32 $0x1A80;
	s6 =	sadd.s32 s6, s4;
	s0 =	sadd.s32 s0, s5  }
0xe: {  	s4 =	sadd.s32 $0x100, s2;
	[dreg:$0x4] =	wrdreg s0;
	s22 =	sadd.s32 $0xC00, s6  }
0xf: {  	v0 =	vlaneseq.u32;
	s5 =	sadd.s32 $0x200, s2;
	s24 =	sadd.s32 $0x1C00, s6;
	[dreg:$0x5] =	wrdreg s22  }
0x10: {  	vm0 =	vmmov $0xffff;
	v1 =	vor.u32 $0x10, v0;
	v2 =	vor.u32 $0x20, v0;
	s7 =	smax.u32 s1, $0x1;
	s25 =	sadd.s32 $0x2C00, s6;
	[dreg:$0x6] =	wrdreg s24  }
0x11: {  	v3 =	vor.u32 $0x30, v0;
	v4 =	vor.u32 $0x40, v0;
	v5 =	vor.u32 $0x50, v0;
	s1 =	simm.s32 $0x5280;
	s26 =	sadd.s32 $0x3C00, s6;
	[dreg:$0x7] =	wrdreg s25  }
0x12: {  	v6 =	vor.u32 $0x60, v0;
	v7 =	vor.u32 $0x70, v0;
	v9 =	vshrl.u32 v0, $0x3;
	s6 =	sadd.s32 $0x300, s2;
	[dreg:$0x8] =	wrdreg s26;
	s25 =	simm.s32 $0x280  }
0x13: {  	v8 =	vand.u32 $0x7, v0;
	v10 =	vor.u32 $0x8, v0;
	v9 =	vmul.u32 $0x8, v9;
	s22 =	simm.s32 $0x1280;
	s24 =	simm.s32 $0x2280;
	s26 =	simm.s32 $0x2A80  }
.LBB2_1:
0x14: {  	s20 =	rddreg [dreg:$0x4]  }
0x15: {  	[tilespmem:s3], [sflag:$0x3] =	stream.linear.gather [hbm4b:s20+s3], $0x80, $0x38;
	[tilespmem:$0x10280] =	vst v63  }
0x16: {  	_ =	swait.ge [sflag:s8], $0x80  }
0x17: {  	[sflag:s8] =	ssyncset.done $0x0  }
0x18: {  	[sflag:s8] =	ssyncadd.s32 $0xFFFFFF80  }
0x19: {  	v11 =	vld.idx.msk [tilespmem:v0+s3+$0x0], $0xffff;
	_ =	sdelay $0x4  }
0x1a: {  	[tilespmem:$0x80] =	vst v11  }
0x1b: {  	v12 =	vld.idx.msk [tilespmem:v1+s3+$0x0], $0xffff;
	_ =	sdelay $0x4  }
0x1c: {  	[tilespmem:$0x90] =	vst v12  }
0x1d: {  	v12 =	vld.idx.msk [tilespmem:v2+s3+$0x0], $0xffff;
	_ =	sdelay $0x4  }
0x1e: {  	[tilespmem:$0x100] =	vst v12  }
0x1f: {  	v12 =	vld.idx.msk [tilespmem:v3+s3+$0x0], $0xffff;
	_ =	sdelay $0x4  }
0x20: {  	[tilespmem:$0x110] =	vst v12  }
0x21: {  	v12 =	vld.idx.msk [tilespmem:v4+s3+$0x0], $0xffff;
	_ =	sdelay $0x4  }
0x22: {  	[tilespmem:$0x180] =	vst v12  }
0x23: {  	v12 =	vld.idx.msk [tilespmem:v5+s3+$0x0], $0xffff;
	_ =	sdelay $0x4  }
0x24: {  	[tilespmem:$0x190] =	vst v12  }
0x25: {  	v12 =	vld.idx.msk [tilespmem:v6+s3+$0x0], $0xffff;
	_ =	sdelay $0x1  }
0x26: {  	v13 =	vshll.u32 v11, $0x3  }
0x27: {  	v11 =	vand.u32 $0x7, v11;
	v13 =	vand.u32 $0xFFFFFFC0, v13  }
0x28: {  	v11 =	vor.u32 v11, v13  }
0x29: {  	v55 =	vperm.xlane v11, v8;
	[tilespmem:$0x200] =	vst v12  }
0x2a: {  	v56 =	vld.idx.msk [tilespmem:v7+s3+$0x0], $0xffff  }
0x2b: {  	v12 =	vadd.s32 v9, v55;
	_ =	sdelay $0x3  }
0x2c: {  	[tilespmem:$0x210] =	vst v56  }
0x2d: {  	[tilespmem:s25], [sflag:$0x1] =	stream.indirect_vreg.gather [hbm4b:s2+s3], $0x80, v12, vm0, $0xb8;
	[tilespmem:$0x10280] =	vst v63  }
0x2e: {  	v11 =	vperm.xlane v11, v10  }
0x2f: {  	[tilespmem:s21], [sflag:$0x1] =	stream.indirect_vreg.gather [hbm4b:s4+s3], $0x80, v12, vm0, $0xb8;
	[tilespmem:$0x10280] =	vst v63  }
0x30: {  	v11 =	vadd.s32 v9, v11  }
0x31: {  	[tilespmem:s22], [sflag:$0x1] =	stream.indirect_vreg.gather [hbm4b:s5+s3], $0x80, v12, vm0, $0xb8;
	[tilespmem:$0x10280] =	vst v63  }
0x32: {  	_ = 	snop  }
0x33: {  	[tilespmem:s23], [sflag:$0x1] =	stream.indirect_vreg.gather [hbm4b:s6+s3], $0x80, v12, vm0, $0xb8;
	[tilespmem:$0x10280] =	vst v63  }
0x34: {  	_ = 	snop  }
0x35: {  	[tilespmem:s24], [sflag:$0x1] =	stream.indirect_vreg.gather [hbm4b:s2+s3], $0x80, v11, vm0, $0xb8;
	[tilespmem:$0x10280] =	vst v63  }
0x36: {  	_ = 	snop  }
0x37: {  	[tilespmem:s26], [sflag:$0x1] =	stream.indirect_vreg.gather [hbm4b:s4+s3], $0x80, v11, vm0, $0xb8;
	[tilespmem:$0x10280] =	vst v63  }
0x38: {  	_ = 	snop  }
0x39: {  	[tilespmem:s28], [sflag:$0x1] =	stream.indirect_vreg.gather [hbm4b:s5+s3], $0x80, v11, vm0, $0xb8;
	[tilespmem:$0x10280] =	vst v63  }
0x3a: {  	_ = 	snop  }
0x3b: {  	[tilespmem:s29], [sflag:$0x1] =	stream.indirect_vreg.gather [hbm4b:s6+s3], $0x80, v11, vm0, $0xb8;
	[tilespmem:$0x10280] =	vst v63  }
0x3c: {  	v11 =	vld [tilespmem:$0x90];
	_ =	sdelay $0x4  }
0x3d: {  	v57 =	vshll.u32 v11, $0x3  }
0x3e: {  	v11 =	vand.u32 $0x7, v11;
	v12 =	vand.u32 $0xFFFFFFC0, v57  }
0x3f: {  	v11 =	vor.u32 v11, v12  }
0x40: {  	v12 =	vperm.xlane v11, v8;
	_ =	sdelay $0x1  }
0x41: {  	v12 =	vadd.s32 v9, v12;
	_ =	sdelay $0x4  }
0x42: {  	[tilespmem:s30], [sflag:$0x1] =	stream.indirect_vreg.gather [hbm4b:s2+s3], $0x80, v12, vm0, $0xb8;
	[tilespmem:$0x10280] =	vst v63  }
0x43: {  	v11 =	vperm.xlane v11, v10  }
0x44: {  	[tilespmem:s31], [sflag:$0x1] =	stream.indirect_vreg.gather [hbm4b:s4+s3], $0x80, v12, vm0, $0xb8;
	[tilespmem:$0x10280] =	vst v63  }
0x45: {  	v11 =	vadd.s32 v9, v11  }
0x46: {  	[tilespmem:s1], [sflag:$0x1] =	stream.indirect_vreg.gather [hbm4b:s5+s3], $0x80, v12, vm0, $0xb8;
	[tilespmem:$0x10280] =	vst v63  }
0x47: {  	s0 =	simm.s32 $0x5A80  }
0x48: {  	[tilespmem:s0], [sflag:$0x1] =	stream.indirect_vreg.gather [hbm4b:s6+s3], $0x80, v12, vm0, $0xb8;
	[tilespmem:$0x10280] =	vst v63  }
0x49: {  	_ = 	snop  }
0x4a: {  	[tilespmem:s10], [sflag:$0x1] =	stream.indirect_vreg.gather [hbm4b:s2+s3], $0x80, v11, vm0, $0xb8;
	[tilespmem:$0x10280] =	vst v63  }
0x4b: {  	_ = 	snop  }
0x4c: {  	[tilespmem:s11], [sflag:$0x1] =	stream.indirect_vreg.gather [hbm4b:s4+s3], $0x80, v11, vm0, $0xb8;
	[tilespmem:$0x10280] =	vst v63  }
0x4d: {  	_ = 	snop  }
0x4e: {  	[tilespmem:s12], [sflag:$0x1] =	stream.indirect_vreg.gather [hbm4b:s5+s3], $0x80, v11, vm0, $0xb8;
	[tilespmem:$0x10280] =	vst v63  }
0x4f: {  	_ = 	snop  }
0x50: {  	[tilespmem:s13], [sflag:$0x1] =	stream.indirect_vreg.gather [hbm4b:s6+s3], $0x80, v11, vm0, $0xb8;
	[tilespmem:$0x10280] =	vst v63  }
0x51: {  	v11 =	vld [tilespmem:$0x100];
	_ =	sdelay $0x4  }
0x52: {  	v58 =	vshll.u32 v11, $0x3  }
0x53: {  	v11 =	vand.u32 $0x7, v11;
	v12 =	vand.u32 $0xFFFFFFC0, v58  }
0x54: {  	v11 =	vor.u32 v11, v12  }
0x55: {  	v12 =	vperm.xlane v11, v8;
	_ =	sdelay $0x1  }
0x56: {  	v12 =	vadd.s32 v9, v12;
	_ =	sdelay $0x4  }
0x57: {  	[tilespmem:s18], [sflag:$0x2] =	stream.indirect_vreg.gather [hbm4b:s2+s3], $0x80, v12, vm0, $0xb8;
	[tilespmem:$0x10280] =	vst v63  }
0x58: {  	v11 =	vperm.xlane v11, v10  }
0x59: {  	[tilespmem:s14], [sflag:$0x2] =	stream.indirect_vreg.gather [hbm4b:s4+s3], $0x80, v12, vm0, $0xb8;
	[tilespmem:$0x10280] =	vst v63  }
0x5a: {  	v11 =	vadd.s32 v9, v11  }
0x5b: {  	[tilespmem:s15], [sflag:$0x2] =	stream.indirect_vreg.gather [hbm4b:s5+s3], $0x80, v12, vm0, $0xb8;
	[tilespmem:$0x10280] =	vst v63  }
0x5c: {  	_ = 	snop  }
0x5d: {  	[tilespmem:s16], [sflag:$0x2] =	stream.indirect_vreg.gather [hbm4b:s6+s3], $0x80, v12, vm0, $0xb8;
	[tilespmem:$0x10280] =	vst v63  }
0x5e: {  	_ = 	snop  }
0x5f: {  	[tilespmem:s17], [sflag:$0x2] =	stream.indirect_vreg.gather [hbm4b:s2+s3], $0x80, v11, vm0, $0xb8;
	[tilespmem:$0x10280] =	vst v63  }
0x60: {  	s20 =	simm.s32 $0xAA80  }
0x61: {  	[tilespmem:s20], [sflag:$0x2] =	stream.indirect_vreg.gather [hbm4b:s4+s3], $0x80, v11, vm0, $0xb8;
	[tilespmem:$0x10280] =	vst v63  }
0x62: {  	s20 =	simm.s32 $0xB280  }
0x63: {  	[tilespmem:s20], [sflag:$0x2] =	stream.indirect_vreg.gather [hbm4b:s5+s3], $0x80, v11, vm0, $0xb8;
	[tilespmem:$0x10280] =	vst v63  }
0x64: {  	s20 =	simm.s32 $0xBA80  }
0x65: {  	[tilespmem:s20], [sflag:$0x2] =	stream.indirect_vreg.gather [hbm4b:s6+s3], $0x80, v11, vm0, $0xb8;
	[tilespmem:$0x10280] =	vst v63  }
0x66: {  	v11 =	vld [tilespmem:$0x110];
	_ =	sdelay $0x4  }
0x67: {  	v59 =	vshll.u32 v11, $0x3  }
0x68: {  	v11 =	vand.u32 $0x7, v11;
	v12 =	vand.u32 $0xFFFFFFC0, v59  }
0x69: {  	v11 =	vor.u32 v11, v12  }
0x6a: {  	v12 =	vperm.xlane v11, v8;
	_ =	sdelay $0x1  }
0x6b: {  	v12 =	vadd.s32 v9, v12;
	_ =	sdelay $0x3  }
0x6c: {  	s20 =	simm.s32 $0xC280  }
0x6d: {  	[tilespmem:s20], [sflag:$0x2] =	stream.indirect_vreg.gather [hbm4b:s2+s3], $0x80, v12, vm0, $0xb8;
	[tilespmem:$0x10280] =	vst v63  }
0x6e: {  	v11 =	vperm.xlane v11, v10;
	s20 =	simm.s32 $0xCA80  }
0x6f: {  	[tilespmem:s20], [sflag:$0x2] =	stream.indirect_vreg.gather [hbm4b:s4+s3], $0x80, v12, vm0, $0xb8;
	[tilespmem:$0x10280] =	vst v63  }
0x70: {  	v11 =	vadd.s32 v9, v11;
	s20 =	simm.s32 $0xD280  }
0x71: {  	[tilespmem:s20], [sflag:$0x2] =	stream.indirect_vreg.gather [hbm4b:s5+s3], $0x80, v12, vm0, $0xb8;
	[tilespmem:$0x10280] =	vst v63  }
0x72: {  	s20 =	simm.s32 $0xDA80  }
0x73: {  	[tilespmem:s20], [sflag:$0x2] =	stream.indirect_vreg.gather [hbm4b:s6+s3], $0x80, v12, vm0, $0xb8;
	[tilespmem:$0x10280] =	vst v63  }
0x74: {  	s20 =	simm.s32 $0xE280  }
0x75: {  	[tilespmem:s20], [sflag:$0x2] =	stream.indirect_vreg.gather [hbm4b:s2+s3], $0x80, v11, vm0, $0xb8;
	[tilespmem:$0x10280] =	vst v63  }
0x76: {  	s20 =	simm.s32 $0xEA80  }
0x77: {  	[tilespmem:s20], [sflag:$0x2] =	stream.indirect_vreg.gather [hbm4b:s4+s3], $0x80, v11, vm0, $0xb8;
	[tilespmem:$0x10280] =	vst v63  }
0x78: {  	s20 =	simm.s32 $0xF280  }
0x79: {  	[tilespmem:s20], [sflag:$0x2] =	stream.indirect_vreg.gather [hbm4b:s5+s3], $0x80, v11, vm0, $0xb8;
	[tilespmem:$0x10280] =	vst v63  }
0x7a: {  	s20 =	simm.s32 $0xFA80  }
0x7b: {  	[tilespmem:s20], [sflag:$0x2] =	stream.indirect_vreg.gather [hbm4b:s6+s3], $0x80, v11, vm0, $0xb8;
	[tilespmem:$0x10280] =	vst v63  }
0x7c: {  	_ =	swait.ge [sflag:s9], $0x8000  }
0x7d: {  	[sflag:s9] =	ssyncset.done $0x0  }
0x7e: {  	s20 =	rddreg [dreg:$0x5];
	[sflag:s9] =	ssyncadd.s32 $0xFFFF8000  }
0x7f: {  	[hbm4b:s20+s3] =	stream.linear.scatter [tilespmem:s25], [sflag:$0x3], $0x8000, $0x38;
	[tilespmem:$0x10280] =	vst v63  }
0x80: {  	_ =	swait.ge [sflag:s8], $0x8000  }
0x81: {  	[sflag:s8] =	ssyncset.done $0x0  }
0x82: {  	[sflag:s8] =	ssyncadd.s32 $0xFFFF8000  }
0x83: {  	v11 =	vld [tilespmem:$0x180];
	_ =	sdelay $0x4  }
0x84: {  	v60 =	vshll.u32 v11, $0x3  }
0x85: {  	v11 =	vand.u32 $0x7, v11;
	v12 =	vand.u32 $0xFFFFFFC0, v60  }
0x86: {  	v11 =	vor.u32 v11, v12  }
0x87: {  	v12 =	vperm.xlane v11, v8;
	_ =	sdelay $0x1  }
0x88: {  	v12 =	vadd.s32 v9, v12;
	_ =	sdelay $0x4  }
0x89: {  	[tilespmem:s25], [sflag:$0x1] =	stream.indirect_vreg.gather [hbm4b:s2+s3], $0x80, v12, vm0, $0xb8;
	[tilespmem:$0x10280] =	vst v63  }
0x8a: {  	v11 =	vperm.xlane v11, v10  }
0x8b: {  	[tilespmem:s21], [sflag:$0x1] =	stream.indirect_vreg.gather [hbm4b:s4+s3], $0x80, v12, vm0, $0xb8;
	[tilespmem:$0x10280] =	vst v63  }
0x8c: {  	v11 =	vadd.s32 v9, v11  }
0x8d: {  	[tilespmem:s22], [sflag:$0x1] =	stream.indirect_vreg.gather [hbm4b:s5+s3], $0x80, v12, vm0, $0xb8;
	[tilespmem:$0x10280] =	vst v63  }
0x8e: {  	_ = 	snop  }
0x8f: {  	[tilespmem:s23], [sflag:$0x1] =	stream.indirect_vreg.gather [hbm4b:s6+s3], $0x80, v12, vm0, $0xb8;
	[tilespmem:$0x10280] =	vst v63  }
0x90: {  	_ = 	snop  }
0x91: {  	[tilespmem:s24], [sflag:$0x1] =	stream.indirect_vreg.gather [hbm4b:s2+s3], $0x80, v11, vm0, $0xb8;
	[tilespmem:$0x10280] =	vst v63  }
0x92: {  	_ = 	snop  }
0x93: {  	[tilespmem:s26], [sflag:$0x1] =	stream.indirect_vreg.gather [hbm4b:s4+s3], $0x80, v11, vm0, $0xb8;
	[tilespmem:$0x10280] =	vst v63  }
0x94: {  	_ = 	snop  }
0x95: {  	[tilespmem:s28], [sflag:$0x1] =	stream.indirect_vreg.gather [hbm4b:s5+s3], $0x80, v11, vm0, $0xb8;
	[tilespmem:$0x10280] =	vst v63  }
0x96: {  	_ = 	snop  }
0x97: {  	[tilespmem:s29], [sflag:$0x1] =	stream.indirect_vreg.gather [hbm4b:s6+s3], $0x80, v11, vm0, $0xb8;
	[tilespmem:$0x10280] =	vst v63  }
0x98: {  	v11 =	vld [tilespmem:$0x190];
	_ =	sdelay $0x4  }
0x99: {  	v61 =	vshll.u32 v11, $0x3  }
0x9a: {  	v11 =	vand.u32 $0x7, v11;
	v12 =	vand.u32 $0xFFFFFFC0, v61  }
0x9b: {  	v11 =	vor.u32 v11, v12  }
0x9c: {  	v12 =	vperm.xlane v11, v8;
	_ =	sdelay $0x1  }
0x9d: {  	v12 =	vadd.s32 v9, v12;
	_ =	sdelay $0x4  }
0x9e: {  	[tilespmem:s30], [sflag:$0x1] =	stream.indirect_vreg.gather [hbm4b:s2+s3], $0x80, v12, vm0, $0xb8;
	[tilespmem:$0x10280] =	vst v63  }
0x9f: {  	v11 =	vperm.xlane v11, v10  }
0xa0: {  	[tilespmem:s31], [sflag:$0x1] =	stream.indirect_vreg.gather [hbm4b:s4+s3], $0x80, v12, vm0, $0xb8;
	[tilespmem:$0x10280] =	vst v63  }
0xa1: {  	v11 =	vadd.s32 v9, v11  }
0xa2: {  	[tilespmem:s1], [sflag:$0x1] =	stream.indirect_vreg.gather [hbm4b:s5+s3], $0x80, v12, vm0, $0xb8;
	[tilespmem:$0x10280] =	vst v63  }
0xa3: {  	_ = 	snop  }
0xa4: {  	[tilespmem:s0], [sflag:$0x1] =	stream.indirect_vreg.gather [hbm4b:s6+s3], $0x80, v12, vm0, $0xb8;
	[tilespmem:$0x10280] =	vst v63  }
0xa5: {  	_ = 	snop  }
0xa6: {  	[tilespmem:s10], [sflag:$0x1] =	stream.indirect_vreg.gather [hbm4b:s2+s3], $0x80, v11, vm0, $0xb8;
	[tilespmem:$0x10280] =	vst v63  }
0xa7: {  	_ = 	snop  }
0xa8: {  	[tilespmem:s11], [sflag:$0x1] =	stream.indirect_vreg.gather [hbm4b:s4+s3], $0x80, v11, vm0, $0xb8;
	[tilespmem:$0x10280] =	vst v63  }
0xa9: {  	_ = 	snop  }
0xaa: {  	[tilespmem:s12], [sflag:$0x1] =	stream.indirect_vreg.gather [hbm4b:s5+s3], $0x80, v11, vm0, $0xb8;
	[tilespmem:$0x10280] =	vst v63  }
0xab: {  	_ = 	snop  }
0xac: {  	[tilespmem:s13], [sflag:$0x1] =	stream.indirect_vreg.gather [hbm4b:s6+s3], $0x80, v11, vm0, $0xb8;
	[tilespmem:$0x10280] =	vst v63  }
0xad: {  	_ =	swait.ge [sflag:s19], $0x8000  }
0xae: {  	[sflag:s19] =	ssyncset.done $0x0  }
0xaf: {  	s0 =	rddreg [dreg:$0x6];
	[sflag:s19] =	ssyncadd.s32 $0xFFFF8000  }
0xb0: {  	[hbm4b:s0+s3] =	stream.linear.scatter [tilespmem:s18], [sflag:$0x3], $0x8000, $0x38;
	[tilespmem:$0x10280] =	vst v63  }
0xb1: {  	_ =	swait.ge [sflag:s8], $0x8000  }
0xb2: {  	[sflag:s8] =	ssyncset.done $0x0  }
0xb3: {  	[sflag:s8] =	ssyncadd.s32 $0xFFFF8000  }
0xb4: {  	v11 =	vld [tilespmem:$0x200];
	_ =	sdelay $0x4  }
0xb5: {  	v62 =	vshll.u32 v11, $0x3  }
0xb6: {  	v11 =	vand.u32 $0x7, v11;
	v12 =	vand.u32 $0xFFFFFFC0, v62  }
0xb7: {  	v11 =	vor.u32 v11, v12  }
0xb8: {  	v12 =	vperm.xlane v11, v8;
	_ =	sdelay $0x1  }
0xb9: {  	v12 =	vadd.s32 v9, v12;
	_ =	sdelay $0x4  }
0xba: {  	[tilespmem:s18], [sflag:$0x2] =	stream.indirect_vreg.gather [hbm4b:s2+s3], $0x80, v12, vm0, $0xb8;
	[tilespmem:$0x10280] =	vst v63  }
0xbb: {  	v11 =	vperm.xlane v11, v10  }
0xbc: {  	[tilespmem:s14], [sflag:$0x2] =	stream.indirect_vreg.gather [hbm4b:s4+s3], $0x80, v12, vm0, $0xb8;
	[tilespmem:$0x10280] =	vst v63  }
0xbd: {  	v11 =	vadd.s32 v9, v11  }
0xbe: {  	[tilespmem:s15], [sflag:$0x2] =	stream.indirect_vreg.gather [hbm4b:s5+s3], $0x80, v12, vm0, $0xb8;
	[tilespmem:$0x10280] =	vst v63  }
0xbf: {  	_ = 	snop  }
0xc0: {  	[tilespmem:s16], [sflag:$0x2] =	stream.indirect_vreg.gather [hbm4b:s6+s3], $0x80, v12, vm0, $0xb8;
	[tilespmem:$0x10280] =	vst v63  }
0xc1: {  	_ = 	snop  }
0xc2: {  	[tilespmem:s17], [sflag:$0x2] =	stream.indirect_vreg.gather [hbm4b:s2+s3], $0x80, v11, vm0, $0xb8;
	[tilespmem:$0x10280] =	vst v63  }
0xc3: {  	s20 =	simm.s32 $0xAA80  }
0xc4: {  	[tilespmem:s20], [sflag:$0x2] =	stream.indirect_vreg.gather [hbm4b:s4+s3], $0x80, v11, vm0, $0xb8;
	[tilespmem:$0x10280] =	vst v63  }
0xc5: {  	s20 =	simm.s32 $0xB280  }
0xc6: {  	[tilespmem:s20], [sflag:$0x2] =	stream.indirect_vreg.gather [hbm4b:s5+s3], $0x80, v11, vm0, $0xb8;
	[tilespmem:$0x10280] =	vst v63  }
0xc7: {  	s20 =	simm.s32 $0xBA80  }
0xc8: {  	[tilespmem:s20], [sflag:$0x2] =	stream.indirect_vreg.gather [hbm4b:s6+s3], $0x80, v11, vm0, $0xb8;
	[tilespmem:$0x10280] =	vst v63  }
0xc9: {  	v11 =	vld [tilespmem:$0x210];
	_ =	sdelay $0x4  }
0xca: {  	v63 =	vshll.u32 v11, $0x3  }
0xcb: {  	v11 =	vand.u32 $0x7, v11;
	v12 =	vand.u32 $0xFFFFFFC0, v63  }
0xcc: {  	v11 =	vor.u32 v11, v12  }
0xcd: {  	v12 =	vperm.xlane v11, v8;
	_ =	sdelay $0x1  }
0xce: {  	v12 =	vadd.s32 v9, v12;
	_ =	sdelay $0x3  }
0xcf: {  	s20 =	simm.s32 $0xC280  }
0xd0: {  	[tilespmem:s20], [sflag:$0x2] =	stream.indirect_vreg.gather [hbm4b:s2+s3], $0x80, v12, vm0, $0xb8;
	[tilespmem:$0x10280] =	vst v63  }
0xd1: {  	v11 =	vperm.xlane v11, v10;
	s20 =	simm.s32 $0xCA80  }
0xd2: {  	[tilespmem:s20], [sflag:$0x2] =	stream.indirect_vreg.gather [hbm4b:s4+s3], $0x80, v12, vm0, $0xb8;
	[tilespmem:$0x10280] =	vst v63  }
0xd3: {  	v11 =	vadd.s32 v9, v11;
	s20 =	simm.s32 $0xD280  }
0xd4: {  	[tilespmem:s20], [sflag:$0x2] =	stream.indirect_vreg.gather [hbm4b:s5+s3], $0x80, v12, vm0, $0xb8;
	[tilespmem:$0x10280] =	vst v63  }
0xd5: {  	s20 =	simm.s32 $0xDA80  }
0xd6: {  	[tilespmem:s20], [sflag:$0x2] =	stream.indirect_vreg.gather [hbm4b:s6+s3], $0x80, v12, vm0, $0xb8;
	[tilespmem:$0x10280] =	vst v63  }
0xd7: {  	s20 =	simm.s32 $0xE280  }
0xd8: {  	[tilespmem:s20], [sflag:$0x2] =	stream.indirect_vreg.gather [hbm4b:s2+s3], $0x80, v11, vm0, $0xb8;
	[tilespmem:$0x10280] =	vst v63  }
0xd9: {  	s20 =	simm.s32 $0xEA80  }
0xda: {  	[tilespmem:s20], [sflag:$0x2] =	stream.indirect_vreg.gather [hbm4b:s4+s3], $0x80, v11, vm0, $0xb8;
	[tilespmem:$0x10280] =	vst v63  }
0xdb: {  	s20 =	simm.s32 $0xF280  }
0xdc: {  	[tilespmem:s20], [sflag:$0x2] =	stream.indirect_vreg.gather [hbm4b:s5+s3], $0x80, v11, vm0, $0xb8;
	[tilespmem:$0x10280] =	vst v63  }
0xdd: {  	s20 =	simm.s32 $0xFA80  }
0xde: {  	[tilespmem:s20], [sflag:$0x2] =	stream.indirect_vreg.gather [hbm4b:s6+s3], $0x80, v11, vm0, $0xb8;
	[tilespmem:$0x10280] =	vst v63  }
0xdf: {  	_ =	swait.ge [sflag:s9], $0x8000  }
0xe0: {  	[sflag:s9] =	ssyncset.done $0x0  }
0xe1: {  	s0 =	rddreg [dreg:$0x7];
	[sflag:s9] =	ssyncadd.s32 $0xFFFF8000  }
0xe2: {  	[hbm4b:s0+s3] =	stream.linear.scatter [tilespmem:s25], [sflag:$0x3], $0x8000, $0x38;
	[tilespmem:$0x10280] =	vst v63  }
0xe3: {  	_ =	swait.ge [sflag:s8], $0x8000  }
0xe4: {  	[sflag:s8] =	ssyncset.done $0x0  }
0xe5: {  	[sflag:s8] =	ssyncadd.s32 $0xFFFF8000  }
0xe6: {  	_ =	swait.ge [sflag:s19], $0x8000  }
0xe7: {  	p0 =	sne.s32 s7, $0x1;
	[sflag:s19] =	ssyncset.done $0x0  }
.Ltmp0:
0xe8: {  	s0 =	rddreg [dreg:$0x8];
	[sflag:s19] =	ssyncadd.s32 $0xFFFF8000;
	(pc) =	sbr.rel @p0 .LBB2_1-.Ltmp0, $4  }
0xe9: {  	[hbm4b:s0+s3] =	stream.linear.scatter [tilespmem:s18], [sflag:$0x3], $0x8000, $0x38;
	[tilespmem:$0x10280] =	vst v63  }
0xea: {  	_ =	swait.ge [sflag:s8], $0x8000  }
0xeb: {  	[sflag:s8] =	ssyncset.done $0x0  }
0xec: {  	s7 =	sadd.s32 $0xFFFFFFFF, s7;
	[sflag:s8] =	ssyncadd.s32 $0xFFFF8000  }
0xed: {  	_ =	sfence.sel $0x180000  }
0xee: {  	[bflag:$0x0] =	sbarrier.arrive $0xFFFF  }
0xef: {  	_ =	strace $0x9000004A  }
0xf0: {  	s0 =	stileid.u32;
	[bflag:$0x2] =	sbarrier.arrive $0xFFFF  }
0xf1: {  	p0 =	sne.s32 s0, $0x0;
	s0 =	rddreg [dreg:$0x3]  }
0xf2: {  	s0 =	sadd.s32 @!p0 $0x100000, s0  }
0xf3: {  	[sflag:s0] =	ssyncadd.tile.s32 @!p0 $0x1;
	_ =	shalt  }
.Lfunc_end2:
_tile_overlayer_lowered:
.L_overlay_start_2:
0xf4: {  	(tag) =	ssettag $0x2  }
0xf5: {  	s0 =	rddreg [dreg:$0x0];
	s2 =	stileid.u32  }
0xf6: {  	s1 =	rddreg [dreg:$0x1];
	p0 =	sne.s32 s2, $0x0  }
0xf7: {  	s3 =	rddreg [dreg:$0x2];
	[bflag:$0x3] =	sbarrier.arrive $0xFFFF;
	s2 =	simm.s32 @!p0 $0x1C03  }
0xf8: {  	[timem:s3], [sflag:s2] =	dma.local @!p0 [hbm:s0], s1  }
0xf9: {  	s0 =	simm.s32 @!p0 $0x3  }
0xfa: {  	_ =	swait.ge @!p0 [sflag:s0], s1  }
0xfb: {  	s1 =	ssub.s32 @!p0 $0x0, s1;
	[sflag:s0] =	ssyncset.done @!p0 $0x0  }
0xfc: {  	[sflag:s0] =	ssyncadd.s32 @!p0 s1  }
0xfd: {  	[bflag:$0x3] =	sbarrier.arrive $0xFFFF  }
0xfe: {  	_ =	shalt  }

// kernel: kernel.8.cloned.1.call-start
scs
__scs_entry_jumppad:
0x0: {  	(pc) =	sbr.rel $0x88, $3  }
0x1: {  	(tag) =	ssettag $0x0;
	lr =	simm.s32 $0x1  }
0x2: {  	[smem:$0x3F9D] =	sst lr;
	_ =	strace $0xD0000000  }
0x3: {  	_ = 	snop  }
0x4: {  	_ = 	snop  }
0x5: {  	_ = 	snop  }
0x6: {  	_ = 	snop  }
0x7: {  	_ = 	snop  }
__scs_overlays_trampoline_lowered:
0x8: {  	[smem:$0x3FAC] =	sst s0  }
0x9: {  	[smem:$0x3FAD] =	sst s1  }
0xa: {  	[smem:$0x3FAE] =	sst s2  }
0xb: {  	[smem:$0x3FAF] =	sst s3  }
0xc: {  	[smem:$0x3FB0] =	sst s4  }
0xd: {  	[smem:$0x3FB1] =	sst s5  }
0xe: {  	[smem:$0x3FB2] =	sst s6  }
0xf: {  	[smem:$0x3FB3] =	sst s7  }
0x10: {  	[smem:$0x3FB4] =	sst s8  }
0x11: {  	[smem:$0x3FB5] =	sst s9;
	s0 =	simm.s32 @!p0 $0x0  }
0x12: {  	s1 =	sld [smem:$0x3F9B];
	s0 =	simm.s32 @p0 $0x1  }
0x13: {  	[smem:$0x3FB6] =	sst s0;
	s0 =	simm.s32 @!p1 $0x0  }
0x14: {  	s2 =	sld [smem:$0x3F9A];
	s0 =	simm.s32 @p1 $0x1  }
0x15: {  	[smem:$0x3FB7] =	sst s0;
	s0 =	simm.s32 @!p2 $0x0  }
0x16: {  	s3 =	sld [smem:$0x3FDB];
	s0 =	simm.s32 @p2 $0x1  }
0x17: {  	s4 =	simm.s32 $0x1BF5;
	[smem:$0x3FB9] =	sst s0  }
0x18: {  	s0 =	sld [smem:$0x3F9C];
	_ =	swait.ge [sflag:s4], $0x0  }
0x19: {  	s7 =	sld [smem:$0x3F9D]  }
0x1a: {  	s8 =	sadd.s32 $0xFFFFE003, lr  }
0x1b: {  	s9 =	sadd.s32 $0xFFFFFEF7, lr;
	s5 =	simm.s32 $0xFFFFFFFF;
	p2 =	slt.u32 s8, $0xFFFFF086  }
0x1c: {  	p1 =	slt.u32 s9, $0xF7A;
	s5 =	simm.s32 @!p2 $0x0  }
0x1d: {  	s5 =	simm.s32 @p1 $0x1;
	p0 =	seq.s32 s7, s2  }
0x1e: {  	s7 =	smul.u32 @!p0 $0xF7A, s2;
	p2 =	seq.s32 @!p0 s5, $0x0  }
0x1f: {  	s9 =	smul.u32 $0xF7A, s1;
	s8 =	simm.s32 @!p0 $0x1BF5;
	p2 =	por !p2, p0  }
0x20: {  	[sflag:s8] =	ssyncset.s32 @!p0 $0xFFFFF086;
	s6 =	sadd.s32 @!p0 s3, s7;
	s7 =	simm.s32 @!p0 $0x108  }
0x21: {  	s3 =	sadd.s32 s3, s9;
	s6 =	sadd.s32 @!p0 $0x88, s6;
	s7 =	simm.s32 @p2 $0x1082  }
0x22: {  	[simem:s7], [sflag:s8] =	dma.local @!p0 [hbm:s6], $0xF7A  }
0x23: {  	s9 =	sor.u32 $0xD0000000, s2;
	s6 =	simm.s32 $0x108;
	_ =	swait.ge @!p0 [sflag:s8], $0x0  }
0x24: {  	s3 =	sadd.s32 $0x88, s3;
	s6 =	simm.s32 @!p1 $0x1082;
	[sflag:s4] =	ssyncset.s32 $0xFFFFF086  }
0x25: {  	[simem:s6], [sflag:s4] =	dma.local [hbm:s3], $0xF7A  }
0x26: {  	[smem:$0x3F9D] =	sst s1;
	(tag) =	ssettag s2;
	_ =	strace s9  }
0x27: {  	s1 =	sld [smem:$0x3FAD]  }
0x28: {  	s2 =	sld [smem:$0x3FAE]  }
0x29: {  	s4 =	sld [smem:$0x3FB0]  }
0x2a: {  	p0 =	seq.s32 s5, $0x0;
	s5 =	sld [smem:$0x3FB1]  }
0x2b: {  	s6 =	sld [smem:$0x3FB2]  }
0x2c: {  	s7 =	sld [smem:$0x3FB3]  }
0x2d: {  	s3 =	simm.s32 $0x108;
	s8 =	sld [smem:$0x3FB4]  }
0x2e: {  	s3 =	simm.s32 @!p0 $0x1082;
	s9 =	sld [smem:$0x3FB5]  }
0x2f: {  	lr =	sadd.s32 s0, s3;
	s0 =	sld [smem:$0x3FAC]  }
0x30: {  	s3 =	sld [smem:$0x3FAF]  }
0x31: {  	[smem:$0x3FB8] =	sst s10  }
0x32: {  	s10 =	sld [smem:$0x3FB6];
	_ =	sdelay $0x3  }
0x33: {  	p0 =	seq.s32 s10, $0x1;
	s10 =	sld [smem:$0x3FB8];
	_ =	sdelay $0x3  }
0x34: {  	[smem:$0x3FB8] =	sst s10  }
0x35: {  	s10 =	sld [smem:$0x3FB7];
	_ =	sdelay $0x3  }
0x36: {  	p1 =	seq.s32 s10, $0x1;
	s10 =	sld [smem:$0x3FB8];
	_ =	sdelay $0x3  }
0x37: {  	[smem:$0x3FB8] =	sst s10  }
0x38: {  	s10 =	sld [smem:$0x3FB9]  }
0x39: {  	_ = 	snop;
	(pc) =	sbr.ind lr, $3  }
0x3a: {  	_ = 	snop  }
0x3b: {  	_ = 	snop  }
0x3c: {  	p2 =	seq.s32 s10, $0x1;
	s10 =	sld [smem:$0x3FB8]  }
0x3d: {  	_ =	shalt  }
0x3e: {  	_ =	shalt  }
0x3f: {  	_ =	shalt  }
0x40: {  	_ =	shalt  }
0x41: {  	_ =	shalt  }
0x42: {  	_ =	shalt  }
0x43: {  	_ =	shalt  }
0x44: {  	_ =	shalt  }
0x45: {  	_ =	shalt  }
0x46: {  	_ =	shalt  }
0x47: {  	_ =	shalt  }
0x48: {  	_ =	shalt  }
0x49: {  	_ =	shalt  }
0x4a: {  	_ =	shalt  }
0x4b: {  	_ =	shalt  }
0x4c: {  	_ =	shalt  }
0x4d: {  	_ =	shalt  }
0x4e: {  	_ =	shalt  }
0x4f: {  	_ =	shalt  }
0x50: {  	_ =	shalt  }
0x51: {  	_ =	shalt  }
0x52: {  	_ =	shalt  }
0x53: {  	_ =	shalt  }
0x54: {  	_ =	shalt  }
0x55: {  	_ =	shalt  }
0x56: {  	_ =	shalt  }
0x57: {  	_ =	shalt  }
0x58: {  	_ =	shalt  }
0x59: {  	_ =	shalt  }
0x5a: {  	_ =	shalt  }
0x5b: {  	_ =	shalt  }
0x5c: {  	_ =	shalt  }
0x5d: {  	_ =	shalt  }
0x5e: {  	_ =	shalt  }
0x5f: {  	_ =	shalt  }
0x60: {  	_ =	shalt  }
0x61: {  	_ =	shalt  }
0x62: {  	_ =	shalt  }
0x63: {  	_ =	shalt  }
0x64: {  	_ =	shalt  }
0x65: {  	_ =	shalt  }
0x66: {  	_ =	shalt  }
0x67: {  	_ =	shalt  }
0x68: {  	_ =	shalt  }
0x69: {  	_ =	shalt  }
0x6a: {  	_ =	shalt  }
0x6b: {  	_ =	shalt  }
0x6c: {  	_ =	shalt  }
0x6d: {  	_ =	shalt  }
0x6e: {  	_ =	shalt  }
0x6f: {  	_ =	shalt  }
0x70: {  	_ =	shalt  }
0x71: {  	_ =	shalt  }
0x72: {  	_ =	shalt  }
0x73: {  	_ =	shalt  }
0x74: {  	_ =	shalt  }
0x75: {  	_ =	shalt  }
0x76: {  	_ =	shalt  }
0x77: {  	_ =	shalt  }
0x78: {  	_ =	shalt  }
0x79: {  	_ =	shalt  }
0x7a: {  	_ =	shalt  }
0x7b: {  	_ =	shalt  }
0x7c: {  	_ =	shalt  }
0x7d: {  	_ =	shalt  }
0x7e: {  	_ =	shalt  }
0x7f: {  	_ =	shalt  }
0x80: {  	_ =	shalt  }
0x81: {  	_ =	shalt  }
0x82: {  	_ =	shalt  }
0x83: {  	_ =	shalt  }
0x84: {  	_ =	shalt  }
0x85: {  	_ =	shalt  }
0x86: {  	_ =	shalt  }
0x87: {  	_ =	shalt  }
.Lfunc_end0:
.L_simem_size_0:
called_computation.1_lowered:
.L_overlay_start_0:
0x88: {  	s2 =	sld [smem:$0x3FD9]  }
0x89: {  	s3 =	sld [smem:$0x3FFE];
	_ =	sdelay $0x1  }
0x8a: {  	s1 =	srdreg.scid  }
0x8b: {  	s0 =	sand.u32 $0x1, s1  }
0x8c: {  	s17 =	sshll.u32 s0, $0xA;
	s2 =	sadd.s32 s3, s2  }
0x8d: {  	s2 =	sadd.s32 s2, s17  }
0x8e: {  	[smem:$0x3FC4] =	sst s2  }
0x8f: {  	_ = 	snop  }
0x90: {  	s2 =	sld [smem:$0x3FC9]  }
0x91: {  	s18 =	sld [smem:$0x3FD0];
	(tm) =	ssettm $0x1  }
0x92: {  	s4 =	sld [smem:$0x3FFB];
	_ =	sdelay $0x3  }
0x93: {  	_ =	strace s4  }
0x94: {  	s4 =	sld [smem:$0x3FFC];
	_ =	sdelay $0x3  }
0x95: {  	_ =	strace s4  }
0x96: {  	s4 =	sld [smem:$0x3FFD];
	_ =	sdelay $0x3  }
0x97: {  	_ =	strace s4  }
0x98: {  	_ =	strace $0x8FFFFFFF  }
0x99: {  	s19 =	sld [smem:$0x3FDB];
	_ =	sdelay $0x1  }
0x9a: {  	s5 =	simm.s32 $_scs_section_size  }
0x9b: {  	s6 =	simm.s32 $_size__tile_overlayer_lowered;
	s7 =	simm.s32 $_tile_overlayer_lowered  }
0x9c: {  	s22 =	simm.s32 $0x1BFF;
	s21 =	sshll.u32 s7, $0x1;
	s4 =	sadd.s32 s5, s19  }
0x9d: {  	s8 =	simm.s32 $0x0;
	s20 =	sshll.u32 s6, $0x1;
	s6 =	sadd.s32 s21, s4  }
0x9e: {  	[timem:s8], [sflag:s22] =	dma.local [hbm:s6], s20  }
0x9f: {  	_ =	swait.ge [sflag:s22], s20  }
0xa0: {  	s5 =	ssub.s32 $0x0, s20;
	[sflag:s22] =	ssyncset.done $0x0  }
0xa1: {  	[sflag:s22] =	ssyncadd.s32 s5;
	_ =	sdelay $0x1  }
0xa2: {  	s23 =	simm.s32 $0x1B8B  }
0xa3: {  	_ =	swait.ge [sflag:s23], $0x1  }
0xa4: {  	[sflag:s23] =	ssyncset.done $0x0  }
0xa5: {  	s25 =	simm.s32 $0x1B8E;
	s24 =	sld [smem:$0x3FFE];
	[sflag:s23] =	ssyncadd.s32 $0xFFFFFFFF  }
0xa6: {  	s26 =	simm.s32 $execute0_lowered;
	[smem:$0x3FD2] =	sst s25  }
0xa7: {  	s6 =	sshll.u32 s26, $0x1;
	_ =	strace $0x80000046;
	[dreg:$0x1] =	wrdreg $0xFFFFFFFF  }
0xa8: {  	s28 =	simm.s32 $_size_execute0_lowered;
	s4 =	sadd.s32 s4, s6;
	[dreg:$0x0] =	wrdreg $0x0  }
0xa9: {  	s6 =	sshll.u32 s28, $0x1;
	[dreg:$0x2] =	wrdreg s4  }
0xaa: {  	[dreg:$0x3] =	wrdreg s6  }
0xab: {  	[dreg:$0x4] =	wrdreg $0xC0  }
0xac: {  	_ =	task [dreg:s8], $0x5FFFF  }
0xad: {  	[dreg:$0x1] =	wrdreg $0xFFFFFFFF  }
0xae: {  	[dreg:$0x0] =	wrdreg $0x60  }
0xaf: {  	[dreg:$0x2] =	wrdreg s2  }
0xb0: {  	[dreg:$0x3] =	wrdreg s24  }
0xb1: {  	[dreg:$0x4] =	wrdreg s18  }
0xb2: {  	[dreg:$0x5] =	wrdreg $0xA  }
0xb3: {  	_ =	task.clear_ibuf [dreg:s8], $0x6FFFF;
	_ =	strace $0x90000046  }
0xb4: {  	s29 =	simm.s32 $0xA;
	_ =	strace $0x80000048  }
0xb5: {  	_ =	swait.ge [sflag:s29], $0x1  }
0xb6: {  	[sflag:s29] =	ssyncadd.s32 $0xFFFFFFFF  }
0xb7: {  	_ =	strace $0x90000048  }
0xb8: {  	_ =	sfence  }
0xb9: {  	s30 =	sld [smem:$0x0];
	_ =	sdelay $0x2  }
0xba: {  	s31 =	sshll.u32 s1, $0xD;
	s1 =	sshrl.u32 s1, $0x2  }
0xbb: {  	s3 =	sand.u32 $0x4000, s31;
	s1 =	sadd.s32 s1, s30  }
0xbc: {  	s0 =	sor.u32 s3, s0;
	s1 =	sshll.u32 s1, $0x11  }
0xbd: {  	s0 =	sor.u32 s1, s0  }
0xbe: {  	s0 =	sadd.s32 $0x8F2B, s0  }
0xbf: {  	[sflag:s0] =	ssyncadd.remote.s32 $0x1  }
0xc0: {  	_ =	sfence.sel $0xFFFF  }
0xc1: {  	[dreg:$0x0] =	wrdreg $0xFFFFFFFF;
	(pc) =	sbr.abs _section_cstart, $3  }
0xc2: {  	[dreg:$0x1] =	wrdreg $0xFFFFFFFF  }
0xc3: {  	_ =	task.clear_ibuf [dreg:s8], $0x2FFFF;
	_ =	strace $0x9FFFFFFF  }
0xc4: {  	(tm) =	ssettm $0x7FFFFFFF  }
0xc5: {  	_ =	shalt  }
tec
execute0_lowered:
.L_overlay_start_1:
0x0: {  	(tag) =	ssettag $0x1  }
0x1: {  	s7 =	rddreg [dreg:$0x0]  }
0x2: {  	s0 =	rddreg [dreg:$0x1]  }
0x3: {  	s1 =	rddreg [dreg:$0x2];
	s2 =	srdreg.scid  }
0x4: {  	s4 =	stileid.u32;
	s3 =	simm.s32 $0x0;
	s16 =	simm.s32 $0x80  }
0x5: {  	s17 =	simm.s32 $0x890;
	s19 =	simm.s32 $0x2890;
	s21 =	simm.s32 $0x4890  }
0x6: {  	s23 =	simm.s32 $0x6890;
	s28 =	simm.s32 $0xA890;
	s29 =	simm.s32 $0x1  }
0x7: {  	s30 =	simm.s32 $0x4;
	s20 =	simm.s32 $0x3;
	s31 =	simm.s32 $0x710  }
0x8: {  	s2 =	sand.u32 $0x1, s2;
	s4 =	sshll.u32 s4, $0x1;
	[smem:$0x7FF] =	sst s3  }
0x9: {  	s18 =	simm.s32 $0x0;
	s15 =	sor.u32 s2, s4;
	_ =	strace $0x80000047  }
0xa: {  	s4 =	sadd.s32 $0x4E4800, s0;
	s2 =	ssub.s32 $0x2, s2;
	s25 =	sshll.u32 s15, $0x7  }
0xb: {  	v0 =	vlaneseq.u32;
	s5 =	sshll.u32 s15, $0xE;
	s6 =	sshrl.u32 s2, $0x1;
	p0 =	sne.s32 s15, $0x0  }
0xc: {  	v3 =	vimm.s32 $0xFFFFFFFE;
	v5 =	vimm.s32 $0x4E2A;
	v6 =	vimm.s32 $0x9C58;
	s15 =	simm.s32 $0x90;
	s0 =	sadd.s32 $0xFFFFFFF8, s25;
	s5 =	sadd.s32 s1, s5  }
0xd: {  	v7 =	vimm.s32 $0xEA88;
	v8 =	vimm.s32 $0x138BA;
	v2 =	vmul.u32 $0x10, v0;
	s26 =	ssub.s32 s2, s6;
	s25 =	simm.s32 $0x8890;
	s2 =	simm.s32 $0x2  }
0xe: {  	v9 =	vimm.s32 $0x186EE;
	v10 =	vimm.s32 $0x1D524;
	v1 =	vand.u32 $0x7, v0;
	s1 =	simm.s32 $0x810;
	s0 =	sshrl.u32 s0, $0x3;
	s8 =	sadd.s32 $0x1000, s5  }
0xf: {  	v4 =	vmul.u32 $0x10, v1;
	v11 =	vor.u32 $0x1, v2;
	v12 =	vor.u32 $0x2, v2;
	s9 =	sadd.s32 $0x1800, s5;
	s10 =	sadd.s32 $0x2000, s5;
	s11 =	sadd.s32 $0x2800, s5  }
0x10: {  	v13 =	vor.u32 $0x3, v2;
	v14 =	vor.u32 $0x4, v2;
	v15 =	vor.u32 $0x5, v2;
	s12 =	sadd.s32 $0x3000, s5;
	s13 =	sadd.s32 $0x3800, s5;
	s14 =	smax.u32 s26, $0x1  }
0x11: {  	v16 =	vor.u32 $0x6, v2;
	v17 =	vor.u32 $0x7, v2;
	v4 =	vor.u32 $0xFFFFFF80, v4;
	s6 =	sadd.s32 s7, s0;
	s7 =	sadd.s32 $0x800, s5;
	s0 =	simm.s32 $0x790  }
.LBB2_1:
0x12: {  	s22 =	simm.s32 @p0 $0x0  }
0x13: {  	[tilespmem:s22], [sflag:$0x5] =	stream.linear.gather @p0 [hbm4b:s6+s22], $0x88, $0x38;
	[tilespmem:$0xC890] =	vst v63  }
0x14: {  	s22 =	simm.s32 @p0 $0x5  }
0x15: {  	_ =	swait.ge @p0 [sflag:s22], $0x88  }
0x16: {  	[sflag:s22] =	ssyncset.done @p0 $0x0  }
0x17: {  	v18 =	vimm.s32 @!p0 $0x0;
	[sflag:s22] =	ssyncadd.s32 @p0 $0xFFFFFF78  }
0x18: {  	s24 =	simm.s32 @!p0 $0x8;
	s22 =	simm.s32 @!p0 $0x0;
	[tilespmem:$0x0] =	vst @!p0 v18;
	s26 =	rddreg [dreg:$0x0]  }
0x19: {  	[tilespmem:s24], [sflag:$0x5] =	stream.linear.gather @!p0 [hbm4b:s26+s22], $0x80, $0x38;
	[tilespmem:$0xC890] =	vst v63  }
0x1a: {  	s22 =	simm.s32 @!p0 $0x5  }
0x1b: {  	_ =	swait.ge @!p0 [sflag:s22], $0x80  }
0x1c: {  	[sflag:s22] =	ssyncset.done @!p0 $0x0  }
0x1d: {  	s24 =	simm.s32 $0x8;
	[sflag:s22] =	ssyncadd.s32 @!p0 $0xFFFFFF80;
	s22 =	simm.s32 $0xF  }
.LBB2_2:
0x1e: {  	v18 =	vadd.s32 s24, v0  }
0x1f: {  	v18 =	vand.u32 $0xF8, v18  }
0x20: {  	v18 =	vor.u32 v1, v18;
	_ =	sdelay $0x4  }
0x21: {  	s26 =	sadd.s32 $0xFFFFFFFF, s24;
	v18 =	vld.idx.msk [tilespmem:v18+s3+$0x0], $0xffff  }
0x22: {  	v19 =	vadd.s32 s26, v0;
	_ =	sdelay $0x3  }
0x23: {  	v21 =	vmulhi.u32 $0xD196E5F5, v18  }
0x24: {  	v19 =	vld.idx.msk [tilespmem:v19+s3+$0x0], $0xffff;
	v23 =	vmulhi.u32 $0x68C8C4AD, v18  }
0x25: {  	v43 =	vmulhi.u32 $0xD186D0F7, v18  }
0x26: {  	v48 =	vmulhi.u32 $0xD181752F, v18  }
0x27: {  	v51 =	vmulhi.u32 $0xD17C19AD, v18  }
0x28: {  	v52 =	vmulhi.u32 $0xD176BE71, v18  }
0x29: {  	v20 =	vmul.u32 $0x2ED4, v19;
	v59 =	vmulhi.u32 $0xD171637B, v18  }
0x2a: {  	v24 =	vmul.u32 $0x2ED2, v19;
	v61 =	vmulhi.u32 $0x345B0233, v18  }
0x2b: {  	v42 =	vmul.u32 $0x2ECE, v19;
	v22 =	vmulhi.u32 $0xD196E5F5, v20  }
0x2c: {  	s26 =	sadd.s32 $0xFFFFFFFE, s24;
	v30 =	vmul.u32 $0x2ECC, v19;
	v38 =	vmulhi.u32 $0x68C8C4AD, v24  }
0x2d: {  	v31 =	vadd.s32 s26, v0;
	v33 =	vmul.u32 $0x2ECA, v19;
	v45 =	vmulhi.u32 $0xD186D0F7, v42  }
0x2e: {  	v25 =	vmul.u32 $0x2ED0, v19;
	v35 =	vmul.u32 $0x2EC8, v19;
	v49 =	vmulhi.u32 $0xD181752F, v30  }
0x2f: {  	v57 =	vmul.u32 $0x2EC6, v19;
	v40 =	vshrl.u32 v18, $0x4;
	v34 =	vmulhi.u32 $0xD17C19AD, v33  }
0x30: {  	v26 =	vshrl.u32 v25, $0x4;
	v36 =	vmulhi.u32 $0xD176BE71, v35;
	v21 =	vshrl.u32 v21, $0xE  }
0x31: {  	v37 =	vshrl.u32 v23, $0xD;
	v26 =	vmulhi.u32 $0xD18C2D1, v26;
	v22 =	vshrl.u32 v22, $0xE  }
0x32: {  	v21 =	vmul.u32 $0x4E2C, v21;
	v39 =	vmul.u32 $0x4E2E, v37;
	v23 =	vshrl.u32 v38, $0xD  }
0x33: {  	v34 =	vshrl.u32 v34, $0xE;
	v36 =	vshrl.u32 v36, $0xE;
	v38 =	vmulhi.u32 $0xD171637B, v57  }
0x34: {  	v22 =	vmul.u32 $0x4E2C, v22;
	v23 =	vmul.u32 $0x4E2E, v23;
	v41 =	vshrl.u32 v26, $0x6  }
0x35: {  	v34 =	vmul.u32 $0x4E36, v34;
	v36 =	vmul.u32 $0x4E38, v36;
	v21 =	vsub.s32 v18, v21  }
0x36: {  	v38 =	vshrl.u32 v38, $0xE;
	v20 =	vsub.s32 v20, v22;
	v22 =	vmulhi.u32 $0xD18C2D1, v40  }
0x37: {  	v23 =	vsub.s32 v24, v23;
	v24 =	vmul.u32 $0x4E30, v41;
	v34 =	vsub.s32 v33, v34  }
0x38: {  	v56 =	vsub.s32 v35, v36;
	v36 =	vshrl.u32 v59, $0xE;
	v38 =	vmul.u32 $0x4E3A, v38  }
0x39: {  	v20 =	vadd.s32 v21, v20;
	v21 =	vsub.s32 v18, v39;
	v39 =	vmul.u32 $0x2EC4, v19  }
0x3a: {  	s26 =	sadd.s32 $0xFFFFFFF1, s22;
	v36 =	vmul.u32 $0x4E3A, v36;
	v27 =	vadd.s32 $0xFFFFB1D4, v20;
	v22 =	vshrl.u32 v22, $0x6  }
0x3b: {  	v23 =	vadd.s32 v21, v23;
	v21 =	vor.u32 s26, v2;
	v24 =	vsub.s32 v25, v24  }
0x3c: {  	v25 =	vshrl.u32 v43, $0xE;
	v43 =	vmulhi.u32 $0x68B35731, v18;
	v35 =	vsub.s32 v57, v38  }
0x3d: {  	v33 =	vld.idx.msk [tilespmem:v31+s3+$0x0], $0xffff;
	v57 =	vmul.u32 $0x2EC0, v19;
	v20 =	vmin.u32 v20, v27;
	v22 =	vmul.u32 $0x4E30, v22  }
0x3e: {  	vm0 =	vlt.u32 v23, $0x4E2E;
	v28 =	vand.u32 v4, v21;
	v25 =	vmul.u32 $0x4E32, v25  }
0x3f: {  	v27 =	vshrl.u32 v49, $0xE;
	v62 =	vmulhi.u32 $0x345B0233, v39;
	v36 =	vsub.s32 v18, v36  }
0x40: {  	v44 =	vsel vm0, $0x4E2C, v3;
	v27 =	vmul.u32 $0x4E34, v27;
	v43 =	vshrl.u32 v43, $0xD  }
0x41: {  	v22 =	vsub.s32 v18, v22;
	v32 =	vsub.s32 v18, v25;
	v25 =	vor.u32 $0x2, v28  }
0x42: {  	v40 =	vmul.u32 $0x20E0, v33;
	v63 =	vmul.u32 $0x18A6, v33;
	v43 =	vmul.u32 $0x4E3E, v43  }
0x43: {  	v29 =	vadd.s32 v22, v24;
	v22 =	vadd.s32 v23, v44;
	v24 =	vshrl.u32 v45, $0xE  }
0x44: {  	v30 =	vsub.s32 v30, v27;
	v27 =	vor.u32 $0x3, v28;
	vm10 =	vlt.u32 v29, $0x4E30  }
0x45: {  	v47 =	vmul.u32 $0x4E32, v24;
	v41 =	vmulhi.u32 $0x345B0233, v40;
	v46 =	vsel vm10, $0x9C5A, v5  }
0x46: {  	v24 =	vor.u32 $0x1, v28;
	v45 =	vmulhi.u32 $0x68B35731, v63;
	v23 =	vadd.s32 v29, v46  }
0x47: {  	v26 =	vsub.s32 v42, v47;
	v29 =	vshrl.u32 v48, $0xE;
	v42 =	vmul.u32 $0x2EC2, v19  }
0x48: {  	v41 =	vshrl.u32 v41, $0xC;
	v48 =	vsub.s32 v18, v43;
	v26 =	vadd.s32 v32, v26  }
0x49: {  	v29 =	vmul.u32 $0x4E34, v29;
	v32 =	vshrl.u32 v51, $0xE;
	vm11 =	vlt.u32 v26, $0x4E32  }
0x4a: {  	v47 =	vmul.u32 $0x4E3C, v41;
	v32 =	vmul.u32 $0x4E36, v32;
	v50 =	vsel vm11, $0xEA8A, v6  }
0x4b: {  	v44 =	vmulhi.u32 $0x68B35731, v42;
	v29 =	vsub.s32 v18, v29;
	v26 =	vadd.s32 v26, v50  }
0x4c: {  	v29 =	vadd.s32 v29, v30;
	v30 =	vshrl.u32 v52, $0xE;
	v32 =	vsub.s32 v18, v32  }
0x4d: {  	v44 =	vshrl.u32 v44, $0xD;
	v50 =	vshrl.u32 v45, $0xD;
	vm12 =	vlt.u32 v29, $0x4E34  }
0x4e: {  	v53 =	vmul.u32 $0x4E38, v30;
	v30 =	vor.u32 $0x4, v28;
	v54 =	vadd.s32 v32, v34  }
0x4f: {  	v44 =	vmul.u32 $0x4E3E, v44;
	v52 =	vmul.u32 $0x4E3E, v50;
	v37 =	vsel vm12, $0x138BC, v7  }
0x50: {  	v50 =	vmulhi.u32 $0xD15BFA61, v18;
	vm13 =	vlt.u32 v54, $0x4E36;
	v29 =	vadd.s32 v29, v37  }
0x51: {  	v55 =	vsub.s32 v18, v53;
	v58 =	vsel vm13, $0x186F0, v8;
	v37 =	vshrl.u32 v62, $0xC  }
0x52: {  	v49 =	vsub.s32 v42, v44;
	v34 =	vadd.s32 v55, v56;
	v32 =	vadd.s32 v54, v58  }
0x53: {  	v37 =	vmul.u32 $0x4E3C, v37;
	v38 =	vadd.s32 v48, v49;
	v55 =	vsub.s32 v63, v52  }
0x54: {  	v58 =	vadd.s32 v36, v35;
	v63 =	vmul.u32 $0x1080, v33;
	v49 =	vmul.u32 $0x2EBE, v19  }
0x55: {  	vm14 =	vlt.u32 v34, $0x4E38;
	v53 =	vadd.s32 $0xFFFFB1C2, v38;
	vm15 =	vlt.u32 v58, $0x4E3A  }
0x56: {  	v60 =	vsel vm14, $0x1D526, v9;
	v37 =	vsub.s32 v39, v37;
	v54 =	vmin.u32 v38, v53  }
0x57: {  	v62 =	vsel vm15, $0x2235E, v10;
	v52 =	vmulhi.u32 $0xD15BFA61, v49;
	v38 =	vadd.s32 v55, v54  }
0x58: {  	v31 =	vadd.s32 v34, v60;
	v60 =	vshrl.u32 v18, $0x6;
	v59 =	vmulhi.u32 $0x68B35731, v38  }
0x59: {  	v34 =	vshrl.u32 v61, $0xC;
	v61 =	vshrl.u32 v57, $0x6;
	v36 =	vmulhi.u32 $0x3458551, v60  }
0x5a: {  	v53 =	vshrl.u32 v50, $0xE;
	v41 =	vmulhi.u32 $0x3458551, v61;
	v60 =	vshrl.u32 v18, $0x2  }
0x5b: {  	v34 =	vmul.u32 $0x4E3C, v34;
	v54 =	vshrl.u32 v52, $0xE;
	v61 =	vmulhi.u32 $0x3455A833, v60  }
0x5c: {  	v55 =	vmul.u32 $0x4E42, v54;
	v54 =	vmulhi.u32 $0x1A2A28EF, v18;
	v60 =	vmul.u32 $0x2EB8, v19  }
0x5d: {  	v34 =	vsub.s32 v18, v34;
	v35 =	vshrl.u32 v59, $0xD;
	v36 =	vshrl.u32 v36, $0x2  }
0x5e: {  	v41 =	vshrl.u32 v41, $0x2;
	v34 =	vadd.s32 v34, v37;
	v37 =	vsub.s32 v40, v47  }
0x5f: {  	v36 =	vmul.u32 $0x4E40, v36;
	v41 =	vmul.u32 $0x4E40, v41;
	v47 =	vshrl.u32 v63, $0x6  }
0x60: {  	v35 =	vmul.u32 $0x4E3E, v35;
	v51 =	vadd.s32 $0xFFFFB1C4, v34;
	v48 =	vmulhi.u32 $0x3458551, v47  }
0x61: {  	v34 =	vmin.u32 v34, v51;
	v36 =	vsub.s32 v18, v36;
	v40 =	vsub.s32 v57, v41  }
0x62: {  	v35 =	vsub.s32 v38, v35;
	v38 =	vmul.u32 $0x4E42, v53;
	v37 =	vadd.s32 v37, v34  }
0x63: {  	v53 =	vmul.u32 $0x2EBA, v19;
	v34 =	vadd.s32 v58, v62;
	v56 =	vmulhi.u32 $0x345B0233, v37  }
0x64: {  	v36 =	vadd.s32 v36, v40;
	v58 =	vmul.u32 $0x2EBC, v19;
	v19 =	vmul.u32 $0x2EB6, v19  }
0x65: {  	v35 =	vadd.s32 $0x2BFD4, v35;
	v51 =	vadd.s32 $0xFFFFB1C0, v36;
	v39 =	vshrl.u32 v56, $0xC  }
0x66: {  	v62 =	vshrl.u32 v58, $0x2;
	v56 =	vmul.u32 $0x86E, v33;
	v39 =	vmul.u32 $0x4E3C, v39  }
0x67: {  	v38 =	vsub.s32 v18, v38;
	v36 =	vmin.u32 v36, v51;
	v44 =	vmulhi.u32 $0x3455A833, v62  }
0x68: {  	v59 =	vmulhi.u32 $0xD15BFA61, v56;
	v37 =	vsub.s32 v37, v39;
	v39 =	vshrl.u32 v48, $0x2  }
0x69: {  	v62 =	vshrl.u32 v18, $0x3;
	v44 =	vshrl.u32 v44, $0xA;
	v39 =	vmul.u32 $0x4E40, v39  }
0x6a: {  	v44 =	vmul.u32 $0x4E44, v44;
	v41 =	vshrl.u32 v59, $0xE;
	v59 =	vmul.u32 $0x46CC, v33  }
0x6b: {  	v37 =	vadd.s32 $0x27198, v37;
	v41 =	vmul.u32 $0x4E42, v41;
	v39 =	vsub.s32 v63, v39  }
0x6c: {  	v63 =	vmul.u32 $0x70, v33;
	v36 =	vadd.s32 v39, v36;
	v39 =	vsub.s32 v49, v55  }
0x6d: {  	v40 =	vsub.s32 v56, v41;
	v56 =	vmulhi.u32 $0x1A2A28EF, v53;
	v57 =	vshrl.u32 v36, $0x6  }
0x6e: {  	v38 =	vadd.s32 v38, v39;
	v39 =	vshrl.u32 v61, $0xA;
	v61 =	vmulhi.u32 $0x1A2A28EF, v59  }
0x6f: {  	v47 =	vshrl.u32 v63, $0x2;
	v42 =	vmulhi.u32 $0x3458551, v57;
	v46 =	vadd.s32 $0xFFFFB1BE, v38  }
0x70: {  	v39 =	vmul.u32 $0x4E44, v39;
	v47 =	vmulhi.u32 $0x3455A833, v47;
	v38 =	vmin.u32 v38, v46  }
0x71: {  	v46 =	vsub.s32 v58, v44;
	v58 =	vshrl.u32 v56, $0xB;
	v42 =	vshrl.u32 v42, $0x2  }
0x72: {  	v39 =	vsub.s32 v18, v39;
	v48 =	vshrl.u32 v47, $0xA;
	v38 =	vadd.s32 v40, v38  }
0x73: {  	v39 =	vadd.s32 v39, v46;
	v49 =	vmul.u32 $0x4E44, v48;
	v50 =	vmul.u32 $0x4E40, v42  }
0x74: {  	v51 =	vmulhi.u32 $0xD15BFA61, v38;
	v48 =	vshrl.u32 v60, $0x3;
	v52 =	vadd.s32 $0xFFFFB1BC, v39  }
0x75: {  	v46 =	vmulhi.u32 $0xD14BEE7, v48;
	v39 =	vmin.u32 v39, v52;
	v40 =	vsub.s32 v63, v49  }
0x76: {  	s26 =	sadd.s32 $0xFFFFFFF9, s22;
	v42 =	vshrl.u32 v51, $0xE;
	v36 =	vsub.s32 v36, v50;
	v63 =	vmulhi.u32 $0xD14BEE7, v62  }
0x77: {  	v50 =	vor.u32 $0x5, v28;
	v51 =	vshrl.u32 v61, $0xB;
	v62 =	vor.u32 s26, v2  }
0x78: {  	v39 =	vadd.s32 v40, v39;
	v42 =	vmul.u32 $0x4E42, v42;
	v40 =	vshrl.u32 v54, $0xB  }
0x79: {  	v52 =	vshrl.u32 v46, $0x7;
	v54 =	vor.u32 $0x6, v28;
	v28 =	vor.u32 $0x7, v28  }
0x7a: {  	v46 =	vadd.s32 $0x30E12, v36;
	v55 =	vshrl.u32 v39, $0x2;
	v40 =	vmul.u32 $0x4E46, v40  }
0x7b: {  	v43 =	vmul.u32 $0x4E48, v52;
	v57 =	vmulhi.u32 $0x3455A833, v55;
	v38 =	vsub.s32 v38, v42  }
0x7c: {  	v42 =	vmul.u32 $0x4E46, v58;
	v58 =	vmulhi.u32 $0xD14695A7, v18;
	v40 =	vsub.s32 v18, v40  }
0x7d: {  	v43 =	vsub.s32 v60, v43;
	v60 =	vmulhi.u32 $0xD14695A7, v19;
	v41 =	vshrl.u32 v57, $0xA  }
0x7e: {  	v42 =	vsub.s32 v53, v42;
	v53 =	vmul.u32 $0x3EF8, v33;
	v45 =	vshrl.u32 v58, $0xE  }
0x7f: {  	v41 =	vmul.u32 $0x4E44, v41;
	v40 =	vadd.s32 v40, v42;
	v42 =	vshrl.u32 v63, $0x7  }
0x80: {  	v33 =	vmul.u32 $0x3738, v33;
	v49 =	vadd.s32 $0xFFFFB1BA, v40;
	v42 =	vmul.u32 $0x4E48, v42  }
0x81: {  	v55 =	vshrl.u32 v53, $0x3;
	v39 =	vsub.s32 v39, v41;
	v41 =	vmul.u32 $0x4E46, v51  }
0x82: {  	v45 =	vmul.u32 $0x4E4A, v45;
	v40 =	vmin.u32 v40, v49;
	v56 =	vmulhi.u32 $0xD14BEE7, v55  }
0x83: {  	v49 =	vadd.s32 $0x35C52, v38;
	v42 =	vsub.s32 v18, v42;
	v41 =	vsub.s32 v59, v41  }
0x84: {  	v42 =	vadd.s32 v42, v43;
	v59 =	vshrl.u32 v56, $0x7;
	v43 =	vshrl.u32 v60, $0xE  }
0x85: {  	[tilespmem:v21+s15+$0x0] =	vst.idx.msk $0xffff, v20;
	v40 =	vadd.s32 v41, v40;
	v57 =	vadd.s32 $0xFFFFB1B8, v42;
	v63 =	vmul.u32 $0x4E4A, v43  }
0x86: {  	[tilespmem:v24+s15+$0x0] =	vst.idx.msk $0xffff, v22;
	s26 =	sadd.s32 $0xFFFFFFFA, s22;
	v43 =	vmulhi.u32 $0xD14695A7, v33;
	v41 =	vmin.u32 v42, v57;
	v42 =	vmul.u32 $0x4E48, v59  }
0x87: {  	[tilespmem:v25+s15+$0x0] =	vst.idx.msk $0xffff, v23;
	v18 =	vsub.s32 v18, v45;
	v45 =	vor.u32 s26, v11;
	v51 =	vmulhi.u32 $0x1A2A28EF, v40  }
0x88: {  	[tilespmem:v27+s15+$0x0] =	vst.idx.msk $0xffff, v26;
	s26 =	sadd.s32 $0xFFFFFFFB, s22;
	v19 =	vsub.s32 v19, v63;
	v24 =	vshrl.u32 v43, $0xE;
	v61 =	vsub.s32 v53, v42  }
0x89: {  	[tilespmem:v30+s15+$0x0] =	vst.idx.msk $0xffff, v29;
	v18 =	vadd.s32 v18, v19;
	v19 =	vor.u32 s26, v12;
	s26 =	sadd.s32 $0xFFFFFFFC, s22;
	v24 =	vmul.u32 $0x4E4A, v24  }
0x8a: {  	[tilespmem:v50+s15+$0x0] =	vst.idx.msk $0xffff, v32;
	v20 =	vadd.s32 v61, v41;
	v48 =	vadd.s32 $0xFFFFB1B6, v18;
	v50 =	vor.u32 s26, v13  }
0x8b: {  	[tilespmem:v54+s15+$0x0] =	vst.idx.msk $0xffff, v31;
	s26 =	sadd.s32 $0xFFFFFFFD, s22;
	v18 =	vmin.u32 v18, v48;
	v24 =	vsub.s32 v33, v24;
	v52 =	vshrl.u32 v20, $0x3  }
0x8c: {  	[tilespmem:v28+s15+$0x0] =	vst.idx.msk $0xffff, v34;
	v53 =	vor.u32 s26, v14;
	s26 =	sadd.s32 $0xFFFFFFFE, s22;
	v18 =	vadd.s32 v24, v18;
	v54 =	vmulhi.u32 $0xD14BEE7, v52  }
0x8d: {  	[tilespmem:v62+s15+$0x0] =	vst.idx.msk $0xffff, v37;
	v55 =	vshrl.u32 v51, $0xB;
	v56 =	vor.u32 s26, v15;
	s26 =	sadd.s32 $0xFFFFFFFF, s22;
	v57 =	vmulhi.u32 $0xD14695A7, v18  }
0x8e: {  	[tilespmem:v45+s15+$0x0] =	vst.idx.msk $0xffff, v35;
	v21 =	vmul.u32 $0x4E46, v55;
	v59 =	vor.u32 s26, v16;
	v58 =	vshrl.u32 v54, $0x7  }
0x8f: {  	p1 =	sne.s32 s22, $0x70F;
	v61 =	vor.u32 s22, v17;
	[tilespmem:v19+s15+$0x0] =	vst.idx.msk $0xffff, v46;
	v19 =	vmul.u32 $0x4E48, v58;
	v60 =	vshrl.u32 v57, $0xE  }
.Ltmp0:
0x90: {  	v62 =	vadd.s32 $0x3AA94, v39;
	v21 =	vsub.s32 v40, v21;
	[tilespmem:v50+s15+$0x0] =	vst.idx.msk $0xffff, v49;
	v22 =	vmul.u32 $0x4E4A, v60;
	(pc) =	sbr.rel @p1 .LBB2_2-.Ltmp0, $4  }
0x91: {  	v63 =	vadd.s32 $0x3F8D8, v21;
	[tilespmem:v53+s15+$0x0] =	vst.idx.msk $0xffff, v62;
	v19 =	vsub.s32 v20, v19  }
0x92: {  	[tilespmem:v56+s15+$0x0] =	vst.idx.msk $0xffff, v63;
	v19 =	vadd.s32 $0x4471E, v19;
	v18 =	vsub.s32 v18, v22  }
0x93: {  	[tilespmem:v59+s15+$0x0] =	vst.idx.msk $0xffff, v19;
	v18 =	vadd.s32 $0x49566, v18  }
0x94: {  	s24 =	sadd.s32 $0x10, s24;
	s22 =	sadd.s32 $0x100, s22;
	[tilespmem:v61+s15+$0x0] =	vst.idx.msk $0xffff, v18  }
0x95: {  	[tilespmem:s17], [sflag:$0x1] =	stream.indirect.gather [hbm4b:s4+s16], $0x40, s15, s16, $0xb8;
	[tilespmem:$0xC890] =	vst v63  }
0x96: {  	s22 =	simm.s32 $0x110  }
0x97: {  	[tilespmem:s19], [sflag:$0x1] =	stream.indirect.gather [hbm4b:s4+s16], $0x40, s22, s16, $0xb8;
	[tilespmem:$0xC890] =	vst v63  }
0x98: {  	s26 =	simm.s32 $0x190  }
0x99: {  	[tilespmem:s21], [sflag:$0x2] =	stream.indirect.gather [hbm4b:s4+s16], $0x40, s26, s16, $0xb8;
	[tilespmem:$0xC890] =	vst v63  }
0x9a: {  	s24 =	simm.s32 $0x210  }
0x9b: {  	[tilespmem:s23], [sflag:$0x2] =	stream.indirect.gather [hbm4b:s4+s16], $0x40, s24, s16, $0xb8;
	[tilespmem:$0xC890] =	vst v63  }
0x9c: {  	s26 =	simm.s32 $0x290  }
0x9d: {  	[tilespmem:s25], [sflag:$0x3] =	stream.indirect.gather [hbm4b:s4+s16], $0x40, s26, s16, $0xb8;
	[tilespmem:$0xC890] =	vst v63  }
0x9e: {  	s24 =	simm.s32 $0x310  }
0x9f: {  	[tilespmem:s28], [sflag:$0x3] =	stream.indirect.gather [hbm4b:s4+s16], $0x40, s24, s16, $0xb8;
	[tilespmem:$0xC890] =	vst v63  }
0xa0: {  	_ =	swait.ge [sflag:s29], $0x2000  }
0xa1: {  	[sflag:s29] =	ssyncset.done $0x0  }
0xa2: {  	[sflag:s29] =	ssyncadd.s32 $0xFFFFE000  }
0xa3: {  	_ =	swait.ge [sflag:s29], $0x2000  }
0xa4: {  	[sflag:s29] =	ssyncset.done $0x0  }
0xa5: {  	[sflag:s29] =	ssyncadd.s32 $0xFFFFE000  }
0xa6: {  	[hbm4b:s5+s3] =	stream.linear.scatter [tilespmem:s17], [sflag:$0x4], $0x4000, $0x38;
	[tilespmem:$0xC890] =	vst v63  }
0xa7: {  	_ =	swait.ge [sflag:s30], $0x4000  }
0xa8: {  	[sflag:s30] =	ssyncset.done $0x0  }
0xa9: {  	s26 =	simm.s32 $0x390;
	[sflag:s30] =	ssyncadd.s32 $0xFFFFC000  }
0xaa: {  	[tilespmem:s17], [sflag:$0x1] =	stream.indirect.gather [hbm4b:s4+s16], $0x40, s26, s16, $0xb8;
	[tilespmem:$0xC890] =	vst v63  }
0xab: {  	s24 =	simm.s32 $0x410  }
0xac: {  	[tilespmem:s19], [sflag:$0x1] =	stream.indirect.gather [hbm4b:s4+s16], $0x40, s24, s16, $0xb8;
	[tilespmem:$0xC890] =	vst v63  }
0xad: {  	_ =	swait.ge [sflag:s2], $0x2000  }
0xae: {  	[sflag:s2] =	ssyncset.done $0x0  }
0xaf: {  	[sflag:s2] =	ssyncadd.s32 $0xFFFFE000  }
0xb0: {  	_ =	swait.ge [sflag:s2], $0x2000  }
0xb1: {  	[sflag:s2] =	ssyncset.done $0x0  }
0xb2: {  	[sflag:s2] =	ssyncadd.s32 $0xFFFFE000  }
0xb3: {  	[hbm4b:s7+s3] =	stream.linear.scatter [tilespmem:s21], [sflag:$0x4], $0x4000, $0x38;
	[tilespmem:$0xC890] =	vst v63  }
0xb4: {  	_ =	swait.ge [sflag:s30], $0x4000  }
0xb5: {  	[sflag:s30] =	ssyncset.done $0x0  }
0xb6: {  	s26 =	simm.s32 $0x490;
	[sflag:s30] =	ssyncadd.s32 $0xFFFFC000  }
0xb7: {  	[tilespmem:s21], [sflag:$0x2] =	stream.indirect.gather [hbm4b:s4+s16], $0x40, s26, s16, $0xb8;
	[tilespmem:$0xC890] =	vst v63  }
0xb8: {  	s24 =	simm.s32 $0x510  }
0xb9: {  	[tilespmem:s23], [sflag:$0x2] =	stream.indirect.gather [hbm4b:s4+s16], $0x40, s24, s16, $0xb8;
	[tilespmem:$0xC890] =	vst v63  }
0xba: {  	_ =	swait.ge [sflag:s20], $0x2000  }
0xbb: {  	[sflag:s20] =	ssyncset.done $0x0  }
0xbc: {  	[sflag:s20] =	ssyncadd.s32 $0xFFFFE000  }
0xbd: {  	_ =	swait.ge [sflag:s20], $0x2000  }
0xbe: {  	[sflag:s20] =	ssyncset.done $0x0  }
0xbf: {  	[sflag:s20] =	ssyncadd.s32 $0xFFFFE000  }
0xc0: {  	[hbm4b:s8+s3] =	stream.linear.scatter [tilespmem:s25], [sflag:$0x4], $0x4000, $0x38;
	[tilespmem:$0xC890] =	vst v63  }
0xc1: {  	_ =	swait.ge [sflag:s30], $0x4000  }
0xc2: {  	[sflag:s30] =	ssyncset.done $0x0  }
0xc3: {  	s26 =	simm.s32 $0x590;
	[sflag:s30] =	ssyncadd.s32 $0xFFFFC000  }
0xc4: {  	[tilespmem:s25], [sflag:$0x3] =	stream.indirect.gather [hbm4b:s4+s16], $0x40, s26, s16, $0xb8;
	[tilespmem:$0xC890] =	vst v63  }
0xc5: {  	s24 =	simm.s32 $0x610  }
0xc6: {  	[tilespmem:s28], [sflag:$0x3] =	stream.indirect.gather [hbm4b:s4+s16], $0x40, s24, s16, $0xb8;
	[tilespmem:$0xC890] =	vst v63  }
0xc7: {  	_ =	swait.ge [sflag:s29], $0x2000  }
0xc8: {  	[sflag:s29] =	ssyncset.done $0x0  }
0xc9: {  	[sflag:s29] =	ssyncadd.s32 $0xFFFFE000  }
0xca: {  	_ =	swait.ge [sflag:s29], $0x2000  }
0xcb: {  	[sflag:s29] =	ssyncset.done $0x0  }
0xcc: {  	[sflag:s29] =	ssyncadd.s32 $0xFFFFE000  }
0xcd: {  	[hbm4b:s9+s3] =	stream.linear.scatter [tilespmem:s17], [sflag:$0x4], $0x4000, $0x38;
	[tilespmem:$0xC890] =	vst v63  }
0xce: {  	_ =	swait.ge [sflag:s30], $0x4000  }
0xcf: {  	[sflag:s30] =	ssyncset.done $0x0  }
0xd0: {  	s26 =	simm.s32 $0x690;
	[sflag:s30] =	ssyncadd.s32 $0xFFFFC000  }
0xd1: {  	[tilespmem:s17], [sflag:$0x1] =	stream.indirect.gather [hbm4b:s4+s16], $0x40, s26, s16, $0xb8;
	[tilespmem:$0xC890] =	vst v63  }
0xd2: {  	_ = 	snop  }
0xd3: {  	[tilespmem:s19], [sflag:$0x1] =	stream.indirect.gather [hbm4b:s4+s16], $0x40, s31, s16, $0xb8;
	[tilespmem:$0xC890] =	vst v63  }
0xd4: {  	_ =	swait.ge [sflag:s2], $0x2000  }
0xd5: {  	[sflag:s2] =	ssyncset.done $0x0  }
0xd6: {  	[sflag:s2] =	ssyncadd.s32 $0xFFFFE000  }
0xd7: {  	_ =	swait.ge [sflag:s2], $0x2000  }
0xd8: {  	[sflag:s2] =	ssyncset.done $0x0  }
0xd9: {  	[sflag:s2] =	ssyncadd.s32 $0xFFFFE000  }
0xda: {  	[hbm4b:s10+s3] =	stream.linear.scatter [tilespmem:s21], [sflag:$0x4], $0x4000, $0x38;
	[tilespmem:$0xC890] =	vst v63  }
0xdb: {  	_ =	swait.ge [sflag:s30], $0x4000  }
0xdc: {  	[sflag:s30] =	ssyncset.done $0x0  }
0xdd: {  	[sflag:s30] =	ssyncadd.s32 $0xFFFFC000  }
0xde: {  	[tilespmem:s21], [sflag:$0x2] =	stream.indirect.gather [hbm4b:s4+s16], $0x40, s0, s16, $0xb8;
	[tilespmem:$0xC890] =	vst v63  }
0xdf: {  	_ = 	snop  }
0xe0: {  	[tilespmem:s23], [sflag:$0x2] =	stream.indirect.gather [hbm4b:s4+s16], $0x40, s1, s16, $0xb8;
	[tilespmem:$0xC890] =	vst v63  }
0xe1: {  	_ =	swait.ge [sflag:s20], $0x2000  }
0xe2: {  	[sflag:s20] =	ssyncset.done $0x0  }
0xe3: {  	[sflag:s20] =	ssyncadd.s32 $0xFFFFE000  }
0xe4: {  	_ =	swait.ge [sflag:s20], $0x2000  }
0xe5: {  	[sflag:s20] =	ssyncset.done $0x0  }
0xe6: {  	[sflag:s20] =	ssyncadd.s32 $0xFFFFE000  }
0xe7: {  	[hbm4b:s11+s3] =	stream.linear.scatter [tilespmem:s25], [sflag:$0x4], $0x4000, $0x38;
	[tilespmem:$0xC890] =	vst v63  }
0xe8: {  	_ =	swait.ge [sflag:s29], $0x2000  }
0xe9: {  	[sflag:s29] =	ssyncset.done $0x0  }
0xea: {  	[sflag:s29] =	ssyncadd.s32 $0xFFFFE000  }
0xeb: {  	_ =	swait.ge [sflag:s29], $0x2000  }
0xec: {  	[sflag:s29] =	ssyncset.done $0x0  }
0xed: {  	[sflag:s29] =	ssyncadd.s32 $0xFFFFE000  }
0xee: {  	[hbm4b:s12+s3] =	stream.linear.scatter [tilespmem:s17], [sflag:$0x4], $0x4000, $0x38;
	[tilespmem:$0xC890] =	vst v63  }
0xef: {  	_ =	swait.ge [sflag:s2], $0x2000  }
0xf0: {  	[sflag:s2] =	ssyncset.done $0x0  }
0xf1: {  	[sflag:s2] =	ssyncadd.s32 $0xFFFFE000  }
0xf2: {  	_ =	swait.ge [sflag:s2], $0x2000  }
0xf3: {  	[sflag:s2] =	ssyncset.done $0x0  }
0xf4: {  	[sflag:s2] =	ssyncadd.s32 $0xFFFFE000  }
0xf5: {  	[hbm4b:s13+s3] =	stream.linear.scatter [tilespmem:s21], [sflag:$0x4], $0x4000, $0x38;
	[tilespmem:$0xC890] =	vst v63  }
0xf6: {  	_ =	swait.ge [sflag:s30], $0x4000  }
0xf7: {  	[sflag:s30] =	ssyncset.done $0x0  }
0xf8: {  	s18 =	sadd.s32 $0x1, s18;
	[sflag:s30] =	ssyncadd.s32 $0xFFFFC000  }
0xf9: {  	p1 =	sne.s32 s18, s14;
	_ =	swait.ge [sflag:s30], $0x4000  }
.Ltmp1:
0xfa: {  	[sflag:s30] =	ssyncset.done $0x0;
	(pc) =	sbr.rel @p1 .LBB2_1-.Ltmp1, $4  }
0xfb: {  	[sflag:s30] =	ssyncadd.s32 $0xFFFFC000  }
0xfc: {  	_ =	swait.ge [sflag:s30], $0x4000  }
0xfd: {  	[sflag:s30] =	ssyncset.done $0x0  }
0xfe: {  	[sflag:s30] =	ssyncadd.s32 $0xFFFFC000  }
0xff: {  	_ =	sfence.sel $0x180000  }
0x100: {  	[bflag:$0x0] =	sbarrier.arrive $0xFFFF  }
0x101: {  	_ =	strace $0x90000047  }
0x102: {  	s0 =	stileid.u32;
	[bflag:$0x2] =	sbarrier.arrive $0xFFFF  }
0x103: {  	p0 =	sne.s32 s0, $0x0;
	s0 =	rddreg [dreg:$0x3]  }
0x104: {  	s0 =	sadd.s32 @!p0 $0x100000, s0  }
0x105: {  	[sflag:s0] =	ssyncadd.tile.s32 @!p0 $0x1;
	_ =	shalt  }
.Lfunc_end2:
_tile_overlayer_lowered:
.L_overlay_start_2:
0x106: {  	(tag) =	ssettag $0x2  }
0x107: {  	s0 =	rddreg [dreg:$0x0];
	s2 =	stileid.u32  }
0x108: {  	s1 =	rddreg [dreg:$0x1];
	p0 =	sne.s32 s2, $0x0  }
0x109: {  	s3 =	rddreg [dreg:$0x2];
	[bflag:$0x3] =	sbarrier.arrive $0xFFFF;
	s2 =	simm.s32 @!p0 $0x1C05  }
0x10a: {  	[timem:s3], [sflag:s2] =	dma.local @!p0 [hbm:s0], s1  }
0x10b: {  	s0 =	simm.s32 @!p0 $0x5  }
0x10c: {  	_ =	swait.ge @!p0 [sflag:s0], s1  }
0x10d: {  	s1 =	ssub.s32 @!p0 $0x0, s1;
	[sflag:s0] =	ssyncset.done @!p0 $0x0  }
0x10e: {  	[sflag:s0] =	ssyncadd.s32 @!p0 s1  }
0x10f: {  	[bflag:$0x3] =	sbarrier.arrive $0xFFFF  }
0x110: {  	_ =	shalt  }

</sc_bundles>
